<compile_context>
chip_gen: v7x
topology: tpu7x:2x2x1
jax: 0.10.2.dev20260603
libtpu: 0.0.44.dev20260713+nightly
codegen_flags: <defaults>
</compile_context>

<pallas_src>
import functools

import jax
import jax.numpy as jnp
from jax import lax
from jax.experimental import pallas as pl
from jax.experimental.pallas import tpu as pltpu
from jax.experimental.pallas import tpu_sc as plsc

N_NODES = 10000
HID = 256
BATCH = 1024
SEQL = 50
RDIM = 768
E_PAD = 163840
N_ACC = 10112
CHUNK = 80
NSUB = 16
CPS = E_PAD // NSUB // CHUNK
GRP = 64
ZROWS = N_ACC // NSUB

BB = 8
ROWS = BB * SEQL



def _pack_bf16(x):
    u = lax.bitcast_convert_type(x, jnp.uint32)
    r = (u + jnp.uint32(0x8000)) >> 16
    n = x.shape[-1] // 2
    return lax.bitcast_convert_type(r[..., :n] | (r[..., n:] << 16), jnp.int32)


def _unpack_bf16(w):
    u = lax.bitcast_convert_type(w, jnp.uint32)
    lo = lax.bitcast_convert_type(u << 16, jnp.float32)
    hi = lax.bitcast_convert_type(u & jnp.uint32(0xFFFF0000), jnp.float32)
    return jnp.concatenate([lo, hi], axis=-1)



def _segsum_body(table_ref, srcx_ref, dst_ref, zeros_ref, out_ref,
                 acc, src_t, dst_t, rows0, rows1, semg0, semg1, sems0, sems1):
    c = lax.axis_index("c")
    s = lax.axis_index("s")
    pltpu.sync_copy(zeros_ref, acc.at[pl.ds(s * ZROWS, ZROWS)])
    plsc.subcore_barrier()
    row0 = s * CPS

    def step(jj, _):
        j0 = jj * 2
        j1 = j0 + 1
        pltpu.async_copy(table_ref.at[src_t.at[j1]], rows1, semg1)
        pltpu.make_async_copy(table_ref.at[src_t.at[j0]], rows0, semg0).wait()
        pltpu.sync_copy(rows0, acc.at[dst_t.at[j0]], add=True)

        @pl.when(jj < GRP // 2 - 1)
        def _():
            pltpu.async_copy(table_ref.at[src_t.at[j0 + 2]], rows0, semg0)

        pltpu.make_async_copy(table_ref.at[src_t.at[j1]], rows1, semg1).wait()
        pltpu.sync_copy(rows1, acc.at[dst_t.at[j1]], add=True)
        return 0

    for g in range(CPS // GRP):
        base = row0 + g * GRP
        pltpu.sync_copy(srcx_ref.at[c].at[pl.ds(base, GRP)], src_t)
        pltpu.sync_copy(dst_ref.at[pl.ds(base, GRP)], dst_t)
        pltpu.async_copy(table_ref.at[src_t.at[0]], rows0, semg0)
        lax.fori_loop(0, GRP // 2, step, 0)

    plsc.subcore_barrier()
    pltpu.sync_copy(acc.at[pl.ds(s * ZROWS, ZROWS)],
                    out_ref.at[c].at[pl.ds(s * ZROWS, ZROWS)])


def _sc_segsum(table2, srcx, dst2d, zeros):
    mesh = plsc.VectorSubcoreMesh(core_axis_name="c", subcore_axis_name="s")
    return pl.kernel(
        _segsum_body,
        out_type=jax.ShapeDtypeStruct((2, N_ACC, 128), jnp.float32),
        mesh=mesh,
        scratch_types=[
            pltpu.VMEM_SHARED((N_ACC, 128), jnp.float32),
            pltpu.VMEM((GRP, CHUNK), jnp.int32),
            pltpu.VMEM((GRP, CHUNK), jnp.int32),
            pltpu.VMEM((CHUNK, 128), jnp.float32),
            pltpu.VMEM((CHUNK, 128), jnp.float32),
            pltpu.SemaphoreType.DMA,
            pltpu.SemaphoreType.DMA,
            pltpu.SemaphoreType.DMA,
            pltpu.SemaphoreType.DMA,
        ],
    )(table2, srcx, dst2d, zeros)



RPW = BATCH * SEQL // 32
GCH = 128


def _gather3f_body(t0_ref, t1_ref, t2_ref, seq_ref, o0_ref, o1_ref, o2_ref,
                   idx_t, buf0, buf1, sem0, sem1):
    c = lax.axis_index("c")
    s = lax.axis_index("s")
    base = (s * 2 + c) * RPW
    pltpu.sync_copy(seq_ref.at[pl.ds(base, RPW)], idx_t)

    for t_ref, o_ref in ((t0_ref, o0_ref), (t1_ref, o1_ref), (t2_ref, o2_ref)):
        pltpu.async_copy(t_ref.at[idx_t.at[pl.ds(0, GCH)]], buf0, sem0)

        def step(jj, _, t_ref=t_ref, o_ref=o_ref):
            j0 = jj * 2
            j1 = j0 + 1
            pltpu.async_copy(t_ref.at[idx_t.at[pl.ds(j1 * GCH, GCH)]], buf1, sem1)
            pltpu.make_async_copy(t_ref.at[idx_t.at[pl.ds(j0 * GCH, GCH)]], buf0, sem0).wait()
            pltpu.sync_copy(buf0, o_ref.at[pl.ds(base + j0 * GCH, GCH)])

            @pl.when(jj < RPW // GCH // 2 - 1)
            def _():
                pltpu.async_copy(t_ref.at[idx_t.at[pl.ds((j0 + 2) * GCH, GCH)]], buf0, sem0)

            pltpu.make_async_copy(t_ref.at[idx_t.at[pl.ds(j1 * GCH, GCH)]], buf1, sem1).wait()
            pltpu.sync_copy(buf1, o_ref.at[pl.ds(base + j1 * GCH, GCH)])
            return 0

        lax.fori_loop(0, RPW // GCH // 2, step, 0)
        cp = pltpu.async_copy(t_ref.at[idx_t.at[pl.ds(1536, 64)]],
                              buf0.at[pl.ds(0, 64)], sem0)
        cp.wait()
        pltpu.sync_copy(buf0.at[pl.ds(0, 64)], o_ref.at[pl.ds(base + 1536, 64)])


def _sc_gather3f(t0, t1, t2, seq_flat):
    mesh = plsc.VectorSubcoreMesh(core_axis_name="c", subcore_axis_name="s")
    osd = jax.ShapeDtypeStruct((BATCH * SEQL, HID // 2), jnp.int32)
    return pl.kernel(
        _gather3f_body,
        out_type=(osd, osd, osd),
        mesh=mesh,
        scratch_types=[
            pltpu.VMEM((RPW,), jnp.int32),
            pltpu.VMEM((GCH, HID // 2), jnp.int32),
            pltpu.VMEM((GCH, HID // 2), jnp.int32),
            pltpu.SemaphoreType.DMA,
            pltpu.SemaphoreType.DMA,
        ],
    )(t0, t1, t2, seq_flat)



def _mm_body(a_ref, w_ref, o_ref, *, relu):
    a = a_ref[...].astype(jnp.bfloat16)
    w = w_ref[...]
    y = (jnp.dot(a[0], w[:128], preferred_element_type=jnp.float32)
         + jnp.dot(a[1], w[128:], preferred_element_type=jnp.float32))
    if relu:
        y = jnp.maximum(y, 0.0)
    if o_ref.dtype == jnp.int32:
        o_ref[...] = _pack_bf16(y)
    else:
        o_ref[...] = y


def _gcn_matmul(a, w, relu, pack=False):
    rb = 400
    grid = N_NODES // rb
    ow = HID // 2 if pack else HID
    odt = jnp.int32 if pack else jnp.float32
    return pl.pallas_call(
        functools.partial(_mm_body, relu=relu),
        grid=(grid,),
        in_specs=[
            pl.BlockSpec((2, rb, 128), lambda i: (0, i, 0)),
            pl.BlockSpec((HID, HID), lambda i: (0, 0)),
        ],
        out_specs=pl.BlockSpec((rb, ow), lambda i: (i, 0)),
        out_shape=jax.ShapeDtypeStruct((N_NODES, ow), odt),
    )(a, w)



def _fused_body(g_ref, h_ref, p_ref, r_ref, m_ref, A_ref, AT_ref,
                wbre_ref, bbre_ref, w1_ref, b1_ref, w2_ref, b2_ref,
                w3_ref, b3_ref, w4_ref, b4_ref, o_ref):
    f32 = jnp.float32
    bf16 = jnp.bfloat16
    g = _unpack_bf16(g_ref[...])
    h = _unpack_bf16(h_ref[...])
    p = _unpack_bf16(p_ref[...])
    rp = jnp.concatenate(
        [jnp.dot(r_ref[b].astype(bf16), wbre_ref[...],
                 preferred_element_type=f32) for b in range(BB)],
        axis=0) + bbre_ref[...]
    A = A_ref[...]
    AT = AT_ref[...]

    zcat = jnp.concatenate([g, rp, p], axis=1).astype(bf16)
    z = jnp.tanh(jnp.dot(zcat, w1_ref[...], preferred_element_type=f32) + b1_ref[...])

    seqlen = jnp.sum(m_ref[...], axis=1)
    s = jnp.dot(A, g, preferred_element_type=f32) / seqlen[:, None]

    zproj = jnp.dot(z.astype(bf16), w2_ref[...], preferred_element_type=f32) + b2_ref[...]
    sproj = jnp.dot(s, w3_ref[...], preferred_element_type=f32) + b3_ref[...]
    gate = jax.nn.sigmoid(zproj + jnp.dot(AT, sproj, preferred_element_type=f32))
    beta = jnp.dot(gate.astype(bf16), w4_ref[...], preferred_element_type=f32) + b4_ref[...]

    S = jnp.dot(A, beta * g, preferred_element_type=f32)
    t = jnp.dot(AT, S, preferred_element_type=f32) * h
    e = jnp.exp(t)
    denom = jnp.dot(A, e, preferred_element_type=f32)
    scores = e * jnp.dot(AT, 1.0 / denom, preferred_element_type=f32)
    for b in range(BB):
        o_ref[b] = lax.slice(scores, (b * SEQL, 0), ((b + 1) * SEQL, HID))


def _fused_gating(g, h, p, review, mask, A, AT,
                  W_bre, b_bre, W1, b1, W2, b2, W3, b3, W4, b4):
    grid = BATCH // BB
    row_spec = pl.BlockSpec((ROWS, HID // 2), lambda i: (i, 0))
    full = lambda shape: pl.BlockSpec(shape, lambda i: (0, 0))
    return pl.pallas_call(
        _fused_body,
        grid=(grid,),
        in_specs=[
            row_spec,
            row_spec,
            row_spec,
            pl.BlockSpec((BB, SEQL, RDIM), lambda i: (i, 0, 0)),
            pl.BlockSpec((BB, SEQL), lambda i: (i, 0)),
            full((BB, ROWS)),
            full((ROWS, BB)),
            full((RDIM, HID)),
            full((1, HID)),
            full((3 * HID, HID)),
            full((1, HID)),
            full((HID, HID)),
            full((1, HID)),
            full((HID, HID)),
            full((1, HID)),
            full((HID, HID)),
            full((1, HID)),
        ],
        out_specs=pl.BlockSpec((BB, SEQL, HID), lambda i: (i, 0, 0)),
        out_shape=jax.ShapeDtypeStruct((BATCH, SEQL, HID), jnp.float32),
    )(g, h, p, review, mask, A, AT,
      W_bre, b_bre.reshape(1, HID), W1, b1.reshape(1, HID),
      W2, b2.reshape(1, HID), W3, b3.reshape(1, HID), W4, b4.reshape(1, HID))



def kernel(seq, review, mask, edge_index, emb, pos_table, Wg1, Wg2,
           W_bre, b_bre, W1, b1, W2, b2, W3, b3, W4, b4):
    src = edge_index[0]
    dst = edge_index[1]

    e = src.shape[0]
    srcp = jnp.concatenate([src, jnp.zeros((E_PAD - e,), src.dtype)]).astype(jnp.int32)
    dstp = jnp.concatenate([dst, jnp.full((E_PAD - e,), N_NODES, dst.dtype)]).astype(jnp.int32)
    srcx = jnp.stack([2 * srcp, 2 * srcp + 1]).reshape(2, E_PAD // CHUNK, CHUNK)
    dst2d = dstp.reshape(E_PAD // CHUNK, CHUNK)
    zeros = jnp.zeros((ZROWS, 128), jnp.float32)

    agg1 = _sc_segsum(emb.reshape(2 * N_NODES, 128), srcx, dst2d, zeros)
    x1 = _gcn_matmul(agg1, Wg1.astype(jnp.bfloat16), relu=True)
    agg2 = _sc_segsum(x1.reshape(2 * N_NODES, 128), srcx, dst2d, zeros)
    x2 = _gcn_matmul(agg2, Wg2.astype(jnp.bfloat16), relu=False, pack=True)

    bf16 = jnp.bfloat16

    h, g, p = _sc_gather3f(_pack_bf16(emb), x2, _pack_bf16(pos_table),
                           seq.reshape(-1).astype(jnp.int32))

    cols = jnp.arange(ROWS, dtype=jnp.int32)
    rows = jnp.arange(BB, dtype=jnp.int32)
    A = (cols[None, :] // SEQL == rows[:, None]).astype(jnp.float32)
    return _fused_gating(g, h, p, review, mask, A, A.T,
                         W_bre.astype(bf16), b_bre,
                         W1.astype(bf16), b1, W2.astype(bf16), b2,
                         W3, b3, W4.astype(bf16), b4)

# --- scband reference (transcript-rebuilt; emitter-appended) ---
"""Pipeline reference for scband-bgcn-45947560132676 (READ-ONLY COPY).

The authoritative reference and input builder live on the scoring server;
editing this copy changes nothing except your own understanding.
"""

import jax, jax.numpy as jnp
import numpy as np

N = 10000   # item_num / n_nodes
E = 160000  # n_edges
H = 256     # hidden_dim
B = 1024    # batch
L = 50      # max_seq_len
R = 768     # BERT review feature dim


def setup_inputs(seed: int = 0) -> dict:
    key = jax.random.key(seed)
    ks = jax.random.split(key, 16)
    seq = jax.random.randint(ks[0], (B, L), 0, N)
    review = jax.random.normal(ks[1], (B, L, R), dtype=jnp.float32)
    mask = jnp.ones((B, L), dtype=jnp.float32)
    edge_index = jax.random.randint(ks[2], (2, E), 0, N)
    emb = jax.random.normal(ks[3], (N, H), dtype=jnp.float32) * 0.02
    pos_table = jax.random.normal(ks[4], (N, H), dtype=jnp.float32) * 0.02
    sc = 1.0 / np.sqrt(H)
    Wg1 = jax.random.normal(ks[5], (H, H), dtype=jnp.float32) * sc
    Wg2 = jax.random.normal(ks[6], (H, H), dtype=jnp.float32) * sc
    W_bre = jax.random.normal(ks[7], (R, H), dtype=jnp.float32) * (1.0 / np.sqrt(R))
    b_bre = jnp.zeros((H,), dtype=jnp.float32)
    W1 = jax.random.normal(ks[8], (3 * H, H), dtype=jnp.float32) * (1.0 / np.sqrt(3 * H))
    b1 = jnp.zeros((H,), dtype=jnp.float32)
    W2 = jax.random.normal(ks[9], (H, H), dtype=jnp.float32) * sc
    b2 = jnp.zeros((H,), dtype=jnp.float32)
    W3 = jax.random.normal(ks[10], (H, H), dtype=jnp.float32) * sc
    b3 = jnp.zeros((H,), dtype=jnp.float32)
    W4 = jax.random.normal(ks[11], (H, H), dtype=jnp.float32) * sc
    b4 = jnp.zeros((H,), dtype=jnp.float32)
    return {"seq": seq, "review": review, "mask": mask, "edge_index": edge_index,
            "emb": emb, "pos_table": pos_table, "Wg1": Wg1, "Wg2": Wg2,
            "W_bre": W_bre, "b_bre": b_bre, "W1": W1, "b1": b1,
            "W2": W2, "b2": b2, "W3": W3, "b3": b3, "W4": W4, "b4": b4}


def reference(seq, review, mask, edge_index, emb, pos_table, Wg1, Wg2,
              W_bre, b_bre, W1, b1, W2, b2, W3, b3, W4, b4):
    n_nodes = emb.shape[0]
    src = edge_index[0]
    dst = edge_index[1]
    # GCN over the global item graph (2 layers): gather src feats, scatter-add to dst
    x = emb
    agg = jax.ops.segment_sum(x[src], dst, num_segments=n_nodes)
    x = jax.nn.relu(agg @ Wg1)
    agg = jax.ops.segment_sum(x[src], dst, num_segments=n_nodes)
    x = agg @ Wg2
    # gather per-session representations
    h = emb[seq]                 # base embedding of sequence   [B, L, H]
    h_global = x[seq]            # GCN-refined embedding        [B, L, H]
    h_hybrid = h_global          # LAM is identity on h_global
    h_review = review @ W_bre + b_bre   # BERT review encoder proj [B, L, H]
    pos = pos_table[seq]         # positional embedding          [B, L, H]
    z = jnp.tanh(jnp.concatenate([h_hybrid, h_review, pos], axis=-1) @ W1 + b1)
    seq_len = jnp.sum(mask, axis=1)              # [B]
    s = jnp.sum(h_hybrid, axis=1) / seq_len[:, None]   # [B, H]
    z_proj = z @ W2 + b2                          # [B, L, H]
    s_proj = s @ W3 + b3                          # [B, H]
    beta = jax.nn.sigmoid(z_proj + s_proj[:, None, :]) @ W4 + b4  # [B, L, H]
    S = jnp.sum(beta * h_hybrid, axis=1)          # [B, H]
    scores = jax.nn.softmax(S[:, None, :] * h, axis=1)  # [B, L, H]
    return scores

if __name__ == "__main__":
    import jax
    _d = setup_inputs()
    print(jax.jit(kernel)(*tuple(_d.values())))

</pallas_src>

<mosaic_0001>
#map = affine_map<(d0, d1) -> (0, 0)>
#map1 = affine_map<(d0, d1) -> (0, 0, 0)>
module attributes {stable_mosaic.version = 14 : i64} {
  func.func @_segsum_body(%arg0: i32, %arg1: i32, %arg2: memref<20000x128xf32, #tpu.memory_space<hbm>>, %arg3: memref<2x2048x80xi32, #tpu.memory_space<hbm>>, %arg4: memref<2048x80xi32, #tpu.memory_space<hbm>>, %arg5: memref<632x128xf32, #tpu.memory_space<hbm>>, %arg6: memref<2x10112x128xf32, #tpu.memory_space<hbm>>, %arg7: memref<10112x128xf32, #tpu.memory_space<vmem_shared>>, %arg8: memref<64x80xi32, #tpu.memory_space<vmem>>, %arg9: memref<64x80xi32, #tpu.memory_space<vmem>>, %arg10: memref<80x128xf32, #tpu.memory_space<vmem>>, %arg11: memref<80x128xf32, #tpu.memory_space<vmem>>, %arg12: memref<!tpu.dma_semaphore, #tpu.memory_space<semaphore_mem>>, %arg13: memref<!tpu.dma_semaphore, #tpu.memory_space<semaphore_mem>>, %arg14: memref<!tpu.dma_semaphore, #tpu.memory_space<semaphore_mem>>, %arg15: memref<!tpu.dma_semaphore, #tpu.memory_space<semaphore_mem>>) attributes {dimension_semantics = [#tpu.dimension_semantics<core_parallel>, #tpu.dimension_semantics<subcore_parallel>], iteration_bounds = array<i64: 2, 16>, scalar_prefetch = 0 : i64, scratch_operands = 9 : i64, tpu.core_type = #tpu.core_type<sc_vector_subcore>, window_params = [{transform_indices = #map}, {transform_indices = #map1}, {transform_indices = #map}, {transform_indices = #map}, {transform_indices = #map1}]} {
    %mul3A = arith.constant 632 : i32
    %mul3A_0 = arith.muli %arg1, %mul3A : i32
    "tpu.region"() ({
      %run_scoped3A = tpu.sem_alloc : memref<!tpu.dma_semaphore, #tpu.memory_space<semaphore_mem>>
      %dma_start3A_37 = arith.constant 0 : i32
      %dma_start3A_38 = tpu.memref_slice %arg7[%mul3A_0, %dma_start3A_37] : memref<10112x128xf32, #tpu.memory_space<vmem_shared>> -> memref<632x128xf32, #tpu.memory_space<vmem_shared>>
      tpu.enqueue_dma source(%arg5 : memref<632x128xf32, #tpu.memory_space<hbm>>) target(%dma_start3A_38 : memref<632x128xf32, #tpu.memory_space<vmem_shared>>) target_semaphore(%run_scoped3A : memref<!tpu.dma_semaphore, #tpu.memory_space<semaphore_mem>>)
      %dma_wait3A = arith.constant 0 : i32
      %dma_wait3A_39 = tpu.memref_slice %arg7[%mul3A_0, %dma_wait3A] : memref<10112x128xf32, #tpu.memory_space<vmem_shared>> -> memref<632x128xf32, #tpu.memory_space<vmem_shared>>
      tpu.wait_dma2 semaphore(%run_scoped3A : memref<!tpu.dma_semaphore, #tpu.memory_space<semaphore_mem>>) src(%arg5 : memref<632x128xf32, #tpu.memory_space<hbm>>) dst(%dma_wait3A_39 : memref<632x128xf32, #tpu.memory_space<vmem_shared>>)
      tpu.yield
    }) : () -> ()
    %barrier3A = arith.constant 0 : index
    tpu.barrier barrier_id(%barrier3A)
    %mul3A_1 = arith.constant 128 : i32
    %mul3A_2 = arith.muli %arg1, %mul3A_1 : i32
    %add3A = arith.constant 0 : i32
    %add3A_3 = arith.addi %mul3A_2, %add3A : i32
    "tpu.region"() ({
      %run_scoped3A = tpu.sem_alloc : memref<!tpu.dma_semaphore, #tpu.memory_space<semaphore_mem>>
      %dma_start3A_37 = arith.constant 0 : i32
      %dma_start3A_38 = arith.constant 0 : i32
      %dma_start3A_39 = tpu.memref_slice %arg3[%arg0, %dma_start3A_37, %dma_start3A_38] : memref<2x2048x80xi32, #tpu.memory_space<hbm>> -> memref<1x2048x80xi32, #tpu.memory_space<hbm>>
      %dma_start3A_40 = tpu.memref_squeeze %dma_start3A_39 : memref<1x2048x80xi32, #tpu.memory_space<hbm>> -> memref<2048x80xi32, #tpu.memory_space<hbm>>
      %dma_start3A_41 = arith.constant 0 : i32
      %dma_start3A_42 = tpu.memref_slice %dma_start3A_40[%add3A_3, %dma_start3A_41] : memref<2048x80xi32, #tpu.memory_space<hbm>> -> memref<64x80xi32, #tpu.memory_space<hbm>>
      %dma_start3A_43 = arith.constant 0 : i32
      %dma_start3A_44 = arith.constant 0 : i32
      %dma_start3A_45 = tpu.memref_slice %arg3[%arg0, %dma_start3A_43, %dma_start3A_44] : memref<2x2048x80xi32, #tpu.memory_space<hbm>> -> memref<1x2048x80xi32, #tpu.memory_space<hbm>>
      %dma_start3A_46 = tpu.memref_squeeze %dma_start3A_45 : memref<1x2048x80xi32, #tpu.memory_space<hbm>> -> memref<2048x80xi32, #tpu.memory_space<hbm>>
      %dma_start3A_47 = arith.constant 0 : i32
      %dma_start3A_48 = tpu.memref_slice %dma_start3A_46[%add3A_3, %dma_start3A_47] : memref<2048x80xi32, #tpu.memory_space<hbm>> -> memref<64x80xi32, #tpu.memory_space<hbm>>
      tpu.enqueue_dma source(%dma_start3A_48 : memref<64x80xi32, #tpu.memory_space<hbm>>) target(%arg8 : memref<64x80xi32, #tpu.memory_space<vmem>>) target_semaphore(%run_scoped3A : memref<!tpu.dma_semaphore, #tpu.memory_space<semaphore_mem>>)
      %dma_wait3A = arith.constant 0 : i32
      %dma_wait3A_49 = arith.constant 0 : i32
      %dma_wait3A_50 = tpu.memref_slice %arg3[%arg0, %dma_wait3A, %dma_wait3A_49] : memref<2x2048x80xi32, #tpu.memory_space<hbm>> -> memref<1x2048x80xi32, #tpu.memory_space<hbm>>
      %dma_wait3A_51 = tpu.memref_squeeze %dma_wait3A_50 : memref<1x2048x80xi32, #tpu.memory_space<hbm>> -> memref<2048x80xi32, #tpu.memory_space<hbm>>
      %dma_wait3A_52 = arith.constant 0 : i32
      %dma_wait3A_53 = tpu.memref_slice %dma_wait3A_51[%add3A_3, %dma_wait3A_52] : memref<2048x80xi32, #tpu.memory_space<hbm>> -> memref<64x80xi32, #tpu.memory_space<hbm>>
      %dma_wait3A_54 = arith.constant 0 : i32
      %dma_wait3A_55 = arith.constant 0 : i32
      %dma_wait3A_56 = tpu.memref_slice %arg3[%arg0, %dma_wait3A_54, %dma_wait3A_55] : memref<2x2048x80xi32, #tpu.memory_space<hbm>> -> memref<1x2048x80xi32, #tpu.memory_space<hbm>>
      %dma_wait3A_57 = tpu.memref_squeeze %dma_wait3A_56 : memref<1x2048x80xi32, #tpu.memory_space<hbm>> -> memref<2048x80xi32, #tpu.memory_space<hbm>>
      %dma_wait3A_58 = arith.constant 0 : i32
      %dma_wait3A_59 = tpu.memref_slice %dma_wait3A_57[%add3A_3, %dma_wait3A_58] : memref<2048x80xi32, #tpu.memory_space<hbm>> -> memref<64x80xi32, #tpu.memory_space<hbm>>
      tpu.wait_dma2 semaphore(%run_scoped3A : memref<!tpu.dma_semaphore, #tpu.memory_space<semaphore_mem>>) src(%dma_wait3A_59 : memref<64x80xi32, #tpu.memory_space<hbm>>) dst(%arg8 : memref<64x80xi32, #tpu.memory_space<vmem>>)
      tpu.yield
    }) : () -> ()
    "tpu.region"() ({
      %run_scoped3A = tpu.sem_alloc : memref<!tpu.dma_semaphore, #tpu.memory_space<semaphore_mem>>
      %dma_start3A_37 = arith.constant 0 : i32
      %dma_start3A_38 = tpu.memref_slice %arg4[%add3A_3, %dma_start3A_37] : memref<2048x80xi32, #tpu.memory_space<hbm>> -> memref<64x80xi32, #tpu.memory_space<hbm>>
      %dma_start3A_39 = arith.constant 0 : i32
      %dma_start3A_40 = tpu.memref_slice %arg4[%add3A_3, %dma_start3A_39] : memref<2048x80xi32, #tpu.memory_space<hbm>> -> memref<64x80xi32, #tpu.memory_space<hbm>>
      tpu.enqueue_dma source(%dma_start3A_40 : memref<64x80xi32, #tpu.memory_space<hbm>>) target(%arg9 : memref<64x80xi32, #tpu.memory_space<vmem>>) target_semaphore(%run_scoped3A : memref<!tpu.dma_semaphore, #tpu.memory_space<semaphore_mem>>)
      %dma_wait3A = arith.constant 0 : i32
      %dma_wait3A_41 = tpu.memref_slice %arg4[%add3A_3, %dma_wait3A] : memref<2048x80xi32, #tpu.memory_space<hbm>> -> memref<64x80xi32, #tpu.memory_space<hbm>>
      %dma_wait3A_42 = arith.constant 0 : i32
      %dma_wait3A_43 = tpu.memref_slice %arg4[%add3A_3, %dma_wait3A_42] : memref<2048x80xi32, #tpu.memory_space<hbm>> -> memref<64x80xi32, #tpu.memory_space<hbm>>
      tpu.wait_dma2 semaphore(%run_scoped3A : memref<!tpu.dma_semaphore, #tpu.memory_space<semaphore_mem>>) src(%dma_wait3A_43 : memref<64x80xi32, #tpu.memory_space<hbm>>) dst(%arg9 : memref<64x80xi32, #tpu.memory_space<vmem>>)
      tpu.yield
    }) : () -> ()
    %dma_start3A = arith.constant 0 : i32
    %dma_start3A_4 = arith.constant 0 : i32
    %dma_start3A_5 = tpu.memref_slice %arg8[%dma_start3A, %dma_start3A_4] : memref<64x80xi32, #tpu.memory_space<vmem>> -> memref<1x80xi32, #tpu.memory_space<vmem>>
    %dma_start3A_6 = tpu.memref_squeeze %dma_start3A_5 : memref<1x80xi32, #tpu.memory_space<vmem>> -> memref<80xi32, #tpu.memory_space<vmem>>
    %dma_start3A_7 = arith.constant 0 : i32
    %dma_start3A_8 = arith.constant 0 : i32
    %dma_start3A_9 = tpu.memref_slice %arg2[%dma_start3A_7, %dma_start3A_8] : memref<20000x128xf32, #tpu.memory_space<hbm>> -> memref<20000x128xf32, #tpu.memory_space<hbm>>
    tpu.enqueue_indirect_dma source(%dma_start3A_9 : memref<20000x128xf32, #tpu.memory_space<hbm>>) target(%arg10 : memref<80x128xf32, #tpu.memory_space<vmem>>) offsets(%dma_start3A_6 : memref<80xi32, #tpu.memory_space<vmem>>) semaphore(%arg12 : memref<!tpu.dma_semaphore, #tpu.memory_space<semaphore_mem>>)
    %scan3A = arith.constant 0 : i32
    %scan3A_10 = arith.constant 0 : i32
    %scan3A_11 = arith.constant 32 : i32
    %scan3A_12 = arith.addi %scan3A_10, %scan3A_11 : i32
    %scan3A_13 = arith.constant 1 : i32
    %scan3A_14 = scf.for %scan3A_37 = %scan3A_10 to %scan3A_12 step %scan3A_13 iter_args(%scan3A_38 = %scan3A) -> (i32)  : i32 {
      %mul3A_39 = arith.constant 2 : i32
      %mul3A_40 = arith.muli %scan3A_37, %mul3A_39 : i32
      %add3A_41 = arith.constant 1 : i32
      %add3A_42 = arith.addi %mul3A_40, %add3A_41 : i32
      %dma_start3A_43 = arith.constant 0 : i32
      %dma_start3A_44 = tpu.memref_slice %arg8[%add3A_42, %dma_start3A_43] : memref<64x80xi32, #tpu.memory_space<vmem>> -> memref<1x80xi32, #tpu.memory_space<vmem>>
      %dma_start3A_45 = tpu.memref_squeeze %dma_start3A_44 : memref<1x80xi32, #tpu.memory_space<vmem>> -> memref<80xi32, #tpu.memory_space<vmem>>
      %dma_start3A_46 = arith.constant 0 : i32
      %dma_start3A_47 = arith.constant 0 : i32
      %dma_start3A_48 = tpu.memref_slice %arg2[%dma_start3A_46, %dma_start3A_47] : memref<20000x128xf32, #tpu.memory_space<hbm>> -> memref<20000x128xf32, #tpu.memory_space<hbm>>
      tpu.enqueue_indirect_dma source(%dma_start3A_48 : memref<20000x128xf32, #tpu.memory_space<hbm>>) target(%arg11 : memref<80x128xf32, #tpu.memory_space<vmem>>) offsets(%dma_start3A_45 : memref<80xi32, #tpu.memory_space<vmem>>) semaphore(%arg13 : memref<!tpu.dma_semaphore, #tpu.memory_space<semaphore_mem>>)
      %dma_wait3A = arith.constant 0 : i32
      %dma_wait3A_49 = tpu.memref_slice %arg8[%mul3A_40, %dma_wait3A] : memref<64x80xi32, #tpu.memory_space<vmem>> -> memref<1x80xi32, #tpu.memory_space<vmem>>
      %dma_wait3A_50 = tpu.memref_squeeze %dma_wait3A_49 : memref<1x80xi32, #tpu.memory_space<vmem>> -> memref<80xi32, #tpu.memory_space<vmem>>
      %dma_wait3A_51 = arith.constant 0 : i32
      %dma_wait3A_52 = arith.constant 0 : i32
      %dma_wait3A_53 = tpu.memref_slice %arg2[%dma_wait3A_51, %dma_wait3A_52] : memref<20000x128xf32, #tpu.memory_space<hbm>> -> memref<20000x128xf32, #tpu.memory_space<hbm>>
      tpu.wait_indirect_dma semaphore(%arg12 : memref<!tpu.dma_semaphore, #tpu.memory_space<semaphore_mem>>) src(%dma_wait3A_53 : memref<20000x128xf32, #tpu.memory_space<hbm>>) dst(%arg10 : memref<80x128xf32, #tpu.memory_space<vmem>>)
      "tpu.region"() ({
        %run_scoped3A = tpu.sem_alloc : memref<!tpu.dma_semaphore, #tpu.memory_space<semaphore_mem>>
        %dma_start3A_63 = arith.constant 0 : i32
        %dma_start3A_64 = tpu.memref_slice %arg9[%mul3A_40, %dma_start3A_63] : memref<64x80xi32, #tpu.memory_space<vmem>> -> memref<1x80xi32, #tpu.memory_space<vmem>>
        %dma_start3A_65 = tpu.memref_squeeze %dma_start3A_64 : memref<1x80xi32, #tpu.memory_space<vmem>> -> memref<80xi32, #tpu.memory_space<vmem>>
        %dma_start3A_66 = arith.constant 0 : i32
        %dma_start3A_67 = arith.constant 0 : i32
        %dma_start3A_68 = tpu.memref_slice %arg7[%dma_start3A_66, %dma_start3A_67] : memref<10112x128xf32, #tpu.memory_space<vmem_shared>> -> memref<10112x128xf32, #tpu.memory_space<vmem_shared>>
        tpu.enqueue_indirect_dma source(%arg10 : memref<80x128xf32, #tpu.memory_space<vmem>>) target(%dma_start3A_68 : memref<10112x128xf32, #tpu.memory_space<vmem_shared>>) offsets(%dma_start3A_65 : memref<80xi32, #tpu.memory_space<vmem>>) semaphore(%run_scoped3A : memref<!tpu.dma_semaphore, #tpu.memory_space<semaphore_mem>>) {add = true}
        %dma_wait3A_69 = arith.constant 0 : i32
        %dma_wait3A_70 = tpu.memref_slice %arg9[%mul3A_40, %dma_wait3A_69] : memref<64x80xi32, #tpu.memory_space<vmem>> -> memref<1x80xi32, #tpu.memory_space<vmem>>
        %dma_wait3A_71 = tpu.memref_squeeze %dma_wait3A_70 : memref<1x80xi32, #tpu.memory_space<vmem>> -> memref<80xi32, #tpu.memory_space<vmem>>
        %dma_wait3A_72 = arith.constant 0 : i32
        %dma_wait3A_73 = arith.constant 0 : i32
        %dma_wait3A_74 = tpu.memref_slice %arg7[%dma_wait3A_72, %dma_wait3A_73] : memref<10112x128xf32, #tpu.memory_space<vmem_shared>> -> memref<10112x128xf32, #tpu.memory_space<vmem_shared>>
        tpu.wait_indirect_dma semaphore(%run_scoped3A : memref<!tpu.dma_semaphore, #tpu.memory_space<semaphore_mem>>) src(%arg10 : memref<80x128xf32, #tpu.memory_space<vmem>>) dst(%dma_wait3A_74 : memref<10112x128xf32, #tpu.memory_space<vmem_shared>>)
        tpu.yield
      }) : () -> ()
      %lt3A = arith.constant 31 : i32
      %lt3A_54 = arith.cmpi slt, %scan3A_37, %lt3A : i32
      %convert_element_type3A = arith.extui %lt3A_54 : i1 to i32
      %cond3A = arith.constant 0 : i32
      %cond3A_55 = arith.cmpi ne, %convert_element_type3A, %cond3A : i32
      scf.if %cond3A_55 {
        %add3A_63 = arith.constant 2 : i32
        %add3A_64 = arith.addi %mul3A_40, %add3A_63 : i32
        %dma_start3A_65 = arith.constant 0 : i32
        %dma_start3A_66 = tpu.memref_slice %arg8[%add3A_64, %dma_start3A_65] : memref<64x80xi32, #tpu.memory_space<vmem>> -> memref<1x80xi32, #tpu.memory_space<vmem>>
        %dma_start3A_67 = tpu.memref_squeeze %dma_start3A_66 : memref<1x80xi32, #tpu.memory_space<vmem>> -> memref<80xi32, #tpu.memory_space<vmem>>
        %dma_start3A_68 = arith.constant 0 : i32
        %dma_start3A_69 = arith.constant 0 : i32
        %dma_start3A_70 = tpu.memref_slice %arg2[%dma_start3A_68, %dma_start3A_69] : memref<20000x128xf32, #tpu.memory_space<hbm>> -> memref<20000x128xf32, #tpu.memory_space<hbm>>
        tpu.enqueue_indirect_dma source(%dma_start3A_70 : memref<20000x128xf32, #tpu.memory_space<hbm>>) target(%arg10 : memref<80x128xf32, #tpu.memory_space<vmem>>) offsets(%dma_start3A_67 : memref<80xi32, #tpu.memory_space<vmem>>) semaphore(%arg12 : memref<!tpu.dma_semaphore, #tpu.memory_space<semaphore_mem>>)
      } else {
      }
      %dma_wait3A_56 = arith.constant 0 : i32
      %dma_wait3A_57 = tpu.memref_slice %arg8[%add3A_42, %dma_wait3A_56] : memref<64x80xi32, #tpu.memory_space<vmem>> -> memref<1x80xi32, #tpu.memory_space<vmem>>
      %dma_wait3A_58 = tpu.memref_squeeze %dma_wait3A_57 : memref<1x80xi32, #tpu.memory_space<vmem>> -> memref<80xi32, #tpu.memory_space<vmem>>
      %dma_wait3A_59 = arith.constant 0 : i32
      %dma_wait3A_60 = arith.constant 0 : i32
      %dma_wait3A_61 = tpu.memref_slice %arg2[%dma_wait3A_59, %dma_wait3A_60] : memref<20000x128xf32, #tpu.memory_space<hbm>> -> memref<20000x128xf32, #tpu.memory_space<hbm>>
      tpu.wait_indirect_dma semaphore(%arg13 : memref<!tpu.dma_semaphore, #tpu.memory_space<semaphore_mem>>) src(%dma_wait3A_61 : memref<20000x128xf32, #tpu.memory_space<hbm>>) dst(%arg11 : memref<80x128xf32, #tpu.memory_space<vmem>>)
      "tpu.region"() ({
        %run_scoped3A = tpu.sem_alloc : memref<!tpu.dma_semaphore, #tpu.memory_space<semaphore_mem>>
        %dma_start3A_63 = arith.constant 0 : i32
        %dma_start3A_64 = tpu.memref_slice %arg9[%add3A_42, %dma_start3A_63] : memref<64x80xi32, #tpu.memory_space<vmem>> -> memref<1x80xi32, #tpu.memory_space<vmem>>
        %dma_start3A_65 = tpu.memref_squeeze %dma_start3A_64 : memref<1x80xi32, #tpu.memory_space<vmem>> -> memref<80xi32, #tpu.memory_space<vmem>>
        %dma_start3A_66 = arith.constant 0 : i32
        %dma_start3A_67 = arith.constant 0 : i32
        %dma_start3A_68 = tpu.memref_slice %arg7[%dma_start3A_66, %dma_start3A_67] : memref<10112x128xf32, #tpu.memory_space<vmem_shared>> -> memref<10112x128xf32, #tpu.memory_space<vmem_shared>>
        tpu.enqueue_indirect_dma source(%arg11 : memref<80x128xf32, #tpu.memory_space<vmem>>) target(%dma_start3A_68 : memref<10112x128xf32, #tpu.memory_space<vmem_shared>>) offsets(%dma_start3A_65 : memref<80xi32, #tpu.memory_space<vmem>>) semaphore(%run_scoped3A : memref<!tpu.dma_semaphore, #tpu.memory_space<semaphore_mem>>) {add = true}
        %dma_wait3A_69 = arith.constant 0 : i32
        %dma_wait3A_70 = tpu.memref_slice %arg9[%add3A_42, %dma_wait3A_69] : memref<64x80xi32, #tpu.memory_space<vmem>> -> memref<1x80xi32, #tpu.memory_space<vmem>>
        %dma_wait3A_71 = tpu.memref_squeeze %dma_wait3A_70 : memref<1x80xi32, #tpu.memory_space<vmem>> -> memref<80xi32, #tpu.memory_space<vmem>>
        %dma_wait3A_72 = arith.constant 0 : i32
        %dma_wait3A_73 = arith.constant 0 : i32
        %dma_wait3A_74 = tpu.memref_slice %arg7[%dma_wait3A_72, %dma_wait3A_73] : memref<10112x128xf32, #tpu.memory_space<vmem_shared>> -> memref<10112x128xf32, #tpu.memory_space<vmem_shared>>
        tpu.wait_indirect_dma semaphore(%run_scoped3A : memref<!tpu.dma_semaphore, #tpu.memory_space<semaphore_mem>>) src(%arg11 : memref<80x128xf32, #tpu.memory_space<vmem>>) dst(%dma_wait3A_74 : memref<10112x128xf32, #tpu.memory_space<vmem_shared>>)
        tpu.yield
      }) : () -> ()
      %scan3A_62 = arith.constant 0 : i32
      scf.yield %scan3A_62 : i32
    }
    %scan3A_15 = arith.constant 32 : i32
    %add3A_16 = arith.constant 64 : i32
    %add3A_17 = arith.addi %mul3A_2, %add3A_16 : i32
    "tpu.region"() ({
      %run_scoped3A = tpu.sem_alloc : memref<!tpu.dma_semaphore, #tpu.memory_space<semaphore_mem>>
      %dma_start3A_37 = arith.constant 0 : i32
      %dma_start3A_38 = arith.constant 0 : i32
      %dma_start3A_39 = tpu.memref_slice %arg3[%arg0, %dma_start3A_37, %dma_start3A_38] : memref<2x2048x80xi32, #tpu.memory_space<hbm>> -> memref<1x2048x80xi32, #tpu.memory_space<hbm>>
      %dma_start3A_40 = tpu.memref_squeeze %dma_start3A_39 : memref<1x2048x80xi32, #tpu.memory_space<hbm>> -> memref<2048x80xi32, #tpu.memory_space<hbm>>
      %dma_start3A_41 = arith.constant 0 : i32
      %dma_start3A_42 = tpu.memref_slice %dma_start3A_40[%add3A_17, %dma_start3A_41] : memref<2048x80xi32, #tpu.memory_space<hbm>> -> memref<64x80xi32, #tpu.memory_space<hbm>>
      %dma_start3A_43 = arith.constant 0 : i32
      %dma_start3A_44 = arith.constant 0 : i32
      %dma_start3A_45 = tpu.memref_slice %arg3[%arg0, %dma_start3A_43, %dma_start3A_44] : memref<2x2048x80xi32, #tpu.memory_space<hbm>> -> memref<1x2048x80xi32, #tpu.memory_space<hbm>>
      %dma_start3A_46 = tpu.memref_squeeze %dma_start3A_45 : memref<1x2048x80xi32, #tpu.memory_space<hbm>> -> memref<2048x80xi32, #tpu.memory_space<hbm>>
      %dma_start3A_47 = arith.constant 0 : i32
      %dma_start3A_48 = tpu.memref_slice %dma_start3A_46[%add3A_17, %dma_start3A_47] : memref<2048x80xi32, #tpu.memory_space<hbm>> -> memref<64x80xi32, #tpu.memory_space<hbm>>
      tpu.enqueue_dma source(%dma_start3A_48 : memref<64x80xi32, #tpu.memory_space<hbm>>) target(%arg8 : memref<64x80xi32, #tpu.memory_space<vmem>>) target_semaphore(%run_scoped3A : memref<!tpu.dma_semaphore, #tpu.memory_space<semaphore_mem>>)
      %dma_wait3A = arith.constant 0 : i32
      %dma_wait3A_49 = arith.constant 0 : i32
      %dma_wait3A_50 = tpu.memref_slice %arg3[%arg0, %dma_wait3A, %dma_wait3A_49] : memref<2x2048x80xi32, #tpu.memory_space<hbm>> -> memref<1x2048x80xi32, #tpu.memory_space<hbm>>
      %dma_wait3A_51 = tpu.memref_squeeze %dma_wait3A_50 : memref<1x2048x80xi32, #tpu.memory_space<hbm>> -> memref<2048x80xi32, #tpu.memory_space<hbm>>
      %dma_wait3A_52 = arith.constant 0 : i32
      %dma_wait3A_53 = tpu.memref_slice %dma_wait3A_51[%add3A_17, %dma_wait3A_52] : memref<2048x80xi32, #tpu.memory_space<hbm>> -> memref<64x80xi32, #tpu.memory_space<hbm>>
      %dma_wait3A_54 = arith.constant 0 : i32
      %dma_wait3A_55 = arith.constant 0 : i32
      %dma_wait3A_56 = tpu.memref_slice %arg3[%arg0, %dma_wait3A_54, %dma_wait3A_55] : memref<2x2048x80xi32, #tpu.memory_space<hbm>> -> memref<1x2048x80xi32, #tpu.memory_space<hbm>>
      %dma_wait3A_57 = tpu.memref_squeeze %dma_wait3A_56 : memref<1x2048x80xi32, #tpu.memory_space<hbm>> -> memref<2048x80xi32, #tpu.memory_space<hbm>>
      %dma_wait3A_58 = arith.constant 0 : i32
      %dma_wait3A_59 = tpu.memref_slice %dma_wait3A_57[%add3A_17, %dma_wait3A_58] : memref<2048x80xi32, #tpu.memory_space<hbm>> -> memref<64x80xi32, #tpu.memory_space<hbm>>
      tpu.wait_dma2 semaphore(%run_scoped3A : memref<!tpu.dma_semaphore, #tpu.memory_space<semaphore_mem>>) src(%dma_wait3A_59 : memref<64x80xi32, #tpu.memory_space<hbm>>) dst(%arg8 : memref<64x80xi32, #tpu.memory_space<vmem>>)
      tpu.yield
    }) : () -> ()
    "tpu.region"() ({
      %run_scoped3A = tpu.sem_alloc : memref<!tpu.dma_semaphore, #tpu.memory_space<semaphore_mem>>
      %dma_start3A_37 = arith.constant 0 : i32
      %dma_start3A_38 = tpu.memref_slice %arg4[%add3A_17, %dma_start3A_37] : memref<2048x80xi32, #tpu.memory_space<hbm>> -> memref<64x80xi32, #tpu.memory_space<hbm>>
      %dma_start3A_39 = arith.constant 0 : i32
      %dma_start3A_40 = tpu.memref_slice %arg4[%add3A_17, %dma_start3A_39] : memref<2048x80xi32, #tpu.memory_space<hbm>> -> memref<64x80xi32, #tpu.memory_space<hbm>>
      tpu.enqueue_dma source(%dma_start3A_40 : memref<64x80xi32, #tpu.memory_space<hbm>>) target(%arg9 : memref<64x80xi32, #tpu.memory_space<vmem>>) target_semaphore(%run_scoped3A : memref<!tpu.dma_semaphore, #tpu.memory_space<semaphore_mem>>)
      %dma_wait3A = arith.constant 0 : i32
      %dma_wait3A_41 = tpu.memref_slice %arg4[%add3A_17, %dma_wait3A] : memref<2048x80xi32, #tpu.memory_space<hbm>> -> memref<64x80xi32, #tpu.memory_space<hbm>>
      %dma_wait3A_42 = arith.constant 0 : i32
      %dma_wait3A_43 = tpu.memref_slice %arg4[%add3A_17, %dma_wait3A_42] : memref<2048x80xi32, #tpu.memory_space<hbm>> -> memref<64x80xi32, #tpu.memory_space<hbm>>
      tpu.wait_dma2 semaphore(%run_scoped3A : memref<!tpu.dma_semaphore, #tpu.memory_space<semaphore_mem>>) src(%dma_wait3A_43 : memref<64x80xi32, #tpu.memory_space<hbm>>) dst(%arg9 : memref<64x80xi32, #tpu.memory_space<vmem>>)
      tpu.yield
    }) : () -> ()
    %dma_start3A_18 = arith.constant 0 : i32
    %dma_start3A_19 = arith.constant 0 : i32
    %dma_start3A_20 = tpu.memref_slice %arg8[%dma_start3A_18, %dma_start3A_19] : memref<64x80xi32, #tpu.memory_space<vmem>> -> memref<1x80xi32, #tpu.memory_space<vmem>>
    %dma_start3A_21 = tpu.memref_squeeze %dma_start3A_20 : memref<1x80xi32, #tpu.memory_space<vmem>> -> memref<80xi32, #tpu.memory_space<vmem>>
    %dma_start3A_22 = arith.constant 0 : i32
    %dma_start3A_23 = arith.constant 0 : i32
    %dma_start3A_24 = tpu.memref_slice %arg2[%dma_start3A_22, %dma_start3A_23] : memref<20000x128xf32, #tpu.memory_space<hbm>> -> memref<20000x128xf32, #tpu.memory_space<hbm>>
    tpu.enqueue_indirect_dma source(%dma_start3A_24 : memref<20000x128xf32, #tpu.memory_space<hbm>>) target(%arg10 : memref<80x128xf32, #tpu.memory_space<vmem>>) offsets(%dma_start3A_21 : memref<80xi32, #tpu.memory_space<vmem>>) semaphore(%arg12 : memref<!tpu.dma_semaphore, #tpu.memory_space<semaphore_mem>>)
    %scan3A_25 = arith.constant 0 : i32
    %scan3A_26 = arith.constant 0 : i32
    %scan3A_27 = arith.constant 32 : i32
    %scan3A_28 = arith.addi %scan3A_26, %scan3A_27 : i32
    %scan3A_29 = arith.constant 1 : i32
    %scan3A_30 = scf.for %scan3A_37 = %scan3A_26 to %scan3A_28 step %scan3A_29 iter_args(%scan3A_38 = %scan3A_25) -> (i32)  : i32 {
      %mul3A_39 = arith.constant 2 : i32
      %mul3A_40 = arith.muli %scan3A_37, %mul3A_39 : i32
      %add3A_41 = arith.constant 1 : i32
      %add3A_42 = arith.addi %mul3A_40, %add3A_41 : i32
      %dma_start3A_43 = arith.constant 0 : i32
      %dma_start3A_44 = tpu.memref_slice %arg8[%add3A_42, %dma_start3A_43] : memref<64x80xi32, #tpu.memory_space<vmem>> -> memref<1x80xi32, #tpu.memory_space<vmem>>
      %dma_start3A_45 = tpu.memref_squeeze %dma_start3A_44 : memref<1x80xi32, #tpu.memory_space<vmem>> -> memref<80xi32, #tpu.memory_space<vmem>>
      %dma_start3A_46 = arith.constant 0 : i32
      %dma_start3A_47 = arith.constant 0 : i32
      %dma_start3A_48 = tpu.memref_slice %arg2[%dma_start3A_46, %dma_start3A_47] : memref<20000x128xf32, #tpu.memory_space<hbm>> -> memref<20000x128xf32, #tpu.memory_space<hbm>>
      tpu.enqueue_indirect_dma source(%dma_start3A_48 : memref<20000x128xf32, #tpu.memory_space<hbm>>) target(%arg11 : memref<80x128xf32, #tpu.memory_space<vmem>>) offsets(%dma_start3A_45 : memref<80xi32, #tpu.memory_space<vmem>>) semaphore(%arg13 : memref<!tpu.dma_semaphore, #tpu.memory_space<semaphore_mem>>)
      %dma_wait3A = arith.constant 0 : i32
      %dma_wait3A_49 = tpu.memref_slice %arg8[%mul3A_40, %dma_wait3A] : memref<64x80xi32, #tpu.memory_space<vmem>> -> memref<1x80xi32, #tpu.memory_space<vmem>>
      %dma_wait3A_50 = tpu.memref_squeeze %dma_wait3A_49 : memref<1x80xi32, #tpu.memory_space<vmem>> -> memref<80xi32, #tpu.memory_space<vmem>>
      %dma_wait3A_51 = arith.constant 0 : i32
      %dma_wait3A_52 = arith.constant 0 : i32
      %dma_wait3A_53 = tpu.memref_slice %arg2[%dma_wait3A_51, %dma_wait3A_52] : memref<20000x128xf32, #tpu.memory_space<hbm>> -> memref<20000x128xf32, #tpu.memory_space<hbm>>
      tpu.wait_indirect_dma semaphore(%arg12 : memref<!tpu.dma_semaphore, #tpu.memory_space<semaphore_mem>>) src(%dma_wait3A_53 : memref<20000x128xf32, #tpu.memory_space<hbm>>) dst(%arg10 : memref<80x128xf32, #tpu.memory_space<vmem>>)
      "tpu.region"() ({
        %run_scoped3A = tpu.sem_alloc : memref<!tpu.dma_semaphore, #tpu.memory_space<semaphore_mem>>
        %dma_start3A_63 = arith.constant 0 : i32
        %dma_start3A_64 = tpu.memref_slice %arg9[%mul3A_40, %dma_start3A_63] : memref<64x80xi32, #tpu.memory_space<vmem>> -> memref<1x80xi32, #tpu.memory_space<vmem>>
        %dma_start3A_65 = tpu.memref_squeeze %dma_start3A_64 : memref<1x80xi32, #tpu.memory_space<vmem>> -> memref<80xi32, #tpu.memory_space<vmem>>
        %dma_start3A_66 = arith.constant 0 : i32
        %dma_start3A_67 = arith.constant 0 : i32
        %dma_start3A_68 = tpu.memref_slice %arg7[%dma_start3A_66, %dma_start3A_67] : memref<10112x128xf32, #tpu.memory_space<vmem_shared>> -> memref<10112x128xf32, #tpu.memory_space<vmem_shared>>
        tpu.enqueue_indirect_dma source(%arg10 : memref<80x128xf32, #tpu.memory_space<vmem>>) target(%dma_start3A_68 : memref<10112x128xf32, #tpu.memory_space<vmem_shared>>) offsets(%dma_start3A_65 : memref<80xi32, #tpu.memory_space<vmem>>) semaphore(%run_scoped3A : memref<!tpu.dma_semaphore, #tpu.memory_space<semaphore_mem>>) {add = true}
        %dma_wait3A_69 = arith.constant 0 : i32
        %dma_wait3A_70 = tpu.memref_slice %arg9[%mul3A_40, %dma_wait3A_69] : memref<64x80xi32, #tpu.memory_space<vmem>> -> memref<1x80xi32, #tpu.memory_space<vmem>>
        %dma_wait3A_71 = tpu.memref_squeeze %dma_wait3A_70 : memref<1x80xi32, #tpu.memory_space<vmem>> -> memref<80xi32, #tpu.memory_space<vmem>>
        %dma_wait3A_72 = arith.constant 0 : i32
        %dma_wait3A_73 = arith.constant 0 : i32
        %dma_wait3A_74 = tpu.memref_slice %arg7[%dma_wait3A_72, %dma_wait3A_73] : memref<10112x128xf32, #tpu.memory_space<vmem_shared>> -> memref<10112x128xf32, #tpu.memory_space<vmem_shared>>
        tpu.wait_indirect_dma semaphore(%run_scoped3A : memref<!tpu.dma_semaphore, #tpu.memory_space<semaphore_mem>>) src(%arg10 : memref<80x128xf32, #tpu.memory_space<vmem>>) dst(%dma_wait3A_74 : memref<10112x128xf32, #tpu.memory_space<vmem_shared>>)
        tpu.yield
      }) : () -> ()
      %lt3A = arith.constant 31 : i32
      %lt3A_54 = arith.cmpi slt, %scan3A_37, %lt3A : i32
      %convert_element_type3A = arith.extui %lt3A_54 : i1 to i32
      %cond3A = arith.constant 0 : i32
      %cond3A_55 = arith.cmpi ne, %convert_element_type3A, %cond3A : i32
      scf.if %cond3A_55 {
        %add3A_63 = arith.constant 2 : i32
        %add3A_64 = arith.addi %mul3A_40, %add3A_63 : i32
        %dma_start3A_65 = arith.constant 0 : i32
        %dma_start3A_66 = tpu.memref_slice %arg8[%add3A_64, %dma_start3A_65] : memref<64x80xi32, #tpu.memory_space<vmem>> -> memref<1x80xi32, #tpu.memory_space<vmem>>
        %dma_start3A_67 = tpu.memref_squeeze %dma_start3A_66 : memref<1x80xi32, #tpu.memory_space<vmem>> -> memref<80xi32, #tpu.memory_space<vmem>>
        %dma_start3A_68 = arith.constant 0 : i32
        %dma_start3A_69 = arith.constant 0 : i32
        %dma_start3A_70 = tpu.memref_slice %arg2[%dma_start3A_68, %dma_start3A_69] : memref<20000x128xf32, #tpu.memory_space<hbm>> -> memref<20000x128xf32, #tpu.memory_space<hbm>>
        tpu.enqueue_indirect_dma source(%dma_start3A_70 : memref<20000x128xf32, #tpu.memory_space<hbm>>) target(%arg10 : memref<80x128xf32, #tpu.memory_space<vmem>>) offsets(%dma_start3A_67 : memref<80xi32, #tpu.memory_space<vmem>>) semaphore(%arg12 : memref<!tpu.dma_semaphore, #tpu.memory_space<semaphore_mem>>)
      } else {
      }
      %dma_wait3A_56 = arith.constant 0 : i32
      %dma_wait3A_57 = tpu.memref_slice %arg8[%add3A_42, %dma_wait3A_56] : memref<64x80xi32, #tpu.memory_space<vmem>> -> memref<1x80xi32, #tpu.memory_space<vmem>>
      %dma_wait3A_58 = tpu.memref_squeeze %dma_wait3A_57 : memref<1x80xi32, #tpu.memory_space<vmem>> -> memref<80xi32, #tpu.memory_space<vmem>>
      %dma_wait3A_59 = arith.constant 0 : i32
      %dma_wait3A_60 = arith.constant 0 : i32
      %dma_wait3A_61 = tpu.memref_slice %arg2[%dma_wait3A_59, %dma_wait3A_60] : memref<20000x128xf32, #tpu.memory_space<hbm>> -> memref<20000x128xf32, #tpu.memory_space<hbm>>
      tpu.wait_indirect_dma semaphore(%arg13 : memref<!tpu.dma_semaphore, #tpu.memory_space<semaphore_mem>>) src(%dma_wait3A_61 : memref<20000x128xf32, #tpu.memory_space<hbm>>) dst(%arg11 : memref<80x128xf32, #tpu.memory_space<vmem>>)
      "tpu.region"() ({
        %run_scoped3A = tpu.sem_alloc : memref<!tpu.dma_semaphore, #tpu.memory_space<semaphore_mem>>
        %dma_start3A_63 = arith.constant 0 : i32
        %dma_start3A_64 = tpu.memref_slice %arg9[%add3A_42, %dma_start3A_63] : memref<64x80xi32, #tpu.memory_space<vmem>> -> memref<1x80xi32, #tpu.memory_space<vmem>>
        %dma_start3A_65 = tpu.memref_squeeze %dma_start3A_64 : memref<1x80xi32, #tpu.memory_space<vmem>> -> memref<80xi32, #tpu.memory_space<vmem>>
        %dma_start3A_66 = arith.constant 0 : i32
        %dma_start3A_67 = arith.constant 0 : i32
        %dma_start3A_68 = tpu.memref_slice %arg7[%dma_start3A_66, %dma_start3A_67] : memref<10112x128xf32, #tpu.memory_space<vmem_shared>> -> memref<10112x128xf32, #tpu.memory_space<vmem_shared>>
        tpu.enqueue_indirect_dma source(%arg11 : memref<80x128xf32, #tpu.memory_space<vmem>>) target(%dma_start3A_68 : memref<10112x128xf32, #tpu.memory_space<vmem_shared>>) offsets(%dma_start3A_65 : memref<80xi32, #tpu.memory_space<vmem>>) semaphore(%run_scoped3A : memref<!tpu.dma_semaphore, #tpu.memory_space<semaphore_mem>>) {add = true}
        %dma_wait3A_69 = arith.constant 0 : i32
        %dma_wait3A_70 = tpu.memref_slice %arg9[%add3A_42, %dma_wait3A_69] : memref<64x80xi32, #tpu.memory_space<vmem>> -> memref<1x80xi32, #tpu.memory_space<vmem>>
        %dma_wait3A_71 = tpu.memref_squeeze %dma_wait3A_70 : memref<1x80xi32, #tpu.memory_space<vmem>> -> memref<80xi32, #tpu.memory_space<vmem>>
        %dma_wait3A_72 = arith.constant 0 : i32
        %dma_wait3A_73 = arith.constant 0 : i32
        %dma_wait3A_74 = tpu.memref_slice %arg7[%dma_wait3A_72, %dma_wait3A_73] : memref<10112x128xf32, #tpu.memory_space<vmem_shared>> -> memref<10112x128xf32, #tpu.memory_space<vmem_shared>>
        tpu.wait_indirect_dma semaphore(%run_scoped3A : memref<!tpu.dma_semaphore, #tpu.memory_space<semaphore_mem>>) src(%arg11 : memref<80x128xf32, #tpu.memory_space<vmem>>) dst(%dma_wait3A_74 : memref<10112x128xf32, #tpu.memory_space<vmem_shared>>)
        tpu.yield
      }) : () -> ()
      %scan3A_62 = arith.constant 0 : i32
      scf.yield %scan3A_62 : i32
    }
    %scan3A_31 = arith.constant 32 : i32
    %barrier3A_32 = arith.constant 0 : index
    tpu.barrier barrier_id(%barrier3A_32)
    %mul3A_33 = arith.constant 632 : i32
    %mul3A_34 = arith.muli %arg1, %mul3A_33 : i32
    %mul3A_35 = arith.constant 632 : i32
    %mul3A_36 = arith.muli %arg1, %mul3A_35 : i32
    "tpu.region"() ({
      %run_scoped3A = tpu.sem_alloc : memref<!tpu.dma_semaphore, #tpu.memory_space<semaphore_mem>>
      %dma_start3A_37 = arith.constant 0 : i32
      %dma_start3A_38 = arith.constant 0 : i32
      %dma_start3A_39 = tpu.memref_slice %arg6[%arg0, %dma_start3A_37, %dma_start3A_38] : memref<2x10112x128xf32, #tpu.memory_space<hbm>> -> memref<1x10112x128xf32, #tpu.memory_space<hbm>>
      %dma_start3A_40 = tpu.memref_squeeze %dma_start3A_39 : memref<1x10112x128xf32, #tpu.memory_space<hbm>> -> memref<10112x128xf32, #tpu.memory_space<hbm>>
      %dma_start3A_41 = arith.constant 0 : i32
      %dma_start3A_42 = tpu.memref_slice %dma_start3A_40[%mul3A_36, %dma_start3A_41] : memref<10112x128xf32, #tpu.memory_space<hbm>> -> memref<632x128xf32, #tpu.memory_space<hbm>>
      %dma_start3A_43 = arith.constant 0 : i32
      %dma_start3A_44 = tpu.memref_slice %arg7[%mul3A_34, %dma_start3A_43] : memref<10112x128xf32, #tpu.memory_space<vmem_shared>> -> memref<632x128xf32, #tpu.memory_space<vmem_shared>>
      tpu.enqueue_dma source(%dma_start3A_44 : memref<632x128xf32, #tpu.memory_space<vmem_shared>>) target(%dma_start3A_42 : memref<632x128xf32, #tpu.memory_space<hbm>>) target_semaphore(%run_scoped3A : memref<!tpu.dma_semaphore, #tpu.memory_space<semaphore_mem>>)
      %dma_wait3A = arith.constant 0 : i32
      %dma_wait3A_45 = arith.constant 0 : i32
      %dma_wait3A_46 = tpu.memref_slice %arg6[%arg0, %dma_wait3A, %dma_wait3A_45] : memref<2x10112x128xf32, #tpu.memory_space<hbm>> -> memref<1x10112x128xf32, #tpu.memory_space<hbm>>
      %dma_wait3A_47 = tpu.memref_squeeze %dma_wait3A_46 : memref<1x10112x128xf32, #tpu.memory_space<hbm>> -> memref<10112x128xf32, #tpu.memory_space<hbm>>
      %dma_wait3A_48 = arith.constant 0 : i32
      %dma_wait3A_49 = tpu.memref_slice %dma_wait3A_47[%mul3A_36, %dma_wait3A_48] : memref<10112x128xf32, #tpu.memory_space<hbm>> -> memref<632x128xf32, #tpu.memory_space<hbm>>
      %dma_wait3A_50 = arith.constant 0 : i32
      %dma_wait3A_51 = tpu.memref_slice %arg7[%mul3A_34, %dma_wait3A_50] : memref<10112x128xf32, #tpu.memory_space<vmem_shared>> -> memref<632x128xf32, #tpu.memory_space<vmem_shared>>
      tpu.wait_dma2 semaphore(%run_scoped3A : memref<!tpu.dma_semaphore, #tpu.memory_space<semaphore_mem>>) src(%dma_wait3A_51 : memref<632x128xf32, #tpu.memory_space<vmem_shared>>) dst(%dma_wait3A_49 : memref<632x128xf32, #tpu.memory_space<hbm>>)
      tpu.yield
    }) : () -> ()
    return
  }
}

#map = affine_map<(d0, d1) -> (0, 0)>
#map1 = affine_map<(d0, d1) -> (0, 0, 0)>
module attributes {stable_mosaic.version = 14 : i64} {
  func.func @_segsum_body(%arg0: i32, %arg1: i32, %arg2: memref<20000x128xf32, #tpu.memory_space<hbm>>, %arg3: memref<2x2048x80xi32, #tpu.memory_space<hbm>>, %arg4: memref<2048x80xi32, #tpu.memory_space<hbm>>, %arg5: memref<632x128xf32, #tpu.memory_space<hbm>>, %arg6: memref<2x10112x128xf32, #tpu.memory_space<hbm>>, %arg7: memref<10112x128xf32, #tpu.memory_space<vmem_shared>>, %arg8: memref<64x80xi32, #tpu.memory_space<vmem>>, %arg9: memref<64x80xi32, #tpu.memory_space<vmem>>, %arg10: memref<80x128xf32, #tpu.memory_space<vmem>>, %arg11: memref<80x128xf32, #tpu.memory_space<vmem>>, %arg12: memref<!tpu.dma_semaphore, #tpu.memory_space<semaphore_mem>>, %arg13: memref<!tpu.dma_semaphore, #tpu.memory_space<semaphore_mem>>, %arg14: memref<!tpu.dma_semaphore, #tpu.memory_space<semaphore_mem>>, %arg15: memref<!tpu.dma_semaphore, #tpu.memory_space<semaphore_mem>>) attributes {dimension_semantics = [#tpu.dimension_semantics<core_parallel>, #tpu.dimension_semantics<subcore_parallel>], iteration_bounds = array<i64: 2, 16>, scalar_prefetch = 0 : i64, scratch_operands = 9 : i64, tpu.core_type = #tpu.core_type<sc_vector_subcore>, window_params = [{transform_indices = #map}, {transform_indices = #map1}, {transform_indices = #map}, {transform_indices = #map}, {transform_indices = #map1}]} {
    %mul3A = arith.constant 632 : i32
    %mul3A_0 = arith.muli %arg1, %mul3A : i32
    "tpu.region"() ({
      %run_scoped3A = tpu.sem_alloc : memref<!tpu.dma_semaphore, #tpu.memory_space<semaphore_mem>>
      %dma_start3A_37 = arith.constant 0 : i32
      %dma_start3A_38 = tpu.memref_slice %arg7[%mul3A_0, %dma_start3A_37] : memref<10112x128xf32, #tpu.memory_space<vmem_shared>> -> memref<632x128xf32, #tpu.memory_space<vmem_shared>>
      tpu.enqueue_dma source(%arg5 : memref<632x128xf32, #tpu.memory_space<hbm>>) target(%dma_start3A_38 : memref<632x128xf32, #tpu.memory_space<vmem_shared>>) target_semaphore(%run_scoped3A : memref<!tpu.dma_semaphore, #tpu.memory_space<semaphore_mem>>)
      %dma_wait3A = arith.constant 0 : i32
      %dma_wait3A_39 = tpu.memref_slice %arg7[%mul3A_0, %dma_wait3A] : memref<10112x128xf32, #tpu.memory_space<vmem_shared>> -> memref<632x128xf32, #tpu.memory_space<vmem_shared>>
      tpu.wait_dma2 semaphore(%run_scoped3A : memref<!tpu.dma_semaphore, #tpu.memory_space<semaphore_mem>>) src(%arg5 : memref<632x128xf32, #tpu.memory_space<hbm>>) dst(%dma_wait3A_39 : memref<632x128xf32, #tpu.memory_space<vmem_shared>>)
      tpu.yield
    }) : () -> ()
    %barrier3A = arith.constant 0 : index
    tpu.barrier barrier_id(%barrier3A)
    %mul3A_1 = arith.constant 128 : i32
    %mul3A_2 = arith.muli %arg1, %mul3A_1 : i32
    %add3A = arith.constant 0 : i32
    %add3A_3 = arith.addi %mul3A_2, %add3A : i32
    "tpu.region"() ({
      %run_scoped3A = tpu.sem_alloc : memref<!tpu.dma_semaphore, #tpu.memory_space<semaphore_mem>>
      %dma_start3A_37 = arith.constant 0 : i32
      %dma_start3A_38 = arith.constant 0 : i32
      %dma_start3A_39 = tpu.memref_slice %arg3[%arg0, %dma_start3A_37, %dma_start3A_38] : memref<2x2048x80xi32, #tpu.memory_space<hbm>> -> memref<1x2048x80xi32, #tpu.memory_space<hbm>>
      %dma_start3A_40 = tpu.memref_squeeze %dma_start3A_39 : memref<1x2048x80xi32, #tpu.memory_space<hbm>> -> memref<2048x80xi32, #tpu.memory_space<hbm>>
      %dma_start3A_41 = arith.constant 0 : i32
      %dma_start3A_42 = tpu.memref_slice %dma_start3A_40[%add3A_3, %dma_start3A_41] : memref<2048x80xi32, #tpu.memory_space<hbm>> -> memref<64x80xi32, #tpu.memory_space<hbm>>
      %dma_start3A_43 = arith.constant 0 : i32
      %dma_start3A_44 = arith.constant 0 : i32
      %dma_start3A_45 = tpu.memref_slice %arg3[%arg0, %dma_start3A_43, %dma_start3A_44] : memref<2x2048x80xi32, #tpu.memory_space<hbm>> -> memref<1x2048x80xi32, #tpu.memory_space<hbm>>
      %dma_start3A_46 = tpu.memref_squeeze %dma_start3A_45 : memref<1x2048x80xi32, #tpu.memory_space<hbm>> -> memref<2048x80xi32, #tpu.memory_space<hbm>>
      %dma_start3A_47 = arith.constant 0 : i32
      %dma_start3A_48 = tpu.memref_slice %dma_start3A_46[%add3A_3, %dma_start3A_47] : memref<2048x80xi32, #tpu.memory_space<hbm>> -> memref<64x80xi32, #tpu.memory_space<hbm>>
      tpu.enqueue_dma source(%dma_start3A_48 : memref<64x80xi32, #tpu.memory_space<hbm>>) target(%arg8 : memref<64x80xi32, #tpu.memory_space<vmem>>) target_semaphore(%run_scoped3A : memref<!tpu.dma_semaphore, #tpu.memory_space<semaphore_mem>>)
      %dma_wait3A = arith.constant 0 : i32
      %dma_wait3A_49 = arith.constant 0 : i32
      %dma_wait3A_50 = tpu.memref_slice %arg3[%arg0, %dma_wait3A, %dma_wait3A_49] : memref<2x2048x80xi32, #tpu.memory_space<hbm>> -> memref<1x2048x80xi32, #tpu.memory_space<hbm>>
      %dma_wait3A_51 = tpu.memref_squeeze %dma_wait3A_50 : memref<1x2048x80xi32, #tpu.memory_space<hbm>> -> memref<2048x80xi32, #tpu.memory_space<hbm>>
      %dma_wait3A_52 = arith.constant 0 : i32
      %dma_wait3A_53 = tpu.memref_slice %dma_wait3A_51[%add3A_3, %dma_wait3A_52] : memref<2048x80xi32, #tpu.memory_space<hbm>> -> memref<64x80xi32, #tpu.memory_space<hbm>>
      %dma_wait3A_54 = arith.constant 0 : i32
      %dma_wait3A_55 = arith.constant 0 : i32
      %dma_wait3A_56 = tpu.memref_slice %arg3[%arg0, %dma_wait3A_54, %dma_wait3A_55] : memref<2x2048x80xi32, #tpu.memory_space<hbm>> -> memref<1x2048x80xi32, #tpu.memory_space<hbm>>
      %dma_wait3A_57 = tpu.memref_squeeze %dma_wait3A_56 : memref<1x2048x80xi32, #tpu.memory_space<hbm>> -> memref<2048x80xi32, #tpu.memory_space<hbm>>
      %dma_wait3A_58 = arith.constant 0 : i32
      %dma_wait3A_59 = tpu.memref_slice %dma_wait3A_57[%add3A_3, %dma_wait3A_58] : memref<2048x80xi32, #tpu.memory_space<hbm>> -> memref<64x80xi32, #tpu.memory_space<hbm>>
      tpu.wait_dma2 semaphore(%run_scoped3A : memref<!tpu.dma_semaphore, #tpu.memory_space<semaphore_mem>>) src(%dma_wait3A_59 : memref<64x80xi32, #tpu.memory_space<hbm>>) dst(%arg8 : memref<64x80xi32, #tpu.memory_space<vmem>>)
      tpu.yield
    }) : () -> ()
    "tpu.region"() ({
      %run_scoped3A = tpu.sem_alloc : memref<!tpu.dma_semaphore, #tpu.memory_space<semaphore_mem>>
      %dma_start3A_37 = arith.constant 0 : i32
      %dma_start3A_38 = tpu.memref_slice %arg4[%add3A_3, %dma_start3A_37] : memref<2048x80xi32, #tpu.memory_space<hbm>> -> memref<64x80xi32, #tpu.memory_space<hbm>>
      %dma_start3A_39 = arith.constant 0 : i32
      %dma_start3A_40 = tpu.memref_slice %arg4[%add3A_3, %dma_start3A_39] : memref<2048x80xi32, #tpu.memory_space<hbm>> -> memref<64x80xi32, #tpu.memory_space<hbm>>
      tpu.enqueue_dma source(%dma_start3A_40 : memref<64x80xi32, #tpu.memory_space<hbm>>) target(%arg9 : memref<64x80xi32, #tpu.memory_space<vmem>>) target_semaphore(%run_scoped3A : memref<!tpu.dma_semaphore, #tpu.memory_space<semaphore_mem>>)
      %dma_wait3A = arith.constant 0 : i32
      %dma_wait3A_41 = tpu.memref_slice %arg4[%add3A_3, %dma_wait3A] : memref<2048x80xi32, #tpu.memory_space<hbm>> -> memref<64x80xi32, #tpu.memory_space<hbm>>
      %dma_wait3A_42 = arith.constant 0 : i32
      %dma_wait3A_43 = tpu.memref_slice %arg4[%add3A_3, %dma_wait3A_42] : memref<2048x80xi32, #tpu.memory_space<hbm>> -> memref<64x80xi32, #tpu.memory_space<hbm>>
      tpu.wait_dma2 semaphore(%run_scoped3A : memref<!tpu.dma_semaphore, #tpu.memory_space<semaphore_mem>>) src(%dma_wait3A_43 : memref<64x80xi32, #tpu.memory_space<hbm>>) dst(%arg9 : memref<64x80xi32, #tpu.memory_space<vmem>>)
      tpu.yield
    }) : () -> ()
    %dma_start3A = arith.constant 0 : i32
    %dma_start3A_4 = arith.constant 0 : i32
    %dma_start3A_5 = tpu.memref_slice %arg8[%dma_start3A, %dma_start3A_4] : memref<64x80xi32, #tpu.memory_space<vmem>> -> memref<1x80xi32, #tpu.memory_space<vmem>>
    %dma_start3A_6 = tpu.memref_squeeze %dma_start3A_5 : memref<1x80xi32, #tpu.memory_space<vmem>> -> memref<80xi32, #tpu.memory_space<vmem>>
    %dma_start3A_7 = arith.constant 0 : i32
    %dma_start3A_8 = arith.constant 0 : i32
    %dma_start3A_9 = tpu.memref_slice %arg2[%dma_start3A_7, %dma_start3A_8] : memref<20000x128xf32, #tpu.memory_space<hbm>> -> memref<20000x128xf32, #tpu.memory_space<hbm>>
    tpu.enqueue_indirect_dma source(%dma_start3A_9 : memref<20000x128xf32, #tpu.memory_space<hbm>>) target(%arg10 : memref<80x128xf32, #tpu.memory_space<vmem>>) offsets(%dma_start3A_6 : memref<80xi32, #tpu.memory_space<vmem>>) semaphore(%arg12 : memref<!tpu.dma_semaphore, #tpu.memory_space<semaphore_mem>>)
    %scan3A = arith.constant 0 : i32
    %scan3A_10 = arith.constant 0 : i32
    %scan3A_11 = arith.constant 32 : i32
    %scan3A_12 = arith.addi %scan3A_10, %scan3A_11 : i32
    %scan3A_13 = arith.constant 1 : i32
    %scan3A_14 = scf.for %scan3A_37 = %scan3A_10 to %scan3A_12 step %scan3A_13 iter_args(%scan3A_38 = %scan3A) -> (i32)  : i32 {
      %mul3A_39 = arith.constant 2 : i32
      %mul3A_40 = arith.muli %scan3A_37, %mul3A_39 : i32
      %add3A_41 = arith.constant 1 : i32
      %add3A_42 = arith.addi %mul3A_40, %add3A_41 : i32
      %dma_start3A_43 = arith.constant 0 : i32
      %dma_start3A_44 = tpu.memref_slice %arg8[%add3A_42, %dma_start3A_43] : memref<64x80xi32, #tpu.memory_space<vmem>> -> memref<1x80xi32, #tpu.memory_space<vmem>>
      %dma_start3A_45 = tpu.memref_squeeze %dma_start3A_44 : memref<1x80xi32, #tpu.memory_space<vmem>> -> memref<80xi32, #tpu.memory_space<vmem>>
      %dma_start3A_46 = arith.constant 0 : i32
      %dma_start3A_47 = arith.constant 0 : i32
      %dma_start3A_48 = tpu.memref_slice %arg2[%dma_start3A_46, %dma_start3A_47] : memref<20000x128xf32, #tpu.memory_space<hbm>> -> memref<20000x128xf32, #tpu.memory_space<hbm>>
      tpu.enqueue_indirect_dma source(%dma_start3A_48 : memref<20000x128xf32, #tpu.memory_space<hbm>>) target(%arg11 : memref<80x128xf32, #tpu.memory_space<vmem>>) offsets(%dma_start3A_45 : memref<80xi32, #tpu.memory_space<vmem>>) semaphore(%arg13 : memref<!tpu.dma_semaphore, #tpu.memory_space<semaphore_mem>>)
      %dma_wait3A = arith.constant 0 : i32
      %dma_wait3A_49 = tpu.memref_slice %arg8[%mul3A_40, %dma_wait3A] : memref<64x80xi32, #tpu.memory_space<vmem>> -> memref<1x80xi32, #tpu.memory_space<vmem>>
      %dma_wait3A_50 = tpu.memref_squeeze %dma_wait3A_49 : memref<1x80xi32, #tpu.memory_space<vmem>> -> memref<80xi32, #tpu.memory_space<vmem>>
      %dma_wait3A_51 = arith.constant 0 : i32
      %dma_wait3A_52 = arith.constant 0 : i32
      %dma_wait3A_53 = tpu.memref_slice %arg2[%dma_wait3A_51, %dma_wait3A_52] : memref<20000x128xf32, #tpu.memory_space<hbm>> -> memref<20000x128xf32, #tpu.memory_space<hbm>>
      tpu.wait_indirect_dma semaphore(%arg12 : memref<!tpu.dma_semaphore, #tpu.memory_space<semaphore_mem>>) src(%dma_wait3A_53 : memref<20000x128xf32, #tpu.memory_space<hbm>>) dst(%arg10 : memref<80x128xf32, #tpu.memory_space<vmem>>)
      "tpu.region"() ({
        %run_scoped3A = tpu.sem_alloc : memref<!tpu.dma_semaphore, #tpu.memory_space<semaphore_mem>>
        %dma_start3A_63 = arith.constant 0 : i32
        %dma_start3A_64 = tpu.memref_slice %arg9[%mul3A_40, %dma_start3A_63] : memref<64x80xi32, #tpu.memory_space<vmem>> -> memref<1x80xi32, #tpu.memory_space<vmem>>
        %dma_start3A_65 = tpu.memref_squeeze %dma_start3A_64 : memref<1x80xi32, #tpu.memory_space<vmem>> -> memref<80xi32, #tpu.memory_space<vmem>>
        %dma_start3A_66 = arith.constant 0 : i32
        %dma_start3A_67 = arith.constant 0 : i32
        %dma_start3A_68 = tpu.memref_slice %arg7[%dma_start3A_66, %dma_start3A_67] : memref<10112x128xf32, #tpu.memory_space<vmem_shared>> -> memref<10112x128xf32, #tpu.memory_space<vmem_shared>>
        tpu.enqueue_indirect_dma source(%arg10 : memref<80x128xf32, #tpu.memory_space<vmem>>) target(%dma_start3A_68 : memref<10112x128xf32, #tpu.memory_space<vmem_shared>>) offsets(%dma_start3A_65 : memref<80xi32, #tpu.memory_space<vmem>>) semaphore(%run_scoped3A : memref<!tpu.dma_semaphore, #tpu.memory_space<semaphore_mem>>) {add = true}
        %dma_wait3A_69 = arith.constant 0 : i32
        %dma_wait3A_70 = tpu.memref_slice %arg9[%mul3A_40, %dma_wait3A_69] : memref<64x80xi32, #tpu.memory_space<vmem>> -> memref<1x80xi32, #tpu.memory_space<vmem>>
        %dma_wait3A_71 = tpu.memref_squeeze %dma_wait3A_70 : memref<1x80xi32, #tpu.memory_space<vmem>> -> memref<80xi32, #tpu.memory_space<vmem>>
        %dma_wait3A_72 = arith.constant 0 : i32
        %dma_wait3A_73 = arith.constant 0 : i32
        %dma_wait3A_74 = tpu.memref_slice %arg7[%dma_wait3A_72, %dma_wait3A_73] : memref<10112x128xf32, #tpu.memory_space<vmem_shared>> -> memref<10112x128xf32, #tpu.memory_space<vmem_shared>>
        tpu.wait_indirect_dma semaphore(%run_scoped3A : memref<!tpu.dma_semaphore, #tpu.memory_space<semaphore_mem>>) src(%arg10 : memref<80x128xf32, #tpu.memory_space<vmem>>) dst(%dma_wait3A_74 : memref<10112x128xf32, #tpu.memory_space<vmem_shared>>)
        tpu.yield
      }) : () -> ()
      %lt3A = arith.constant 31 : i32
      %lt3A_54 = arith.cmpi slt, %scan3A_37, %lt3A : i32
      %convert_element_type3A = arith.extui %lt3A_54 : i1 to i32
      %cond3A = arith.constant 0 : i32
      %cond3A_55 = arith.cmpi ne, %convert_element_type3A, %cond3A : i32
      scf.if %cond3A_55 {
        %add3A_63 = arith.constant 2 : i32
        %add3A_64 = arith.addi %mul3A_40, %add3A_63 : i32
        %dma_start3A_65 = arith.constant 0 : i32
        %dma_start3A_66 = tpu.memref_slice %arg8[%add3A_64, %dma_start3A_65] : memref<64x80xi32, #tpu.memory_space<vmem>> -> memref<1x80xi32, #tpu.memory_space<vmem>>
        %dma_start3A_67 = tpu.memref_squeeze %dma_start3A_66 : memref<1x80xi32, #tpu.memory_space<vmem>> -> memref<80xi32, #tpu.memory_space<vmem>>
        %dma_start3A_68 = arith.constant 0 : i32
        %dma_start3A_69 = arith.constant 0 : i32
        %dma_start3A_70 = tpu.memref_slice %arg2[%dma_start3A_68, %dma_start3A_69] : memref<20000x128xf32, #tpu.memory_space<hbm>> -> memref<20000x128xf32, #tpu.memory_space<hbm>>
        tpu.enqueue_indirect_dma source(%dma_start3A_70 : memref<20000x128xf32, #tpu.memory_space<hbm>>) target(%arg10 : memref<80x128xf32, #tpu.memory_space<vmem>>) offsets(%dma_start3A_67 : memref<80xi32, #tpu.memory_space<vmem>>) semaphore(%arg12 : memref<!tpu.dma_semaphore, #tpu.memory_space<semaphore_mem>>)
      } else {
      }
      %dma_wait3A_56 = arith.constant 0 : i32
      %dma_wait3A_57 = tpu.memref_slice %arg8[%add3A_42, %dma_wait3A_56] : memref<64x80xi32, #tpu.memory_space<vmem>> -> memref<1x80xi32, #tpu.memory_space<vmem>>
      %dma_wait3A_58 = tpu.memref_squeeze %dma_wait3A_57 : memref<1x80xi32, #tpu.memory_space<vmem>> -> memref<80xi32, #tpu.memory_space<vmem>>
      %dma_wait3A_59 = arith.constant 0 : i32
      %dma_wait3A_60 = arith.constant 0 : i32
      %dma_wait3A_61 = tpu.memref_slice %arg2[%dma_wait3A_59, %dma_wait3A_60] : memref<20000x128xf32, #tpu.memory_space<hbm>> -> memref<20000x128xf32, #tpu.memory_space<hbm>>
      tpu.wait_indirect_dma semaphore(%arg13 : memref<!tpu.dma_semaphore, #tpu.memory_space<semaphore_mem>>) src(%dma_wait3A_61 : memref<20000x128xf32, #tpu.memory_space<hbm>>) dst(%arg11 : memref<80x128xf32, #tpu.memory_space<vmem>>)
      "tpu.region"() ({
        %run_scoped3A = tpu.sem_alloc : memref<!tpu.dma_semaphore, #tpu.memory_space<semaphore_mem>>
        %dma_start3A_63 = arith.constant 0 : i32
        %dma_start3A_64 = tpu.memref_slice %arg9[%add3A_42, %dma_start3A_63] : memref<64x80xi32, #tpu.memory_space<vmem>> -> memref<1x80xi32, #tpu.memory_space<vmem>>
        %dma_start3A_65 = tpu.memref_squeeze %dma_start3A_64 : memref<1x80xi32, #tpu.memory_space<vmem>> -> memref<80xi32, #tpu.memory_space<vmem>>
        %dma_start3A_66 = arith.constant 0 : i32
        %dma_start3A_67 = arith.constant 0 : i32
        %dma_start3A_68 = tpu.memref_slice %arg7[%dma_start3A_66, %dma_start3A_67] : memref<10112x128xf32, #tpu.memory_space<vmem_shared>> -> memref<10112x128xf32, #tpu.memory_space<vmem_shared>>
        tpu.enqueue_indirect_dma source(%arg11 : memref<80x128xf32, #tpu.memory_space<vmem>>) target(%dma_start3A_68 : memref<10112x128xf32, #tpu.memory_space<vmem_shared>>) offsets(%dma_start3A_65 : memref<80xi32, #tpu.memory_space<vmem>>) semaphore(%run_scoped3A : memref<!tpu.dma_semaphore, #tpu.memory_space<semaphore_mem>>) {add = true}
        %dma_wait3A_69 = arith.constant 0 : i32
        %dma_wait3A_70 = tpu.memref_slice %arg9[%add3A_42, %dma_wait3A_69] : memref<64x80xi32, #tpu.memory_space<vmem>> -> memref<1x80xi32, #tpu.memory_space<vmem>>
        %dma_wait3A_71 = tpu.memref_squeeze %dma_wait3A_70 : memref<1x80xi32, #tpu.memory_space<vmem>> -> memref<80xi32, #tpu.memory_space<vmem>>
        %dma_wait3A_72 = arith.constant 0 : i32
        %dma_wait3A_73 = arith.constant 0 : i32
        %dma_wait3A_74 = tpu.memref_slice %arg7[%dma_wait3A_72, %dma_wait3A_73] : memref<10112x128xf32, #tpu.memory_space<vmem_shared>> -> memref<10112x128xf32, #tpu.memory_space<vmem_shared>>
        tpu.wait_indirect_dma semaphore(%run_scoped3A : memref<!tpu.dma_semaphore, #tpu.memory_space<semaphore_mem>>) src(%arg11 : memref<80x128xf32, #tpu.memory_space<vmem>>) dst(%dma_wait3A_74 : memref<10112x128xf32, #tpu.memory_space<vmem_shared>>)
        tpu.yield
      }) : () -> ()
      %scan3A_62 = arith.constant 0 : i32
      scf.yield %scan3A_62 : i32
    }
    %scan3A_15 = arith.constant 32 : i32
    %add3A_16 = arith.constant 64 : i32
    %add3A_17 = arith.addi %mul3A_2, %add3A_16 : i32
    "tpu.region"() ({
      %run_scoped3A = tpu.sem_alloc : memref<!tpu.dma_semaphore, #tpu.memory_space<semaphore_mem>>
      %dma_start3A_37 = arith.constant 0 : i32
      %dma_start3A_38 = arith.constant 0 : i32
      %dma_start3A_39 = tpu.memref_slice %arg3[%arg0, %dma_start3A_37, %dma_start3A_38] : memref<2x2048x80xi32, #tpu.memory_space<hbm>> -> memref<1x2048x80xi32, #tpu.memory_space<hbm>>
      %dma_start3A_40 = tpu.memref_squeeze %dma_start3A_39 : memref<1x2048x80xi32, #tpu.memory_space<hbm>> -> memref<2048x80xi32, #tpu.memory_space<hbm>>
      %dma_start3A_41 = arith.constant 0 : i32
      %dma_start3A_42 = tpu.memref_slice %dma_start3A_40[%add3A_17, %dma_start3A_41] : memref<2048x80xi32, #tpu.memory_space<hbm>> -> memref<64x80xi32, #tpu.memory_space<hbm>>
      %dma_start3A_43 = arith.constant 0 : i32
      %dma_start3A_44 = arith.constant 0 : i32
      %dma_start3A_45 = tpu.memref_slice %arg3[%arg0, %dma_start3A_43, %dma_start3A_44] : memref<2x2048x80xi32, #tpu.memory_space<hbm>> -> memref<1x2048x80xi32, #tpu.memory_space<hbm>>
      %dma_start3A_46 = tpu.memref_squeeze %dma_start3A_45 : memref<1x2048x80xi32, #tpu.memory_space<hbm>> -> memref<2048x80xi32, #tpu.memory_space<hbm>>
      %dma_start3A_47 = arith.constant 0 : i32
      %dma_start3A_48 = tpu.memref_slice %dma_start3A_46[%add3A_17, %dma_start3A_47] : memref<2048x80xi32, #tpu.memory_space<hbm>> -> memref<64x80xi32, #tpu.memory_space<hbm>>
      tpu.enqueue_dma source(%dma_start3A_48 : memref<64x80xi32, #tpu.memory_space<hbm>>) target(%arg8 : memref<64x80xi32, #tpu.memory_space<vmem>>) target_semaphore(%run_scoped3A : memref<!tpu.dma_semaphore, #tpu.memory_space<semaphore_mem>>)
      %dma_wait3A = arith.constant 0 : i32
      %dma_wait3A_49 = arith.constant 0 : i32
      %dma_wait3A_50 = tpu.memref_slice %arg3[%arg0, %dma_wait3A, %dma_wait3A_49] : memref<2x2048x80xi32, #tpu.memory_space<hbm>> -> memref<1x2048x80xi32, #tpu.memory_space<hbm>>
      %dma_wait3A_51 = tpu.memref_squeeze %dma_wait3A_50 : memref<1x2048x80xi32, #tpu.memory_space<hbm>> -> memref<2048x80xi32, #tpu.memory_space<hbm>>
      %dma_wait3A_52 = arith.constant 0 : i32
      %dma_wait3A_53 = tpu.memref_slice %dma_wait3A_51[%add3A_17, %dma_wait3A_52] : memref<2048x80xi32, #tpu.memory_space<hbm>> -> memref<64x80xi32, #tpu.memory_space<hbm>>
      %dma_wait3A_54 = arith.constant 0 : i32
      %dma_wait3A_55 = arith.constant 0 : i32
      %dma_wait3A_56 = tpu.memref_slice %arg3[%arg0, %dma_wait3A_54, %dma_wait3A_55] : memref<2x2048x80xi32, #tpu.memory_space<hbm>> -> memref<1x2048x80xi32, #tpu.memory_space<hbm>>
      %dma_wait3A_57 = tpu.memref_squeeze %dma_wait3A_56 : memref<1x2048x80xi32, #tpu.memory_space<hbm>> -> memref<2048x80xi32, #tpu.memory_space<hbm>>
      %dma_wait3A_58 = arith.constant 0 : i32
      %dma_wait3A_59 = tpu.memref_slice %dma_wait3A_57[%add3A_17, %dma_wait3A_58] : memref<2048x80xi32, #tpu.memory_space<hbm>> -> memref<64x80xi32, #tpu.memory_space<hbm>>
      tpu.wait_dma2 semaphore(%run_scoped3A : memref<!tpu.dma_semaphore, #tpu.memory_space<semaphore_mem>>) src(%dma_wait3A_59 : memref<64x80xi32, #tpu.memory_space<hbm>>) dst(%arg8 : memref<64x80xi32, #tpu.memory_space<vmem>>)
      tpu.yield
    }) : () -> ()
    "tpu.region"() ({
      %run_scoped3A = tpu.sem_alloc : memref<!tpu.dma_semaphore, #tpu.memory_space<semaphore_mem>>
      %dma_start3A_37 = arith.constant 0 : i32
      %dma_start3A_38 = tpu.memref_slice %arg4[%add3A_17, %dma_start3A_37] : memref<2048x80xi32, #tpu.memory_space<hbm>> -> memref<64x80xi32, #tpu.memory_space<hbm>>
      %dma_start3A_39 = arith.constant 0 : i32
      %dma_start3A_40 = tpu.memref_slice %arg4[%add3A_17, %dma_start3A_39] : memref<2048x80xi32, #tpu.memory_space<hbm>> -> memref<64x80xi32, #tpu.memory_space<hbm>>
      tpu.enqueue_dma source(%dma_start3A_40 : memref<64x80xi32, #tpu.memory_space<hbm>>) target(%arg9 : memref<64x80xi32, #tpu.memory_space<vmem>>) target_semaphore(%run_scoped3A : memref<!tpu.dma_semaphore, #tpu.memory_space<semaphore_mem>>)
      %dma_wait3A = arith.constant 0 : i32
      %dma_wait3A_41 = tpu.memref_slice %arg4[%add3A_17, %dma_wait3A] : memref<2048x80xi32, #tpu.memory_space<hbm>> -> memref<64x80xi32, #tpu.memory_space<hbm>>
      %dma_wait3A_42 = arith.constant 0 : i32
      %dma_wait3A_43 = tpu.memref_slice %arg4[%add3A_17, %dma_wait3A_42] : memref<2048x80xi32, #tpu.memory_space<hbm>> -> memref<64x80xi32, #tpu.memory_space<hbm>>
      tpu.wait_dma2 semaphore(%run_scoped3A : memref<!tpu.dma_semaphore, #tpu.memory_space<semaphore_mem>>) src(%dma_wait3A_43 : memref<64x80xi32, #tpu.memory_space<hbm>>) dst(%arg9 : memref<64x80xi32, #tpu.memory_space<vmem>>)
      tpu.yield
    }) : () -> ()
    %dma_start3A_18 = arith.constant 0 : i32
    %dma_start3A_19 = arith.constant 0 : i32
    %dma_start3A_20 = tpu.memref_slice %arg8[%dma_start3A_18, %dma_start3A_19] : memref<64x80xi32, #tpu.memory_space<vmem>> -> memref<1x80xi32, #tpu.memory_space<vmem>>
    %dma_start3A_21 = tpu.memref_squeeze %dma_start3A_20 : memref<1x80xi32, #tpu.memory_space<vmem>> -> memref<80xi32, #tpu.memory_space<vmem>>
    %dma_start3A_22 = arith.constant 0 : i32
    %dma_start3A_23 = arith.constant 0 : i32
    %dma_start3A_24 = tpu.memref_slice %arg2[%dma_start3A_22, %dma_start3A_23] : memref<20000x128xf32, #tpu.memory_space<hbm>> -> memref<20000x128xf32, #tpu.memory_space<hbm>>
    tpu.enqueue_indirect_dma source(%dma_start3A_24 : memref<20000x128xf32, #tpu.memory_space<hbm>>) target(%arg10 : memref<80x128xf32, #tpu.memory_space<vmem>>) offsets(%dma_start3A_21 : memref<80xi32, #tpu.memory_space<vmem>>) semaphore(%arg12 : memref<!tpu.dma_semaphore, #tpu.memory_space<semaphore_mem>>)
    %scan3A_25 = arith.constant 0 : i32
    %scan3A_26 = arith.constant 0 : i32
    %scan3A_27 = arith.constant 32 : i32
    %scan3A_28 = arith.addi %scan3A_26, %scan3A_27 : i32
    %scan3A_29 = arith.constant 1 : i32
    %scan3A_30 = scf.for %scan3A_37 = %scan3A_26 to %scan3A_28 step %scan3A_29 iter_args(%scan3A_38 = %scan3A_25) -> (i32)  : i32 {
      %mul3A_39 = arith.constant 2 : i32
      %mul3A_40 = arith.muli %scan3A_37, %mul3A_39 : i32
      %add3A_41 = arith.constant 1 : i32
      %add3A_42 = arith.addi %mul3A_40, %add3A_41 : i32
      %dma_start3A_43 = arith.constant 0 : i32
      %dma_start3A_44 = tpu.memref_slice %arg8[%add3A_42, %dma_start3A_43] : memref<64x80xi32, #tpu.memory_space<vmem>> -> memref<1x80xi32, #tpu.memory_space<vmem>>
      %dma_start3A_45 = tpu.memref_squeeze %dma_start3A_44 : memref<1x80xi32, #tpu.memory_space<vmem>> -> memref<80xi32, #tpu.memory_space<vmem>>
      %dma_start3A_46 = arith.constant 0 : i32
      %dma_start3A_47 = arith.constant 0 : i32
      %dma_start3A_48 = tpu.memref_slice %arg2[%dma_start3A_46, %dma_start3A_47] : memref<20000x128xf32, #tpu.memory_space<hbm>> -> memref<20000x128xf32, #tpu.memory_space<hbm>>
      tpu.enqueue_indirect_dma source(%dma_start3A_48 : memref<20000x128xf32, #tpu.memory_space<hbm>>) target(%arg11 : memref<80x128xf32, #tpu.memory_space<vmem>>) offsets(%dma_start3A_45 : memref<80xi32, #tpu.memory_space<vmem>>) semaphore(%arg13 : memref<!tpu.dma_semaphore, #tpu.memory_space<semaphore_mem>>)
      %dma_wait3A = arith.constant 0 : i32
      %dma_wait3A_49 = tpu.memref_slice %arg8[%mul3A_40, %dma_wait3A] : memref<64x80xi32, #tpu.memory_space<vmem>> -> memref<1x80xi32, #tpu.memory_space<vmem>>
      %dma_wait3A_50 = tpu.memref_squeeze %dma_wait3A_49 : memref<1x80xi32, #tpu.memory_space<vmem>> -> memref<80xi32, #tpu.memory_space<vmem>>
      %dma_wait3A_51 = arith.constant 0 : i32
      %dma_wait3A_52 = arith.constant 0 : i32
      %dma_wait3A_53 = tpu.memref_slice %arg2[%dma_wait3A_51, %dma_wait3A_52] : memref<20000x128xf32, #tpu.memory_space<hbm>> -> memref<20000x128xf32, #tpu.memory_space<hbm>>
      tpu.wait_indirect_dma semaphore(%arg12 : memref<!tpu.dma_semaphore, #tpu.memory_space<semaphore_mem>>) src(%dma_wait3A_53 : memref<20000x128xf32, #tpu.memory_space<hbm>>) dst(%arg10 : memref<80x128xf32, #tpu.memory_space<vmem>>)
      "tpu.region"() ({
        %run_scoped3A = tpu.sem_alloc : memref<!tpu.dma_semaphore, #tpu.memory_space<semaphore_mem>>
        %dma_start3A_63 = arith.constant 0 : i32
        %dma_start3A_64 = tpu.memref_slice %arg9[%mul3A_40, %dma_start3A_63] : memref<64x80xi32, #tpu.memory_space<vmem>> -> memref<1x80xi32, #tpu.memory_space<vmem>>
        %dma_start3A_65 = tpu.memref_squeeze %dma_start3A_64 : memref<1x80xi32, #tpu.memory_space<vmem>> -> memref<80xi32, #tpu.memory_space<vmem>>
        %dma_start3A_66 = arith.constant 0 : i32
        %dma_start3A_67 = arith.constant 0 : i32
        %dma_start3A_68 = tpu.memref_slice %arg7[%dma_start3A_66, %dma_start3A_67] : memref<10112x128xf32, #tpu.memory_space<vmem_shared>> -> memref<10112x128xf32, #tpu.memory_space<vmem_shared>>
        tpu.enqueue_indirect_dma source(%arg10 : memref<80x128xf32, #tpu.memory_space<vmem>>) target(%dma_start3A_68 : memref<10112x128xf32, #tpu.memory_space<vmem_shared>>) offsets(%dma_start3A_65 : memref<80xi32, #tpu.memory_space<vmem>>) semaphore(%run_scoped3A : memref<!tpu.dma_semaphore, #tpu.memory_space<semaphore_mem>>) {add = true}
        %dma_wait3A_69 = arith.constant 0 : i32
        %dma_wait3A_70 = tpu.memref_slice %arg9[%mul3A_40, %dma_wait3A_69] : memref<64x80xi32, #tpu.memory_space<vmem>> -> memref<1x80xi32, #tpu.memory_space<vmem>>
        %dma_wait3A_71 = tpu.memref_squeeze %dma_wait3A_70 : memref<1x80xi32, #tpu.memory_space<vmem>> -> memref<80xi32, #tpu.memory_space<vmem>>
        %dma_wait3A_72 = arith.constant 0 : i32
        %dma_wait3A_73 = arith.constant 0 : i32
        %dma_wait3A_74 = tpu.memref_slice %arg7[%dma_wait3A_72, %dma_wait3A_73] : memref<10112x128xf32, #tpu.memory_space<vmem_shared>> -> memref<10112x128xf32, #tpu.memory_space<vmem_shared>>
        tpu.wait_indirect_dma semaphore(%run_scoped3A : memref<!tpu.dma_semaphore, #tpu.memory_space<semaphore_mem>>) src(%arg10 : memref<80x128xf32, #tpu.memory_space<vmem>>) dst(%dma_wait3A_74 : memref<10112x128xf32, #tpu.memory_space<vmem_shared>>)
        tpu.yield
      }) : () -> ()
      %lt3A = arith.constant 31 : i32
      %lt3A_54 = arith.cmpi slt, %scan3A_37, %lt3A : i32
      %convert_element_type3A = arith.extui %lt3A_54 : i1 to i32
      %cond3A = arith.constant 0 : i32
      %cond3A_55 = arith.cmpi ne, %convert_element_type3A, %cond3A : i32
      scf.if %cond3A_55 {
        %add3A_63 = arith.constant 2 : i32
        %add3A_64 = arith.addi %mul3A_40, %add3A_63 : i32
        %dma_start3A_65 = arith.constant 0 : i32
        %dma_start3A_66 = tpu.memref_slice %arg8[%add3A_64, %dma_start3A_65] : memref<64x80xi32, #tpu.memory_space<vmem>> -> memref<1x80xi32, #tpu.memory_space<vmem>>
        %dma_start3A_67 = tpu.memref_squeeze %dma_start3A_66 : memref<1x80xi32, #tpu.memory_space<vmem>> -> memref<80xi32, #tpu.memory_space<vmem>>
        %dma_start3A_68 = arith.constant 0 : i32
        %dma_start3A_69 = arith.constant 0 : i32
        %dma_start3A_70 = tpu.memref_slice %arg2[%dma_start3A_68, %dma_start3A_69] : memref<20000x128xf32, #tpu.memory_space<hbm>> -> memref<20000x128xf32, #tpu.memory_space<hbm>>
        tpu.enqueue_indirect_dma source(%dma_start3A_70 : memref<20000x128xf32, #tpu.memory_space<hbm>>) target(%arg10 : memref<80x128xf32, #tpu.memory_space<vmem>>) offsets(%dma_start3A_67 : memref<80xi32, #tpu.memory_space<vmem>>) semaphore(%arg12 : memref<!tpu.dma_semaphore, #tpu.memory_space<semaphore_mem>>)
      } else {
      }
      %dma_wait3A_56 = arith.constant 0 : i32
      %dma_wait3A_57 = tpu.memref_slice %arg8[%add3A_42, %dma_wait3A_56] : memref<64x80xi32, #tpu.memory_space<vmem>> -> memref<1x80xi32, #tpu.memory_space<vmem>>
      %dma_wait3A_58 = tpu.memref_squeeze %dma_wait3A_57 : memref<1x80xi32, #tpu.memory_space<vmem>> -> memref<80xi32, #tpu.memory_space<vmem>>
      %dma_wait3A_59 = arith.constant 0 : i32
      %dma_wait3A_60 = arith.constant 0 : i32
      %dma_wait3A_61 = tpu.memref_slice %arg2[%dma_wait3A_59, %dma_wait3A_60] : memref<20000x128xf32, #tpu.memory_space<hbm>> -> memref<20000x128xf32, #tpu.memory_space<hbm>>
      tpu.wait_indirect_dma semaphore(%arg13 : memref<!tpu.dma_semaphore, #tpu.memory_space<semaphore_mem>>) src(%dma_wait3A_61 : memref<20000x128xf32, #tpu.memory_space<hbm>>) dst(%arg11 : memref<80x128xf32, #tpu.memory_space<vmem>>)
      "tpu.region"() ({
        %run_scoped3A = tpu.sem_alloc : memref<!tpu.dma_semaphore, #tpu.memory_space<semaphore_mem>>
        %dma_start3A_63 = arith.constant 0 : i32
        %dma_start3A_64 = tpu.memref_slice %arg9[%add3A_42, %dma_start3A_63] : memref<64x80xi32, #tpu.memory_space<vmem>> -> memref<1x80xi32, #tpu.memory_space<vmem>>
        %dma_start3A_65 = tpu.memref_squeeze %dma_start3A_64 : memref<1x80xi32, #tpu.memory_space<vmem>> -> memref<80xi32, #tpu.memory_space<vmem>>
        %dma_start3A_66 = arith.constant 0 : i32
        %dma_start3A_67 = arith.constant 0 : i32
        %dma_start3A_68 = tpu.memref_slice %arg7[%dma_start3A_66, %dma_start3A_67] : memref<10112x128xf32, #tpu.memory_space<vmem_shared>> -> memref<10112x128xf32, #tpu.memory_space<vmem_shared>>
        tpu.enqueue_indirect_dma source(%arg11 : memref<80x128xf32, #tpu.memory_space<vmem>>) target(%dma_start3A_68 : memref<10112x128xf32, #tpu.memory_space<vmem_shared>>) offsets(%dma_start3A_65 : memref<80xi32, #tpu.memory_space<vmem>>) semaphore(%run_scoped3A : memref<!tpu.dma_semaphore, #tpu.memory_space<semaphore_mem>>) {add = true}
        %dma_wait3A_69 = arith.constant 0 : i32
        %dma_wait3A_70 = tpu.memref_slice %arg9[%add3A_42, %dma_wait3A_69] : memref<64x80xi32, #tpu.memory_space<vmem>> -> memref<1x80xi32, #tpu.memory_space<vmem>>
        %dma_wait3A_71 = tpu.memref_squeeze %dma_wait3A_70 : memref<1x80xi32, #tpu.memory_space<vmem>> -> memref<80xi32, #tpu.memory_space<vmem>>
        %dma_wait3A_72 = arith.constant 0 : i32
        %dma_wait3A_73 = arith.constant 0 : i32
        %dma_wait3A_74 = tpu.memref_slice %arg7[%dma_wait3A_72, %dma_wait3A_73] : memref<10112x128xf32, #tpu.memory_space<vmem_shared>> -> memref<10112x128xf32, #tpu.memory_space<vmem_shared>>
        tpu.wait_indirect_dma semaphore(%run_scoped3A : memref<!tpu.dma_semaphore, #tpu.memory_space<semaphore_mem>>) src(%arg11 : memref<80x128xf32, #tpu.memory_space<vmem>>) dst(%dma_wait3A_74 : memref<10112x128xf32, #tpu.memory_space<vmem_shared>>)
        tpu.yield
      }) : () -> ()
      %scan3A_62 = arith.constant 0 : i32
      scf.yield %scan3A_62 : i32
    }
    %scan3A_31 = arith.constant 32 : i32
    %barrier3A_32 = arith.constant 0 : index
    tpu.barrier barrier_id(%barrier3A_32)
    %mul3A_33 = arith.constant 632 : i32
    %mul3A_34 = arith.muli %arg1, %mul3A_33 : i32
    %mul3A_35 = arith.constant 632 : i32
    %mul3A_36 = arith.muli %arg1, %mul3A_35 : i32
    "tpu.region"() ({
      %run_scoped3A = tpu.sem_alloc : memref<!tpu.dma_semaphore, #tpu.memory_space<semaphore_mem>>
      %dma_start3A_37 = arith.constant 0 : i32
      %dma_start3A_38 = arith.constant 0 : i32
      %dma_start3A_39 = tpu.memref_slice %arg6[%arg0, %dma_start3A_37, %dma_start3A_38] : memref<2x10112x128xf32, #tpu.memory_space<hbm>> -> memref<1x10112x128xf32, #tpu.memory_space<hbm>>
      %dma_start3A_40 = tpu.memref_squeeze %dma_start3A_39 : memref<1x10112x128xf32, #tpu.memory_space<hbm>> -> memref<10112x128xf32, #tpu.memory_space<hbm>>
      %dma_start3A_41 = arith.constant 0 : i32
      %dma_start3A_42 = tpu.memref_slice %dma_start3A_40[%mul3A_36, %dma_start3A_41] : memref<10112x128xf32, #tpu.memory_space<hbm>> -> memref<632x128xf32, #tpu.memory_space<hbm>>
      %dma_start3A_43 = arith.constant 0 : i32
      %dma_start3A_44 = tpu.memref_slice %arg7[%mul3A_34, %dma_start3A_43] : memref<10112x128xf32, #tpu.memory_space<vmem_shared>> -> memref<632x128xf32, #tpu.memory_space<vmem_shared>>
      tpu.enqueue_dma source(%dma_start3A_44 : memref<632x128xf32, #tpu.memory_space<vmem_shared>>) target(%dma_start3A_42 : memref<632x128xf32, #tpu.memory_space<hbm>>) target_semaphore(%run_scoped3A : memref<!tpu.dma_semaphore, #tpu.memory_space<semaphore_mem>>)
      %dma_wait3A = arith.constant 0 : i32
      %dma_wait3A_45 = arith.constant 0 : i32
      %dma_wait3A_46 = tpu.memref_slice %arg6[%arg0, %dma_wait3A, %dma_wait3A_45] : memref<2x10112x128xf32, #tpu.memory_space<hbm>> -> memref<1x10112x128xf32, #tpu.memory_space<hbm>>
      %dma_wait3A_47 = tpu.memref_squeeze %dma_wait3A_46 : memref<1x10112x128xf32, #tpu.memory_space<hbm>> -> memref<10112x128xf32, #tpu.memory_space<hbm>>
      %dma_wait3A_48 = arith.constant 0 : i32
      %dma_wait3A_49 = tpu.memref_slice %dma_wait3A_47[%mul3A_36, %dma_wait3A_48] : memref<10112x128xf32, #tpu.memory_space<hbm>> -> memref<632x128xf32, #tpu.memory_space<hbm>>
      %dma_wait3A_50 = arith.constant 0 : i32
      %dma_wait3A_51 = tpu.memref_slice %arg7[%mul3A_34, %dma_wait3A_50] : memref<10112x128xf32, #tpu.memory_space<vmem_shared>> -> memref<632x128xf32, #tpu.memory_space<vmem_shared>>
      tpu.wait_dma2 semaphore(%run_scoped3A : memref<!tpu.dma_semaphore, #tpu.memory_space<semaphore_mem>>) src(%dma_wait3A_51 : memref<632x128xf32, #tpu.memory_space<vmem_shared>>) dst(%dma_wait3A_49 : memref<632x128xf32, #tpu.memory_space<hbm>>)
      tpu.yield
    }) : () -> ()
    return
  }
}

#map = affine_map<(d0, d1) -> (0, 0)>
#map1 = affine_map<(d0, d1) -> (0)>
module attributes {stable_mosaic.version = 14 : i64} {
  func.func @_gather3f_body(%arg0: i32, %arg1: i32, %arg2: memref<10000x128xi32, #tpu.memory_space<hbm>>, %arg3: memref<10000x128xi32, #tpu.memory_space<hbm>>, %arg4: memref<10000x128xi32, #tpu.memory_space<hbm>>, %arg5: memref<51200xi32, #tpu.memory_space<hbm>>, %arg6: memref<51200x128xi32, #tpu.memory_space<hbm>>, %arg7: memref<51200x128xi32, #tpu.memory_space<hbm>>, %arg8: memref<51200x128xi32, #tpu.memory_space<hbm>>, %arg9: memref<1600xi32, #tpu.memory_space<vmem>>, %arg10: memref<128x128xi32, #tpu.memory_space<vmem>>, %arg11: memref<128x128xi32, #tpu.memory_space<vmem>>, %arg12: memref<!tpu.dma_semaphore, #tpu.memory_space<semaphore_mem>>, %arg13: memref<!tpu.dma_semaphore, #tpu.memory_space<semaphore_mem>>) attributes {dimension_semantics = [#tpu.dimension_semantics<core_parallel>, #tpu.dimension_semantics<subcore_parallel>], iteration_bounds = array<i64: 2, 16>, scalar_prefetch = 0 : i64, scratch_operands = 5 : i64, tpu.core_type = #tpu.core_type<sc_vector_subcore>, window_params = [{transform_indices = #map}, {transform_indices = #map}, {transform_indices = #map}, {transform_indices = #map1}, {transform_indices = #map}, {transform_indices = #map}, {transform_indices = #map}]} {
    %mul3A = arith.constant 2 : i32
    %mul3A_0 = arith.muli %arg1, %mul3A : i32
    %add3A = arith.addi %mul3A_0, %arg0 : i32
    %mul3A_1 = arith.constant 1600 : i32
    %mul3A_2 = arith.muli %add3A, %mul3A_1 : i32
    "tpu.region"() ({
      %run_scoped3A = tpu.sem_alloc : memref<!tpu.dma_semaphore, #tpu.memory_space<semaphore_mem>>
      %dma_start3A_90 = tpu.memref_slice %arg5[%mul3A_2] : memref<51200xi32, #tpu.memory_space<hbm>> -> memref<1600xi32, #tpu.memory_space<hbm>>
      %dma_start3A_91 = tpu.memref_slice %arg5[%mul3A_2] : memref<51200xi32, #tpu.memory_space<hbm>> -> memref<1600xi32, #tpu.memory_space<hbm>>
      tpu.enqueue_dma source(%dma_start3A_91 : memref<1600xi32, #tpu.memory_space<hbm>>) target(%arg9 : memref<1600xi32, #tpu.memory_space<vmem>>) target_semaphore(%run_scoped3A : memref<!tpu.dma_semaphore, #tpu.memory_space<semaphore_mem>>)
      %dma_wait3A_92 = tpu.memref_slice %arg5[%mul3A_2] : memref<51200xi32, #tpu.memory_space<hbm>> -> memref<1600xi32, #tpu.memory_space<hbm>>
      %dma_wait3A_93 = tpu.memref_slice %arg5[%mul3A_2] : memref<51200xi32, #tpu.memory_space<hbm>> -> memref<1600xi32, #tpu.memory_space<hbm>>
      tpu.wait_dma2 semaphore(%run_scoped3A : memref<!tpu.dma_semaphore, #tpu.memory_space<semaphore_mem>>) src(%dma_wait3A_93 : memref<1600xi32, #tpu.memory_space<hbm>>) dst(%arg9 : memref<1600xi32, #tpu.memory_space<vmem>>)
      tpu.yield
    }) : () -> ()
    %dma_start3A = arith.constant 0 : i32
    %dma_start3A_3 = tpu.memref_slice %arg9[%dma_start3A] : memref<1600xi32, #tpu.memory_space<vmem>> -> memref<128xi32, #tpu.memory_space<vmem>>
    %dma_start3A_4 = arith.constant 0 : i32
    %dma_start3A_5 = arith.constant 0 : i32
    %dma_start3A_6 = tpu.memref_slice %arg2[%dma_start3A_4, %dma_start3A_5] : memref<10000x128xi32, #tpu.memory_space<hbm>> -> memref<10000x128xi32, #tpu.memory_space<hbm>>
    tpu.enqueue_indirect_dma source(%dma_start3A_6 : memref<10000x128xi32, #tpu.memory_space<hbm>>) target(%arg10 : memref<128x128xi32, #tpu.memory_space<vmem>>) offsets(%dma_start3A_3 : memref<128xi32, #tpu.memory_space<vmem>>) semaphore(%arg12 : memref<!tpu.dma_semaphore, #tpu.memory_space<semaphore_mem>>)
    %scan3A = arith.constant 0 : i32
    %scan3A_7 = arith.constant 0 : i32
    %scan3A_8 = arith.constant 6 : i32
    %scan3A_9 = arith.addi %scan3A_7, %scan3A_8 : i32
    %scan3A_10 = arith.constant 1 : i32
    %scan3A_11 = scf.for %scan3A_90 = %scan3A_7 to %scan3A_9 step %scan3A_10 iter_args(%scan3A_91 = %scan3A) -> (i32)  : i32 {
      %mul3A_92 = arith.constant 2 : i32
      %mul3A_93 = arith.muli %scan3A_90, %mul3A_92 : i32
      %add3A_94 = arith.constant 1 : i32
      %add3A_95 = arith.addi %mul3A_93, %add3A_94 : i32
      %mul3A_96 = arith.constant 128 : i32
      %mul3A_97 = arith.muli %add3A_95, %mul3A_96 : i32
      %dma_start3A_98 = tpu.memref_slice %arg9[%mul3A_97] : memref<1600xi32, #tpu.memory_space<vmem>> -> memref<128xi32, #tpu.memory_space<vmem>>
      %dma_start3A_99 = arith.constant 0 : i32
      %dma_start3A_100 = arith.constant 0 : i32
      %dma_start3A_101 = tpu.memref_slice %arg2[%dma_start3A_99, %dma_start3A_100] : memref<10000x128xi32, #tpu.memory_space<hbm>> -> memref<10000x128xi32, #tpu.memory_space<hbm>>
      tpu.enqueue_indirect_dma source(%dma_start3A_101 : memref<10000x128xi32, #tpu.memory_space<hbm>>) target(%arg11 : memref<128x128xi32, #tpu.memory_space<vmem>>) offsets(%dma_start3A_98 : memref<128xi32, #tpu.memory_space<vmem>>) semaphore(%arg13 : memref<!tpu.dma_semaphore, #tpu.memory_space<semaphore_mem>>)
      %mul3A_102 = arith.constant 128 : i32
      %mul3A_103 = arith.muli %mul3A_93, %mul3A_102 : i32
      %dma_wait3A_104 = tpu.memref_slice %arg9[%mul3A_103] : memref<1600xi32, #tpu.memory_space<vmem>> -> memref<128xi32, #tpu.memory_space<vmem>>
      %dma_wait3A_105 = arith.constant 0 : i32
      %dma_wait3A_106 = arith.constant 0 : i32
      %dma_wait3A_107 = tpu.memref_slice %arg2[%dma_wait3A_105, %dma_wait3A_106] : memref<10000x128xi32, #tpu.memory_space<hbm>> -> memref<10000x128xi32, #tpu.memory_space<hbm>>
      tpu.wait_indirect_dma semaphore(%arg12 : memref<!tpu.dma_semaphore, #tpu.memory_space<semaphore_mem>>) src(%dma_wait3A_107 : memref<10000x128xi32, #tpu.memory_space<hbm>>) dst(%arg10 : memref<128x128xi32, #tpu.memory_space<vmem>>)
      %mul3A_108 = arith.constant 128 : i32
      %mul3A_109 = arith.muli %mul3A_93, %mul3A_108 : i32
      %add3A_110 = arith.addi %mul3A_2, %mul3A_109 : i32
      "tpu.region"() ({
        %run_scoped3A = tpu.sem_alloc : memref<!tpu.dma_semaphore, #tpu.memory_space<semaphore_mem>>
        %dma_start3A_123 = arith.constant 0 : i32
        %dma_start3A_124 = tpu.memref_slice %arg6[%add3A_110, %dma_start3A_123] : memref<51200x128xi32, #tpu.memory_space<hbm>> -> memref<128x128xi32, #tpu.memory_space<hbm>>
        %dma_start3A_125 = arith.constant 0 : i32
        %dma_start3A_126 = tpu.memref_slice %arg6[%add3A_110, %dma_start3A_125] : memref<51200x128xi32, #tpu.memory_space<hbm>> -> memref<128x128xi32, #tpu.memory_space<hbm>>
        tpu.enqueue_dma source(%arg10 : memref<128x128xi32, #tpu.memory_space<vmem>>) target(%dma_start3A_126 : memref<128x128xi32, #tpu.memory_space<hbm>>) target_semaphore(%run_scoped3A : memref<!tpu.dma_semaphore, #tpu.memory_space<semaphore_mem>>)
        %dma_wait3A_127 = arith.constant 0 : i32
        %dma_wait3A_128 = tpu.memref_slice %arg6[%add3A_110, %dma_wait3A_127] : memref<51200x128xi32, #tpu.memory_space<hbm>> -> memref<128x128xi32, #tpu.memory_space<hbm>>
        %dma_wait3A_129 = arith.constant 0 : i32
        %dma_wait3A_130 = tpu.memref_slice %arg6[%add3A_110, %dma_wait3A_129] : memref<51200x128xi32, #tpu.memory_space<hbm>> -> memref<128x128xi32, #tpu.memory_space<hbm>>
        tpu.wait_dma2 semaphore(%run_scoped3A : memref<!tpu.dma_semaphore, #tpu.memory_space<semaphore_mem>>) src(%arg10 : memref<128x128xi32, #tpu.memory_space<vmem>>) dst(%dma_wait3A_130 : memref<128x128xi32, #tpu.memory_space<hbm>>)
        tpu.yield
      }) : () -> ()
      %lt3A = arith.constant 5 : i32
      %lt3A_111 = arith.cmpi slt, %scan3A_90, %lt3A : i32
      %convert_element_type3A = arith.extui %lt3A_111 : i1 to i32
      %cond3A = arith.constant 0 : i32
      %cond3A_112 = arith.cmpi ne, %convert_element_type3A, %cond3A : i32
      scf.if %cond3A_112 {
        %add3A_123 = arith.constant 2 : i32
        %add3A_124 = arith.addi %mul3A_93, %add3A_123 : i32
        %mul3A_125 = arith.constant 128 : i32
        %mul3A_126 = arith.muli %add3A_124, %mul3A_125 : i32
        %dma_start3A_127 = tpu.memref_slice %arg9[%mul3A_126] : memref<1600xi32, #tpu.memory_space<vmem>> -> memref<128xi32, #tpu.memory_space<vmem>>
        %dma_start3A_128 = arith.constant 0 : i32
        %dma_start3A_129 = arith.constant 0 : i32
        %dma_start3A_130 = tpu.memref_slice %arg2[%dma_start3A_128, %dma_start3A_129] : memref<10000x128xi32, #tpu.memory_space<hbm>> -> memref<10000x128xi32, #tpu.memory_space<hbm>>
        tpu.enqueue_indirect_dma source(%dma_start3A_130 : memref<10000x128xi32, #tpu.memory_space<hbm>>) target(%arg10 : memref<128x128xi32, #tpu.memory_space<vmem>>) offsets(%dma_start3A_127 : memref<128xi32, #tpu.memory_space<vmem>>) semaphore(%arg12 : memref<!tpu.dma_semaphore, #tpu.memory_space<semaphore_mem>>)
      } else {
      }
      %mul3A_113 = arith.constant 128 : i32
      %mul3A_114 = arith.muli %add3A_95, %mul3A_113 : i32
      %dma_wait3A_115 = tpu.memref_slice %arg9[%mul3A_114] : memref<1600xi32, #tpu.memory_space<vmem>> -> memref<128xi32, #tpu.memory_space<vmem>>
      %dma_wait3A_116 = arith.constant 0 : i32
      %dma_wait3A_117 = arith.constant 0 : i32
      %dma_wait3A_118 = tpu.memref_slice %arg2[%dma_wait3A_116, %dma_wait3A_117] : memref<10000x128xi32, #tpu.memory_space<hbm>> -> memref<10000x128xi32, #tpu.memory_space<hbm>>
      tpu.wait_indirect_dma semaphore(%arg13 : memref<!tpu.dma_semaphore, #tpu.memory_space<semaphore_mem>>) src(%dma_wait3A_118 : memref<10000x128xi32, #tpu.memory_space<hbm>>) dst(%arg11 : memref<128x128xi32, #tpu.memory_space<vmem>>)
      %mul3A_119 = arith.constant 128 : i32
      %mul3A_120 = arith.muli %add3A_95, %mul3A_119 : i32
      %add3A_121 = arith.addi %mul3A_2, %mul3A_120 : i32
      "tpu.region"() ({
        %run_scoped3A = tpu.sem_alloc : memref<!tpu.dma_semaphore, #tpu.memory_space<semaphore_mem>>
        %dma_start3A_123 = arith.constant 0 : i32
        %dma_start3A_124 = tpu.memref_slice %arg6[%add3A_121, %dma_start3A_123] : memref<51200x128xi32, #tpu.memory_space<hbm>> -> memref<128x128xi32, #tpu.memory_space<hbm>>
        %dma_start3A_125 = arith.constant 0 : i32
        %dma_start3A_126 = tpu.memref_slice %arg6[%add3A_121, %dma_start3A_125] : memref<51200x128xi32, #tpu.memory_space<hbm>> -> memref<128x128xi32, #tpu.memory_space<hbm>>
        tpu.enqueue_dma source(%arg11 : memref<128x128xi32, #tpu.memory_space<vmem>>) target(%dma_start3A_126 : memref<128x128xi32, #tpu.memory_space<hbm>>) target_semaphore(%run_scoped3A : memref<!tpu.dma_semaphore, #tpu.memory_space<semaphore_mem>>)
        %dma_wait3A_127 = arith.constant 0 : i32
        %dma_wait3A_128 = tpu.memref_slice %arg6[%add3A_121, %dma_wait3A_127] : memref<51200x128xi32, #tpu.memory_space<hbm>> -> memref<128x128xi32, #tpu.memory_space<hbm>>
        %dma_wait3A_129 = arith.constant 0 : i32
        %dma_wait3A_130 = tpu.memref_slice %arg6[%add3A_121, %dma_wait3A_129] : memref<51200x128xi32, #tpu.memory_space<hbm>> -> memref<128x128xi32, #tpu.memory_space<hbm>>
        tpu.wait_dma2 semaphore(%run_scoped3A : memref<!tpu.dma_semaphore, #tpu.memory_space<semaphore_mem>>) src(%arg11 : memref<128x128xi32, #tpu.memory_space<vmem>>) dst(%dma_wait3A_130 : memref<128x128xi32, #tpu.memory_space<hbm>>)
        tpu.yield
      }) : () -> ()
      %scan3A_122 = arith.constant 0 : i32
      scf.yield %scan3A_122 : i32
    }
    %scan3A_12 = arith.constant 6 : i32
    %dma_start3A_13 = arith.constant 0 : i32
    %dma_start3A_14 = arith.constant 0 : i32
    %dma_start3A_15 = tpu.memref_slice %arg10[%dma_start3A_13, %dma_start3A_14] : memref<128x128xi32, #tpu.memory_space<vmem>> -> memref<64x128xi32, #tpu.memory_space<vmem>>
    %dma_start3A_16 = arith.constant 1536 : i32
    %dma_start3A_17 = tpu.memref_slice %arg9[%dma_start3A_16] : memref<1600xi32, #tpu.memory_space<vmem>> -> memref<64xi32, #tpu.memory_space<vmem>>
    %dma_start3A_18 = arith.constant 0 : i32
    %dma_start3A_19 = arith.constant 0 : i32
    %dma_start3A_20 = tpu.memref_slice %arg2[%dma_start3A_18, %dma_start3A_19] : memref<10000x128xi32, #tpu.memory_space<hbm>> -> memref<10000x128xi32, #tpu.memory_space<hbm>>
    tpu.enqueue_indirect_dma source(%dma_start3A_20 : memref<10000x128xi32, #tpu.memory_space<hbm>>) target(%dma_start3A_15 : memref<64x128xi32, #tpu.memory_space<vmem>>) offsets(%dma_start3A_17 : memref<64xi32, #tpu.memory_space<vmem>>) semaphore(%arg12 : memref<!tpu.dma_semaphore, #tpu.memory_space<semaphore_mem>>)
    %dma_wait3A = arith.constant 0 : i32
    %dma_wait3A_21 = arith.constant 0 : i32
    %dma_wait3A_22 = tpu.memref_slice %arg10[%dma_wait3A, %dma_wait3A_21] : memref<128x128xi32, #tpu.memory_space<vmem>> -> memref<64x128xi32, #tpu.memory_space<vmem>>
    %dma_wait3A_23 = arith.constant 1536 : i32
    %dma_wait3A_24 = tpu.memref_slice %arg9[%dma_wait3A_23] : memref<1600xi32, #tpu.memory_space<vmem>> -> memref<64xi32, #tpu.memory_space<vmem>>
    %dma_wait3A_25 = arith.constant 0 : i32
    %dma_wait3A_26 = arith.constant 0 : i32
    %dma_wait3A_27 = tpu.memref_slice %arg2[%dma_wait3A_25, %dma_wait3A_26] : memref<10000x128xi32, #tpu.memory_space<hbm>> -> memref<10000x128xi32, #tpu.memory_space<hbm>>
    tpu.wait_indirect_dma semaphore(%arg12 : memref<!tpu.dma_semaphore, #tpu.memory_space<semaphore_mem>>) src(%dma_wait3A_27 : memref<10000x128xi32, #tpu.memory_space<hbm>>) dst(%dma_wait3A_22 : memref<64x128xi32, #tpu.memory_space<vmem>>)
    %add3A_28 = arith.constant 1536 : i32
    %add3A_29 = arith.addi %mul3A_2, %add3A_28 : i32
    "tpu.region"() ({
      %run_scoped3A = tpu.sem_alloc : memref<!tpu.dma_semaphore, #tpu.memory_space<semaphore_mem>>
      %dma_start3A_90 = arith.constant 0 : i32
      %dma_start3A_91 = arith.constant 0 : i32
      %dma_start3A_92 = tpu.memref_slice %arg10[%dma_start3A_90, %dma_start3A_91] : memref<128x128xi32, #tpu.memory_space<vmem>> -> memref<64x128xi32, #tpu.memory_space<vmem>>
      %dma_start3A_93 = arith.constant 0 : i32
      %dma_start3A_94 = tpu.memref_slice %arg6[%add3A_29, %dma_start3A_93] : memref<51200x128xi32, #tpu.memory_space<hbm>> -> memref<64x128xi32, #tpu.memory_space<hbm>>
      %dma_start3A_95 = arith.constant 0 : i32
      %dma_start3A_96 = tpu.memref_slice %arg6[%add3A_29, %dma_start3A_95] : memref<51200x128xi32, #tpu.memory_space<hbm>> -> memref<64x128xi32, #tpu.memory_space<hbm>>
      %dma_start3A_97 = arith.constant 0 : i32
      %dma_start3A_98 = arith.constant 0 : i32
      %dma_start3A_99 = tpu.memref_slice %arg10[%dma_start3A_97, %dma_start3A_98] : memref<128x128xi32, #tpu.memory_space<vmem>> -> memref<64x128xi32, #tpu.memory_space<vmem>>
      tpu.enqueue_dma source(%dma_start3A_99 : memref<64x128xi32, #tpu.memory_space<vmem>>) target(%dma_start3A_96 : memref<64x128xi32, #tpu.memory_space<hbm>>) target_semaphore(%run_scoped3A : memref<!tpu.dma_semaphore, #tpu.memory_space<semaphore_mem>>)
      %dma_wait3A_100 = arith.constant 0 : i32
      %dma_wait3A_101 = arith.constant 0 : i32
      %dma_wait3A_102 = tpu.memref_slice %arg10[%dma_wait3A_100, %dma_wait3A_101] : memref<128x128xi32, #tpu.memory_space<vmem>> -> memref<64x128xi32, #tpu.memory_space<vmem>>
      %dma_wait3A_103 = arith.constant 0 : i32
      %dma_wait3A_104 = tpu.memref_slice %arg6[%add3A_29, %dma_wait3A_103] : memref<51200x128xi32, #tpu.memory_space<hbm>> -> memref<64x128xi32, #tpu.memory_space<hbm>>
      %dma_wait3A_105 = arith.constant 0 : i32
      %dma_wait3A_106 = tpu.memref_slice %arg6[%add3A_29, %dma_wait3A_105] : memref<51200x128xi32, #tpu.memory_space<hbm>> -> memref<64x128xi32, #tpu.memory_space<hbm>>
      %dma_wait3A_107 = arith.constant 0 : i32
      %dma_wait3A_108 = arith.constant 0 : i32
      %dma_wait3A_109 = tpu.memref_slice %arg10[%dma_wait3A_107, %dma_wait3A_108] : memref<128x128xi32, #tpu.memory_space<vmem>> -> memref<64x128xi32, #tpu.memory_space<vmem>>
      tpu.wait_dma2 semaphore(%run_scoped3A : memref<!tpu.dma_semaphore, #tpu.memory_space<semaphore_mem>>) src(%dma_wait3A_109 : memref<64x128xi32, #tpu.memory_space<vmem>>) dst(%dma_wait3A_106 : memref<64x128xi32, #tpu.memory_space<hbm>>)
      tpu.yield
    }) : () -> ()
    %dma_start3A_30 = arith.constant 0 : i32
    %dma_start3A_31 = tpu.memref_slice %arg9[%dma_start3A_30] : memref<1600xi32, #tpu.memory_space<vmem>> -> memref<128xi32, #tpu.memory_space<vmem>>
    %dma_start3A_32 = arith.constant 0 : i32
    %dma_start3A_33 = arith.constant 0 : i32
    %dma_start3A_34 = tpu.memref_slice %arg3[%dma_start3A_32, %dma_start3A_33] : memref<10000x128xi32, #tpu.memory_space<hbm>> -> memref<10000x128xi32, #tpu.memory_space<hbm>>
    tpu.enqueue_indirect_dma source(%dma_start3A_34 : memref<10000x128xi32, #tpu.memory_space<hbm>>) target(%arg10 : memref<128x128xi32, #tpu.memory_space<vmem>>) offsets(%dma_start3A_31 : memref<128xi32, #tpu.memory_space<vmem>>) semaphore(%arg12 : memref<!tpu.dma_semaphore, #tpu.memory_space<semaphore_mem>>)
    %scan3A_35 = arith.constant 0 : i32
    %scan3A_36 = arith.constant 0 : i32
    %scan3A_37 = arith.constant 6 : i32
    %scan3A_38 = arith.addi %scan3A_36, %scan3A_37 : i32
    %scan3A_39 = arith.constant 1 : i32
    %scan3A_40 = scf.for %scan3A_90 = %scan3A_36 to %scan3A_38 step %scan3A_39 iter_args(%scan3A_91 = %scan3A_35) -> (i32)  : i32 {
      %mul3A_92 = arith.constant 2 : i32
      %mul3A_93 = arith.muli %scan3A_90, %mul3A_92 : i32
      %add3A_94 = arith.constant 1 : i32
      %add3A_95 = arith.addi %mul3A_93, %add3A_94 : i32
      %mul3A_96 = arith.constant 128 : i32
      %mul3A_97 = arith.muli %add3A_95, %mul3A_96 : i32
      %dma_start3A_98 = tpu.memref_slice %arg9[%mul3A_97] : memref<1600xi32, #tpu.memory_space<vmem>> -> memref<128xi32, #tpu.memory_space<vmem>>
      %dma_start3A_99 = arith.constant 0 : i32
      %dma_start3A_100 = arith.constant 0 : i32
      %dma_start3A_101 = tpu.memref_slice %arg3[%dma_start3A_99, %dma_start3A_100] : memref<10000x128xi32, #tpu.memory_space<hbm>> -> memref<10000x128xi32, #tpu.memory_space<hbm>>
      tpu.enqueue_indirect_dma source(%dma_start3A_101 : memref<10000x128xi32, #tpu.memory_space<hbm>>) target(%arg11 : memref<128x128xi32, #tpu.memory_space<vmem>>) offsets(%dma_start3A_98 : memref<128xi32, #tpu.memory_space<vmem>>) semaphore(%arg13 : memref<!tpu.dma_semaphore, #tpu.memory_space<semaphore_mem>>)
      %mul3A_102 = arith.constant 128 : i32
      %mul3A_103 = arith.muli %mul3A_93, %mul3A_102 : i32
      %dma_wait3A_104 = tpu.memref_slice %arg9[%mul3A_103] : memref<1600xi32, #tpu.memory_space<vmem>> -> memref<128xi32, #tpu.memory_space<vmem>>
      %dma_wait3A_105 = arith.constant 0 : i32
      %dma_wait3A_106 = arith.constant 0 : i32
      %dma_wait3A_107 = tpu.memref_slice %arg3[%dma_wait3A_105, %dma_wait3A_106] : memref<10000x128xi32, #tpu.memory_space<hbm>> -> memref<10000x128xi32, #tpu.memory_space<hbm>>
      tpu.wait_indirect_dma semaphore(%arg12 : memref<!tpu.dma_semaphore, #tpu.memory_space<semaphore_mem>>) src(%dma_wait3A_107 : memref<10000x128xi32, #tpu.memory_space<hbm>>) dst(%arg10 : memref<128x128xi32, #tpu.memory_space<vmem>>)
      %mul3A_108 = arith.constant 128 : i32
      %mul3A_109 = arith.muli %mul3A_93, %mul3A_108 : i32
      %add3A_110 = arith.addi %mul3A_2, %mul3A_109 : i32
      "tpu.region"() ({
        %run_scoped3A = tpu.sem_alloc : memref<!tpu.dma_semaphore, #tpu.memory_space<semaphore_mem>>
        %dma_start3A_123 = arith.constant 0 : i32
        %dma_start3A_124 = tpu.memref_slice %arg7[%add3A_110, %dma_start3A_123] : memref<51200x128xi32, #tpu.memory_space<hbm>> -> memref<128x128xi32, #tpu.memory_space<hbm>>
        %dma_start3A_125 = arith.constant 0 : i32
        %dma_start3A_126 = tpu.memref_slice %arg7[%add3A_110, %dma_start3A_125] : memref<51200x128xi32, #tpu.memory_space<hbm>> -> memref<128x128xi32, #tpu.memory_space<hbm>>
        tpu.enqueue_dma source(%arg10 : memref<128x128xi32, #tpu.memory_space<vmem>>) target(%dma_start3A_126 : memref<128x128xi32, #tpu.memory_space<hbm>>) target_semaphore(%run_scoped3A : memref<!tpu.dma_semaphore, #tpu.memory_space<semaphore_mem>>)
        %dma_wait3A_127 = arith.constant 0 : i32
        %dma_wait3A_128 = tpu.memref_slice %arg7[%add3A_110, %dma_wait3A_127] : memref<51200x128xi32, #tpu.memory_space<hbm>> -> memref<128x128xi32, #tpu.memory_space<hbm>>
        %dma_wait3A_129 = arith.constant 0 : i32
        %dma_wait3A_130 = tpu.memref_slice %arg7[%add3A_110, %dma_wait3A_129] : memref<51200x128xi32, #tpu.memory_space<hbm>> -> memref<128x128xi32, #tpu.memory_space<hbm>>
        tpu.wait_dma2 semaphore(%run_scoped3A : memref<!tpu.dma_semaphore, #tpu.memory_space<semaphore_mem>>) src(%arg10 : memref<128x128xi32, #tpu.memory_space<vmem>>) dst(%dma_wait3A_130 : memref<128x128xi32, #tpu.memory_space<hbm>>)
        tpu.yield
      }) : () -> ()
      %lt3A = arith.constant 5 : i32
      %lt3A_111 = arith.cmpi slt, %scan3A_90, %lt3A : i32
      %convert_element_type3A = arith.extui %lt3A_111 : i1 to i32
      %cond3A = arith.constant 0 : i32
      %cond3A_112 = arith.cmpi ne, %convert_element_type3A, %cond3A : i32
      scf.if %cond3A_112 {
        %add3A_123 = arith.constant 2 : i32
        %add3A_124 = arith.addi %mul3A_93, %add3A_123 : i32
        %mul3A_125 = arith.constant 128 : i32
        %mul3A_126 = arith.muli %add3A_124, %mul3A_125 : i32
        %dma_start3A_127 = tpu.memref_slice %arg9[%mul3A_126] : memref<1600xi32, #tpu.memory_space<vmem>> -> memref<128xi32, #tpu.memory_space<vmem>>
        %dma_start3A_128 = arith.constant 0 : i32
        %dma_start3A_129 = arith.constant 0 : i32
        %dma_start3A_130 = tpu.memref_slice %arg3[%dma_start3A_128, %dma_start3A_129] : memref<10000x128xi32, #tpu.memory_space<hbm>> -> memref<10000x128xi32, #tpu.memory_space<hbm>>
        tpu.enqueue_indirect_dma source(%dma_start3A_130 : memref<10000x128xi32, #tpu.memory_space<hbm>>) target(%arg10 : memref<128x128xi32, #tpu.memory_space<vmem>>) offsets(%dma_start3A_127 : memref<128xi32, #tpu.memory_space<vmem>>) semaphore(%arg12 : memref<!tpu.dma_semaphore, #tpu.memory_space<semaphore_mem>>)
      } else {
      }
      %mul3A_113 = arith.constant 128 : i32
      %mul3A_114 = arith.muli %add3A_95, %mul3A_113 : i32
      %dma_wait3A_115 = tpu.memref_slice %arg9[%mul3A_114] : memref<1600xi32, #tpu.memory_space<vmem>> -> memref<128xi32, #tpu.memory_space<vmem>>
      %dma_wait3A_116 = arith.constant 0 : i32
      %dma_wait3A_117 = arith.constant 0 : i32
      %dma_wait3A_118 = tpu.memref_slice %arg3[%dma_wait3A_116, %dma_wait3A_117] : memref<10000x128xi32, #tpu.memory_space<hbm>> -> memref<10000x128xi32, #tpu.memory_space<hbm>>
      tpu.wait_indirect_dma semaphore(%arg13 : memref<!tpu.dma_semaphore, #tpu.memory_space<semaphore_mem>>) src(%dma_wait3A_118 : memref<10000x128xi32, #tpu.memory_space<hbm>>) dst(%arg11 : memref<128x128xi32, #tpu.memory_space<vmem>>)
      %mul3A_119 = arith.constant 128 : i32
      %mul3A_120 = arith.muli %add3A_95, %mul3A_119 : i32
      %add3A_121 = arith.addi %mul3A_2, %mul3A_120 : i32
      "tpu.region"() ({
        %run_scoped3A = tpu.sem_alloc : memref<!tpu.dma_semaphore, #tpu.memory_space<semaphore_mem>>
        %dma_start3A_123 = arith.constant 0 : i32
        %dma_start3A_124 = tpu.memref_slice %arg7[%add3A_121, %dma_start3A_123] : memref<51200x128xi32, #tpu.memory_space<hbm>> -> memref<128x128xi32, #tpu.memory_space<hbm>>
        %dma_start3A_125 = arith.constant 0 : i32
        %dma_start3A_126 = tpu.memref_slice %arg7[%add3A_121, %dma_start3A_125] : memref<51200x128xi32, #tpu.memory_space<hbm>> -> memref<128x128xi32, #tpu.memory_space<hbm>>
        tpu.enqueue_dma source(%arg11 : memref<128x128xi32, #tpu.memory_space<vmem>>) target(%dma_start3A_126 : memref<128x128xi32, #tpu.memory_space<hbm>>) target_semaphore(%run_scoped3A : memref<!tpu.dma_semaphore, #tpu.memory_space<semaphore_mem>>)
        %dma_wait3A_127 = arith.constant 0 : i32
        %dma_wait3A_128 = tpu.memref_slice %arg7[%add3A_121, %dma_wait3A_127] : memref<51200x128xi32, #tpu.memory_space<hbm>> -> memref<128x128xi32, #tpu.memory_space<hbm>>
        %dma_wait3A_129 = arith.constant 0 : i32
        %dma_wait3A_130 = tpu.memref_slice %arg7[%add3A_121, %dma_wait3A_129] : memref<51200x128xi32, #tpu.memory_space<hbm>> -> memref<128x128xi32, #tpu.memory_space<hbm>>
        tpu.wait_dma2 semaphore(%run_scoped3A : memref<!tpu.dma_semaphore, #tpu.memory_space<semaphore_mem>>) src(%arg11 : memref<128x128xi32, #tpu.memory_space<vmem>>) dst(%dma_wait3A_130 : memref<128x128xi32, #tpu.memory_space<hbm>>)
        tpu.yield
      }) : () -> ()
      %scan3A_122 = arith.constant 0 : i32
      scf.yield %scan3A_122 : i32
    }
    %scan3A_41 = arith.constant 6 : i32
    %dma_start3A_42 = arith.constant 0 : i32
    %dma_start3A_43 = arith.constant 0 : i32
    %dma_start3A_44 = tpu.memref_slice %arg10[%dma_start3A_42, %dma_start3A_43] : memref<128x128xi32, #tpu.memory_space<vmem>> -> memref<64x128xi32, #tpu.memory_space<vmem>>
    %dma_start3A_45 = arith.constant 1536 : i32
    %dma_start3A_46 = tpu.memref_slice %arg9[%dma_start3A_45] : memref<1600xi32, #tpu.memory_space<vmem>> -> memref<64xi32, #tpu.memory_space<vmem>>
    %dma_start3A_47 = arith.constant 0 : i32
    %dma_start3A_48 = arith.constant 0 : i32
    %dma_start3A_49 = tpu.memref_slice %arg3[%dma_start3A_47, %dma_start3A_48] : memref<10000x128xi32, #tpu.memory_space<hbm>> -> memref<10000x128xi32, #tpu.memory_space<hbm>>
    tpu.enqueue_indirect_dma source(%dma_start3A_49 : memref<10000x128xi32, #tpu.memory_space<hbm>>) target(%dma_start3A_44 : memref<64x128xi32, #tpu.memory_space<vmem>>) offsets(%dma_start3A_46 : memref<64xi32, #tpu.memory_space<vmem>>) semaphore(%arg12 : memref<!tpu.dma_semaphore, #tpu.memory_space<semaphore_mem>>)
    %dma_wait3A_50 = arith.constant 0 : i32
    %dma_wait3A_51 = arith.constant 0 : i32
    %dma_wait3A_52 = tpu.memref_slice %arg10[%dma_wait3A_50, %dma_wait3A_51] : memref<128x128xi32, #tpu.memory_space<vmem>> -> memref<64x128xi32, #tpu.memory_space<vmem>>
    %dma_wait3A_53 = arith.constant 1536 : i32
    %dma_wait3A_54 = tpu.memref_slice %arg9[%dma_wait3A_53] : memref<1600xi32, #tpu.memory_space<vmem>> -> memref<64xi32, #tpu.memory_space<vmem>>
    %dma_wait3A_55 = arith.constant 0 : i32
    %dma_wait3A_56 = arith.constant 0 : i32
    %dma_wait3A_57 = tpu.memref_slice %arg3[%dma_wait3A_55, %dma_wait3A_56] : memref<10000x128xi32, #tpu.memory_space<hbm>> -> memref<10000x128xi32, #tpu.memory_space<hbm>>
    tpu.wait_indirect_dma semaphore(%arg12 : memref<!tpu.dma_semaphore, #tpu.memory_space<semaphore_mem>>) src(%dma_wait3A_57 : memref<10000x128xi32, #tpu.memory_space<hbm>>) dst(%dma_wait3A_52 : memref<64x128xi32, #tpu.memory_space<vmem>>)
    %add3A_58 = arith.constant 1536 : i32
    %add3A_59 = arith.addi %mul3A_2, %add3A_58 : i32
    "tpu.region"() ({
      %run_scoped3A = tpu.sem_alloc : memref<!tpu.dma_semaphore, #tpu.memory_space<semaphore_mem>>
      %dma_start3A_90 = arith.constant 0 : i32
      %dma_start3A_91 = arith.constant 0 : i32
      %dma_start3A_92 = tpu.memref_slice %arg10[%dma_start3A_90, %dma_start3A_91] : memref<128x128xi32, #tpu.memory_space<vmem>> -> memref<64x128xi32, #tpu.memory_space<vmem>>
      %dma_start3A_93 = arith.constant 0 : i32
      %dma_start3A_94 = tpu.memref_slice %arg7[%add3A_59, %dma_start3A_93] : memref<51200x128xi32, #tpu.memory_space<hbm>> -> memref<64x128xi32, #tpu.memory_space<hbm>>
      %dma_start3A_95 = arith.constant 0 : i32
      %dma_start3A_96 = tpu.memref_slice %arg7[%add3A_59, %dma_start3A_95] : memref<51200x128xi32, #tpu.memory_space<hbm>> -> memref<64x128xi32, #tpu.memory_space<hbm>>
      %dma_start3A_97 = arith.constant 0 : i32
      %dma_start3A_98 = arith.constant 0 : i32
      %dma_start3A_99 = tpu.memref_slice %arg10[%dma_start3A_97, %dma_start3A_98] : memref<128x128xi32, #tpu.memory_space<vmem>> -> memref<64x128xi32, #tpu.memory_space<vmem>>
      tpu.enqueue_dma source(%dma_start3A_99 : memref<64x128xi32, #tpu.memory_space<vmem>>) target(%dma_start3A_96 : memref<64x128xi32, #tpu.memory_space<hbm>>) target_semaphore(%run_scoped3A : memref<!tpu.dma_semaphore, #tpu.memory_space<semaphore_mem>>)
      %dma_wait3A_100 = arith.constant 0 : i32
      %dma_wait3A_101 = arith.constant 0 : i32
      %dma_wait3A_102 = tpu.memref_slice %arg10[%dma_wait3A_100, %dma_wait3A_101] : memref<128x128xi32, #tpu.memory_space<vmem>> -> memref<64x128xi32, #tpu.memory_space<vmem>>
      %dma_wait3A_103 = arith.constant 0 : i32
      %dma_wait3A_104 = tpu.memref_slice %arg7[%add3A_59, %dma_wait3A_103] : memref<51200x128xi32, #tpu.memory_space<hbm>> -> memref<64x128xi32, #tpu.memory_space<hbm>>
      %dma_wait3A_105 = arith.constant 0 : i32
      %dma_wait3A_106 = tpu.memref_slice %arg7[%add3A_59, %dma_wait3A_105] : memref<51200x128xi32, #tpu.memory_space<hbm>> -> memref<64x128xi32, #tpu.memory_space<hbm>>
      %dma_wait3A_107 = arith.constant 0 : i32
      %dma_wait3A_108 = arith.constant 0 : i32
      %dma_wait3A_109 = tpu.memref_slice %arg10[%dma_wait3A_107, %dma_wait3A_108] : memref<128x128xi32, #tpu.memory_space<vmem>> -> memref<64x128xi32, #tpu.memory_space<vmem>>
      tpu.wait_dma2 semaphore(%run_scoped3A : memref<!tpu.dma_semaphore, #tpu.memory_space<semaphore_mem>>) src(%dma_wait3A_109 : memref<64x128xi32, #tpu.memory_space<vmem>>) dst(%dma_wait3A_106 : memref<64x128xi32, #tpu.memory_space<hbm>>)
      tpu.yield
    }) : () -> ()
    %dma_start3A_60 = arith.constant 0 : i32
    %dma_start3A_61 = tpu.memref_slice %arg9[%dma_start3A_60] : memref<1600xi32, #tpu.memory_space<vmem>> -> memref<128xi32, #tpu.memory_space<vmem>>
    %dma_start3A_62 = arith.constant 0 : i32
    %dma_start3A_63 = arith.constant 0 : i32
    %dma_start3A_64 = tpu.memref_slice %arg4[%dma_start3A_62, %dma_start3A_63] : memref<10000x128xi32, #tpu.memory_space<hbm>> -> memref<10000x128xi32, #tpu.memory_space<hbm>>
    tpu.enqueue_indirect_dma source(%dma_start3A_64 : memref<10000x128xi32, #tpu.memory_space<hbm>>) target(%arg10 : memref<128x128xi32, #tpu.memory_space<vmem>>) offsets(%dma_start3A_61 : memref<128xi32, #tpu.memory_space<vmem>>) semaphore(%arg12 : memref<!tpu.dma_semaphore, #tpu.memory_space<semaphore_mem>>)
    %scan3A_65 = arith.constant 0 : i32
    %scan3A_66 = arith.constant 0 : i32
    %scan3A_67 = arith.constant 6 : i32
    %scan3A_68 = arith.addi %scan3A_66, %scan3A_67 : i32
    %scan3A_69 = arith.constant 1 : i32
    %scan3A_70 = scf.for %scan3A_90 = %scan3A_66 to %scan3A_68 step %scan3A_69 iter_args(%scan3A_91 = %scan3A_65) -> (i32)  : i32 {
      %mul3A_92 = arith.constant 2 : i32
      %mul3A_93 = arith.muli %scan3A_90, %mul3A_92 : i32
      %add3A_94 = arith.constant 1 : i32
      %add3A_95 = arith.addi %mul3A_93, %add3A_94 : i32
      %mul3A_96 = arith.constant 128 : i32
      %mul3A_97 = arith.muli %add3A_95, %mul3A_96 : i32
      %dma_start3A_98 = tpu.memref_slice %arg9[%mul3A_97] : memref<1600xi32, #tpu.memory_space<vmem>> -> memref<128xi32, #tpu.memory_space<vmem>>
      %dma_start3A_99 = arith.constant 0 : i32
      %dma_start3A_100 = arith.constant 0 : i32
      %dma_start3A_101 = tpu.memref_slice %arg4[%dma_start3A_99, %dma_start3A_100] : memref<10000x128xi32, #tpu.memory_space<hbm>> -> memref<10000x128xi32, #tpu.memory_space<hbm>>
      tpu.enqueue_indirect_dma source(%dma_start3A_101 : memref<10000x128xi32, #tpu.memory_space<hbm>>) target(%arg11 : memref<128x128xi32, #tpu.memory_space<vmem>>) offsets(%dma_start3A_98 : memref<128xi32, #tpu.memory_space<vmem>>) semaphore(%arg13 : memref<!tpu.dma_semaphore, #tpu.memory_space<semaphore_mem>>)
      %mul3A_102 = arith.constant 128 : i32
      %mul3A_103 = arith.muli %mul3A_93, %mul3A_102 : i32
      %dma_wait3A_104 = tpu.memref_slice %arg9[%mul3A_103] : memref<1600xi32, #tpu.memory_space<vmem>> -> memref<128xi32, #tpu.memory_space<vmem>>
      %dma_wait3A_105 = arith.constant 0 : i32
      %dma_wait3A_106 = arith.constant 0 : i32
      %dma_wait3A_107 = tpu.memref_slice %arg4[%dma_wait3A_105, %dma_wait3A_106] : memref<10000x128xi32, #tpu.memory_space<hbm>> -> memref<10000x128xi32, #tpu.memory_space<hbm>>
      tpu.wait_indirect_dma semaphore(%arg12 : memref<!tpu.dma_semaphore, #tpu.memory_space<semaphore_mem>>) src(%dma_wait3A_107 : memref<10000x128xi32, #tpu.memory_space<hbm>>) dst(%arg10 : memref<128x128xi32, #tpu.memory_space<vmem>>)
      %mul3A_108 = arith.constant 128 : i32
      %mul3A_109 = arith.muli %mul3A_93, %mul3A_108 : i32
      %add3A_110 = arith.addi %mul3A_2, %mul3A_109 : i32
      "tpu.region"() ({
        %run_scoped3A = tpu.sem_alloc : memref<!tpu.dma_semaphore, #tpu.memory_space<semaphore_mem>>
        %dma_start3A_123 = arith.constant 0 : i32
        %dma_start3A_124 = tpu.memref_slice %arg8[%add3A_110, %dma_start3A_123] : memref<51200x128xi32, #tpu.memory_space<hbm>> -> memref<128x128xi32, #tpu.memory_space<hbm>>
        %dma_start3A_125 = arith.constant 0 : i32
        %dma_start3A_126 = tpu.memref_slice %arg8[%add3A_110, %dma_start3A_125] : memref<51200x128xi32, #tpu.memory_space<hbm>> -> memref<128x128xi32, #tpu.memory_space<hbm>>
        tpu.enqueue_dma source(%arg10 : memref<128x128xi32, #tpu.memory_space<vmem>>) target(%dma_start3A_126 : memref<128x128xi32, #tpu.memory_space<hbm>>) target_semaphore(%run_scoped3A : memref<!tpu.dma_semaphore, #tpu.memory_space<semaphore_mem>>)
        %dma_wait3A_127 = arith.constant 0 : i32
        %dma_wait3A_128 = tpu.memref_slice %arg8[%add3A_110, %dma_wait3A_127] : memref<51200x128xi32, #tpu.memory_space<hbm>> -> memref<128x128xi32, #tpu.memory_space<hbm>>
        %dma_wait3A_129 = arith.constant 0 : i32
        %dma_wait3A_130 = tpu.memref_slice %arg8[%add3A_110, %dma_wait3A_129] : memref<51200x128xi32, #tpu.memory_space<hbm>> -> memref<128x128xi32, #tpu.memory_space<hbm>>
        tpu.wait_dma2 semaphore(%run_scoped3A : memref<!tpu.dma_semaphore, #tpu.memory_space<semaphore_mem>>) src(%arg10 : memref<128x128xi32, #tpu.memory_space<vmem>>) dst(%dma_wait3A_130 : memref<128x128xi32, #tpu.memory_space<hbm>>)
        tpu.yield
      }) : () -> ()
      %lt3A = arith.constant 5 : i32
      %lt3A_111 = arith.cmpi slt, %scan3A_90, %lt3A : i32
      %convert_element_type3A = arith.extui %lt3A_111 : i1 to i32
      %cond3A = arith.constant 0 : i32
      %cond3A_112 = arith.cmpi ne, %convert_element_type3A, %cond3A : i32
      scf.if %cond3A_112 {
        %add3A_123 = arith.constant 2 : i32
        %add3A_124 = arith.addi %mul3A_93, %add3A_123 : i32
        %mul3A_125 = arith.constant 128 : i32
        %mul3A_126 = arith.muli %add3A_124, %mul3A_125 : i32
        %dma_start3A_127 = tpu.memref_slice %arg9[%mul3A_126] : memref<1600xi32, #tpu.memory_space<vmem>> -> memref<128xi32, #tpu.memory_space<vmem>>
        %dma_start3A_128 = arith.constant 0 : i32
        %dma_start3A_129 = arith.constant 0 : i32
        %dma_start3A_130 = tpu.memref_slice %arg4[%dma_start3A_128, %dma_start3A_129] : memref<10000x128xi32, #tpu.memory_space<hbm>> -> memref<10000x128xi32, #tpu.memory_space<hbm>>
        tpu.enqueue_indirect_dma source(%dma_start3A_130 : memref<10000x128xi32, #tpu.memory_space<hbm>>) target(%arg10 : memref<128x128xi32, #tpu.memory_space<vmem>>) offsets(%dma_start3A_127 : memref<128xi32, #tpu.memory_space<vmem>>) semaphore(%arg12 : memref<!tpu.dma_semaphore, #tpu.memory_space<semaphore_mem>>)
      } else {
      }
      %mul3A_113 = arith.constant 128 : i32
      %mul3A_114 = arith.muli %add3A_95, %mul3A_113 : i32
      %dma_wait3A_115 = tpu.memref_slice %arg9[%mul3A_114] : memref<1600xi32, #tpu.memory_space<vmem>> -> memref<128xi32, #tpu.memory_space<vmem>>
      %dma_wait3A_116 = arith.constant 0 : i32
      %dma_wait3A_117 = arith.constant 0 : i32
      %dma_wait3A_118 = tpu.memref_slice %arg4[%dma_wait3A_116, %dma_wait3A_117] : memref<10000x128xi32, #tpu.memory_space<hbm>> -> memref<10000x128xi32, #tpu.memory_space<hbm>>
      tpu.wait_indirect_dma semaphore(%arg13 : memref<!tpu.dma_semaphore, #tpu.memory_space<semaphore_mem>>) src(%dma_wait3A_118 : memref<10000x128xi32, #tpu.memory_space<hbm>>) dst(%arg11 : memref<128x128xi32, #tpu.memory_space<vmem>>)
      %mul3A_119 = arith.constant 128 : i32
      %mul3A_120 = arith.muli %add3A_95, %mul3A_119 : i32
      %add3A_121 = arith.addi %mul3A_2, %mul3A_120 : i32
      "tpu.region"() ({
        %run_scoped3A = tpu.sem_alloc : memref<!tpu.dma_semaphore, #tpu.memory_space<semaphore_mem>>
        %dma_start3A_123 = arith.constant 0 : i32
        %dma_start3A_124 = tpu.memref_slice %arg8[%add3A_121, %dma_start3A_123] : memref<51200x128xi32, #tpu.memory_space<hbm>> -> memref<128x128xi32, #tpu.memory_space<hbm>>
        %dma_start3A_125 = arith.constant 0 : i32
        %dma_start3A_126 = tpu.memref_slice %arg8[%add3A_121, %dma_start3A_125] : memref<51200x128xi32, #tpu.memory_space<hbm>> -> memref<128x128xi32, #tpu.memory_space<hbm>>
        tpu.enqueue_dma source(%arg11 : memref<128x128xi32, #tpu.memory_space<vmem>>) target(%dma_start3A_126 : memref<128x128xi32, #tpu.memory_space<hbm>>) target_semaphore(%run_scoped3A : memref<!tpu.dma_semaphore, #tpu.memory_space<semaphore_mem>>)
        %dma_wait3A_127 = arith.constant 0 : i32
        %dma_wait3A_128 = tpu.memref_slice %arg8[%add3A_121, %dma_wait3A_127] : memref<51200x128xi32, #tpu.memory_space<hbm>> -> memref<128x128xi32, #tpu.memory_space<hbm>>
        %dma_wait3A_129 = arith.constant 0 : i32
        %dma_wait3A_130 = tpu.memref_slice %arg8[%add3A_121, %dma_wait3A_129] : memref<51200x128xi32, #tpu.memory_space<hbm>> -> memref<128x128xi32, #tpu.memory_space<hbm>>
        tpu.wait_dma2 semaphore(%run_scoped3A : memref<!tpu.dma_semaphore, #tpu.memory_space<semaphore_mem>>) src(%arg11 : memref<128x128xi32, #tpu.memory_space<vmem>>) dst(%dma_wait3A_130 : memref<128x128xi32, #tpu.memory_space<hbm>>)
        tpu.yield
      }) : () -> ()
      %scan3A_122 = arith.constant 0 : i32
      scf.yield %scan3A_122 : i32
    }
    %scan3A_71 = arith.constant 6 : i32
    %dma_start3A_72 = arith.constant 0 : i32
    %dma_start3A_73 = arith.constant 0 : i32
    %dma_start3A_74 = tpu.memref_slice %arg10[%dma_start3A_72, %dma_start3A_73] : memref<128x128xi32, #tpu.memory_space<vmem>> -> memref<64x128xi32, #tpu.memory_space<vmem>>
    %dma_start3A_75 = arith.constant 1536 : i32
    %dma_start3A_76 = tpu.memref_slice %arg9[%dma_start3A_75] : memref<1600xi32, #tpu.memory_space<vmem>> -> memref<64xi32, #tpu.memory_space<vmem>>
    %dma_start3A_77 = arith.constant 0 : i32
    %dma_start3A_78 = arith.constant 0 : i32
    %dma_start3A_79 = tpu.memref_slice %arg4[%dma_start3A_77, %dma_start3A_78] : memref<10000x128xi32, #tpu.memory_space<hbm>> -> memref<10000x128xi32, #tpu.memory_space<hbm>>
    tpu.enqueue_indirect_dma source(%dma_start3A_79 : memref<10000x128xi32, #tpu.memory_space<hbm>>) target(%dma_start3A_74 : memref<64x128xi32, #tpu.memory_space<vmem>>) offsets(%dma_start3A_76 : memref<64xi32, #tpu.memory_space<vmem>>) semaphore(%arg12 : memref<!tpu.dma_semaphore, #tpu.memory_space<semaphore_mem>>)
    %dma_wait3A_80 = arith.constant 0 : i32
    %dma_wait3A_81 = arith.constant 0 : i32
    %dma_wait3A_82 = tpu.memref_slice %arg10[%dma_wait3A_80, %dma_wait3A_81] : memref<128x128xi32, #tpu.memory_space<vmem>> -> memref<64x128xi32, #tpu.memory_space<vmem>>
    %dma_wait3A_83 = arith.constant 1536 : i32
    %dma_wait3A_84 = tpu.memref_slice %arg9[%dma_wait3A_83] : memref<1600xi32, #tpu.memory_space<vmem>> -> memref<64xi32, #tpu.memory_space<vmem>>
    %dma_wait3A_85 = arith.constant 0 : i32
    %dma_wait3A_86 = arith.constant 0 : i32
    %dma_wait3A_87 = tpu.memref_slice %arg4[%dma_wait3A_85, %dma_wait3A_86] : memref<10000x128xi32, #tpu.memory_space<hbm>> -> memref<10000x128xi32, #tpu.memory_space<hbm>>
    tpu.wait_indirect_dma semaphore(%arg12 : memref<!tpu.dma_semaphore, #tpu.memory_space<semaphore_mem>>) src(%dma_wait3A_87 : memref<10000x128xi32, #tpu.memory_space<hbm>>) dst(%dma_wait3A_82 : memref<64x128xi32, #tpu.memory_space<vmem>>)
    %add3A_88 = arith.constant 1536 : i32
    %add3A_89 = arith.addi %mul3A_2, %add3A_88 : i32
    "tpu.region"() ({
      %run_scoped3A = tpu.sem_alloc : memref<!tpu.dma_semaphore, #tpu.memory_space<semaphore_mem>>
      %dma_start3A_90 = arith.constant 0 : i32
      %dma_start3A_91 = arith.constant 0 : i32
      %dma_start3A_92 = tpu.memref_slice %arg10[%dma_start3A_90, %dma_start3A_91] : memref<128x128xi32, #tpu.memory_space<vmem>> -> memref<64x128xi32, #tpu.memory_space<vmem>>
      %dma_start3A_93 = arith.constant 0 : i32
      %dma_start3A_94 = tpu.memref_slice %arg8[%add3A_89, %dma_start3A_93] : memref<51200x128xi32, #tpu.memory_space<hbm>> -> memref<64x128xi32, #tpu.memory_space<hbm>>
      %dma_start3A_95 = arith.constant 0 : i32
      %dma_start3A_96 = tpu.memref_slice %arg8[%add3A_89, %dma_start3A_95] : memref<51200x128xi32, #tpu.memory_space<hbm>> -> memref<64x128xi32, #tpu.memory_space<hbm>>
      %dma_start3A_97 = arith.constant 0 : i32
      %dma_start3A_98 = arith.constant 0 : i32
      %dma_start3A_99 = tpu.memref_slice %arg10[%dma_start3A_97, %dma_start3A_98] : memref<128x128xi32, #tpu.memory_space<vmem>> -> memref<64x128xi32, #tpu.memory_space<vmem>>
      tpu.enqueue_dma source(%dma_start3A_99 : memref<64x128xi32, #tpu.memory_space<vmem>>) target(%dma_start3A_96 : memref<64x128xi32, #tpu.memory_space<hbm>>) target_semaphore(%run_scoped3A : memref<!tpu.dma_semaphore, #tpu.memory_space<semaphore_mem>>)
      %dma_wait3A_100 = arith.constant 0 : i32
      %dma_wait3A_101 = arith.constant 0 : i32
      %dma_wait3A_102 = tpu.memref_slice %arg10[%dma_wait3A_100, %dma_wait3A_101] : memref<128x128xi32, #tpu.memory_space<vmem>> -> memref<64x128xi32, #tpu.memory_space<vmem>>
      %dma_wait3A_103 = arith.constant 0 : i32
      %dma_wait3A_104 = tpu.memref_slice %arg8[%add3A_89, %dma_wait3A_103] : memref<51200x128xi32, #tpu.memory_space<hbm>> -> memref<64x128xi32, #tpu.memory_space<hbm>>
      %dma_wait3A_105 = arith.constant 0 : i32
      %dma_wait3A_106 = tpu.memref_slice %arg8[%add3A_89, %dma_wait3A_105] : memref<51200x128xi32, #tpu.memory_space<hbm>> -> memref<64x128xi32, #tpu.memory_space<hbm>>
      %dma_wait3A_107 = arith.constant 0 : i32
      %dma_wait3A_108 = arith.constant 0 : i32
      %dma_wait3A_109 = tpu.memref_slice %arg10[%dma_wait3A_107, %dma_wait3A_108] : memref<128x128xi32, #tpu.memory_space<vmem>> -> memref<64x128xi32, #tpu.memory_space<vmem>>
      tpu.wait_dma2 semaphore(%run_scoped3A : memref<!tpu.dma_semaphore, #tpu.memory_space<semaphore_mem>>) src(%dma_wait3A_109 : memref<64x128xi32, #tpu.memory_space<vmem>>) dst(%dma_wait3A_106 : memref<64x128xi32, #tpu.memory_space<hbm>>)
      tpu.yield
    }) : () -> ()
    return
  }
}

module attributes {stable_mosaic.version = 14 : i64} {
  func.func @_mm_body(%arg0: i32, %arg1: memref<2x400x128xf32, #tpu.memory_space<vmem>>, %arg2: memref<256x256xbf16, #tpu.memory_space<vmem>>, %arg3: memref<400x256xf32, #tpu.memory_space<vmem>>) attributes {dimension_semantics = [#tpu.dimension_semantics<arbitrary>], iteration_bounds = array<i64: 25>, scalar_prefetch = 0 : i64, scratch_operands = 0 : i64, tpu.core_type = #tpu.core_type<tc>, window_params = [{transform_indices = @transform_0, window_bounds = array<i64: 2, 400, 128>}, {pipeline_mode = #tpu.pipeline_mode<synchronous>, transform_indices = @transform_1, window_bounds = array<i64: 256, 256>}, {transform_indices = @transform_2, window_bounds = array<i64: 400, 256>}]} {
    %get3A = arith.constant 0 : index
    %get3A_0 = arith.constant 0 : index
    %get3A_1 = arith.constant 0 : index
    %get3A_2 = vector.load %arg1[%get3A, %get3A_0, %get3A_1] : memref<2x400x128xf32, #tpu.memory_space<vmem>>, vector<2x400x128xf32>
    %convert_element_type3A = arith.truncf %get3A_2 : vector<2x400x128xf32> to vector<2x400x128xbf16>
    %get3A_3 = arith.constant 0 : index
    %get3A_4 = arith.constant 0 : index
    %get3A_5 = vector.load %arg2[%get3A_3, %get3A_4] : memref<256x256xbf16, #tpu.memory_space<vmem>>, vector<256x256xbf16>
    %slice3A = vector.extract_strided_slice %convert_element_type3A {offsets = [0, 0, 0], sizes = [1, 400, 128], strides = [1, 1, 1]} : vector<2x400x128xbf16> to vector<1x400x128xbf16>
    %squeeze3A = vector.shape_cast %slice3A : vector<1x400x128xbf16> to vector<400x128xbf16>
    %slice3A_6 = vector.extract_strided_slice %get3A_5 {offsets = [0, 0], sizes = [128, 256], strides = [1, 1]} : vector<256x256xbf16> to vector<128x256xbf16>
    %dot_general3A = arith.constant dense<0.000000e+00> : vector<400x256xf32>
    %dot_general3A_7 = tpu.matmul %squeeze3A, %slice3A_6, %dot_general3A {dimension_numbers = #tpu.dot_dimension_numbers<[1], [0], [0], [1], [0, 0, 1, 1], [], []>, transpose_lhs_hint = false} : vector<400x128xbf16>, vector<128x256xbf16>, vector<400x256xf32> -> vector<400x256xf32>
    %slice3A_8 = vector.extract_strided_slice %convert_element_type3A {offsets = [1, 0, 0], sizes = [1, 400, 128], strides = [1, 1, 1]} : vector<2x400x128xbf16> to vector<1x400x128xbf16>
    %squeeze3A_9 = vector.shape_cast %slice3A_8 : vector<1x400x128xbf16> to vector<400x128xbf16>
    %slice3A_10 = vector.extract_strided_slice %get3A_5 {offsets = [128, 0], sizes = [128, 256], strides = [1, 1]} : vector<256x256xbf16> to vector<128x256xbf16>
    %dot_general3A_11 = arith.constant dense<0.000000e+00> : vector<400x256xf32>
    %dot_general3A_12 = tpu.matmul %squeeze3A_9, %slice3A_10, %dot_general3A_11 {dimension_numbers = #tpu.dot_dimension_numbers<[1], [0], [0], [1], [0, 0, 1, 1], [], []>, transpose_lhs_hint = false} : vector<400x128xbf16>, vector<128x256xbf16>, vector<400x256xf32> -> vector<400x256xf32>
    %add3A = arith.addf %dot_general3A_7, %dot_general3A_12 : vector<400x256xf32>
    %max3A = arith.constant 0.000000e+00 : f32
    %max3A_13 = vector.broadcast %max3A : f32 to vector<400x256xf32>
    %max3A_14 = arith.maximumf %add3A, %max3A_13 : vector<400x256xf32>
    %swap3A = arith.constant 0 : index
    %swap3A_15 = arith.constant 0 : index
    %swap3A_16 = vector.load %arg3[%swap3A, %swap3A_15] : memref<400x256xf32, #tpu.memory_space<vmem>>, vector<400x256xf32>
    tpu.vector_store %arg3[%swap3A, %swap3A_15], %max3A_14 {strides = array<i32>} : memref<400x256xf32, #tpu.memory_space<vmem>>, vector<400x256xf32>,
    return
  }
  func.func @transform_0(%arg0: i32) -> (i32, i32, i32) {
    %c0_i32 = arith.constant 0 : i32
    %c0_i32_0 = arith.constant 0 : i32
    %c0_i32_1 = arith.constant 0 : i32
    return %c0_i32, %arg0, %c0_i32_0 : i32, i32, i32
  }
  func.func @transform_1(%arg0: i32) -> (i32, i32) {
    %c0_i32 = arith.constant 0 : i32
    %c0_i32_0 = arith.constant 0 : i32
    %c0_i32_1 = arith.constant 0 : i32
    return %c0_i32, %c0_i32_0 : i32, i32
  }
  func.func @transform_2(%arg0: i32) -> (i32, i32) {
    %c0_i32 = arith.constant 0 : i32
    %c0_i32_0 = arith.constant 0 : i32
    return %arg0, %c0_i32 : i32, i32
  }
}

module attributes {stable_mosaic.version = 14 : i64} {
  func.func @_mm_body(%arg0: i32, %arg1: memref<2x400x128xf32, #tpu.memory_space<vmem>>, %arg2: memref<256x256xbf16, #tpu.memory_space<vmem>>, %arg3: memref<400x128xi32, #tpu.memory_space<vmem>>) attributes {dimension_semantics = [#tpu.dimension_semantics<arbitrary>], iteration_bounds = array<i64: 25>, scalar_prefetch = 0 : i64, scratch_operands = 0 : i64, tpu.core_type = #tpu.core_type<tc>, window_params = [{transform_indices = @transform_0, window_bounds = array<i64: 2, 400, 128>}, {pipeline_mode = #tpu.pipeline_mode<synchronous>, transform_indices = @transform_1, window_bounds = array<i64: 256, 256>}, {transform_indices = @transform_2, window_bounds = array<i64: 400, 128>}]} {
    %get3A = arith.constant 0 : index
    %get3A_0 = arith.constant 0 : index
    %get3A_1 = arith.constant 0 : index
    %get3A_2 = vector.load %arg1[%get3A, %get3A_0, %get3A_1] : memref<2x400x128xf32, #tpu.memory_space<vmem>>, vector<2x400x128xf32>
    %convert_element_type3A = arith.truncf %get3A_2 : vector<2x400x128xf32> to vector<2x400x128xbf16>
    %get3A_3 = arith.constant 0 : index
    %get3A_4 = arith.constant 0 : index
    %get3A_5 = vector.load %arg2[%get3A_3, %get3A_4] : memref<256x256xbf16, #tpu.memory_space<vmem>>, vector<256x256xbf16>
    %slice3A = vector.extract_strided_slice %convert_element_type3A {offsets = [0, 0, 0], sizes = [1, 400, 128], strides = [1, 1, 1]} : vector<2x400x128xbf16> to vector<1x400x128xbf16>
    %squeeze3A = vector.shape_cast %slice3A : vector<1x400x128xbf16> to vector<400x128xbf16>
    %slice3A_6 = vector.extract_strided_slice %get3A_5 {offsets = [0, 0], sizes = [128, 256], strides = [1, 1]} : vector<256x256xbf16> to vector<128x256xbf16>
    %dot_general3A = arith.constant dense<0.000000e+00> : vector<400x256xf32>
    %dot_general3A_7 = tpu.matmul %squeeze3A, %slice3A_6, %dot_general3A {dimension_numbers = #tpu.dot_dimension_numbers<[1], [0], [0], [1], [0, 0, 1, 1], [], []>, transpose_lhs_hint = false} : vector<400x128xbf16>, vector<128x256xbf16>, vector<400x256xf32> -> vector<400x256xf32>
    %slice3A_8 = vector.extract_strided_slice %convert_element_type3A {offsets = [1, 0, 0], sizes = [1, 400, 128], strides = [1, 1, 1]} : vector<2x400x128xbf16> to vector<1x400x128xbf16>
    %squeeze3A_9 = vector.shape_cast %slice3A_8 : vector<1x400x128xbf16> to vector<400x128xbf16>
    %slice3A_10 = vector.extract_strided_slice %get3A_5 {offsets = [128, 0], sizes = [128, 256], strides = [1, 1]} : vector<256x256xbf16> to vector<128x256xbf16>
    %dot_general3A_11 = arith.constant dense<0.000000e+00> : vector<400x256xf32>
    %dot_general3A_12 = tpu.matmul %squeeze3A_9, %slice3A_10, %dot_general3A_11 {dimension_numbers = #tpu.dot_dimension_numbers<[1], [0], [0], [1], [0, 0, 1, 1], [], []>, transpose_lhs_hint = false} : vector<400x128xbf16>, vector<128x256xbf16>, vector<400x256xf32> -> vector<400x256xf32>
    %add3A = arith.addf %dot_general3A_7, %dot_general3A_12 : vector<400x256xf32>
    %bitcast_convert_type3A = tpu.bitcast %add3A : vector<400x256xf32> -> vector<400x256xi32>
    %add3A_13 = arith.constant 32768 : i32
    %add3A_14 = vector.broadcast %add3A_13 : i32 to vector<400x256xi32>
    %add3A_15 = arith.addi %bitcast_convert_type3A, %add3A_14 : vector<400x256xi32>
    %shift_right_logical3A = arith.constant 16 : i32
    %shift_right_logical3A_16 = vector.broadcast %shift_right_logical3A : i32 to vector<400x256xi32>
    %shift_right_logical3A_17 = arith.shrui %add3A_15, %shift_right_logical3A_16 : vector<400x256xi32>
    %slice3A_18 = vector.extract_strided_slice %shift_right_logical3A_17 {offsets = [0, 0], sizes = [400, 128], strides = [1, 1]} : vector<400x256xi32> to vector<400x128xi32>
    %slice3A_19 = vector.extract_strided_slice %shift_right_logical3A_17 {offsets = [0, 128], sizes = [400, 128], strides = [1, 1]} : vector<400x256xi32> to vector<400x128xi32>
    %shift_left3A = arith.constant 16 : i32
    %shift_left3A_20 = vector.broadcast %shift_left3A : i32 to vector<400x128xi32>
    %shift_left3A_21 = arith.shli %slice3A_19, %shift_left3A_20 : vector<400x128xi32>
    %or3A = arith.ori %slice3A_18, %shift_left3A_21 : vector<400x128xi32>
    %bitcast_convert_type3A_22 = tpu.bitcast %or3A : vector<400x128xi32> -> vector<400x128xi32>
    %swap3A = arith.constant 0 : index
    %swap3A_23 = arith.constant 0 : index
    %swap3A_24 = vector.load %arg3[%swap3A, %swap3A_23] : memref<400x128xi32, #tpu.memory_space<vmem>>, vector<400x128xi32>
    tpu.vector_store %arg3[%swap3A, %swap3A_23], %bitcast_convert_type3A_22 {strides = array<i32>} : memref<400x128xi32, #tpu.memory_space<vmem>>, vector<400x128xi32>,
    return
  }
  func.func @transform_0(%arg0: i32) -> (i32, i32, i32) {
    %c0_i32 = arith.constant 0 : i32
    %c0_i32_0 = arith.constant 0 : i32
    %c0_i32_1 = arith.constant 0 : i32
    return %c0_i32, %arg0, %c0_i32_0 : i32, i32, i32
  }
  func.func @transform_1(%arg0: i32) -> (i32, i32) {
    %c0_i32 = arith.constant 0 : i32
    %c0_i32_0 = arith.constant 0 : i32
    %c0_i32_1 = arith.constant 0 : i32
    return %c0_i32, %c0_i32_0 : i32, i32
  }
  func.func @transform_2(%arg0: i32) -> (i32, i32) {
    %c0_i32 = arith.constant 0 : i32
    %c0_i32_0 = arith.constant 0 : i32
    return %arg0, %c0_i32 : i32, i32
  }
}

module attributes {stable_mosaic.version = 14 : i64} {
  func.func @_fused_body(%arg0: i32, %arg1: memref<400x128xi32, #tpu.memory_space<vmem>>, %arg2: memref<400x128xi32, #tpu.memory_space<vmem>>, %arg3: memref<400x128xi32, #tpu.memory_space<vmem>>, %arg4: memref<8x50x768xf32, #tpu.memory_space<vmem>>, %arg5: memref<8x50xf32, #tpu.memory_space<vmem>>, %arg6: memref<8x400xf32, #tpu.memory_space<vmem>>, %arg7: memref<400x8xf32, #tpu.memory_space<vmem>>, %arg8: memref<768x256xbf16, #tpu.memory_space<vmem>>, %arg9: memref<1x256xf32, #tpu.memory_space<vmem>>, %arg10: memref<768x256xbf16, #tpu.memory_space<vmem>>, %arg11: memref<1x256xf32, #tpu.memory_space<vmem>>, %arg12: memref<256x256xbf16, #tpu.memory_space<vmem>>, %arg13: memref<1x256xf32, #tpu.memory_space<vmem>>, %arg14: memref<256x256xf32, #tpu.memory_space<vmem>>, %arg15: memref<1x256xf32, #tpu.memory_space<vmem>>, %arg16: memref<256x256xbf16, #tpu.memory_space<vmem>>, %arg17: memref<1x256xf32, #tpu.memory_space<vmem>>, %arg18: memref<8x50x256xf32, #tpu.memory_space<vmem>>) attributes {dimension_semantics = [#tpu.dimension_semantics<arbitrary>], iteration_bounds = array<i64: 128>, scalar_prefetch = 0 : i64, scratch_operands = 0 : i64, tpu.core_type = #tpu.core_type<tc>, window_params = [{transform_indices = @transform_0, window_bounds = array<i64: 400, 128>}, {transform_indices = @transform_1, window_bounds = array<i64: 400, 128>}, {transform_indices = @transform_2, window_bounds = array<i64: 400, 128>}, {transform_indices = @transform_3, window_bounds = array<i64: 8, 50, 768>}, {transform_indices = @transform_4, window_bounds = array<i64: 8, 50>}, {pipeline_mode = #tpu.pipeline_mode<synchronous>, transform_indices = @transform_5, window_bounds = array<i64: 8, 400>}, {pipeline_mode = #tpu.pipeline_mode<synchronous>, transform_indices = @transform_6, window_bounds = array<i64: 400, 8>}, {pipeline_mode = #tpu.pipeline_mode<synchronous>, transform_indices = @transform_7, window_bounds = array<i64: 768, 256>}, {pipeline_mode = #tpu.pipeline_mode<synchronous>, transform_indices = @transform_8, window_bounds = array<i64: 1, 256>}, {pipeline_mode = #tpu.pipeline_mode<synchronous>, transform_indices = @transform_9, window_bounds = array<i64: 768, 256>}, {pipeline_mode = #tpu.pipeline_mode<synchronous>, transform_indices = @transform_10, window_bounds = array<i64: 1, 256>}, {pipeline_mode = #tpu.pipeline_mode<synchronous>, transform_indices = @transform_11, window_bounds = array<i64: 256, 256>}, {pipeline_mode = #tpu.pipeline_mode<synchronous>, transform_indices = @transform_12, window_bounds = array<i64: 1, 256>}, {pipeline_mode = #tpu.pipeline_mode<synchronous>, transform_indices = @transform_13, window_bounds = array<i64: 256, 256>}, {pipeline_mode = #tpu.pipeline_mode<synchronous>, transform_indices = @transform_14, window_bounds = array<i64: 1, 256>}, {pipeline_mode = #tpu.pipeline_mode<synchronous>, transform_indices = @transform_15, window_bounds = array<i64: 256, 256>}, {pipeline_mode = #tpu.pipeline_mode<synchronous>, transform_indices = @transform_16, window_bounds = array<i64: 1, 256>}, {transform_indices = @transform_17, window_bounds = array<i64: 8, 50, 256>}]} {
    %get3A = arith.constant 0 : index
    %get3A_0 = arith.constant 0 : index
    %get3A_1 = vector.load %arg1[%get3A, %get3A_0] : memref<400x128xi32, #tpu.memory_space<vmem>>, vector<400x128xi32>
    %bitcast_convert_type3A = tpu.bitcast %get3A_1 : vector<400x128xi32> -> vector<400x128xi32>
    %shift_left3A = arith.constant 16 : i32
    %shift_left3A_2 = vector.broadcast %shift_left3A : i32 to vector<400x128xi32>
    %shift_left3A_3 = arith.shli %bitcast_convert_type3A, %shift_left3A_2 : vector<400x128xi32>
    %bitcast_convert_type3A_4 = tpu.bitcast %shift_left3A_3 : vector<400x128xi32> -> vector<400x128xf32>
    %and3A = arith.constant -65536 : i32
    %and3A_5 = vector.broadcast %and3A : i32 to vector<400x128xi32>
    %and3A_6 = arith.andi %bitcast_convert_type3A, %and3A_5 : vector<400x128xi32>
    %bitcast_convert_type3A_7 = tpu.bitcast %and3A_6 : vector<400x128xi32> -> vector<400x128xf32>
    %concatenate3A = tpu.concatenate %bitcast_convert_type3A_4, %bitcast_convert_type3A_7 in 1 : vector<400x128xf32>, vector<400x128xf32> -> vector<400x256xf32>
    %get3A_8 = arith.constant 0 : index
    %get3A_9 = arith.constant 0 : index
    %get3A_10 = vector.load %arg2[%get3A_8, %get3A_9] : memref<400x128xi32, #tpu.memory_space<vmem>>, vector<400x128xi32>
    %bitcast_convert_type3A_11 = tpu.bitcast %get3A_10 : vector<400x128xi32> -> vector<400x128xi32>
    %shift_left3A_12 = arith.constant 16 : i32
    %shift_left3A_13 = vector.broadcast %shift_left3A_12 : i32 to vector<400x128xi32>
    %shift_left3A_14 = arith.shli %bitcast_convert_type3A_11, %shift_left3A_13 : vector<400x128xi32>
    %bitcast_convert_type3A_15 = tpu.bitcast %shift_left3A_14 : vector<400x128xi32> -> vector<400x128xf32>
    %and3A_16 = arith.constant -65536 : i32
    %and3A_17 = vector.broadcast %and3A_16 : i32 to vector<400x128xi32>
    %and3A_18 = arith.andi %bitcast_convert_type3A_11, %and3A_17 : vector<400x128xi32>
    %bitcast_convert_type3A_19 = tpu.bitcast %and3A_18 : vector<400x128xi32> -> vector<400x128xf32>
    %concatenate3A_20 = tpu.concatenate %bitcast_convert_type3A_15, %bitcast_convert_type3A_19 in 1 : vector<400x128xf32>, vector<400x128xf32> -> vector<400x256xf32>
    %get3A_21 = arith.constant 0 : index
    %get3A_22 = arith.constant 0 : index
    %get3A_23 = vector.load %arg3[%get3A_21, %get3A_22] : memref<400x128xi32, #tpu.memory_space<vmem>>, vector<400x128xi32>
    %bitcast_convert_type3A_24 = tpu.bitcast %get3A_23 : vector<400x128xi32> -> vector<400x128xi32>
    %shift_left3A_25 = arith.constant 16 : i32
    %shift_left3A_26 = vector.broadcast %shift_left3A_25 : i32 to vector<400x128xi32>
    %shift_left3A_27 = arith.shli %bitcast_convert_type3A_24, %shift_left3A_26 : vector<400x128xi32>
    %bitcast_convert_type3A_28 = tpu.bitcast %shift_left3A_27 : vector<400x128xi32> -> vector<400x128xf32>
    %and3A_29 = arith.constant -65536 : i32
    %and3A_30 = vector.broadcast %and3A_29 : i32 to vector<400x128xi32>
    %and3A_31 = arith.andi %bitcast_convert_type3A_24, %and3A_30 : vector<400x128xi32>
    %bitcast_convert_type3A_32 = tpu.bitcast %and3A_31 : vector<400x128xi32> -> vector<400x128xf32>
    %concatenate3A_33 = tpu.concatenate %bitcast_convert_type3A_28, %bitcast_convert_type3A_32 in 1 : vector<400x128xf32>, vector<400x128xf32> -> vector<400x256xf32>
    %get3A_34 = arith.constant 0 : index
    %get3A_35 = arith.constant 0 : index
    %get3A_36 = arith.constant 0 : index
    %get3A_37 = vector.load %arg4[%get3A_34, %get3A_35, %get3A_36] : memref<8x50x768xf32, #tpu.memory_space<vmem>>, vector<1x50x768xf32>
    %get3A_38 = vector.shape_cast %get3A_37 : vector<1x50x768xf32> to vector<50x768xf32>
    %convert_element_type3A = arith.truncf %get3A_38 : vector<50x768xf32> to vector<50x768xbf16>
    %get3A_39 = arith.constant 0 : index
    %get3A_40 = arith.constant 0 : index
    %get3A_41 = vector.load %arg8[%get3A_39, %get3A_40] : memref<768x256xbf16, #tpu.memory_space<vmem>>, vector<768x256xbf16>
    %dot_general3A = arith.constant dense<0.000000e+00> : vector<50x256xf32>
    %dot_general3A_42 = tpu.matmul %convert_element_type3A, %get3A_41, %dot_general3A {dimension_numbers = #tpu.dot_dimension_numbers<[1], [0], [0], [1], [0, 0, 1, 1], [], []>, transpose_lhs_hint = false} : vector<50x768xbf16>, vector<768x256xbf16>, vector<50x256xf32> -> vector<50x256xf32>
    %get3A_43 = arith.constant 1 : index
    %get3A_44 = arith.constant 0 : index
    %get3A_45 = arith.constant 0 : index
    %get3A_46 = vector.load %arg4[%get3A_43, %get3A_44, %get3A_45] : memref<8x50x768xf32, #tpu.memory_space<vmem>>, vector<1x50x768xf32>
    %get3A_47 = vector.shape_cast %get3A_46 : vector<1x50x768xf32> to vector<50x768xf32>
    %convert_element_type3A_48 = arith.truncf %get3A_47 : vector<50x768xf32> to vector<50x768xbf16>
    %get3A_49 = arith.constant 0 : index
    %get3A_50 = arith.constant 0 : index
    %get3A_51 = vector.load %arg8[%get3A_49, %get3A_50] : memref<768x256xbf16, #tpu.memory_space<vmem>>, vector<768x256xbf16>
    %dot_general3A_52 = arith.constant dense<0.000000e+00> : vector<50x256xf32>
    %dot_general3A_53 = tpu.matmul %convert_element_type3A_48, %get3A_51, %dot_general3A_52 {dimension_numbers = #tpu.dot_dimension_numbers<[1], [0], [0], [1], [0, 0, 1, 1], [], []>, transpose_lhs_hint = false} : vector<50x768xbf16>, vector<768x256xbf16>, vector<50x256xf32> -> vector<50x256xf32>
    %get3A_54 = arith.constant 2 : index
    %get3A_55 = arith.constant 0 : index
    %get3A_56 = arith.constant 0 : index
    %get3A_57 = vector.load %arg4[%get3A_54, %get3A_55, %get3A_56] : memref<8x50x768xf32, #tpu.memory_space<vmem>>, vector<1x50x768xf32>
    %get3A_58 = vector.shape_cast %get3A_57 : vector<1x50x768xf32> to vector<50x768xf32>
    %convert_element_type3A_59 = arith.truncf %get3A_58 : vector<50x768xf32> to vector<50x768xbf16>
    %get3A_60 = arith.constant 0 : index
    %get3A_61 = arith.constant 0 : index
    %get3A_62 = vector.load %arg8[%get3A_60, %get3A_61] : memref<768x256xbf16, #tpu.memory_space<vmem>>, vector<768x256xbf16>
    %dot_general3A_63 = arith.constant dense<0.000000e+00> : vector<50x256xf32>
    %dot_general3A_64 = tpu.matmul %convert_element_type3A_59, %get3A_62, %dot_general3A_63 {dimension_numbers = #tpu.dot_dimension_numbers<[1], [0], [0], [1], [0, 0, 1, 1], [], []>, transpose_lhs_hint = false} : vector<50x768xbf16>, vector<768x256xbf16>, vector<50x256xf32> -> vector<50x256xf32>
    %get3A_65 = arith.constant 3 : index
    %get3A_66 = arith.constant 0 : index
    %get3A_67 = arith.constant 0 : index
    %get3A_68 = vector.load %arg4[%get3A_65, %get3A_66, %get3A_67] : memref<8x50x768xf32, #tpu.memory_space<vmem>>, vector<1x50x768xf32>
    %get3A_69 = vector.shape_cast %get3A_68 : vector<1x50x768xf32> to vector<50x768xf32>
    %convert_element_type3A_70 = arith.truncf %get3A_69 : vector<50x768xf32> to vector<50x768xbf16>
    %get3A_71 = arith.constant 0 : index
    %get3A_72 = arith.constant 0 : index
    %get3A_73 = vector.load %arg8[%get3A_71, %get3A_72] : memref<768x256xbf16, #tpu.memory_space<vmem>>, vector<768x256xbf16>
    %dot_general3A_74 = arith.constant dense<0.000000e+00> : vector<50x256xf32>
    %dot_general3A_75 = tpu.matmul %convert_element_type3A_70, %get3A_73, %dot_general3A_74 {dimension_numbers = #tpu.dot_dimension_numbers<[1], [0], [0], [1], [0, 0, 1, 1], [], []>, transpose_lhs_hint = false} : vector<50x768xbf16>, vector<768x256xbf16>, vector<50x256xf32> -> vector<50x256xf32>
    %get3A_76 = arith.constant 4 : index
    %get3A_77 = arith.constant 0 : index
    %get3A_78 = arith.constant 0 : index
    %get3A_79 = vector.load %arg4[%get3A_76, %get3A_77, %get3A_78] : memref<8x50x768xf32, #tpu.memory_space<vmem>>, vector<1x50x768xf32>
    %get3A_80 = vector.shape_cast %get3A_79 : vector<1x50x768xf32> to vector<50x768xf32>
    %convert_element_type3A_81 = arith.truncf %get3A_80 : vector<50x768xf32> to vector<50x768xbf16>
    %get3A_82 = arith.constant 0 : index
    %get3A_83 = arith.constant 0 : index
    %get3A_84 = vector.load %arg8[%get3A_82, %get3A_83] : memref<768x256xbf16, #tpu.memory_space<vmem>>, vector<768x256xbf16>
    %dot_general3A_85 = arith.constant dense<0.000000e+00> : vector<50x256xf32>
    %dot_general3A_86 = tpu.matmul %convert_element_type3A_81, %get3A_84, %dot_general3A_85 {dimension_numbers = #tpu.dot_dimension_numbers<[1], [0], [0], [1], [0, 0, 1, 1], [], []>, transpose_lhs_hint = false} : vector<50x768xbf16>, vector<768x256xbf16>, vector<50x256xf32> -> vector<50x256xf32>
    %get3A_87 = arith.constant 5 : index
    %get3A_88 = arith.constant 0 : index
    %get3A_89 = arith.constant 0 : index
    %get3A_90 = vector.load %arg4[%get3A_87, %get3A_88, %get3A_89] : memref<8x50x768xf32, #tpu.memory_space<vmem>>, vector<1x50x768xf32>
    %get3A_91 = vector.shape_cast %get3A_90 : vector<1x50x768xf32> to vector<50x768xf32>
    %convert_element_type3A_92 = arith.truncf %get3A_91 : vector<50x768xf32> to vector<50x768xbf16>
    %get3A_93 = arith.constant 0 : index
    %get3A_94 = arith.constant 0 : index
    %get3A_95 = vector.load %arg8[%get3A_93, %get3A_94] : memref<768x256xbf16, #tpu.memory_space<vmem>>, vector<768x256xbf16>
    %dot_general3A_96 = arith.constant dense<0.000000e+00> : vector<50x256xf32>
    %dot_general3A_97 = tpu.matmul %convert_element_type3A_92, %get3A_95, %dot_general3A_96 {dimension_numbers = #tpu.dot_dimension_numbers<[1], [0], [0], [1], [0, 0, 1, 1], [], []>, transpose_lhs_hint = false} : vector<50x768xbf16>, vector<768x256xbf16>, vector<50x256xf32> -> vector<50x256xf32>
    %get3A_98 = arith.constant 6 : index
    %get3A_99 = arith.constant 0 : index
    %get3A_100 = arith.constant 0 : index
    %get3A_101 = vector.load %arg4[%get3A_98, %get3A_99, %get3A_100] : memref<8x50x768xf32, #tpu.memory_space<vmem>>, vector<1x50x768xf32>
    %get3A_102 = vector.shape_cast %get3A_101 : vector<1x50x768xf32> to vector<50x768xf32>
    %convert_element_type3A_103 = arith.truncf %get3A_102 : vector<50x768xf32> to vector<50x768xbf16>
    %get3A_104 = arith.constant 0 : index
    %get3A_105 = arith.constant 0 : index
    %get3A_106 = vector.load %arg8[%get3A_104, %get3A_105] : memref<768x256xbf16, #tpu.memory_space<vmem>>, vector<768x256xbf16>
    %dot_general3A_107 = arith.constant dense<0.000000e+00> : vector<50x256xf32>
    %dot_general3A_108 = tpu.matmul %convert_element_type3A_103, %get3A_106, %dot_general3A_107 {dimension_numbers = #tpu.dot_dimension_numbers<[1], [0], [0], [1], [0, 0, 1, 1], [], []>, transpose_lhs_hint = false} : vector<50x768xbf16>, vector<768x256xbf16>, vector<50x256xf32> -> vector<50x256xf32>
    %get3A_109 = arith.constant 7 : index
    %get3A_110 = arith.constant 0 : index
    %get3A_111 = arith.constant 0 : index
    %get3A_112 = vector.load %arg4[%get3A_109, %get3A_110, %get3A_111] : memref<8x50x768xf32, #tpu.memory_space<vmem>>, vector<1x50x768xf32>
    %get3A_113 = vector.shape_cast %get3A_112 : vector<1x50x768xf32> to vector<50x768xf32>
    %convert_element_type3A_114 = arith.truncf %get3A_113 : vector<50x768xf32> to vector<50x768xbf16>
    %get3A_115 = arith.constant 0 : index
    %get3A_116 = arith.constant 0 : index
    %get3A_117 = vector.load %arg8[%get3A_115, %get3A_116] : memref<768x256xbf16, #tpu.memory_space<vmem>>, vector<768x256xbf16>
    %dot_general3A_118 = arith.constant dense<0.000000e+00> : vector<50x256xf32>
    %dot_general3A_119 = tpu.matmul %convert_element_type3A_114, %get3A_117, %dot_general3A_118 {dimension_numbers = #tpu.dot_dimension_numbers<[1], [0], [0], [1], [0, 0, 1, 1], [], []>, transpose_lhs_hint = false} : vector<50x768xbf16>, vector<768x256xbf16>, vector<50x256xf32> -> vector<50x256xf32>
    %concatenate3A_120 = tpu.concatenate %dot_general3A_42, %dot_general3A_53, %dot_general3A_64, %dot_general3A_75, %dot_general3A_86, %dot_general3A_97, %dot_general3A_108, %dot_general3A_119 in 0 : vector<50x256xf32>, vector<50x256xf32>, vector<50x256xf32>, vector<50x256xf32>, vector<50x256xf32>, vector<50x256xf32>, vector<50x256xf32>, vector<50x256xf32> -> vector<400x256xf32>
    %get3A_121 = arith.constant 0 : index
    %get3A_122 = arith.constant 0 : index
    %get3A_123 = vector.load %arg9[%get3A_121, %get3A_122] : memref<1x256xf32, #tpu.memory_space<vmem>>, vector<1x256xf32>
    %add3A = vector.broadcast %get3A_123 : vector<1x256xf32> to vector<400x256xf32>
    %add3A_124 = arith.addf %concatenate3A_120, %add3A : vector<400x256xf32>
    %get3A_125 = arith.constant 0 : index
    %get3A_126 = arith.constant 0 : index
    %get3A_127 = vector.load %arg6[%get3A_125, %get3A_126] : memref<8x400xf32, #tpu.memory_space<vmem>>, vector<8x400xf32>
    %get3A_128 = arith.constant 0 : index
    %get3A_129 = arith.constant 0 : index
    %get3A_130 = vector.load %arg7[%get3A_128, %get3A_129] : memref<400x8xf32, #tpu.memory_space<vmem>>, vector<400x8xf32>
    %concatenate3A_131 = tpu.concatenate %concatenate3A, %add3A_124, %concatenate3A_33 in 1 : vector<400x256xf32>, vector<400x256xf32>, vector<400x256xf32> -> vector<400x768xf32>
    %convert_element_type3A_132 = arith.truncf %concatenate3A_131 : vector<400x768xf32> to vector<400x768xbf16>
    %get3A_133 = arith.constant 0 : index
    %get3A_134 = arith.constant 0 : index
    %get3A_135 = vector.load %arg10[%get3A_133, %get3A_134] : memref<768x256xbf16, #tpu.memory_space<vmem>>, vector<768x256xbf16>
    %dot_general3A_136 = arith.constant dense<0.000000e+00> : vector<400x256xf32>
    %dot_general3A_137 = tpu.matmul %convert_element_type3A_132, %get3A_135, %dot_general3A_136 {dimension_numbers = #tpu.dot_dimension_numbers<[1], [0], [0], [1], [0, 0, 1, 1], [], []>, transpose_lhs_hint = false} : vector<400x768xbf16>, vector<768x256xbf16>, vector<400x256xf32> -> vector<400x256xf32>
    %get3A_138 = arith.constant 0 : index
    %get3A_139 = arith.constant 0 : index
    %get3A_140 = vector.load %arg11[%get3A_138, %get3A_139] : memref<1x256xf32, #tpu.memory_space<vmem>>, vector<1x256xf32>
    %add3A_141 = vector.broadcast %get3A_140 : vector<1x256xf32> to vector<400x256xf32>
    %add3A_142 = arith.addf %dot_general3A_137, %add3A_141 : vector<400x256xf32>
    %tanh3A = math.tanh %add3A_142 : vector<400x256xf32>
    %get3A_143 = arith.constant 0 : index
    %get3A_144 = arith.constant 0 : index
    %get3A_145 = vector.load %arg5[%get3A_143, %get3A_144] : memref<8x50xf32, #tpu.memory_space<vmem>>, vector<8x50xf32>
    %reduce_sum3A = arith.constant dense<0.000000e+00> : vector<8xf32>
    %reduce_sum3A_146 = vector.multi_reduction <add>, %get3A_145, %reduce_sum3A [1] : vector<8x50xf32> to vector<8xf32>
    %dot_general3A_147 = arith.constant dense<0.000000e+00> : vector<8x256xf32>
    %dot_general3A_148 = tpu.matmul %get3A_127, %concatenate3A, %dot_general3A_147 {dimension_numbers = #tpu.dot_dimension_numbers<[1], [0], [0], [1], [0, 0, 1, 1], [], []>, transpose_lhs_hint = false} : vector<8x400xf32>, vector<400x256xf32>, vector<8x256xf32> -> vector<8x256xf32>
    %broadcast_in_dim3A = vector.shape_cast %reduce_sum3A_146 : vector<8xf32> to vector<8x1xf32>
    %div3A = vector.broadcast %broadcast_in_dim3A : vector<8x1xf32> to vector<8x256xf32>
    %div3A_149 = arith.divf %dot_general3A_148, %div3A : vector<8x256xf32>
    %convert_element_type3A_150 = arith.truncf %tanh3A : vector<400x256xf32> to vector<400x256xbf16>
    %get3A_151 = arith.constant 0 : index
    %get3A_152 = arith.constant 0 : index
    %get3A_153 = vector.load %arg12[%get3A_151, %get3A_152] : memref<256x256xbf16, #tpu.memory_space<vmem>>, vector<256x256xbf16>
    %dot_general3A_154 = arith.constant dense<0.000000e+00> : vector<400x256xf32>
    %dot_general3A_155 = tpu.matmul %convert_element_type3A_150, %get3A_153, %dot_general3A_154 {dimension_numbers = #tpu.dot_dimension_numbers<[1], [0], [0], [1], [0, 0, 1, 1], [], []>, transpose_lhs_hint = false} : vector<400x256xbf16>, vector<256x256xbf16>, vector<400x256xf32> -> vector<400x256xf32>
    %get3A_156 = arith.constant 0 : index
    %get3A_157 = arith.constant 0 : index
    %get3A_158 = vector.load %arg13[%get3A_156, %get3A_157] : memref<1x256xf32, #tpu.memory_space<vmem>>, vector<1x256xf32>
    %add3A_159 = vector.broadcast %get3A_158 : vector<1x256xf32> to vector<400x256xf32>
    %add3A_160 = arith.addf %dot_general3A_155, %add3A_159 : vector<400x256xf32>
    %get3A_161 = arith.constant 0 : index
    %get3A_162 = arith.constant 0 : index
    %get3A_163 = vector.load %arg14[%get3A_161, %get3A_162] : memref<256x256xf32, #tpu.memory_space<vmem>>, vector<256x256xf32>
    %dot_general3A_164 = arith.constant dense<0.000000e+00> : vector<8x256xf32>
    %dot_general3A_165 = tpu.matmul %div3A_149, %get3A_163, %dot_general3A_164 {dimension_numbers = #tpu.dot_dimension_numbers<[1], [0], [0], [1], [0, 0, 1, 1], [], []>, transpose_lhs_hint = false} : vector<8x256xf32>, vector<256x256xf32>, vector<8x256xf32> -> vector<8x256xf32>
    %get3A_166 = arith.constant 0 : index
    %get3A_167 = arith.constant 0 : index
    %get3A_168 = vector.load %arg15[%get3A_166, %get3A_167] : memref<1x256xf32, #tpu.memory_space<vmem>>, vector<1x256xf32>
    %add3A_169 = vector.broadcast %get3A_168 : vector<1x256xf32> to vector<8x256xf32>
    %add3A_170 = arith.addf %dot_general3A_165, %add3A_169 : vector<8x256xf32>
    %dot_general3A_171 = arith.constant dense<0.000000e+00> : vector<400x256xf32>
    %dot_general3A_172 = tpu.matmul %get3A_130, %add3A_170, %dot_general3A_171 {dimension_numbers = #tpu.dot_dimension_numbers<[1], [0], [0], [1], [0, 0, 1, 1], [], []>, transpose_lhs_hint = false} : vector<400x8xf32>, vector<8x256xf32>, vector<400x256xf32> -> vector<400x256xf32>
    %add3A_173 = arith.addf %add3A_160, %dot_general3A_172 : vector<400x256xf32>
    %logistic3A = arith.negf %add3A_173 : vector<400x256xf32>
    %logistic3A_174 = math.exp %logistic3A : vector<400x256xf32>
    %logistic3A_175 = arith.constant 1.000000e+00 : f32
    %logistic3A_176 = vector.broadcast %logistic3A_175 : f32 to vector<400x256xf32>
    %logistic3A_177 = arith.addf %logistic3A_176, %logistic3A_174 : vector<400x256xf32>
    %logistic3A_178 = arith.divf %logistic3A_176, %logistic3A_177 : vector<400x256xf32>
    %convert_element_type3A_179 = arith.truncf %logistic3A_178 : vector<400x256xf32> to vector<400x256xbf16>
    %get3A_180 = arith.constant 0 : index
    %get3A_181 = arith.constant 0 : index
    %get3A_182 = vector.load %arg16[%get3A_180, %get3A_181] : memref<256x256xbf16, #tpu.memory_space<vmem>>, vector<256x256xbf16>
    %dot_general3A_183 = arith.constant dense<0.000000e+00> : vector<400x256xf32>
    %dot_general3A_184 = tpu.matmul %convert_element_type3A_179, %get3A_182, %dot_general3A_183 {dimension_numbers = #tpu.dot_dimension_numbers<[1], [0], [0], [1], [0, 0, 1, 1], [], []>, transpose_lhs_hint = false} : vector<400x256xbf16>, vector<256x256xbf16>, vector<400x256xf32> -> vector<400x256xf32>
    %get3A_185 = arith.constant 0 : index
    %get3A_186 = arith.constant 0 : index
    %get3A_187 = vector.load %arg17[%get3A_185, %get3A_186] : memref<1x256xf32, #tpu.memory_space<vmem>>, vector<1x256xf32>
    %add3A_188 = vector.broadcast %get3A_187 : vector<1x256xf32> to vector<400x256xf32>
    %add3A_189 = arith.addf %dot_general3A_184, %add3A_188 : vector<400x256xf32>
    %mul3A = arith.mulf %add3A_189, %concatenate3A : vector<400x256xf32>
    %dot_general3A_190 = arith.constant dense<0.000000e+00> : vector<8x256xf32>
    %dot_general3A_191 = tpu.matmul %get3A_127, %mul3A, %dot_general3A_190 {dimension_numbers = #tpu.dot_dimension_numbers<[1], [0], [0], [1], [0, 0, 1, 1], [], []>, transpose_lhs_hint = false} : vector<8x400xf32>, vector<400x256xf32>, vector<8x256xf32> -> vector<8x256xf32>
    %dot_general3A_192 = arith.constant dense<0.000000e+00> : vector<400x256xf32>
    %dot_general3A_193 = tpu.matmul %get3A_130, %dot_general3A_191, %dot_general3A_192 {dimension_numbers = #tpu.dot_dimension_numbers<[1], [0], [0], [1], [0, 0, 1, 1], [], []>, transpose_lhs_hint = false} : vector<400x8xf32>, vector<8x256xf32>, vector<400x256xf32> -> vector<400x256xf32>
    %mul3A_194 = arith.mulf %dot_general3A_193, %concatenate3A_20 : vector<400x256xf32>
    %exp3A = math.exp %mul3A_194 : vector<400x256xf32>
    %dot_general3A_195 = arith.constant dense<0.000000e+00> : vector<8x256xf32>
    %dot_general3A_196 = tpu.matmul %get3A_127, %exp3A, %dot_general3A_195 {dimension_numbers = #tpu.dot_dimension_numbers<[1], [0], [0], [1], [0, 0, 1, 1], [], []>, transpose_lhs_hint = false} : vector<8x400xf32>, vector<400x256xf32>, vector<8x256xf32> -> vector<8x256xf32>
    %div3A_197 = arith.constant 1.000000e+00 : f32
    %div3A_198 = vector.broadcast %div3A_197 : f32 to vector<8x256xf32>
    %div3A_199 = arith.divf %div3A_198, %dot_general3A_196 : vector<8x256xf32>
    %dot_general3A_200 = arith.constant dense<0.000000e+00> : vector<400x256xf32>
    %dot_general3A_201 = tpu.matmul %get3A_130, %div3A_199, %dot_general3A_200 {dimension_numbers = #tpu.dot_dimension_numbers<[1], [0], [0], [1], [0, 0, 1, 1], [], []>, transpose_lhs_hint = false} : vector<400x8xf32>, vector<8x256xf32>, vector<400x256xf32> -> vector<400x256xf32>
    %mul3A_202 = arith.mulf %exp3A, %dot_general3A_201 : vector<400x256xf32>
    %slice3A = vector.extract_strided_slice %mul3A_202 {offsets = [0, 0], sizes = [50, 256], strides = [1, 1]} : vector<400x256xf32> to vector<50x256xf32>
    %swap3A = arith.constant 0 : index
    %swap3A_203 = arith.constant 0 : index
    %swap3A_204 = arith.constant 0 : index
    %swap3A_205 = vector.load %arg18[%swap3A, %swap3A_203, %swap3A_204] : memref<8x50x256xf32, #tpu.memory_space<vmem>>, vector<1x50x256xf32>
    %swap3A_206 = vector.shape_cast %swap3A_205 : vector<1x50x256xf32> to vector<50x256xf32>
    %swap3A_207 = vector.shape_cast %slice3A : vector<50x256xf32> to vector<1x50x256xf32>
    tpu.vector_store %arg18[%swap3A, %swap3A_203, %swap3A_204], %swap3A_207 {strides = array<i32>} : memref<8x50x256xf32, #tpu.memory_space<vmem>>, vector<1x50x256xf32>,
    %slice3A_208 = vector.extract_strided_slice %mul3A_202 {offsets = [50, 0], sizes = [50, 256], strides = [1, 1]} : vector<400x256xf32> to vector<50x256xf32>
    %swap3A_209 = arith.constant 1 : index
    %swap3A_210 = arith.constant 0 : index
    %swap3A_211 = arith.constant 0 : index
    %swap3A_212 = vector.load %arg18[%swap3A_209, %swap3A_210, %swap3A_211] : memref<8x50x256xf32, #tpu.memory_space<vmem>>, vector<1x50x256xf32>
    %swap3A_213 = vector.shape_cast %swap3A_212 : vector<1x50x256xf32> to vector<50x256xf32>
    %swap3A_214 = vector.shape_cast %slice3A_208 : vector<50x256xf32> to vector<1x50x256xf32>
    tpu.vector_store %arg18[%swap3A_209, %swap3A_210, %swap3A_211], %swap3A_214 {strides = array<i32>} : memref<8x50x256xf32, #tpu.memory_space<vmem>>, vector<1x50x256xf32>,
    %slice3A_215 = vector.extract_strided_slice %mul3A_202 {offsets = [100, 0], sizes = [50, 256], strides = [1, 1]} : vector<400x256xf32> to vector<50x256xf32>
    %swap3A_216 = arith.constant 2 : index
    %swap3A_217 = arith.constant 0 : index
    %swap3A_218 = arith.constant 0 : index
    %swap3A_219 = vector.load %arg18[%swap3A_216, %swap3A_217, %swap3A_218] : memref<8x50x256xf32, #tpu.memory_space<vmem>>, vector<1x50x256xf32>
    %swap3A_220 = vector.shape_cast %swap3A_219 : vector<1x50x256xf32> to vector<50x256xf32>
    %swap3A_221 = vector.shape_cast %slice3A_215 : vector<50x256xf32> to vector<1x50x256xf32>
    tpu.vector_store %arg18[%swap3A_216, %swap3A_217, %swap3A_218], %swap3A_221 {strides = array<i32>} : memref<8x50x256xf32, #tpu.memory_space<vmem>>, vector<1x50x256xf32>,
    %slice3A_222 = vector.extract_strided_slice %mul3A_202 {offsets = [150, 0], sizes = [50, 256], strides = [1, 1]} : vector<400x256xf32> to vector<50x256xf32>
    %swap3A_223 = arith.constant 3 : index
    %swap3A_224 = arith.constant 0 : index
    %swap3A_225 = arith.constant 0 : index
    %swap3A_226 = vector.load %arg18[%swap3A_223, %swap3A_224, %swap3A_225] : memref<8x50x256xf32, #tpu.memory_space<vmem>>, vector<1x50x256xf32>
    %swap3A_227 = vector.shape_cast %swap3A_226 : vector<1x50x256xf32> to vector<50x256xf32>
    %swap3A_228 = vector.shape_cast %slice3A_222 : vector<50x256xf32> to vector<1x50x256xf32>
    tpu.vector_store %arg18[%swap3A_223, %swap3A_224, %swap3A_225], %swap3A_228 {strides = array<i32>} : memref<8x50x256xf32, #tpu.memory_space<vmem>>, vector<1x50x256xf32>,
    %slice3A_229 = vector.extract_strided_slice %mul3A_202 {offsets = [200, 0], sizes = [50, 256], strides = [1, 1]} : vector<400x256xf32> to vector<50x256xf32>
    %swap3A_230 = arith.constant 4 : index
    %swap3A_231 = arith.constant 0 : index
    %swap3A_232 = arith.constant 0 : index
    %swap3A_233 = vector.load %arg18[%swap3A_230, %swap3A_231, %swap3A_232] : memref<8x50x256xf32, #tpu.memory_space<vmem>>, vector<1x50x256xf32>
    %swap3A_234 = vector.shape_cast %swap3A_233 : vector<1x50x256xf32> to vector<50x256xf32>
    %swap3A_235 = vector.shape_cast %slice3A_229 : vector<50x256xf32> to vector<1x50x256xf32>
    tpu.vector_store %arg18[%swap3A_230, %swap3A_231, %swap3A_232], %swap3A_235 {strides = array<i32>} : memref<8x50x256xf32, #tpu.memory_space<vmem>>, vector<1x50x256xf32>,
    %slice3A_236 = vector.extract_strided_slice %mul3A_202 {offsets = [250, 0], sizes = [50, 256], strides = [1, 1]} : vector<400x256xf32> to vector<50x256xf32>
    %swap3A_237 = arith.constant 5 : index
    %swap3A_238 = arith.constant 0 : index
    %swap3A_239 = arith.constant 0 : index
    %swap3A_240 = vector.load %arg18[%swap3A_237, %swap3A_238, %swap3A_239] : memref<8x50x256xf32, #tpu.memory_space<vmem>>, vector<1x50x256xf32>
    %swap3A_241 = vector.shape_cast %swap3A_240 : vector<1x50x256xf32> to vector<50x256xf32>
    %swap3A_242 = vector.shape_cast %slice3A_236 : vector<50x256xf32> to vector<1x50x256xf32>
    tpu.vector_store %arg18[%swap3A_237, %swap3A_238, %swap3A_239], %swap3A_242 {strides = array<i32>} : memref<8x50x256xf32, #tpu.memory_space<vmem>>, vector<1x50x256xf32>,
    %slice3A_243 = vector.extract_strided_slice %mul3A_202 {offsets = [300, 0], sizes = [50, 256], strides = [1, 1]} : vector<400x256xf32> to vector<50x256xf32>
    %swap3A_244 = arith.constant 6 : index
    %swap3A_245 = arith.constant 0 : index
    %swap3A_246 = arith.constant 0 : index
    %swap3A_247 = vector.load %arg18[%swap3A_244, %swap3A_245, %swap3A_246] : memref<8x50x256xf32, #tpu.memory_space<vmem>>, vector<1x50x256xf32>
    %swap3A_248 = vector.shape_cast %swap3A_247 : vector<1x50x256xf32> to vector<50x256xf32>
    %swap3A_249 = vector.shape_cast %slice3A_243 : vector<50x256xf32> to vector<1x50x256xf32>
    tpu.vector_store %arg18[%swap3A_244, %swap3A_245, %swap3A_246], %swap3A_249 {strides = array<i32>} : memref<8x50x256xf32, #tpu.memory_space<vmem>>, vector<1x50x256xf32>,
    %slice3A_250 = vector.extract_strided_slice %mul3A_202 {offsets = [350, 0], sizes = [50, 256], strides = [1, 1]} : vector<400x256xf32> to vector<50x256xf32>
    %swap3A_251 = arith.constant 7 : index
    %swap3A_252 = arith.constant 0 : index
    %swap3A_253 = arith.constant 0 : index
    %swap3A_254 = vector.load %arg18[%swap3A_251, %swap3A_252, %swap3A_253] : memref<8x50x256xf32, #tpu.memory_space<vmem>>, vector<1x50x256xf32>
    %swap3A_255 = vector.shape_cast %swap3A_254 : vector<1x50x256xf32> to vector<50x256xf32>
    %swap3A_256 = vector.shape_cast %slice3A_250 : vector<50x256xf32> to vector<1x50x256xf32>
    tpu.vector_store %arg18[%swap3A_251, %swap3A_252, %swap3A_253], %swap3A_256 {strides = array<i32>} : memref<8x50x256xf32, #tpu.memory_space<vmem>>, vector<1x50x256xf32>,
    return
  }
  func.func @transform_0(%arg0: i32) -> (i32, i32) {
    %c0_i32 = arith.constant 0 : i32
    %c0_i32_0 = arith.constant 0 : i32
    return %arg0, %c0_i32 : i32, i32
  }
  func.func @transform_1(%arg0: i32) -> (i32, i32) {
    %c0_i32 = arith.constant 0 : i32
    %c0_i32_0 = arith.constant 0 : i32
    return %arg0, %c0_i32 : i32, i32
  }
  func.func @transform_2(%arg0: i32) -> (i32, i32) {
    %c0_i32 = arith.constant 0 : i32
    %c0_i32_0 = arith.constant 0 : i32
    return %arg0, %c0_i32 : i32, i32
  }
  func.func @transform_3(%arg0: i32) -> (i32, i32, i32) {
    %c0_i32 = arith.constant 0 : i32
    %c0_i32_0 = arith.constant 0 : i32
    %c0_i32_1 = arith.constant 0 : i32
    return %arg0, %c0_i32, %c0_i32_0 : i32, i32, i32
  }
  func.func @transform_4(%arg0: i32) -> (i32, i32) {
    %c0_i32 = arith.constant 0 : i32
    %c0_i32_0 = arith.constant 0 : i32
    return %arg0, %c0_i32 : i32, i32
  }
  func.func @transform_5(%arg0: i32) -> (i32, i32) {
    %c0_i32 = arith.constant 0 : i32
    %c0_i32_0 = arith.constant 0 : i32
    %c0_i32_1 = arith.constant 0 : i32
    return %c0_i32, %c0_i32_0 : i32, i32
  }
  func.func @transform_6(%arg0: i32) -> (i32, i32) {
    %c0_i32 = arith.constant 0 : i32
    %c0_i32_0 = arith.constant 0 : i32
    %c0_i32_1 = arith.constant 0 : i32
    return %c0_i32, %c0_i32_0 : i32, i32
  }
  func.func @transform_7(%arg0: i32) -> (i32, i32) {
    %c0_i32 = arith.constant 0 : i32
    %c0_i32_0 = arith.constant 0 : i32
    %c0_i32_1 = arith.constant 0 : i32
    return %c0_i32, %c0_i32_0 : i32, i32
  }
  func.func @transform_8(%arg0: i32) -> (i32, i32) {
    %c0_i32 = arith.constant 0 : i32
    %c0_i32_0 = arith.constant 0 : i32
    %c0_i32_1 = arith.constant 0 : i32
    return %c0_i32, %c0_i32_0 : i32, i32
  }
  func.func @transform_9(%arg0: i32) -> (i32, i32) {
    %c0_i32 = arith.constant 0 : i32
    %c0_i32_0 = arith.constant 0 : i32
    %c0_i32_1 = arith.constant 0 : i32
    return %c0_i32, %c0_i32_0 : i32, i32
  }
  func.func @transform_10(%arg0: i32) -> (i32, i32) {
    %c0_i32 = arith.constant 0 : i32
    %c0_i32_0 = arith.constant 0 : i32
    %c0_i32_1 = arith.constant 0 : i32
    return %c0_i32, %c0_i32_0 : i32, i32
  }
  func.func @transform_11(%arg0: i32) -> (i32, i32) {
    %c0_i32 = arith.constant 0 : i32
    %c0_i32_0 = arith.constant 0 : i32
    %c0_i32_1 = arith.constant 0 : i32
    return %c0_i32, %c0_i32_0 : i32, i32
  }
  func.func @transform_12(%arg0: i32) -> (i32, i32) {
    %c0_i32 = arith.constant 0 : i32
    %c0_i32_0 = arith.constant 0 : i32
    %c0_i32_1 = arith.constant 0 : i32
    return %c0_i32, %c0_i32_0 : i32, i32
  }
  func.func @transform_13(%arg0: i32) -> (i32, i32) {
    %c0_i32 = arith.constant 0 : i32
    %c0_i32_0 = arith.constant 0 : i32
    %c0_i32_1 = arith.constant 0 : i32
    return %c0_i32, %c0_i32_0 : i32, i32
  }
  func.func @transform_14(%arg0: i32) -> (i32, i32) {
    %c0_i32 = arith.constant 0 : i32
    %c0_i32_0 = arith.constant 0 : i32
    %c0_i32_1 = arith.constant 0 : i32
    return %c0_i32, %c0_i32_0 : i32, i32
  }
  func.func @transform_15(%arg0: i32) -> (i32, i32) {
    %c0_i32 = arith.constant 0 : i32
    %c0_i32_0 = arith.constant 0 : i32
    %c0_i32_1 = arith.constant 0 : i32
    return %c0_i32, %c0_i32_0 : i32, i32
  }
  func.func @transform_16(%arg0: i32) -> (i32, i32) {
    %c0_i32 = arith.constant 0 : i32
    %c0_i32_0 = arith.constant 0 : i32
    %c0_i32_1 = arith.constant 0 : i32
    return %c0_i32, %c0_i32_0 : i32, i32
  }
  func.func @transform_17(%arg0: i32) -> (i32, i32, i32) {
    %c0_i32 = arith.constant 0 : i32
    %c0_i32_0 = arith.constant 0 : i32
    %c0_i32_1 = arith.constant 0 : i32
    return %arg0, %c0_i32, %c0_i32_0 : i32, i32, i32
  }
}

</mosaic_0001>

<sc_bundles>
// kernel: kernel.11.cloned.1.call-start
scs
__scs_entry_jumppad:
0x0: {  	(pc) =	sbr.rel $0x88, $3  }
0x1: {  	(tag) =	ssettag $0x0;
	lr =	simm.s32 $0x1  }
0x2: {  	[smem:$0x3F8F] =	sst lr;
	_ =	strace $0xD0000000  }
0x3: {  	_ = 	snop  }
0x4: {  	_ = 	snop  }
0x5: {  	_ = 	snop  }
0x6: {  	_ = 	snop  }
0x7: {  	_ = 	snop  }
__scs_overlays_trampoline_lowered:
0x8: {  	[smem:$0x3F9E] =	sst s0  }
0x9: {  	[smem:$0x3F9F] =	sst s1  }
0xa: {  	[smem:$0x3FA0] =	sst s2  }
0xb: {  	[smem:$0x3FA1] =	sst s3  }
0xc: {  	[smem:$0x3FA2] =	sst s4  }
0xd: {  	[smem:$0x3FA3] =	sst s5  }
0xe: {  	[smem:$0x3FA4] =	sst s6  }
0xf: {  	[smem:$0x3FA5] =	sst s7  }
0x10: {  	[smem:$0x3FA6] =	sst s8  }
0x11: {  	[smem:$0x3FA7] =	sst s9;
	s0 =	simm.s32 @!p0 $0x0  }
0x12: {  	s1 =	sld [smem:$0x3F8D];
	s0 =	simm.s32 @p0 $0x1  }
0x13: {  	[smem:$0x3FA8] =	sst s0;
	s0 =	simm.s32 @!p1 $0x0  }
0x14: {  	s2 =	sld [smem:$0x3F8C];
	s0 =	simm.s32 @p1 $0x1  }
0x15: {  	[smem:$0x3FA9] =	sst s0;
	s0 =	simm.s32 @!p2 $0x0  }
0x16: {  	s3 =	sld [smem:$0x3FDB];
	s0 =	simm.s32 @p2 $0x1  }
0x17: {  	s4 =	simm.s32 $0x1BF5;
	[smem:$0x3FAB] =	sst s0  }
0x18: {  	s0 =	sld [smem:$0x3F8E];
	_ =	swait.ge [sflag:s4], $0x0  }
0x19: {  	s7 =	sld [smem:$0x3F8F]  }
0x1a: {  	s8 =	sadd.s32 $0xFFFFE003, lr  }
0x1b: {  	s9 =	sadd.s32 $0xFFFFFEF7, lr;
	s5 =	simm.s32 $0xFFFFFFFF;
	p2 =	slt.u32 s8, $0xFFFFF086  }
0x1c: {  	p1 =	slt.u32 s9, $0xF7A;
	s5 =	simm.s32 @!p2 $0x0  }
0x1d: {  	s5 =	simm.s32 @p1 $0x1;
	p0 =	seq.s32 s7, s2  }
0x1e: {  	s7 =	smul.u32 @!p0 $0xF7A, s2;
	p2 =	seq.s32 @!p0 s5, $0x0  }
0x1f: {  	s9 =	smul.u32 $0xF7A, s1;
	s8 =	simm.s32 @!p0 $0x1BF5;
	p2 =	por !p2, p0  }
0x20: {  	[sflag:s8] =	ssyncset.s32 @!p0 $0xFFFFF086;
	s6 =	sadd.s32 @!p0 s3, s7;
	s7 =	simm.s32 @!p0 $0x108  }
0x21: {  	s3 =	sadd.s32 s3, s9;
	s6 =	sadd.s32 @!p0 $0x88, s6;
	s7 =	simm.s32 @p2 $0x1082  }
0x22: {  	[simem:s7], [sflag:s8] =	dma.local @!p0 [hbm:s6], $0xF7A  }
0x23: {  	s9 =	sor.u32 $0xD0000000, s2;
	s6 =	simm.s32 $0x108;
	_ =	swait.ge @!p0 [sflag:s8], $0x0  }
0x24: {  	s3 =	sadd.s32 $0x88, s3;
	s6 =	simm.s32 @!p1 $0x1082;
	[sflag:s4] =	ssyncset.s32 $0xFFFFF086  }
0x25: {  	[simem:s6], [sflag:s4] =	dma.local [hbm:s3], $0xF7A  }
0x26: {  	[smem:$0x3F8F] =	sst s1;
	(tag) =	ssettag s2;
	_ =	strace s9  }
0x27: {  	s1 =	sld [smem:$0x3F9F]  }
0x28: {  	s2 =	sld [smem:$0x3FA0]  }
0x29: {  	s4 =	sld [smem:$0x3FA2]  }
0x2a: {  	p0 =	seq.s32 s5, $0x0;
	s5 =	sld [smem:$0x3FA3]  }
0x2b: {  	s6 =	sld [smem:$0x3FA4]  }
0x2c: {  	s7 =	sld [smem:$0x3FA5]  }
0x2d: {  	s3 =	simm.s32 $0x108;
	s8 =	sld [smem:$0x3FA6]  }
0x2e: {  	s3 =	simm.s32 @!p0 $0x1082;
	s9 =	sld [smem:$0x3FA7]  }
0x2f: {  	lr =	sadd.s32 s0, s3;
	s0 =	sld [smem:$0x3F9E]  }
0x30: {  	s3 =	sld [smem:$0x3FA1]  }
0x31: {  	[smem:$0x3FAA] =	sst s10  }
0x32: {  	s10 =	sld [smem:$0x3FA8];
	_ =	sdelay $0x3  }
0x33: {  	p0 =	seq.s32 s10, $0x1;
	s10 =	sld [smem:$0x3FAA];
	_ =	sdelay $0x3  }
0x34: {  	[smem:$0x3FAA] =	sst s10  }
0x35: {  	s10 =	sld [smem:$0x3FA9];
	_ =	sdelay $0x3  }
0x36: {  	p1 =	seq.s32 s10, $0x1;
	s10 =	sld [smem:$0x3FAA];
	_ =	sdelay $0x3  }
0x37: {  	[smem:$0x3FAA] =	sst s10  }
0x38: {  	s10 =	sld [smem:$0x3FAB]  }
0x39: {  	_ = 	snop;
	(pc) =	sbr.ind lr, $3  }
0x3a: {  	_ = 	snop  }
0x3b: {  	_ = 	snop  }
0x3c: {  	p2 =	seq.s32 s10, $0x1;
	s10 =	sld [smem:$0x3FAA]  }
0x3d: {  	_ =	shalt  }
0x3e: {  	_ =	shalt  }
0x3f: {  	_ =	shalt  }
0x40: {  	_ =	shalt  }
0x41: {  	_ =	shalt  }
0x42: {  	_ =	shalt  }
0x43: {  	_ =	shalt  }
0x44: {  	_ =	shalt  }
0x45: {  	_ =	shalt  }
0x46: {  	_ =	shalt  }
0x47: {  	_ =	shalt  }
0x48: {  	_ =	shalt  }
0x49: {  	_ =	shalt  }
0x4a: {  	_ =	shalt  }
0x4b: {  	_ =	shalt  }
0x4c: {  	_ =	shalt  }
0x4d: {  	_ =	shalt  }
0x4e: {  	_ =	shalt  }
0x4f: {  	_ =	shalt  }
0x50: {  	_ =	shalt  }
0x51: {  	_ =	shalt  }
0x52: {  	_ =	shalt  }
0x53: {  	_ =	shalt  }
0x54: {  	_ =	shalt  }
0x55: {  	_ =	shalt  }
0x56: {  	_ =	shalt  }
0x57: {  	_ =	shalt  }
0x58: {  	_ =	shalt  }
0x59: {  	_ =	shalt  }
0x5a: {  	_ =	shalt  }
0x5b: {  	_ =	shalt  }
0x5c: {  	_ =	shalt  }
0x5d: {  	_ =	shalt  }
0x5e: {  	_ =	shalt  }
0x5f: {  	_ =	shalt  }
0x60: {  	_ =	shalt  }
0x61: {  	_ =	shalt  }
0x62: {  	_ =	shalt  }
0x63: {  	_ =	shalt  }
0x64: {  	_ =	shalt  }
0x65: {  	_ =	shalt  }
0x66: {  	_ =	shalt  }
0x67: {  	_ =	shalt  }
0x68: {  	_ =	shalt  }
0x69: {  	_ =	shalt  }
0x6a: {  	_ =	shalt  }
0x6b: {  	_ =	shalt  }
0x6c: {  	_ =	shalt  }
0x6d: {  	_ =	shalt  }
0x6e: {  	_ =	shalt  }
0x6f: {  	_ =	shalt  }
0x70: {  	_ =	shalt  }
0x71: {  	_ =	shalt  }
0x72: {  	_ =	shalt  }
0x73: {  	_ =	shalt  }
0x74: {  	_ =	shalt  }
0x75: {  	_ =	shalt  }
0x76: {  	_ =	shalt  }
0x77: {  	_ =	shalt  }
0x78: {  	_ =	shalt  }
0x79: {  	_ =	shalt  }
0x7a: {  	_ =	shalt  }
0x7b: {  	_ =	shalt  }
0x7c: {  	_ =	shalt  }
0x7d: {  	_ =	shalt  }
0x7e: {  	_ =	shalt  }
0x7f: {  	_ =	shalt  }
0x80: {  	_ =	shalt  }
0x81: {  	_ =	shalt  }
0x82: {  	_ =	shalt  }
0x83: {  	_ =	shalt  }
0x84: {  	_ =	shalt  }
0x85: {  	_ =	shalt  }
0x86: {  	_ =	shalt  }
0x87: {  	_ =	shalt  }
.Lfunc_end0:
.L_simem_size_0:
called_computation.1_lowered:
.L_overlay_start_0:
0x88: {  	s2 =	sld [smem:$0x3FD9]  }
0x89: {  	s3 =	sld [smem:$0x3FFE];
	_ =	sdelay $0x1  }
0x8a: {  	s1 =	srdreg.scid  }
0x8b: {  	s0 =	sand.u32 $0x1, s1  }
0x8c: {  	s17 =	sshll.u32 s0, $0xA;
	s2 =	sadd.s32 s3, s2  }
0x8d: {  	s2 =	sadd.s32 s2, s17  }
0x8e: {  	[smem:$0x3FB6] =	sst s2  }
0x8f: {  	_ = 	snop  }
0x90: {  	s2 =	sld [smem:$0x3FD0];
	(tm) =	ssettm $0x1  }
0x91: {  	s18 =	sld [smem:$0x3FFB];
	_ =	sdelay $0x3  }
0x92: {  	_ =	strace s18  }
0x93: {  	s3 =	sld [smem:$0x3FFC];
	_ =	sdelay $0x3  }
0x94: {  	_ =	strace s3  }
0x95: {  	s3 =	sld [smem:$0x3FFD];
	_ =	sdelay $0x3  }
0x96: {  	_ =	strace s3  }
0x97: {  	_ =	strace $0x8FFFFFFF  }
0x98: {  	s19 =	sld [smem:$0x3FDB];
	_ =	sdelay $0x1  }
0x99: {  	s4 =	simm.s32 $_scs_section_size  }
0x9a: {  	s5 =	simm.s32 $_size__tile_overlayer_lowered;
	s6 =	simm.s32 $_tile_overlayer_lowered  }
0x9b: {  	s22 =	simm.s32 $0x1BFF;
	s21 =	sshll.u32 s6, $0x1;
	s3 =	sadd.s32 s4, s19  }
0x9c: {  	s7 =	simm.s32 $0x0;
	s20 =	sshll.u32 s5, $0x1;
	s5 =	sadd.s32 s21, s3  }
0x9d: {  	[timem:s7], [sflag:s22] =	dma.local [hbm:s5], s20  }
0x9e: {  	_ =	swait.ge [sflag:s22], s20  }
0x9f: {  	s4 =	ssub.s32 $0x0, s20;
	[sflag:s22] =	ssyncset.done $0x0  }
0xa0: {  	[sflag:s22] =	ssyncadd.s32 s4;
	_ =	sdelay $0x1  }
0xa1: {  	s23 =	simm.s32 $0x1B8B  }
0xa2: {  	_ =	swait.ge [sflag:s23], $0x1  }
0xa3: {  	[sflag:s23] =	ssyncset.done $0x0  }
0xa4: {  	s25 =	simm.s32 $0x1B8E;
	s24 =	sld [smem:$0x3FFE];
	[sflag:s23] =	ssyncadd.s32 $0xFFFFFFFF  }
0xa5: {  	s26 =	simm.s32 $execute0_lowered;
	[smem:$0x3FD2] =	sst s25  }
0xa6: {  	s5 =	sshll.u32 s26, $0x1;
	_ =	strace $0x80000049;
	[dreg:$0x1] =	wrdreg $0xFFFFFFFF  }
0xa7: {  	s28 =	simm.s32 $_size_execute0_lowered;
	s3 =	sadd.s32 s3, s5;
	[dreg:$0x0] =	wrdreg $0x0  }
0xa8: {  	s5 =	sshll.u32 s28, $0x1;
	[dreg:$0x2] =	wrdreg s3  }
0xa9: {  	[dreg:$0x3] =	wrdreg s5  }
0xaa: {  	[dreg:$0x4] =	wrdreg $0xC0  }
0xab: {  	_ =	task [dreg:s7], $0x5FFFF  }
0xac: {  	[dreg:$0x1] =	wrdreg $0xFFFFFFFF  }
0xad: {  	[dreg:$0x0] =	wrdreg $0x60  }
0xae: {  	[dreg:$0x2] =	wrdreg s24  }
0xaf: {  	[dreg:$0x3] =	wrdreg s2  }
0xb0: {  	[dreg:$0x4] =	wrdreg $0x0  }
0xb1: {  	[dreg:$0x5] =	wrdreg $0x9  }
0xb2: {  	_ =	task.clear_ibuf [dreg:s7], $0x6FFFF;
	_ =	strace $0x90000049  }
0xb3: {  	s29 =	simm.s32 $0x9;
	_ =	strace $0x8000004B  }
0xb4: {  	_ =	swait.ge [sflag:s29], $0x1  }
0xb5: {  	[sflag:s29] =	ssyncadd.s32 $0xFFFFFFFF  }
0xb6: {  	_ =	strace $0x9000004B  }
0xb7: {  	_ =	sfence  }
0xb8: {  	s30 =	sld [smem:$0x0];
	_ =	sdelay $0x2  }
0xb9: {  	s31 =	sshll.u32 s1, $0xD;
	s1 =	sshrl.u32 s1, $0x2  }
0xba: {  	s3 =	sand.u32 $0x4000, s31;
	s1 =	sadd.s32 s1, s30  }
0xbb: {  	s0 =	sor.u32 s3, s0;
	s1 =	sshll.u32 s1, $0x11  }
0xbc: {  	s0 =	sor.u32 s1, s0  }
0xbd: {  	s0 =	sadd.s32 $0x8F2B, s0  }
0xbe: {  	[sflag:s0] =	ssyncadd.remote.s32 $0x1  }
0xbf: {  	_ =	sfence.sel $0xFFFF  }
0xc0: {  	[dreg:$0x0] =	wrdreg $0xFFFFFFFF;
	(pc) =	sbr.abs _section_cstart, $3  }
0xc1: {  	[dreg:$0x1] =	wrdreg $0xFFFFFFFF  }
0xc2: {  	_ =	task.clear_ibuf [dreg:s7], $0x2FFFF;
	_ =	strace $0x9FFFFFFF  }
0xc3: {  	(tm) =	ssettm $0x7FFFFFFF  }
tec
execute0_lowered:
.L_overlay_start_1:
0x0: {  	(tag) =	ssettag $0x1  }
0x1: {  	s5 =	rddreg [dreg:$0x0]  }
0x2: {  	s11 =	rddreg [dreg:$0x1]  }
0x3: {  	s1 =	rddreg [dreg:$0x2];
	s2 =	simm.s32 $0x0  }
0x4: {  	s3 =	srdreg.scid;
	s17 =	simm.s32 $0x50;
	s18 =	simm.s32 $0x17C00  }
0x5: {  	s19 =	simm.s32 $0x1A400;
	s20 =	simm.s32 $0x1;
	s21 =	simm.s32 $0x2  }
0x6: {  	s22 =	simm.s32 $0x15B80;
	s23 =	simm.s32 $0x17B00;
	s26 =	simm.s32 $0x0  }
0x7: {  	[smem:$0x7FF] =	sst s2;
	s4 =	sadd.s32 $0xBE00, s5;
	s8 =	sand.u32 $0x1, s3  }
0x8: {  	s3 =	stileid.u32;
	s12 =	sadd.s32 $0x3E00, s5;
	_ =	strace $0x8000004A  }
0x9: {  	s6 =	sshll.u32 s8, $0xF;
	s7 =	ssub.s32 $0x2, s8;
	s9 =	smul.u32 $0x4F000, s3  }
0xa: {  	s31 =	sshll.u32 s3, $0x6;
	s15 =	sshll.u32 s3, $0xB;
	s16 =	smul.u32 $0x27800, s8  }
0xb: {  	s25 =	smul.u32 $0x2780, s3;
	s10 =	sadd.s32 s6, s5;
	s29 =	sshrl.u32 s7, $0x1  }
0xc: {  	s5 =	sadd.s32 $0x6A000, s5;
	s6 =	sor.u32 $0x1C03, s31;
	s13 =	ssub.s32 s7, s29  }
0xd: {  	s30 =	sshrl.u32 s9, $0x2;
	s7 =	sor.u32 $0x400, s15;
	s8 =	sadd.s32 $0x5A000, s10  }
0xe: {  	s9 =	sadd.s32 s12, s15;
	s24 =	sadd.s32 s11, s16;
	s16 =	simm.s32 $0x15C00  }
0xf: {  	s14 =	sadd.s32 s30, s1;
	s10 =	sadd.s32 s12, s7;
	s11 =	smax.u32 s13, $0x1  }
0x10: {  	s13 =	simm.s32 $0x3;
	s24 =	sadd.s32 s25, s24;
	s25 =	simm.s32 $0x17B80  }
0x11: {  	s12 =	sshrl.u32 s14, $0x3;
	s14 =	sadd.s32 s15, s8;
	s15 =	simm.s32 $0x13C00  }
.LBB2_1:
0x12: {  	[spmem:s12], [sflag:s6] =	dma.local [hbm:s5], $0x2780  }
0x13: {  	_ =	swait.ge [sflag:s13], $0x2780  }
0x14: {  	[sflag:s13] =	ssyncset.done $0x0  }
0x15: {  	[sflag:s13] =	ssyncadd.s32 $0xFFFFD880  }
0x16: {  	[bflag:$0x0] =	sbarrier.arrive $0xFFFF  }
0x17: {  	[tilespmem:s15], [sflag:$0x3] =	stream.linear.gather [hbm4b:s14+s2], $0x2000, $0x38;
	[tilespmem:$0x1CC00] =	vst v63  }
0x18: {  	_ =	swait.ge [sflag:s13], $0x2000  }
0x19: {  	[sflag:s13] =	ssyncset.done $0x0  }
0x1a: {  	[sflag:s13] =	ssyncadd.s32 $0xFFFFE000  }
0x1b: {  	[tilespmem:s16], [sflag:$0x3] =	stream.linear.gather [hbm4b:s9+s2], $0x2000, $0x38;
	[tilespmem:$0x1CC00] =	vst v63  }
0x1c: {  	_ =	swait.ge [sflag:s13], $0x2000  }
0x1d: {  	[sflag:s13] =	ssyncset.done $0x0  }
0x1e: {  	[sflag:s13] =	ssyncadd.s32 $0xFFFFE000  }
0x1f: {  	[tilespmem:s18], [sflag:$0x1] =	stream.indirect.gather [hbm4b:s4+s17], $0x80, s15, s17, $0xb8;
	[tilespmem:$0x1CC00] =	vst v63  }
0x20: {  	s28 =	simm.s32 $0x13C80  }
0x21: {  	[tilespmem:s19], [sflag:$0x2] =	stream.indirect.gather [hbm4b:s4+s17], $0x80, s28, s17, $0xb8;
	[tilespmem:$0x1CC00] =	vst v63  }
0x22: {  	_ =	swait.ge [sflag:s20], $0x2800  }
0x23: {  	[sflag:s20] =	ssyncset.done $0x0  }
0x24: {  	s28 =	simm.s32 $0x15C00;
	[sflag:s20] =	ssyncadd.s32 $0xFFFFD800  }
0x25: {  	[spmem:s1] =	stream.indirect.scatter.add.f32 [tilespmem:s18], [sflag:$0x3], $0x80, s28, s17, $0xb8;
	[tilespmem:$0x1CC00] =	vst v63  }
0x26: {  	_ =	swait.ge [sflag:s13], $0x2800  }
0x27: {  	[sflag:s13] =	ssyncset.done $0x0  }
0x28: {  	s28 =	simm.s32 $0x13D00;
	[sflag:s13] =	ssyncadd.s32 $0xFFFFD800  }
0x29: {  	[tilespmem:s18], [sflag:$0x1] =	stream.indirect.gather [hbm4b:s4+s17], $0x80, s28, s17, $0xb8;
	[tilespmem:$0x1CC00] =	vst v63  }
0x2a: {  	_ =	swait.ge [sflag:s21], $0x2800  }
0x2b: {  	[sflag:s21] =	ssyncset.done $0x0  }
0x2c: {  	s28 =	simm.s32 $0x15C80;
	[sflag:s21] =	ssyncadd.s32 $0xFFFFD800  }
0x2d: {  	[spmem:s1] =	stream.indirect.scatter.add.f32 [tilespmem:s19], [sflag:$0x3], $0x80, s28, s17, $0xb8;
	[tilespmem:$0x1CC00] =	vst v63  }
0x2e: {  	_ =	swait.ge [sflag:s13], $0x2800  }
0x2f: {  	s29 =	simm.s32 $0x800;
	s28 =	simm.s32 $0x100;
	[sflag:s13] =	ssyncset.done $0x0  }
.LBB2_2:
0x30: {  	s30 =	sadd.s32 $0x13C80, s28  }
0x31: {  	[sflag:s13] =	ssyncadd.s32 $0xFFFFD800;
	s31 =	smov.u32 s29;
	s0 =	sadd.s32 $0x400, s29  }
0x32: {  	[tilespmem:s19], [sflag:$0x2] =	stream.indirect.gather [hbm4b:s4+s17], $0x80, s30, s17, $0xb8;
	[tilespmem:$0x1CC00] =	vst v63  }
0x33: {  	p0 =	sne.s32 s29, $0x7800;
	_ =	swait.ge [sflag:s20], $0x2800  }
0x34: {  	[sflag:s20] =	ssyncset.done $0x0  }
0x35: {  	s29 =	sadd.s32 $0x15C00, s28;
	[sflag:s20] =	ssyncadd.s32 $0xFFFFD800  }
0x36: {  	[spmem:s1] =	stream.indirect.scatter.add.f32 [tilespmem:s18], [sflag:$0x3], $0x80, s29, s17, $0xb8;
	[tilespmem:$0x1CC00] =	vst v63  }
0x37: {  	_ =	swait.ge [sflag:s13], $0x2800  }
0x38: {  	[sflag:s13] =	ssyncset.done $0x0  }
0x39: {  	s29 =	sadd.s32 $0x13D00, s28;
	[sflag:s13] =	ssyncadd.s32 $0xFFFFD800  }
0x3a: {  	[tilespmem:s18], [sflag:$0x1] =	stream.indirect.gather [hbm4b:s4+s17], $0x80, s29, s17, $0xb8;
	[tilespmem:$0x1CC00] =	vst v63  }
0x3b: {  	_ =	swait.ge [sflag:s21], $0x2800  }
.Ltmp0:
0x3c: {  	[sflag:s21] =	ssyncset.done $0x0;
	(pc) =	sbr.rel @p0 .LBB2_2-.Ltmp0, $4  }
0x3d: {  	s28 =	sadd.s32 $0x15C80, s28;
	[sflag:s21] =	ssyncadd.s32 $0xFFFFD800  }
0x3e: {  	[spmem:s1] =	stream.indirect.scatter.add.f32 [tilespmem:s19], [sflag:$0x3], $0x80, s28, s17, $0xb8;
	[tilespmem:$0x1CC00] =	vst v63  }
0x3f: {  	_ =	swait.ge [sflag:s13], $0x2800  }
0x40: {  	s29 =	smov.u32 s0;
	s28 =	sshra.s32 s31, $0x2;
	[sflag:s13] =	ssyncset.done $0x0  }
0x41: {  	s0 =	sadd.s32 $0x13C80, s28;
	[sflag:s13] =	ssyncadd.s32 $0xFFFFD800  }
0x42: {  	[tilespmem:s19], [sflag:$0x2] =	stream.indirect.gather [hbm4b:s4+s17], $0x80, s0, s17, $0xb8;
	[tilespmem:$0x1CC00] =	vst v63  }
0x43: {  	_ =	swait.ge [sflag:s20], $0x2800  }
0x44: {  	[sflag:s20] =	ssyncset.done $0x0  }
0x45: {  	s30 =	sadd.s32 $0x15C00, s28;
	[sflag:s20] =	ssyncadd.s32 $0xFFFFD800  }
0x46: {  	[spmem:s1] =	stream.indirect.scatter.add.f32 [tilespmem:s18], [sflag:$0x3], $0x80, s30, s17, $0xb8;
	[tilespmem:$0x1CC00] =	vst v63  }
0x47: {  	_ =	swait.ge [sflag:s13], $0x2800  }
0x48: {  	[sflag:s13] =	ssyncset.done $0x0  }
0x49: {  	s31 =	sadd.s32 $0x13D00, s28;
	[sflag:s13] =	ssyncadd.s32 $0xFFFFD800  }
0x4a: {  	[tilespmem:s18], [sflag:$0x1] =	stream.indirect.gather [hbm4b:s4+s17], $0x80, s31, s17, $0xb8;
	[tilespmem:$0x1CC00] =	vst v63  }
0x4b: {  	_ =	swait.ge [sflag:s21], $0x2800  }
0x4c: {  	[sflag:s21] =	ssyncset.done $0x0  }
0x4d: {  	s30 =	sadd.s32 $0x15C80, s28;
	[sflag:s21] =	ssyncadd.s32 $0xFFFFD800  }
0x4e: {  	[spmem:s1] =	stream.indirect.scatter.add.f32 [tilespmem:s19], [sflag:$0x3], $0x80, s30, s17, $0xb8;
	[tilespmem:$0x1CC00] =	vst v63  }
0x4f: {  	_ =	swait.ge [sflag:s13], $0x2800  }
0x50: {  	[sflag:s13] =	ssyncset.done $0x0  }
0x51: {  	[sflag:s13] =	ssyncadd.s32 $0xFFFFD800  }
0x52: {  	[tilespmem:s19], [sflag:$0x2] =	stream.indirect.gather [hbm4b:s4+s17], $0x80, s22, s17, $0xb8;
	[tilespmem:$0x1CC00] =	vst v63  }
0x53: {  	_ =	swait.ge [sflag:s20], $0x2800  }
0x54: {  	[sflag:s20] =	ssyncset.done $0x0  }
0x55: {  	[sflag:s20] =	ssyncadd.s32 $0xFFFFD800  }
0x56: {  	[spmem:s1] =	stream.indirect.scatter.add.f32 [tilespmem:s18], [sflag:$0x3], $0x80, s23, s17, $0xb8;
	[tilespmem:$0x1CC00] =	vst v63  }
0x57: {  	_ =	swait.ge [sflag:s13], $0x2800  }
0x58: {  	[sflag:s13] =	ssyncset.done $0x0  }
0x59: {  	[sflag:s13] =	ssyncadd.s32 $0xFFFFD800  }
0x5a: {  	_ =	swait.ge [sflag:s21], $0x2800  }
0x5b: {  	[sflag:s21] =	ssyncset.done $0x0  }
0x5c: {  	[sflag:s21] =	ssyncadd.s32 $0xFFFFD800  }
0x5d: {  	[spmem:s1] =	stream.indirect.scatter.add.f32 [tilespmem:s19], [sflag:$0x3], $0x80, s25, s17, $0xb8;
	[tilespmem:$0x1CC00] =	vst v63  }
0x5e: {  	_ =	swait.ge [sflag:s13], $0x2800  }
0x5f: {  	[sflag:s13] =	ssyncset.done $0x0  }
0x60: {  	s28 =	simm.s32 $0x0;
	s31 =	sadd.s32 s7, s8;
	[sflag:s13] =	ssyncadd.s32 $0xFFFFD800  }
0x61: {  	[tilespmem:s15], [sflag:$0x3] =	stream.linear.gather [hbm4b:s31+s28], $0x2000, $0x38;
	[tilespmem:$0x1CC00] =	vst v63  }
0x62: {  	_ =	swait.ge [sflag:s13], $0x2000  }
0x63: {  	[sflag:s13] =	ssyncset.done $0x0  }
0x64: {  	[sflag:s13] =	ssyncadd.s32 $0xFFFFE000  }
0x65: {  	[tilespmem:s16], [sflag:$0x3] =	stream.linear.gather [hbm4b:s10+s28], $0x2000, $0x38;
	[tilespmem:$0x1CC00] =	vst v63  }
0x66: {  	_ =	swait.ge [sflag:s13], $0x2000  }
0x67: {  	[sflag:s13] =	ssyncset.done $0x0  }
0x68: {  	[sflag:s13] =	ssyncadd.s32 $0xFFFFE000  }
0x69: {  	[tilespmem:s18], [sflag:$0x1] =	stream.indirect.gather [hbm4b:s4+s17], $0x80, s15, s17, $0xb8;
	[tilespmem:$0x1CC00] =	vst v63  }
0x6a: {  	s30 =	simm.s32 $0x13C80  }
0x6b: {  	[tilespmem:s19], [sflag:$0x2] =	stream.indirect.gather [hbm4b:s4+s17], $0x80, s30, s17, $0xb8;
	[tilespmem:$0x1CC00] =	vst v63  }
0x6c: {  	_ =	swait.ge [sflag:s20], $0x2800  }
0x6d: {  	[sflag:s20] =	ssyncset.done $0x0  }
0x6e: {  	s31 =	simm.s32 $0x15C00;
	[sflag:s20] =	ssyncadd.s32 $0xFFFFD800  }
0x6f: {  	[spmem:s1] =	stream.indirect.scatter.add.f32 [tilespmem:s18], [sflag:$0x3], $0x80, s31, s17, $0xb8;
	[tilespmem:$0x1CC00] =	vst v63  }
0x70: {  	_ =	swait.ge [sflag:s13], $0x2800  }
0x71: {  	[sflag:s13] =	ssyncset.done $0x0  }
0x72: {  	s30 =	simm.s32 $0x13D00;
	[sflag:s13] =	ssyncadd.s32 $0xFFFFD800  }
0x73: {  	[tilespmem:s18], [sflag:$0x1] =	stream.indirect.gather [hbm4b:s4+s17], $0x80, s30, s17, $0xb8;
	[tilespmem:$0x1CC00] =	vst v63  }
0x74: {  	_ =	swait.ge [sflag:s21], $0x2800  }
0x75: {  	[sflag:s21] =	ssyncset.done $0x0  }
0x76: {  	s31 =	simm.s32 $0x15C80;
	[sflag:s21] =	ssyncadd.s32 $0xFFFFD800  }
0x77: {  	[spmem:s1] =	stream.indirect.scatter.add.f32 [tilespmem:s19], [sflag:$0x3], $0x80, s31, s17, $0xb8;
	[tilespmem:$0x1CC00] =	vst v63  }
0x78: {  	_ =	swait.ge [sflag:s13], $0x2800  }
0x79: {  	s29 =	simm.s32 $0x800;
	s28 =	simm.s32 $0x100;
	[sflag:s13] =	ssyncset.done $0x0  }
.LBB2_4:
0x7a: {  	s0 =	sadd.s32 $0x13C80, s28  }
0x7b: {  	[sflag:s13] =	ssyncadd.s32 $0xFFFFD800;
	s30 =	smov.u32 s29;
	s31 =	sadd.s32 $0x400, s29  }
0x7c: {  	[tilespmem:s19], [sflag:$0x2] =	stream.indirect.gather [hbm4b:s4+s17], $0x80, s0, s17, $0xb8;
	[tilespmem:$0x1CC00] =	vst v63  }
0x7d: {  	p0 =	sne.s32 s29, $0x7800;
	_ =	swait.ge [sflag:s20], $0x2800  }
0x7e: {  	[sflag:s20] =	ssyncset.done $0x0  }
0x7f: {  	s0 =	sadd.s32 $0x15C00, s28;
	[sflag:s20] =	ssyncadd.s32 $0xFFFFD800  }
0x80: {  	[spmem:s1] =	stream.indirect.scatter.add.f32 [tilespmem:s18], [sflag:$0x3], $0x80, s0, s17, $0xb8;
	[tilespmem:$0x1CC00] =	vst v63  }
0x81: {  	_ =	swait.ge [sflag:s13], $0x2800  }
0x82: {  	[sflag:s13] =	ssyncset.done $0x0  }
0x83: {  	s0 =	sadd.s32 $0x13D00, s28;
	[sflag:s13] =	ssyncadd.s32 $0xFFFFD800  }
0x84: {  	[tilespmem:s18], [sflag:$0x1] =	stream.indirect.gather [hbm4b:s4+s17], $0x80, s0, s17, $0xb8;
	[tilespmem:$0x1CC00] =	vst v63  }
0x85: {  	_ =	swait.ge [sflag:s21], $0x2800  }
.Ltmp1:
0x86: {  	[sflag:s21] =	ssyncset.done $0x0;
	(pc) =	sbr.rel @p0 .LBB2_4-.Ltmp1, $4  }
0x87: {  	s0 =	sadd.s32 $0x15C80, s28;
	[sflag:s21] =	ssyncadd.s32 $0xFFFFD800  }
0x88: {  	[spmem:s1] =	stream.indirect.scatter.add.f32 [tilespmem:s19], [sflag:$0x3], $0x80, s0, s17, $0xb8;
	[tilespmem:$0x1CC00] =	vst v63  }
0x89: {  	_ =	swait.ge [sflag:s13], $0x2800  }
0x8a: {  	s29 =	smov.u32 s31;
	s28 =	sshra.s32 s30, $0x2;
	[sflag:s13] =	ssyncset.done $0x0  }
0x8b: {  	s0 =	sadd.s32 $0x13C80, s28;
	[sflag:s13] =	ssyncadd.s32 $0xFFFFD800  }
0x8c: {  	[tilespmem:s19], [sflag:$0x2] =	stream.indirect.gather [hbm4b:s4+s17], $0x80, s0, s17, $0xb8;
	[tilespmem:$0x1CC00] =	vst v63  }
0x8d: {  	_ =	swait.ge [sflag:s20], $0x2800  }
0x8e: {  	[sflag:s20] =	ssyncset.done $0x0  }
0x8f: {  	s29 =	sadd.s32 $0x15C00, s28;
	[sflag:s20] =	ssyncadd.s32 $0xFFFFD800  }
0x90: {  	[spmem:s1] =	stream.indirect.scatter.add.f32 [tilespmem:s18], [sflag:$0x3], $0x80, s29, s17, $0xb8;
	[tilespmem:$0x1CC00] =	vst v63  }
0x91: {  	_ =	swait.ge [sflag:s13], $0x2800  }
0x92: {  	[sflag:s13] =	ssyncset.done $0x0  }
0x93: {  	s30 =	sadd.s32 $0x13D00, s28;
	[sflag:s13] =	ssyncadd.s32 $0xFFFFD800  }
0x94: {  	[tilespmem:s18], [sflag:$0x1] =	stream.indirect.gather [hbm4b:s4+s17], $0x80, s30, s17, $0xb8;
	[tilespmem:$0x1CC00] =	vst v63  }
0x95: {  	_ =	swait.ge [sflag:s21], $0x2800  }
0x96: {  	[sflag:s21] =	ssyncset.done $0x0  }
0x97: {  	s31 =	sadd.s32 $0x15C80, s28;
	[sflag:s21] =	ssyncadd.s32 $0xFFFFD800  }
0x98: {  	[spmem:s1] =	stream.indirect.scatter.add.f32 [tilespmem:s19], [sflag:$0x3], $0x80, s31, s17, $0xb8;
	[tilespmem:$0x1CC00] =	vst v63  }
0x99: {  	_ =	swait.ge [sflag:s13], $0x2800  }
0x9a: {  	[sflag:s13] =	ssyncset.done $0x0  }
0x9b: {  	[sflag:s13] =	ssyncadd.s32 $0xFFFFD800  }
0x9c: {  	[tilespmem:s19], [sflag:$0x2] =	stream.indirect.gather [hbm4b:s4+s17], $0x80, s22, s17, $0xb8;
	[tilespmem:$0x1CC00] =	vst v63  }
0x9d: {  	_ =	swait.ge [sflag:s20], $0x2800  }
0x9e: {  	[sflag:s20] =	ssyncset.done $0x0  }
0x9f: {  	[sflag:s20] =	ssyncadd.s32 $0xFFFFD800  }
0xa0: {  	[spmem:s1] =	stream.indirect.scatter.add.f32 [tilespmem:s18], [sflag:$0x3], $0x80, s23, s17, $0xb8;
	[tilespmem:$0x1CC00] =	vst v63  }
0xa1: {  	_ =	swait.ge [sflag:s13], $0x2800  }
0xa2: {  	[sflag:s13] =	ssyncset.done $0x0  }
0xa3: {  	[sflag:s13] =	ssyncadd.s32 $0xFFFFD800  }
0xa4: {  	_ =	swait.ge [sflag:s21], $0x2800  }
0xa5: {  	[sflag:s21] =	ssyncset.done $0x0  }
0xa6: {  	[sflag:s21] =	ssyncadd.s32 $0xFFFFD800  }
0xa7: {  	[spmem:s1] =	stream.indirect.scatter.add.f32 [tilespmem:s19], [sflag:$0x3], $0x80, s25, s17, $0xb8;
	[tilespmem:$0x1CC00] =	vst v63  }
0xa8: {  	_ =	swait.ge [sflag:s13], $0x2800  }
0xa9: {  	s26 =	sadd.s32 $0x1, s26;
	[sflag:s13] =	ssyncset.done $0x0  }
0xaa: {  	p0 =	sne.s32 s26, s11;
	[sflag:s13] =	ssyncadd.s32 $0xFFFFD800  }
.Ltmp2:
0xab: {  	[bflag:$0x0] =	sbarrier.arrive $0xFFFF;
	(pc) =	sbr.rel @p0 .LBB2_1-.Ltmp2, $4  }
0xac: {  	[hbm:s24], [sflag:s6] =	dma.local [spmem:s12], $0x2780  }
0xad: {  	_ =	swait.ge [sflag:s13], $0x2780  }
0xae: {  	[sflag:s13] =	ssyncset.done $0x0  }
0xaf: {  	[sflag:s13] =	ssyncadd.s32 $0xFFFFD880  }
0xb0: {  	_ =	sfence.sel $0x180000  }
0xb1: {  	[bflag:$0x0] =	sbarrier.arrive $0xFFFF  }
0xb2: {  	_ =	strace $0x9000004A  }
0xb3: {  	[bflag:$0x2] =	sbarrier.arrive $0xFFFF  }
0xb4: {  	p0 =	sne.s32 s3, $0x0;
	s0 =	rddreg [dreg:$0x3]  }
0xb5: {  	s0 =	sadd.s32 @!p0 $0x100000, s0  }
0xb6: {  	[sflag:s0] =	ssyncadd.tile.s32 @!p0 $0x1;
	_ =	shalt  }
.Lfunc_end2:
_tile_overlayer_lowered:
.L_overlay_start_2:
0xb7: {  	(tag) =	ssettag $0x2  }
0xb8: {  	s0 =	rddreg [dreg:$0x0];
	s2 =	stileid.u32  }
0xb9: {  	s1 =	rddreg [dreg:$0x1];
	p0 =	sne.s32 s2, $0x0  }
0xba: {  	s3 =	rddreg [dreg:$0x2];
	[bflag:$0x3] =	sbarrier.arrive $0xFFFF;
	s2 =	simm.s32 @!p0 $0x1C03  }
0xbb: {  	[timem:s3], [sflag:s2] =	dma.local @!p0 [hbm:s0], s1  }
0xbc: {  	s0 =	simm.s32 @!p0 $0x3  }
0xbd: {  	_ =	swait.ge @!p0 [sflag:s0], s1  }
0xbe: {  	s1 =	ssub.s32 @!p0 $0x0, s1;
	[sflag:s0] =	ssyncset.done @!p0 $0x0  }
0xbf: {  	[sflag:s0] =	ssyncadd.s32 @!p0 s1  }
0xc0: {  	[bflag:$0x3] =	sbarrier.arrive $0xFFFF  }
0xc1: {  	_ =	shalt  }

// kernel: kernel.14.cloned.1.call-start
scs
__scs_entry_jumppad:
0x0: {  	(pc) =	sbr.rel $0x88, $3  }
0x1: {  	(tag) =	ssettag $0x0;
	lr =	simm.s32 $0x1  }
0x2: {  	[smem:$0x3F8F] =	sst lr;
	_ =	strace $0xD0000000  }
0x3: {  	_ = 	snop  }
0x4: {  	_ = 	snop  }
0x5: {  	_ = 	snop  }
0x6: {  	_ = 	snop  }
0x7: {  	_ = 	snop  }
__scs_overlays_trampoline_lowered:
0x8: {  	[smem:$0x3F9E] =	sst s0  }
0x9: {  	[smem:$0x3F9F] =	sst s1  }
0xa: {  	[smem:$0x3FA0] =	sst s2  }
0xb: {  	[smem:$0x3FA1] =	sst s3  }
0xc: {  	[smem:$0x3FA2] =	sst s4  }
0xd: {  	[smem:$0x3FA3] =	sst s5  }
0xe: {  	[smem:$0x3FA4] =	sst s6  }
0xf: {  	[smem:$0x3FA5] =	sst s7  }
0x10: {  	[smem:$0x3FA6] =	sst s8  }
0x11: {  	[smem:$0x3FA7] =	sst s9;
	s0 =	simm.s32 @!p0 $0x0  }
0x12: {  	s1 =	sld [smem:$0x3F8D];
	s0 =	simm.s32 @p0 $0x1  }
0x13: {  	[smem:$0x3FA8] =	sst s0;
	s0 =	simm.s32 @!p1 $0x0  }
0x14: {  	s2 =	sld [smem:$0x3F8C];
	s0 =	simm.s32 @p1 $0x1  }
0x15: {  	[smem:$0x3FA9] =	sst s0;
	s0 =	simm.s32 @!p2 $0x0  }
0x16: {  	s3 =	sld [smem:$0x3FDB];
	s0 =	simm.s32 @p2 $0x1  }
0x17: {  	s4 =	simm.s32 $0x1BF5;
	[smem:$0x3FAB] =	sst s0  }
0x18: {  	s0 =	sld [smem:$0x3F8E];
	_ =	swait.ge [sflag:s4], $0x0  }
0x19: {  	s7 =	sld [smem:$0x3F8F]  }
0x1a: {  	s8 =	sadd.s32 $0xFFFFE003, lr  }
0x1b: {  	s9 =	sadd.s32 $0xFFFFFEF7, lr;
	s5 =	simm.s32 $0xFFFFFFFF;
	p2 =	slt.u32 s8, $0xFFFFF086  }
0x1c: {  	p1 =	slt.u32 s9, $0xF7A;
	s5 =	simm.s32 @!p2 $0x0  }
0x1d: {  	s5 =	simm.s32 @p1 $0x1;
	p0 =	seq.s32 s7, s2  }
0x1e: {  	s7 =	smul.u32 @!p0 $0xF7A, s2;
	p2 =	seq.s32 @!p0 s5, $0x0  }
0x1f: {  	s9 =	smul.u32 $0xF7A, s1;
	s8 =	simm.s32 @!p0 $0x1BF5;
	p2 =	por !p2, p0  }
0x20: {  	[sflag:s8] =	ssyncset.s32 @!p0 $0xFFFFF086;
	s6 =	sadd.s32 @!p0 s3, s7;
	s7 =	simm.s32 @!p0 $0x108  }
0x21: {  	s3 =	sadd.s32 s3, s9;
	s6 =	sadd.s32 @!p0 $0x88, s6;
	s7 =	simm.s32 @p2 $0x1082  }
0x22: {  	[simem:s7], [sflag:s8] =	dma.local @!p0 [hbm:s6], $0xF7A  }
0x23: {  	s9 =	sor.u32 $0xD0000000, s2;
	s6 =	simm.s32 $0x108;
	_ =	swait.ge @!p0 [sflag:s8], $0x0  }
0x24: {  	s3 =	sadd.s32 $0x88, s3;
	s6 =	simm.s32 @!p1 $0x1082;
	[sflag:s4] =	ssyncset.s32 $0xFFFFF086  }
0x25: {  	[simem:s6], [sflag:s4] =	dma.local [hbm:s3], $0xF7A  }
0x26: {  	[smem:$0x3F8F] =	sst s1;
	(tag) =	ssettag s2;
	_ =	strace s9  }
0x27: {  	s1 =	sld [smem:$0x3F9F]  }
0x28: {  	s2 =	sld [smem:$0x3FA0]  }
0x29: {  	s4 =	sld [smem:$0x3FA2]  }
0x2a: {  	p0 =	seq.s32 s5, $0x0;
	s5 =	sld [smem:$0x3FA3]  }
0x2b: {  	s6 =	sld [smem:$0x3FA4]  }
0x2c: {  	s7 =	sld [smem:$0x3FA5]  }
0x2d: {  	s3 =	simm.s32 $0x108;
	s8 =	sld [smem:$0x3FA6]  }
0x2e: {  	s3 =	simm.s32 @!p0 $0x1082;
	s9 =	sld [smem:$0x3FA7]  }
0x2f: {  	lr =	sadd.s32 s0, s3;
	s0 =	sld [smem:$0x3F9E]  }
0x30: {  	s3 =	sld [smem:$0x3FA1]  }
0x31: {  	[smem:$0x3FAA] =	sst s10  }
0x32: {  	s10 =	sld [smem:$0x3FA8];
	_ =	sdelay $0x3  }
0x33: {  	p0 =	seq.s32 s10, $0x1;
	s10 =	sld [smem:$0x3FAA];
	_ =	sdelay $0x3  }
0x34: {  	[smem:$0x3FAA] =	sst s10  }
0x35: {  	s10 =	sld [smem:$0x3FA9];
	_ =	sdelay $0x3  }
0x36: {  	p1 =	seq.s32 s10, $0x1;
	s10 =	sld [smem:$0x3FAA];
	_ =	sdelay $0x3  }
0x37: {  	[smem:$0x3FAA] =	sst s10  }
0x38: {  	s10 =	sld [smem:$0x3FAB]  }
0x39: {  	_ = 	snop;
	(pc) =	sbr.ind lr, $3  }
0x3a: {  	_ = 	snop  }
0x3b: {  	_ = 	snop  }
0x3c: {  	p2 =	seq.s32 s10, $0x1;
	s10 =	sld [smem:$0x3FAA]  }
0x3d: {  	_ =	shalt  }
0x3e: {  	_ =	shalt  }
0x3f: {  	_ =	shalt  }
0x40: {  	_ =	shalt  }
0x41: {  	_ =	shalt  }
0x42: {  	_ =	shalt  }
0x43: {  	_ =	shalt  }
0x44: {  	_ =	shalt  }
0x45: {  	_ =	shalt  }
0x46: {  	_ =	shalt  }
0x47: {  	_ =	shalt  }
0x48: {  	_ =	shalt  }
0x49: {  	_ =	shalt  }
0x4a: {  	_ =	shalt  }
0x4b: {  	_ =	shalt  }
0x4c: {  	_ =	shalt  }
0x4d: {  	_ =	shalt  }
0x4e: {  	_ =	shalt  }
0x4f: {  	_ =	shalt  }
0x50: {  	_ =	shalt  }
0x51: {  	_ =	shalt  }
0x52: {  	_ =	shalt  }
0x53: {  	_ =	shalt  }
0x54: {  	_ =	shalt  }
0x55: {  	_ =	shalt  }
0x56: {  	_ =	shalt  }
0x57: {  	_ =	shalt  }
0x58: {  	_ =	shalt  }
0x59: {  	_ =	shalt  }
0x5a: {  	_ =	shalt  }
0x5b: {  	_ =	shalt  }
0x5c: {  	_ =	shalt  }
0x5d: {  	_ =	shalt  }
0x5e: {  	_ =	shalt  }
0x5f: {  	_ =	shalt  }
0x60: {  	_ =	shalt  }
0x61: {  	_ =	shalt  }
0x62: {  	_ =	shalt  }
0x63: {  	_ =	shalt  }
0x64: {  	_ =	shalt  }
0x65: {  	_ =	shalt  }
0x66: {  	_ =	shalt  }
0x67: {  	_ =	shalt  }
0x68: {  	_ =	shalt  }
0x69: {  	_ =	shalt  }
0x6a: {  	_ =	shalt  }
0x6b: {  	_ =	shalt  }
0x6c: {  	_ =	shalt  }
0x6d: {  	_ =	shalt  }
0x6e: {  	_ =	shalt  }
0x6f: {  	_ =	shalt  }
0x70: {  	_ =	shalt  }
0x71: {  	_ =	shalt  }
0x72: {  	_ =	shalt  }
0x73: {  	_ =	shalt  }
0x74: {  	_ =	shalt  }
0x75: {  	_ =	shalt  }
0x76: {  	_ =	shalt  }
0x77: {  	_ =	shalt  }
0x78: {  	_ =	shalt  }
0x79: {  	_ =	shalt  }
0x7a: {  	_ =	shalt  }
0x7b: {  	_ =	shalt  }
0x7c: {  	_ =	shalt  }
0x7d: {  	_ =	shalt  }
0x7e: {  	_ =	shalt  }
0x7f: {  	_ =	shalt  }
0x80: {  	_ =	shalt  }
0x81: {  	_ =	shalt  }
0x82: {  	_ =	shalt  }
0x83: {  	_ =	shalt  }
0x84: {  	_ =	shalt  }
0x85: {  	_ =	shalt  }
0x86: {  	_ =	shalt  }
0x87: {  	_ =	shalt  }
.Lfunc_end0:
.L_simem_size_0:
called_computation.2_lowered:
.L_overlay_start_0:
0x88: {  	s2 =	sld [smem:$0x3FD9]  }
0x89: {  	s3 =	sld [smem:$0x3FFE];
	_ =	sdelay $0x1  }
0x8a: {  	s1 =	srdreg.scid  }
0x8b: {  	s0 =	sand.u32 $0x1, s1  }
0x8c: {  	s17 =	sshll.u32 s0, $0xA;
	s2 =	sadd.s32 s3, s2  }
0x8d: {  	s2 =	sadd.s32 s2, s17  }
0x8e: {  	[smem:$0x3FB6] =	sst s2  }
0x8f: {  	_ = 	snop  }
0x90: {  	s2 =	sld [smem:$0x3FD0];
	(tm) =	ssettm $0x1  }
0x91: {  	s18 =	sld [smem:$0x3FFB];
	_ =	sdelay $0x3  }
0x92: {  	_ =	strace s18  }
0x93: {  	s3 =	sld [smem:$0x3FFC];
	_ =	sdelay $0x3  }
0x94: {  	_ =	strace s3  }
0x95: {  	s3 =	sld [smem:$0x3FFD];
	_ =	sdelay $0x3  }
0x96: {  	_ =	strace s3  }
0x97: {  	_ =	strace $0x8FFFFFFF  }
0x98: {  	s19 =	sld [smem:$0x3FDB];
	_ =	sdelay $0x1  }
0x99: {  	s4 =	simm.s32 $_scs_section_size  }
0x9a: {  	s5 =	simm.s32 $_size__tile_overlayer_lowered;
	s6 =	simm.s32 $_tile_overlayer_lowered  }
0x9b: {  	s22 =	simm.s32 $0x1BFF;
	s21 =	sshll.u32 s6, $0x1;
	s3 =	sadd.s32 s4, s19  }
0x9c: {  	s7 =	simm.s32 $0x0;
	s20 =	sshll.u32 s5, $0x1;
	s5 =	sadd.s32 s21, s3  }
0x9d: {  	[timem:s7], [sflag:s22] =	dma.local [hbm:s5], s20  }
0x9e: {  	_ =	swait.ge [sflag:s22], s20  }
0x9f: {  	s4 =	ssub.s32 $0x0, s20;
	[sflag:s22] =	ssyncset.done $0x0  }
0xa0: {  	[sflag:s22] =	ssyncadd.s32 s4;
	_ =	sdelay $0x1  }
0xa1: {  	s23 =	simm.s32 $0x1B8B  }
0xa2: {  	_ =	swait.ge [sflag:s23], $0x1  }
0xa3: {  	[sflag:s23] =	ssyncset.done $0x0  }
0xa4: {  	s25 =	simm.s32 $0x1B8E;
	s24 =	sld [smem:$0x3FFE];
	[sflag:s23] =	ssyncadd.s32 $0xFFFFFFFF  }
0xa5: {  	s26 =	simm.s32 $execute0_lowered;
	[smem:$0x3FD2] =	sst s25  }
0xa6: {  	s5 =	sshll.u32 s26, $0x1;
	_ =	strace $0x8000004C;
	[dreg:$0x1] =	wrdreg $0xFFFFFFFF  }
0xa7: {  	s28 =	simm.s32 $_size_execute0_lowered;
	s3 =	sadd.s32 s3, s5;
	[dreg:$0x0] =	wrdreg $0x0  }
0xa8: {  	s5 =	sshll.u32 s28, $0x1;
	[dreg:$0x2] =	wrdreg s3  }
0xa9: {  	[dreg:$0x3] =	wrdreg s5  }
0xaa: {  	[dreg:$0x4] =	wrdreg $0xC0  }
0xab: {  	_ =	task [dreg:s7], $0x5FFFF  }
0xac: {  	[dreg:$0x1] =	wrdreg $0xFFFFFFFF  }
0xad: {  	[dreg:$0x0] =	wrdreg $0x60  }
0xae: {  	[dreg:$0x2] =	wrdreg s24  }
0xaf: {  	[dreg:$0x3] =	wrdreg s2  }
0xb0: {  	[dreg:$0x4] =	wrdreg $0x9  }
0xb1: {  	_ =	task.clear_ibuf [dreg:s7], $0x5FFFF;
	_ =	strace $0x9000004C  }
0xb2: {  	s29 =	simm.s32 $0x9;
	_ =	strace $0x8000004E  }
0xb3: {  	_ =	swait.ge [sflag:s29], $0x1  }
0xb4: {  	[sflag:s29] =	ssyncadd.s32 $0xFFFFFFFF  }
0xb5: {  	_ =	strace $0x9000004E  }
0xb6: {  	_ =	sfence  }
0xb7: {  	s30 =	sld [smem:$0x0];
	_ =	sdelay $0x2  }
0xb8: {  	s31 =	sshll.u32 s1, $0xD;
	s1 =	sshrl.u32 s1, $0x2  }
0xb9: {  	s3 =	sand.u32 $0x4000, s31;
	s1 =	sadd.s32 s1, s30  }
0xba: {  	s0 =	sor.u32 s3, s0;
	s1 =	sshll.u32 s1, $0x11  }
0xbb: {  	s0 =	sor.u32 s1, s0  }
0xbc: {  	s0 =	sadd.s32 $0x8F2B, s0  }
0xbd: {  	[sflag:s0] =	ssyncadd.remote.s32 $0x1  }
0xbe: {  	_ =	sfence.sel $0xFFFF  }
0xbf: {  	[dreg:$0x0] =	wrdreg $0xFFFFFFFF;
	(pc) =	sbr.abs _section_cstart, $3  }
0xc0: {  	[dreg:$0x1] =	wrdreg $0xFFFFFFFF  }
0xc1: {  	_ =	task.clear_ibuf [dreg:s7], $0x2FFFF;
	_ =	strace $0x9FFFFFFF  }
0xc2: {  	(tm) =	ssettm $0x7FFFFFFF  }
0xc3: {  	_ =	shalt  }
tec
execute0_lowered:
.L_overlay_start_1:
0x0: {  	(tag) =	ssettag $0x1  }
0x1: {  	s0 =	srdreg.scid  }
0x2: {  	s1 =	stileid.u32;
	s3 =	rddreg [dreg:$0x0]  }
0x3: {  	s12 =	rddreg [dreg:$0x1];
	s4 =	sand.u32 $0x1, s0;
	s13 =	sshll.u32 s1, $0x1  }
0x4: {  	s2 =	simm.s32 $0x0;
	s30 =	simm.s32 $0x100;
	s0 =	sor.u32 s4, s13  }
0x5: {  	s29 =	simm.s32 $0x180;
	p0 =	por $0x0, $0x0;
	s14 =	smul.u32 $0xC8, s0  }
0x6: {  	[smem:$0x7FF] =	sst s2;
	s6 =	sadd.s32 $0xBC600, s3;
	s5 =	smul.u32 $0x32000, s0  }
0x7: {  	s31 =	sadd.s32 $0x95400, s3;
	s28 =	sadd.s32 $0x3E00, s3;
	s1 =	sadd.s32 s14, s3  }
0x8: {  	_ =	strace $0x8000004D;
	s5 =	sshrl.u32 s5, $0x3;
	s7 =	sadd.s32 $0x6C800, s1  }
0x9: {  	s4 =	ssub.s32 $0x2, s4;
	s18 =	sadd.s32 s12, s5;
	[dreg:$0x3] =	wrdreg s7  }
0xa: {  	s8 =	sadd.s32 $0x6000, s5;
	s25 =	sadd.s32 s6, s5;
	[dreg:$0x7] =	wrdreg s18  }
0xb: {  	s0 =	smul.u32 $0x6400, s0;
	s15 =	sadd.s32 s12, s8;
	[dreg:$0x13] =	wrdreg s25  }
0xc: {  	s1 =	sadd.s32 $0x184600, s3;
	s16 =	sadd.s32 s6, s8;
	[dreg:$0x4] =	wrdreg s15  }
0xd: {  	s14 =	sadd.s32 $0x3000, s5;
	s17 =	sadd.s32 s1, s8;
	[dreg:$0x5] =	wrdreg s16  }
0xe: {  	s7 =	sadd.s32 $0x800, s0;
	s20 =	sadd.s32 s12, s14;
	[dreg:$0x6] =	wrdreg s17  }
0xf: {  	s8 =	sadd.s32 $0x1000, s5;
	s9 =	sadd.s32 s12, s7;
	[dreg:$0xd] =	wrdreg s20  }
0x10: {  	s3 =	sadd.s32 $0x6E200, s3;
	s10 =	sadd.s32 s12, s8;
	[dreg:$0x8] =	wrdreg s9  }
0x11: {  	s15 =	sadd.s32 $0x3800, s0;
	s26 =	sadd.s32 s6, s7;
	[dreg:$0x9] =	wrdreg s10  }
0x12: {  	s17 =	sadd.s32 $0x4000, s5;
	s21 =	sadd.s32 s12, s15;
	[dreg:$0x14] =	wrdreg s26  }
0x13: {  	s9 =	sadd.s32 $0x1800, s0;
	s22 =	sadd.s32 s12, s17;
	[dreg:$0xe] =	wrdreg s21  }
0x14: {  	s10 =	sadd.s32 $0x2000, s5;
	s11 =	sadd.s32 s12, s9;
	[dreg:$0xf] =	wrdreg s22  }
0x15: {  	s13 =	sadd.s32 s12, s10;
	s21 =	sadd.s32 $0x5000, s5;
	[dreg:$0xa] =	wrdreg s11  }
0x16: {  	s16 =	sadd.s32 s6, s9;
	s18 =	sadd.s32 s6, s10;
	[dreg:$0xb] =	wrdreg s13  }
0x17: {  	s22 =	sadd.s32 s6, s14;
	s5 =	sadd.s32 s1, s5;
	[dreg:$0x16] =	wrdreg s16  }
0x18: {  	s11 =	sadd.s32 $0x2800, s0;
	s24 =	sadd.s32 s12, s21;
	[dreg:$0x17] =	wrdreg s18  }
0x19: {  	s13 =	sadd.s32 s6, s8;
	[dreg:$0x19] =	wrdreg s22;
	s26 =	sadd.s32 s6, s21  }
0x1a: {  	[dreg:$0x1f] =	wrdreg s5;
	s16 =	sshrl.u32 s4, $0x1;
	s18 =	sadd.s32 s1, s8  }
0x1b: {  	s5 =	simm.s32 $0x680;
	s8 =	simm.s32 $0x4680;
	[dreg:$0x11] =	wrdreg s24  }
0x1c: {  	s19 =	sadd.s32 s12, s11;
	[dreg:$0x15] =	wrdreg s13;
	s20 =	sadd.s32 s6, s11  }
0x1d: {  	s24 =	sadd.s32 s6, s17;
	[dreg:$0x1d] =	wrdreg s26;
	s13 =	sadd.s32 s1, s7  }
0x1e: {  	s4 =	ssub.s32 s4, s16;
	[smem:$0x7FB] =	sst s18;
	s26 =	sadd.s32 s1, s10  }
0x1f: {  	s18 =	sadd.s32 s1, s14;
	s16 =	sadd.s32 s1, s15;
	[dreg:$0xc] =	wrdreg s19  }
0x20: {  	s10 =	simm.s32 $0x2;
	s14 =	simm.s32 $0x600;
	[dreg:$0x18] =	wrdreg s20  }
0x21: {  	s19 =	sadd.s32 $0x4800, s0;
	s0 =	sadd.s32 $0x5800, s0;
	[dreg:$0x1b] =	wrdreg s24  }
0x22: {  	[smem:$0x7FA] =	sst s13;
	s20 =	sadd.s32 s1, s9;
	s22 =	smax.u32 s4, $0x1  }
0x23: {  	[smem:$0x7FD] =	sst s26;
	s9 =	sadd.s32 s1, s21;
	s4 =	simm.s32 $0x3  }
0x24: {  	s26 =	simm.s32 $0x200;
	s24 =	simm.s32 $0x300;
	s21 =	simm.s32 $0x480  }
0x25: {  	s13 =	simm.s32 $0x40;
	s23 =	sadd.s32 s12, s19;
	s12 =	sadd.s32 s12, s0  }
0x26: {  	s25 =	sadd.s32 s6, s19;
	[smem:$0x7FC] =	sst s20;
	s20 =	sadd.s32 s1, s11  }
0x27: {  	s11 =	sadd.s32 s1, s19;
	s7 =	sadd.s32 s1, s0;
	[dreg:$0x10] =	wrdreg s23  }
0x28: {  	p1 =	sne.s32 s22, $0x1;
	s19 =	simm.s32 $0x500;
	[dreg:$0x12] =	wrdreg s12  }
.Ltmp0:
0x29: {  	s23 =	sadd.s32 s6, s15;
	[dreg:$0x1c] =	wrdreg s25;
	(pc) =	sbr.rel @!p1 .LBB2_3-.Ltmp0, $4  }
0x2a: {  	s6 =	sadd.s32 s6, s0;
	s15 =	sadd.s32 s1, s17;
	s12 =	simm.s32 $0x80  }
0x2b: {  	s25 =	simm.s32 $0x280;
	s1 =	sadd.s32 $0xFFFFFFFF, s22;
	s0 =	rddreg [dreg:$0x3]  }
0x2c: {  	s22 =	simm.s32 $0x400;
	s17 =	simm.s32 $0x580;
	[dreg:$0x1a] =	wrdreg s23  }
0x2d: {  	[dreg:$0x1e] =	wrdreg s6;
	s6 =	simm.s32 $0x1;
	s23 =	simm.s32 $0x380  }
0x2e: {  	[tilespmem:s2], [sflag:$0x3] =	stream.linear.gather [hbm4b:s0+s2], $0x640, $0x38;
	[tilespmem:$0x8680] =	vst v63  }
0x2f: {  	_ =	swait.ge [sflag:s4], $0x640  }
0x30: {  	[sflag:s4] =	ssyncset.done $0x0  }
0x31: {  	[sflag:s4] =	ssyncadd.s32 $0xFFFFF9C0  }
0x32: {  	[tilespmem:s5], [sflag:$0x1] =	stream.indirect.gather [hbm4b:s31+s12], $0x80, s2, s12, $0xb8;
	[tilespmem:$0x8680] =	vst v63  }
0x33: {  	_ = 	snop  }
0x34: {  	[tilespmem:s8], [sflag:$0x2] =	stream.indirect.gather [hbm4b:s31+s12], $0x80, s12, s12, $0xb8;
	[tilespmem:$0x8680] =	vst v63  }
0x35: {  	_ =	swait.ge [sflag:s6], $0x4000  }
0x36: {  	[sflag:s6] =	ssyncset.done $0x0  }
0x37: {  	s0 =	rddreg [dreg:$0x7];
	[sflag:s6] =	ssyncadd.s32 $0xFFFFC000  }
0x38: {  	[hbm4b:s0+s2] =	stream.linear.scatter [tilespmem:s5], [sflag:$0x3], $0x4000, $0x38;
	[tilespmem:$0x8680] =	vst v63  }
0x39: {  	_ =	swait.ge [sflag:s4], $0x4000  }
0x3a: {  	[sflag:s4] =	ssyncset.done $0x0  }
0x3b: {  	[sflag:s4] =	ssyncadd.s32 $0xFFFFC000  }
0x3c: {  	[tilespmem:s5], [sflag:$0x1] =	stream.indirect.gather [hbm4b:s31+s12], $0x80, s30, s12, $0xb8;
	[tilespmem:$0x8680] =	vst v63  }
0x3d: {  	_ =	swait.ge [sflag:s10], $0x4000  }
0x3e: {  	[sflag:s10] =	ssyncset.done $0x0  }
0x3f: {  	s0 =	rddreg [dreg:$0x8];
	[sflag:s10] =	ssyncadd.s32 $0xFFFFC000  }
0x40: {  	[hbm4b:s0+s2] =	stream.linear.scatter [tilespmem:s8], [sflag:$0x3], $0x4000, $0x38;
	[tilespmem:$0x8680] =	vst v63  }
0x41: {  	_ =	swait.ge [sflag:s4], $0x4000  }
0x42: {  	[sflag:s4] =	ssyncset.done $0x0  }
0x43: {  	[sflag:s4] =	ssyncadd.s32 $0xFFFFC000  }
0x44: {  	[tilespmem:s8], [sflag:$0x2] =	stream.indirect.gather [hbm4b:s31+s12], $0x80, s29, s12, $0xb8;
	[tilespmem:$0x8680] =	vst v63  }
0x45: {  	_ =	swait.ge [sflag:s6], $0x4000  }
0x46: {  	[sflag:s6] =	ssyncset.done $0x0  }
0x47: {  	s0 =	rddreg [dreg:$0x9];
	[sflag:s6] =	ssyncadd.s32 $0xFFFFC000  }
0x48: {  	[hbm4b:s0+s2] =	stream.linear.scatter [tilespmem:s5], [sflag:$0x3], $0x4000, $0x38;
	[tilespmem:$0x8680] =	vst v63  }
0x49: {  	_ =	swait.ge [sflag:s4], $0x4000  }
0x4a: {  	[sflag:s4] =	ssyncset.done $0x0  }
0x4b: {  	[sflag:s4] =	ssyncadd.s32 $0xFFFFC000  }
0x4c: {  	[tilespmem:s5], [sflag:$0x1] =	stream.indirect.gather [hbm4b:s31+s12], $0x80, s26, s12, $0xb8;
	[tilespmem:$0x8680] =	vst v63  }
0x4d: {  	_ =	swait.ge [sflag:s10], $0x4000  }
0x4e: {  	[sflag:s10] =	ssyncset.done $0x0  }
0x4f: {  	s0 =	rddreg [dreg:$0xa];
	[sflag:s10] =	ssyncadd.s32 $0xFFFFC000  }
0x50: {  	[hbm4b:s0+s2] =	stream.linear.scatter [tilespmem:s8], [sflag:$0x3], $0x4000, $0x38;
	[tilespmem:$0x8680] =	vst v63  }
0x51: {  	_ =	swait.ge [sflag:s4], $0x4000  }
0x52: {  	[sflag:s4] =	ssyncset.done $0x0  }
0x53: {  	[sflag:s4] =	ssyncadd.s32 $0xFFFFC000  }
0x54: {  	[tilespmem:s8], [sflag:$0x2] =	stream.indirect.gather [hbm4b:s31+s12], $0x80, s25, s12, $0xb8;
	[tilespmem:$0x8680] =	vst v63  }
0x55: {  	_ =	swait.ge [sflag:s6], $0x4000  }
0x56: {  	[sflag:s6] =	ssyncset.done $0x0  }
0x57: {  	s0 =	rddreg [dreg:$0xb];
	[sflag:s6] =	ssyncadd.s32 $0xFFFFC000  }
0x58: {  	[hbm4b:s0+s2] =	stream.linear.scatter [tilespmem:s5], [sflag:$0x3], $0x4000, $0x38;
	[tilespmem:$0x8680] =	vst v63  }
0x59: {  	_ =	swait.ge [sflag:s4], $0x4000  }
0x5a: {  	[sflag:s4] =	ssyncset.done $0x0  }
0x5b: {  	[sflag:s4] =	ssyncadd.s32 $0xFFFFC000  }
0x5c: {  	[tilespmem:s5], [sflag:$0x1] =	stream.indirect.gather [hbm4b:s31+s12], $0x80, s24, s12, $0xb8;
	[tilespmem:$0x8680] =	vst v63  }
0x5d: {  	_ =	swait.ge [sflag:s10], $0x4000  }
0x5e: {  	[sflag:s10] =	ssyncset.done $0x0  }
0x5f: {  	s0 =	rddreg [dreg:$0xc];
	[sflag:s10] =	ssyncadd.s32 $0xFFFFC000  }
0x60: {  	[hbm4b:s0+s2] =	stream.linear.scatter [tilespmem:s8], [sflag:$0x3], $0x4000, $0x38;
	[tilespmem:$0x8680] =	vst v63  }
0x61: {  	_ =	swait.ge [sflag:s4], $0x4000  }
0x62: {  	[sflag:s4] =	ssyncset.done $0x0  }
0x63: {  	[sflag:s4] =	ssyncadd.s32 $0xFFFFC000  }
0x64: {  	[tilespmem:s8], [sflag:$0x2] =	stream.indirect.gather [hbm4b:s31+s12], $0x80, s23, s12, $0xb8;
	[tilespmem:$0x8680] =	vst v63  }
0x65: {  	_ =	swait.ge [sflag:s6], $0x4000  }
0x66: {  	[sflag:s6] =	ssyncset.done $0x0  }
0x67: {  	s0 =	rddreg [dreg:$0xd];
	[sflag:s6] =	ssyncadd.s32 $0xFFFFC000  }
0x68: {  	[hbm4b:s0+s2] =	stream.linear.scatter [tilespmem:s5], [sflag:$0x3], $0x4000, $0x38;
	[tilespmem:$0x8680] =	vst v63  }
0x69: {  	_ =	swait.ge [sflag:s4], $0x4000  }
0x6a: {  	[sflag:s4] =	ssyncset.done $0x0  }
0x6b: {  	[sflag:s4] =	ssyncadd.s32 $0xFFFFC000  }
0x6c: {  	[tilespmem:s5], [sflag:$0x1] =	stream.indirect.gather [hbm4b:s31+s12], $0x80, s22, s12, $0xb8;
	[tilespmem:$0x8680] =	vst v63  }
0x6d: {  	_ =	swait.ge [sflag:s10], $0x4000  }
0x6e: {  	[sflag:s10] =	ssyncset.done $0x0  }
0x6f: {  	s0 =	rddreg [dreg:$0xe];
	[sflag:s10] =	ssyncadd.s32 $0xFFFFC000  }
0x70: {  	[hbm4b:s0+s2] =	stream.linear.scatter [tilespmem:s8], [sflag:$0x3], $0x4000, $0x38;
	[tilespmem:$0x8680] =	vst v63  }
0x71: {  	_ =	swait.ge [sflag:s4], $0x4000  }
0x72: {  	[sflag:s4] =	ssyncset.done $0x0  }
0x73: {  	[sflag:s4] =	ssyncadd.s32 $0xFFFFC000  }
0x74: {  	[tilespmem:s8], [sflag:$0x2] =	stream.indirect.gather [hbm4b:s31+s12], $0x80, s21, s12, $0xb8;
	[tilespmem:$0x8680] =	vst v63  }
0x75: {  	_ =	swait.ge [sflag:s6], $0x4000  }
0x76: {  	[sflag:s6] =	ssyncset.done $0x0  }
0x77: {  	s0 =	rddreg [dreg:$0xf];
	[sflag:s6] =	ssyncadd.s32 $0xFFFFC000  }
0x78: {  	[hbm4b:s0+s2] =	stream.linear.scatter [tilespmem:s5], [sflag:$0x3], $0x4000, $0x38;
	[tilespmem:$0x8680] =	vst v63  }
0x79: {  	_ =	swait.ge [sflag:s4], $0x4000  }
0x7a: {  	[sflag:s4] =	ssyncset.done $0x0  }
0x7b: {  	[sflag:s4] =	ssyncadd.s32 $0xFFFFC000  }
0x7c: {  	[tilespmem:s5], [sflag:$0x1] =	stream.indirect.gather [hbm4b:s31+s12], $0x80, s19, s12, $0xb8;
	[tilespmem:$0x8680] =	vst v63  }
0x7d: {  	_ =	swait.ge [sflag:s10], $0x4000  }
0x7e: {  	[sflag:s10] =	ssyncset.done $0x0  }
0x7f: {  	s0 =	rddreg [dreg:$0x10];
	[sflag:s10] =	ssyncadd.s32 $0xFFFFC000  }
0x80: {  	[hbm4b:s0+s2] =	stream.linear.scatter [tilespmem:s8], [sflag:$0x3], $0x4000, $0x38;
	[tilespmem:$0x8680] =	vst v63  }
0x81: {  	_ =	swait.ge [sflag:s4], $0x4000  }
0x82: {  	[sflag:s4] =	ssyncset.done $0x0  }
0x83: {  	[sflag:s4] =	ssyncadd.s32 $0xFFFFC000  }
0x84: {  	[tilespmem:s8], [sflag:$0x2] =	stream.indirect.gather [hbm4b:s31+s12], $0x80, s17, s12, $0xb8;
	[tilespmem:$0x8680] =	vst v63  }
0x85: {  	_ =	swait.ge [sflag:s6], $0x4000  }
0x86: {  	[sflag:s6] =	ssyncset.done $0x0  }
0x87: {  	s0 =	rddreg [dreg:$0x11];
	[sflag:s6] =	ssyncadd.s32 $0xFFFFC000  }
0x88: {  	[hbm4b:s0+s2] =	stream.linear.scatter [tilespmem:s5], [sflag:$0x3], $0x4000, $0x38;
	[tilespmem:$0x8680] =	vst v63  }
0x89: {  	_ =	swait.ge [sflag:s4], $0x4000  }
0x8a: {  	[sflag:s4] =	ssyncset.done $0x0  }
0x8b: {  	[sflag:s4] =	ssyncadd.s32 $0xFFFFC000  }
0x8c: {  	_ =	swait.ge [sflag:s10], $0x4000  }
0x8d: {  	[sflag:s10] =	ssyncset.done $0x0  }
0x8e: {  	s0 =	rddreg [dreg:$0x12];
	[sflag:s10] =	ssyncadd.s32 $0xFFFFC000  }
0x8f: {  	[hbm4b:s0+s2] =	stream.linear.scatter [tilespmem:s8], [sflag:$0x3], $0x4000, $0x38;
	[tilespmem:$0x8680] =	vst v63  }
0x90: {  	_ =	swait.ge [sflag:s4], $0x4000  }
0x91: {  	[sflag:s4] =	ssyncset.done $0x0  }
0x92: {  	[sflag:s4] =	ssyncadd.s32 $0xFFFFC000  }
0x93: {  	[tilespmem:s5], [sflag:$0x1] =	stream.indirect.gather [hbm4b:s31+s13], $0x80, s14, s13, $0xb8;
	[tilespmem:$0x8680] =	vst v63  }
0x94: {  	_ =	swait.ge [sflag:s6], $0x2000  }
0x95: {  	[sflag:s6] =	ssyncset.done $0x0  }
0x96: {  	s0 =	rddreg [dreg:$0x4];
	[sflag:s6] =	ssyncadd.s32 $0xFFFFE000  }
0x97: {  	[hbm4b:s0+s2] =	stream.linear.scatter [tilespmem:s5], [sflag:$0x3], $0x2000, $0x38;
	[tilespmem:$0x8680] =	vst v63  }
0x98: {  	_ =	swait.ge [sflag:s4], $0x2000  }
0x99: {  	[sflag:s4] =	ssyncset.done $0x0  }
0x9a: {  	[sflag:s4] =	ssyncadd.s32 $0xFFFFE000  }
0x9b: {  	[tilespmem:s5], [sflag:$0x1] =	stream.indirect.gather [hbm4b:s28+s12], $0x80, s2, s12, $0xb8;
	[tilespmem:$0x8680] =	vst v63  }
0x9c: {  	_ = 	snop  }
0x9d: {  	[tilespmem:s8], [sflag:$0x2] =	stream.indirect.gather [hbm4b:s28+s12], $0x80, s12, s12, $0xb8;
	[tilespmem:$0x8680] =	vst v63  }
0x9e: {  	_ =	swait.ge [sflag:s6], $0x4000  }
0x9f: {  	[sflag:s6] =	ssyncset.done $0x0  }
0xa0: {  	s0 =	rddreg [dreg:$0x13];
	[sflag:s6] =	ssyncadd.s32 $0xFFFFC000  }
0xa1: {  	[hbm4b:s0+s2] =	stream.linear.scatter [tilespmem:s5], [sflag:$0x3], $0x4000, $0x38;
	[tilespmem:$0x8680] =	vst v63  }
0xa2: {  	_ =	swait.ge [sflag:s4], $0x4000  }
0xa3: {  	[sflag:s4] =	ssyncset.done $0x0  }
0xa4: {  	[sflag:s4] =	ssyncadd.s32 $0xFFFFC000  }
0xa5: {  	[tilespmem:s5], [sflag:$0x1] =	stream.indirect.gather [hbm4b:s28+s12], $0x80, s30, s12, $0xb8;
	[tilespmem:$0x8680] =	vst v63  }
0xa6: {  	_ =	swait.ge [sflag:s10], $0x4000  }
0xa7: {  	[sflag:s10] =	ssyncset.done $0x0  }
0xa8: {  	s0 =	rddreg [dreg:$0x14];
	[sflag:s10] =	ssyncadd.s32 $0xFFFFC000  }
0xa9: {  	[hbm4b:s0+s2] =	stream.linear.scatter [tilespmem:s8], [sflag:$0x3], $0x4000, $0x38;
	[tilespmem:$0x8680] =	vst v63  }
0xaa: {  	_ =	swait.ge [sflag:s4], $0x4000  }
0xab: {  	[sflag:s4] =	ssyncset.done $0x0  }
0xac: {  	[sflag:s4] =	ssyncadd.s32 $0xFFFFC000  }
0xad: {  	[tilespmem:s8], [sflag:$0x2] =	stream.indirect.gather [hbm4b:s28+s12], $0x80, s29, s12, $0xb8;
	[tilespmem:$0x8680] =	vst v63  }
0xae: {  	_ =	swait.ge [sflag:s6], $0x4000  }
0xaf: {  	[sflag:s6] =	ssyncset.done $0x0  }
0xb0: {  	s0 =	rddreg [dreg:$0x15];
	[sflag:s6] =	ssyncadd.s32 $0xFFFFC000  }
0xb1: {  	[hbm4b:s0+s2] =	stream.linear.scatter [tilespmem:s5], [sflag:$0x3], $0x4000, $0x38;
	[tilespmem:$0x8680] =	vst v63  }
0xb2: {  	_ =	swait.ge [sflag:s4], $0x4000  }
0xb3: {  	[sflag:s4] =	ssyncset.done $0x0  }
0xb4: {  	[sflag:s4] =	ssyncadd.s32 $0xFFFFC000  }
0xb5: {  	[tilespmem:s5], [sflag:$0x1] =	stream.indirect.gather [hbm4b:s28+s12], $0x80, s26, s12, $0xb8;
	[tilespmem:$0x8680] =	vst v63  }
0xb6: {  	_ =	swait.ge [sflag:s10], $0x4000  }
0xb7: {  	[sflag:s10] =	ssyncset.done $0x0  }
0xb8: {  	s0 =	rddreg [dreg:$0x16];
	[sflag:s10] =	ssyncadd.s32 $0xFFFFC000  }
0xb9: {  	[hbm4b:s0+s2] =	stream.linear.scatter [tilespmem:s8], [sflag:$0x3], $0x4000, $0x38;
	[tilespmem:$0x8680] =	vst v63  }
0xba: {  	_ =	swait.ge [sflag:s4], $0x4000  }
0xbb: {  	[sflag:s4] =	ssyncset.done $0x0  }
0xbc: {  	[sflag:s4] =	ssyncadd.s32 $0xFFFFC000  }
0xbd: {  	[tilespmem:s8], [sflag:$0x2] =	stream.indirect.gather [hbm4b:s28+s12], $0x80, s25, s12, $0xb8;
	[tilespmem:$0x8680] =	vst v63  }
0xbe: {  	_ =	swait.ge [sflag:s6], $0x4000  }
0xbf: {  	[sflag:s6] =	ssyncset.done $0x0  }
0xc0: {  	s0 =	rddreg [dreg:$0x17];
	[sflag:s6] =	ssyncadd.s32 $0xFFFFC000  }
0xc1: {  	[hbm4b:s0+s2] =	stream.linear.scatter [tilespmem:s5], [sflag:$0x3], $0x4000, $0x38;
	[tilespmem:$0x8680] =	vst v63  }
0xc2: {  	_ =	swait.ge [sflag:s4], $0x4000  }
0xc3: {  	[sflag:s4] =	ssyncset.done $0x0  }
0xc4: {  	[sflag:s4] =	ssyncadd.s32 $0xFFFFC000  }
0xc5: {  	[tilespmem:s5], [sflag:$0x1] =	stream.indirect.gather [hbm4b:s28+s12], $0x80, s24, s12, $0xb8;
	[tilespmem:$0x8680] =	vst v63  }
0xc6: {  	_ =	swait.ge [sflag:s10], $0x4000  }
0xc7: {  	[sflag:s10] =	ssyncset.done $0x0  }
0xc8: {  	s0 =	rddreg [dreg:$0x18];
	[sflag:s10] =	ssyncadd.s32 $0xFFFFC000  }
0xc9: {  	[hbm4b:s0+s2] =	stream.linear.scatter [tilespmem:s8], [sflag:$0x3], $0x4000, $0x38;
	[tilespmem:$0x8680] =	vst v63  }
0xca: {  	_ =	swait.ge [sflag:s4], $0x4000  }
0xcb: {  	[sflag:s4] =	ssyncset.done $0x0  }
0xcc: {  	[sflag:s4] =	ssyncadd.s32 $0xFFFFC000  }
0xcd: {  	[tilespmem:s8], [sflag:$0x2] =	stream.indirect.gather [hbm4b:s28+s12], $0x80, s23, s12, $0xb8;
	[tilespmem:$0x8680] =	vst v63  }
0xce: {  	_ =	swait.ge [sflag:s6], $0x4000  }
0xcf: {  	[sflag:s6] =	ssyncset.done $0x0  }
0xd0: {  	s0 =	rddreg [dreg:$0x19];
	[sflag:s6] =	ssyncadd.s32 $0xFFFFC000  }
0xd1: {  	[hbm4b:s0+s2] =	stream.linear.scatter [tilespmem:s5], [sflag:$0x3], $0x4000, $0x38;
	[tilespmem:$0x8680] =	vst v63  }
0xd2: {  	_ =	swait.ge [sflag:s4], $0x4000  }
0xd3: {  	[sflag:s4] =	ssyncset.done $0x0  }
0xd4: {  	[sflag:s4] =	ssyncadd.s32 $0xFFFFC000  }
0xd5: {  	[tilespmem:s5], [sflag:$0x1] =	stream.indirect.gather [hbm4b:s28+s12], $0x80, s22, s12, $0xb8;
	[tilespmem:$0x8680] =	vst v63  }
0xd6: {  	_ =	swait.ge [sflag:s10], $0x4000  }
0xd7: {  	[sflag:s10] =	ssyncset.done $0x0  }
0xd8: {  	s0 =	rddreg [dreg:$0x1a];
	[sflag:s10] =	ssyncadd.s32 $0xFFFFC000  }
0xd9: {  	[hbm4b:s0+s2] =	stream.linear.scatter [tilespmem:s8], [sflag:$0x3], $0x4000, $0x38;
	[tilespmem:$0x8680] =	vst v63  }
0xda: {  	_ =	swait.ge [sflag:s4], $0x4000  }
0xdb: {  	[sflag:s4] =	ssyncset.done $0x0  }
0xdc: {  	[sflag:s4] =	ssyncadd.s32 $0xFFFFC000  }
0xdd: {  	[tilespmem:s8], [sflag:$0x2] =	stream.indirect.gather [hbm4b:s28+s12], $0x80, s21, s12, $0xb8;
	[tilespmem:$0x8680] =	vst v63  }
0xde: {  	_ =	swait.ge [sflag:s6], $0x4000  }
0xdf: {  	[sflag:s6] =	ssyncset.done $0x0  }
0xe0: {  	s0 =	rddreg [dreg:$0x1b];
	[sflag:s6] =	ssyncadd.s32 $0xFFFFC000  }
0xe1: {  	[hbm4b:s0+s2] =	stream.linear.scatter [tilespmem:s5], [sflag:$0x3], $0x4000, $0x38;
	[tilespmem:$0x8680] =	vst v63  }
0xe2: {  	_ =	swait.ge [sflag:s4], $0x4000  }
0xe3: {  	[sflag:s4] =	ssyncset.done $0x0  }
0xe4: {  	[sflag:s4] =	ssyncadd.s32 $0xFFFFC000  }
0xe5: {  	[tilespmem:s5], [sflag:$0x1] =	stream.indirect.gather [hbm4b:s28+s12], $0x80, s19, s12, $0xb8;
	[tilespmem:$0x8680] =	vst v63  }
0xe6: {  	_ =	swait.ge [sflag:s10], $0x4000  }
0xe7: {  	[sflag:s10] =	ssyncset.done $0x0  }
0xe8: {  	s0 =	rddreg [dreg:$0x1c];
	[sflag:s10] =	ssyncadd.s32 $0xFFFFC000  }
0xe9: {  	[hbm4b:s0+s2] =	stream.linear.scatter [tilespmem:s8], [sflag:$0x3], $0x4000, $0x38;
	[tilespmem:$0x8680] =	vst v63  }
0xea: {  	_ =	swait.ge [sflag:s4], $0x4000  }
0xeb: {  	[sflag:s4] =	ssyncset.done $0x0  }
0xec: {  	[sflag:s4] =	ssyncadd.s32 $0xFFFFC000  }
0xed: {  	[tilespmem:s8], [sflag:$0x2] =	stream.indirect.gather [hbm4b:s28+s12], $0x80, s17, s12, $0xb8;
	[tilespmem:$0x8680] =	vst v63  }
0xee: {  	_ =	swait.ge [sflag:s6], $0x4000  }
0xef: {  	[sflag:s6] =	ssyncset.done $0x0  }
0xf0: {  	s0 =	rddreg [dreg:$0x1d];
	[sflag:s6] =	ssyncadd.s32 $0xFFFFC000  }
0xf1: {  	[hbm4b:s0+s2] =	stream.linear.scatter [tilespmem:s5], [sflag:$0x3], $0x4000, $0x38;
	[tilespmem:$0x8680] =	vst v63  }
0xf2: {  	_ =	swait.ge [sflag:s4], $0x4000  }
0xf3: {  	[sflag:s4] =	ssyncset.done $0x0  }
0xf4: {  	[sflag:s4] =	ssyncadd.s32 $0xFFFFC000  }
0xf5: {  	_ =	swait.ge [sflag:s10], $0x4000  }
0xf6: {  	[sflag:s10] =	ssyncset.done $0x0  }
0xf7: {  	s0 =	rddreg [dreg:$0x1e];
	[sflag:s10] =	ssyncadd.s32 $0xFFFFC000  }
0xf8: {  	[hbm4b:s0+s2] =	stream.linear.scatter [tilespmem:s8], [sflag:$0x3], $0x4000, $0x38;
	[tilespmem:$0x8680] =	vst v63  }
0xf9: {  	_ =	swait.ge [sflag:s4], $0x4000  }
0xfa: {  	[sflag:s4] =	ssyncset.done $0x0  }
0xfb: {  	[sflag:s4] =	ssyncadd.s32 $0xFFFFC000  }
0xfc: {  	[tilespmem:s5], [sflag:$0x1] =	stream.indirect.gather [hbm4b:s28+s13], $0x80, s14, s13, $0xb8;
	[tilespmem:$0x8680] =	vst v63  }
0xfd: {  	_ =	swait.ge [sflag:s6], $0x2000  }
0xfe: {  	[sflag:s6] =	ssyncset.done $0x0  }
0xff: {  	s0 =	rddreg [dreg:$0x5];
	[sflag:s6] =	ssyncadd.s32 $0xFFFFE000  }
0x100: {  	[hbm4b:s0+s2] =	stream.linear.scatter [tilespmem:s5], [sflag:$0x3], $0x2000, $0x38;
	[tilespmem:$0x8680] =	vst v63  }
0x101: {  	_ =	swait.ge [sflag:s4], $0x2000  }
0x102: {  	[sflag:s4] =	ssyncset.done $0x0  }
0x103: {  	[sflag:s4] =	ssyncadd.s32 $0xFFFFE000  }
0x104: {  	[tilespmem:s5], [sflag:$0x1] =	stream.indirect.gather [hbm4b:s3+s12], $0x80, s2, s12, $0xb8;
	[tilespmem:$0x8680] =	vst v63  }
0x105: {  	_ = 	snop  }
0x106: {  	[tilespmem:s8], [sflag:$0x2] =	stream.indirect.gather [hbm4b:s3+s12], $0x80, s12, s12, $0xb8;
	[tilespmem:$0x8680] =	vst v63  }
0x107: {  	_ =	swait.ge [sflag:s6], $0x4000  }
0x108: {  	[sflag:s6] =	ssyncset.done $0x0  }
0x109: {  	s0 =	rddreg [dreg:$0x1f];
	[sflag:s6] =	ssyncadd.s32 $0xFFFFC000  }
0x10a: {  	[hbm4b:s0+s2] =	stream.linear.scatter [tilespmem:s5], [sflag:$0x3], $0x4000, $0x38;
	[tilespmem:$0x8680] =	vst v63  }
0x10b: {  	_ =	swait.ge [sflag:s4], $0x4000  }
0x10c: {  	[sflag:s4] =	ssyncset.done $0x0  }
0x10d: {  	[sflag:s4] =	ssyncadd.s32 $0xFFFFC000  }
0x10e: {  	[tilespmem:s5], [sflag:$0x1] =	stream.indirect.gather [hbm4b:s3+s12], $0x80, s30, s12, $0xb8;
	[tilespmem:$0x8680] =	vst v63  }
0x10f: {  	_ =	swait.ge [sflag:s10], $0x4000  }
0x110: {  	s0 =	sld [smem:$0x7FA]  }
0x111: {  	[sflag:s10] =	ssyncset.done $0x0  }
0x112: {  	[sflag:s10] =	ssyncadd.s32 $0xFFFFC000  }
0x113: {  	[hbm4b:s0+s2] =	stream.linear.scatter [tilespmem:s8], [sflag:$0x3], $0x4000, $0x38;
	[tilespmem:$0x8680] =	vst v63  }
0x114: {  	_ =	swait.ge [sflag:s4], $0x4000  }
0x115: {  	[sflag:s4] =	ssyncset.done $0x0  }
0x116: {  	[sflag:s4] =	ssyncadd.s32 $0xFFFFC000  }
0x117: {  	[tilespmem:s8], [sflag:$0x2] =	stream.indirect.gather [hbm4b:s3+s12], $0x80, s29, s12, $0xb8;
	[tilespmem:$0x8680] =	vst v63  }
0x118: {  	_ =	swait.ge [sflag:s6], $0x4000  }
0x119: {  	s0 =	sld [smem:$0x7FB]  }
0x11a: {  	[sflag:s6] =	ssyncset.done $0x0  }
0x11b: {  	[sflag:s6] =	ssyncadd.s32 $0xFFFFC000  }
0x11c: {  	[hbm4b:s0+s2] =	stream.linear.scatter [tilespmem:s5], [sflag:$0x3], $0x4000, $0x38;
	[tilespmem:$0x8680] =	vst v63  }
0x11d: {  	_ =	swait.ge [sflag:s4], $0x4000  }
0x11e: {  	[sflag:s4] =	ssyncset.done $0x0  }
0x11f: {  	[sflag:s4] =	ssyncadd.s32 $0xFFFFC000  }
0x120: {  	[tilespmem:s5], [sflag:$0x1] =	stream.indirect.gather [hbm4b:s3+s12], $0x80, s26, s12, $0xb8;
	[tilespmem:$0x8680] =	vst v63  }
0x121: {  	_ =	swait.ge [sflag:s10], $0x4000  }
0x122: {  	s0 =	sld [smem:$0x7FC]  }
0x123: {  	[sflag:s10] =	ssyncset.done $0x0  }
0x124: {  	[sflag:s10] =	ssyncadd.s32 $0xFFFFC000  }
0x125: {  	[hbm4b:s0+s2] =	stream.linear.scatter [tilespmem:s8], [sflag:$0x3], $0x4000, $0x38;
	[tilespmem:$0x8680] =	vst v63  }
0x126: {  	_ =	swait.ge [sflag:s4], $0x4000  }
0x127: {  	[sflag:s4] =	ssyncset.done $0x0  }
0x128: {  	[sflag:s4] =	ssyncadd.s32 $0xFFFFC000  }
0x129: {  	[tilespmem:s8], [sflag:$0x2] =	stream.indirect.gather [hbm4b:s3+s12], $0x80, s25, s12, $0xb8;
	[tilespmem:$0x8680] =	vst v63  }
0x12a: {  	_ =	swait.ge [sflag:s6], $0x4000  }
0x12b: {  	s0 =	sld [smem:$0x7FD]  }
0x12c: {  	[sflag:s6] =	ssyncset.done $0x0  }
0x12d: {  	[sflag:s6] =	ssyncadd.s32 $0xFFFFC000  }
0x12e: {  	[hbm4b:s0+s2] =	stream.linear.scatter [tilespmem:s5], [sflag:$0x3], $0x4000, $0x38;
	[tilespmem:$0x8680] =	vst v63  }
0x12f: {  	_ =	swait.ge [sflag:s4], $0x4000  }
0x130: {  	[sflag:s4] =	ssyncset.done $0x0  }
0x131: {  	[sflag:s4] =	ssyncadd.s32 $0xFFFFC000  }
0x132: {  	[tilespmem:s5], [sflag:$0x1] =	stream.indirect.gather [hbm4b:s3+s12], $0x80, s24, s12, $0xb8;
	[tilespmem:$0x8680] =	vst v63  }
0x133: {  	_ =	swait.ge [sflag:s10], $0x4000  }
0x134: {  	[sflag:s10] =	ssyncset.done $0x0  }
0x135: {  	[sflag:s10] =	ssyncadd.s32 $0xFFFFC000  }
0x136: {  	[hbm4b:s20+s2] =	stream.linear.scatter [tilespmem:s8], [sflag:$0x3], $0x4000, $0x38;
	[tilespmem:$0x8680] =	vst v63  }
0x137: {  	_ =	swait.ge [sflag:s4], $0x4000  }
0x138: {  	[sflag:s4] =	ssyncset.done $0x0  }
0x139: {  	[sflag:s4] =	ssyncadd.s32 $0xFFFFC000  }
0x13a: {  	[tilespmem:s8], [sflag:$0x2] =	stream.indirect.gather [hbm4b:s3+s12], $0x80, s23, s12, $0xb8;
	[tilespmem:$0x8680] =	vst v63  }
0x13b: {  	_ =	swait.ge [sflag:s6], $0x4000  }
0x13c: {  	[sflag:s6] =	ssyncset.done $0x0  }
0x13d: {  	[sflag:s6] =	ssyncadd.s32 $0xFFFFC000  }
0x13e: {  	[hbm4b:s18+s2] =	stream.linear.scatter [tilespmem:s5], [sflag:$0x3], $0x4000, $0x38;
	[tilespmem:$0x8680] =	vst v63  }
0x13f: {  	_ =	swait.ge [sflag:s4], $0x4000  }
0x140: {  	[sflag:s4] =	ssyncset.done $0x0  }
0x141: {  	[sflag:s4] =	ssyncadd.s32 $0xFFFFC000  }
0x142: {  	[tilespmem:s5], [sflag:$0x1] =	stream.indirect.gather [hbm4b:s3+s12], $0x80, s22, s12, $0xb8;
	[tilespmem:$0x8680] =	vst v63  }
0x143: {  	_ =	swait.ge [sflag:s10], $0x4000  }
0x144: {  	[sflag:s10] =	ssyncset.done $0x0  }
0x145: {  	[sflag:s10] =	ssyncadd.s32 $0xFFFFC000  }
0x146: {  	[hbm4b:s16+s2] =	stream.linear.scatter [tilespmem:s8], [sflag:$0x3], $0x4000, $0x38;
	[tilespmem:$0x8680] =	vst v63  }
0x147: {  	_ =	swait.ge [sflag:s4], $0x4000  }
0x148: {  	[sflag:s4] =	ssyncset.done $0x0  }
0x149: {  	[sflag:s4] =	ssyncadd.s32 $0xFFFFC000  }
0x14a: {  	[tilespmem:s8], [sflag:$0x2] =	stream.indirect.gather [hbm4b:s3+s12], $0x80, s21, s12, $0xb8;
	[tilespmem:$0x8680] =	vst v63  }
0x14b: {  	_ =	swait.ge [sflag:s6], $0x4000  }
0x14c: {  	[sflag:s6] =	ssyncset.done $0x0  }
0x14d: {  	[sflag:s6] =	ssyncadd.s32 $0xFFFFC000  }
0x14e: {  	[hbm4b:s15+s2] =	stream.linear.scatter [tilespmem:s5], [sflag:$0x3], $0x4000, $0x38;
	[tilespmem:$0x8680] =	vst v63  }
0x14f: {  	_ =	swait.ge [sflag:s4], $0x4000  }
0x150: {  	[sflag:s4] =	ssyncset.done $0x0  }
0x151: {  	[sflag:s4] =	ssyncadd.s32 $0xFFFFC000  }
0x152: {  	[tilespmem:s5], [sflag:$0x1] =	stream.indirect.gather [hbm4b:s3+s12], $0x80, s19, s12, $0xb8;
	[tilespmem:$0x8680] =	vst v63  }
0x153: {  	_ =	swait.ge [sflag:s10], $0x4000  }
0x154: {  	[sflag:s10] =	ssyncset.done $0x0  }
0x155: {  	[sflag:s10] =	ssyncadd.s32 $0xFFFFC000  }
0x156: {  	[hbm4b:s11+s2] =	stream.linear.scatter [tilespmem:s8], [sflag:$0x3], $0x4000, $0x38;
	[tilespmem:$0x8680] =	vst v63  }
0x157: {  	_ =	swait.ge [sflag:s4], $0x4000  }
0x158: {  	[sflag:s4] =	ssyncset.done $0x0  }
0x159: {  	[sflag:s4] =	ssyncadd.s32 $0xFFFFC000  }
0x15a: {  	[tilespmem:s8], [sflag:$0x2] =	stream.indirect.gather [hbm4b:s3+s12], $0x80, s17, s12, $0xb8;
	[tilespmem:$0x8680] =	vst v63  }
0x15b: {  	_ =	swait.ge [sflag:s6], $0x4000  }
0x15c: {  	[sflag:s6] =	ssyncset.done $0x0  }
0x15d: {  	[sflag:s6] =	ssyncadd.s32 $0xFFFFC000  }
0x15e: {  	[hbm4b:s9+s2] =	stream.linear.scatter [tilespmem:s5], [sflag:$0x3], $0x4000, $0x38;
	[tilespmem:$0x8680] =	vst v63  }
0x15f: {  	_ =	swait.ge [sflag:s4], $0x4000  }
0x160: {  	[sflag:s4] =	ssyncset.done $0x0  }
0x161: {  	[sflag:s4] =	ssyncadd.s32 $0xFFFFC000  }
0x162: {  	_ =	swait.ge [sflag:s10], $0x4000  }
0x163: {  	[sflag:s10] =	ssyncset.done $0x0  }
0x164: {  	[sflag:s10] =	ssyncadd.s32 $0xFFFFC000  }
0x165: {  	[hbm4b:s7+s2] =	stream.linear.scatter [tilespmem:s8], [sflag:$0x3], $0x4000, $0x38;
	[tilespmem:$0x8680] =	vst v63  }
0x166: {  	_ =	swait.ge [sflag:s4], $0x4000  }
0x167: {  	[sflag:s4] =	ssyncset.done $0x0  }
0x168: {  	[sflag:s4] =	ssyncadd.s32 $0xFFFFC000  }
0x169: {  	[tilespmem:s5], [sflag:$0x1] =	stream.indirect.gather [hbm4b:s3+s13], $0x80, s14, s13, $0xb8;
	[tilespmem:$0x8680] =	vst v63  }
0x16a: {  	p1 =	sne.s32 s1, $0x1;
	_ =	swait.ge [sflag:s6], $0x2000  }
.Ltmp1:
0x16b: {  	[sflag:s6] =	ssyncset.done $0x0;
	(pc) =	sbr.rel @!p1 .LBB2_3-.Ltmp1, $4  }
0x16c: {  	s0 =	rddreg [dreg:$0x6];
	[sflag:s6] =	ssyncadd.s32 $0xFFFFE000  }
0x16d: {  	[hbm4b:s0+s2] =	stream.linear.scatter [tilespmem:s5], [sflag:$0x3], $0x2000, $0x38;
	[tilespmem:$0x8680] =	vst v63  }
0x16e: {  	s1 =	sadd.s32 $0xFFFFFFFF, s1;
	_ =	swait.ge [sflag:s4], $0x2000  }
0x16f: {  	p0 =	por $0x1, $0x1;
	s0 =	rddreg [dreg:$0x3];
	[sflag:s4] =	ssyncset.done $0x0  }
.LBB2_2:
0x170: {  	[sflag:s4] =	ssyncadd.s32 $0xFFFFE000  }
0x171: {  	[tilespmem:s2], [sflag:$0x3] =	stream.linear.gather [hbm4b:s0+s2], $0x640, $0x38;
	[tilespmem:$0x8680] =	vst v63  }
0x172: {  	_ =	swait.ge [sflag:s4], $0x640  }
0x173: {  	[sflag:s4] =	ssyncset.done $0x0  }
0x174: {  	[sflag:s4] =	ssyncadd.s32 $0xFFFFF9C0  }
0x175: {  	[tilespmem:s5], [sflag:$0x1] =	stream.indirect.gather [hbm4b:s31+s12], $0x80, s2, s12, $0xb8;
	[tilespmem:$0x8680] =	vst v63  }
0x176: {  	_ = 	snop  }
0x177: {  	[tilespmem:s8], [sflag:$0x2] =	stream.indirect.gather [hbm4b:s31+s12], $0x80, s12, s12, $0xb8;
	[tilespmem:$0x8680] =	vst v63  }
0x178: {  	_ =	swait.ge [sflag:s6], $0x4000  }
0x179: {  	[sflag:s6] =	ssyncset.done $0x0  }
0x17a: {  	s0 =	rddreg [dreg:$0x7];
	[sflag:s6] =	ssyncadd.s32 $0xFFFFC000  }
0x17b: {  	[hbm4b:s0+s2] =	stream.linear.scatter [tilespmem:s5], [sflag:$0x3], $0x4000, $0x38;
	[tilespmem:$0x8680] =	vst v63  }
0x17c: {  	_ =	swait.ge [sflag:s4], $0x4000  }
0x17d: {  	[sflag:s4] =	ssyncset.done $0x0  }
0x17e: {  	[sflag:s4] =	ssyncadd.s32 $0xFFFFC000  }
0x17f: {  	[tilespmem:s5], [sflag:$0x1] =	stream.indirect.gather [hbm4b:s31+s12], $0x80, s30, s12, $0xb8;
	[tilespmem:$0x8680] =	vst v63  }
0x180: {  	_ =	swait.ge [sflag:s10], $0x4000  }
0x181: {  	[sflag:s10] =	ssyncset.done $0x0  }
0x182: {  	s0 =	rddreg [dreg:$0x8];
	[sflag:s10] =	ssyncadd.s32 $0xFFFFC000  }
0x183: {  	[hbm4b:s0+s2] =	stream.linear.scatter [tilespmem:s8], [sflag:$0x3], $0x4000, $0x38;
	[tilespmem:$0x8680] =	vst v63  }
0x184: {  	_ =	swait.ge [sflag:s4], $0x4000  }
0x185: {  	[sflag:s4] =	ssyncset.done $0x0  }
0x186: {  	[sflag:s4] =	ssyncadd.s32 $0xFFFFC000  }
0x187: {  	[tilespmem:s8], [sflag:$0x2] =	stream.indirect.gather [hbm4b:s31+s12], $0x80, s29, s12, $0xb8;
	[tilespmem:$0x8680] =	vst v63  }
0x188: {  	_ =	swait.ge [sflag:s6], $0x4000  }
0x189: {  	[sflag:s6] =	ssyncset.done $0x0  }
0x18a: {  	s0 =	rddreg [dreg:$0x9];
	[sflag:s6] =	ssyncadd.s32 $0xFFFFC000  }
0x18b: {  	[hbm4b:s0+s2] =	stream.linear.scatter [tilespmem:s5], [sflag:$0x3], $0x4000, $0x38;
	[tilespmem:$0x8680] =	vst v63  }
0x18c: {  	_ =	swait.ge [sflag:s4], $0x4000  }
0x18d: {  	[sflag:s4] =	ssyncset.done $0x0  }
0x18e: {  	[sflag:s4] =	ssyncadd.s32 $0xFFFFC000  }
0x18f: {  	[tilespmem:s5], [sflag:$0x1] =	stream.indirect.gather [hbm4b:s31+s12], $0x80, s26, s12, $0xb8;
	[tilespmem:$0x8680] =	vst v63  }
0x190: {  	_ =	swait.ge [sflag:s10], $0x4000  }
0x191: {  	[sflag:s10] =	ssyncset.done $0x0  }
0x192: {  	s0 =	rddreg [dreg:$0xa];
	[sflag:s10] =	ssyncadd.s32 $0xFFFFC000  }
0x193: {  	[hbm4b:s0+s2] =	stream.linear.scatter [tilespmem:s8], [sflag:$0x3], $0x4000, $0x38;
	[tilespmem:$0x8680] =	vst v63  }
0x194: {  	_ =	swait.ge [sflag:s4], $0x4000  }
0x195: {  	[sflag:s4] =	ssyncset.done $0x0  }
0x196: {  	[sflag:s4] =	ssyncadd.s32 $0xFFFFC000  }
0x197: {  	[tilespmem:s8], [sflag:$0x2] =	stream.indirect.gather [hbm4b:s31+s12], $0x80, s25, s12, $0xb8;
	[tilespmem:$0x8680] =	vst v63  }
0x198: {  	_ =	swait.ge [sflag:s6], $0x4000  }
0x199: {  	[sflag:s6] =	ssyncset.done $0x0  }
0x19a: {  	s0 =	rddreg [dreg:$0xb];
	[sflag:s6] =	ssyncadd.s32 $0xFFFFC000  }
0x19b: {  	[hbm4b:s0+s2] =	stream.linear.scatter [tilespmem:s5], [sflag:$0x3], $0x4000, $0x38;
	[tilespmem:$0x8680] =	vst v63  }
0x19c: {  	_ =	swait.ge [sflag:s4], $0x4000  }
0x19d: {  	[sflag:s4] =	ssyncset.done $0x0  }
0x19e: {  	[sflag:s4] =	ssyncadd.s32 $0xFFFFC000  }
0x19f: {  	[tilespmem:s5], [sflag:$0x1] =	stream.indirect.gather [hbm4b:s31+s12], $0x80, s24, s12, $0xb8;
	[tilespmem:$0x8680] =	vst v63  }
0x1a0: {  	_ =	swait.ge [sflag:s10], $0x4000  }
0x1a1: {  	[sflag:s10] =	ssyncset.done $0x0  }
0x1a2: {  	s0 =	rddreg [dreg:$0xc];
	[sflag:s10] =	ssyncadd.s32 $0xFFFFC000  }
0x1a3: {  	[hbm4b:s0+s2] =	stream.linear.scatter [tilespmem:s8], [sflag:$0x3], $0x4000, $0x38;
	[tilespmem:$0x8680] =	vst v63  }
0x1a4: {  	_ =	swait.ge [sflag:s4], $0x4000  }
0x1a5: {  	[sflag:s4] =	ssyncset.done $0x0  }
0x1a6: {  	[sflag:s4] =	ssyncadd.s32 $0xFFFFC000  }
0x1a7: {  	[tilespmem:s8], [sflag:$0x2] =	stream.indirect.gather [hbm4b:s31+s12], $0x80, s23, s12, $0xb8;
	[tilespmem:$0x8680] =	vst v63  }
0x1a8: {  	_ =	swait.ge [sflag:s6], $0x4000  }
0x1a9: {  	[sflag:s6] =	ssyncset.done $0x0  }
0x1aa: {  	s0 =	rddreg [dreg:$0xd];
	[sflag:s6] =	ssyncadd.s32 $0xFFFFC000  }
0x1ab: {  	[hbm4b:s0+s2] =	stream.linear.scatter [tilespmem:s5], [sflag:$0x3], $0x4000, $0x38;
	[tilespmem:$0x8680] =	vst v63  }
0x1ac: {  	_ =	swait.ge [sflag:s4], $0x4000  }
0x1ad: {  	[sflag:s4] =	ssyncset.done $0x0  }
0x1ae: {  	[sflag:s4] =	ssyncadd.s32 $0xFFFFC000  }
0x1af: {  	[tilespmem:s5], [sflag:$0x1] =	stream.indirect.gather [hbm4b:s31+s12], $0x80, s22, s12, $0xb8;
	[tilespmem:$0x8680] =	vst v63  }
0x1b0: {  	_ =	swait.ge [sflag:s10], $0x4000  }
0x1b1: {  	[sflag:s10] =	ssyncset.done $0x0  }
0x1b2: {  	s0 =	rddreg [dreg:$0xe];
	[sflag:s10] =	ssyncadd.s32 $0xFFFFC000  }
0x1b3: {  	[hbm4b:s0+s2] =	stream.linear.scatter [tilespmem:s8], [sflag:$0x3], $0x4000, $0x38;
	[tilespmem:$0x8680] =	vst v63  }
0x1b4: {  	_ =	swait.ge [sflag:s4], $0x4000  }
0x1b5: {  	[sflag:s4] =	ssyncset.done $0x0  }
0x1b6: {  	[sflag:s4] =	ssyncadd.s32 $0xFFFFC000  }
0x1b7: {  	[tilespmem:s8], [sflag:$0x2] =	stream.indirect.gather [hbm4b:s31+s12], $0x80, s21, s12, $0xb8;
	[tilespmem:$0x8680] =	vst v63  }
0x1b8: {  	_ =	swait.ge [sflag:s6], $0x4000  }
0x1b9: {  	[sflag:s6] =	ssyncset.done $0x0  }
0x1ba: {  	s0 =	rddreg [dreg:$0xf];
	[sflag:s6] =	ssyncadd.s32 $0xFFFFC000  }
0x1bb: {  	[hbm4b:s0+s2] =	stream.linear.scatter [tilespmem:s5], [sflag:$0x3], $0x4000, $0x38;
	[tilespmem:$0x8680] =	vst v63  }
0x1bc: {  	_ =	swait.ge [sflag:s4], $0x4000  }
0x1bd: {  	[sflag:s4] =	ssyncset.done $0x0  }
0x1be: {  	[sflag:s4] =	ssyncadd.s32 $0xFFFFC000  }
0x1bf: {  	[tilespmem:s5], [sflag:$0x1] =	stream.indirect.gather [hbm4b:s31+s12], $0x80, s19, s12, $0xb8;
	[tilespmem:$0x8680] =	vst v63  }
0x1c0: {  	_ =	swait.ge [sflag:s10], $0x4000  }
0x1c1: {  	[sflag:s10] =	ssyncset.done $0x0  }
0x1c2: {  	s0 =	rddreg [dreg:$0x10];
	[sflag:s10] =	ssyncadd.s32 $0xFFFFC000  }
0x1c3: {  	[hbm4b:s0+s2] =	stream.linear.scatter [tilespmem:s8], [sflag:$0x3], $0x4000, $0x38;
	[tilespmem:$0x8680] =	vst v63  }
0x1c4: {  	_ =	swait.ge [sflag:s4], $0x4000  }
0x1c5: {  	[sflag:s4] =	ssyncset.done $0x0  }
0x1c6: {  	[sflag:s4] =	ssyncadd.s32 $0xFFFFC000  }
0x1c7: {  	[tilespmem:s8], [sflag:$0x2] =	stream.indirect.gather [hbm4b:s31+s12], $0x80, s17, s12, $0xb8;
	[tilespmem:$0x8680] =	vst v63  }
0x1c8: {  	_ =	swait.ge [sflag:s6], $0x4000  }
0x1c9: {  	[sflag:s6] =	ssyncset.done $0x0  }
0x1ca: {  	s0 =	rddreg [dreg:$0x11];
	[sflag:s6] =	ssyncadd.s32 $0xFFFFC000  }
0x1cb: {  	[hbm4b:s0+s2] =	stream.linear.scatter [tilespmem:s5], [sflag:$0x3], $0x4000, $0x38;
	[tilespmem:$0x8680] =	vst v63  }
0x1cc: {  	_ =	swait.ge [sflag:s4], $0x4000  }
0x1cd: {  	[sflag:s4] =	ssyncset.done $0x0  }
0x1ce: {  	[sflag:s4] =	ssyncadd.s32 $0xFFFFC000  }
0x1cf: {  	_ =	swait.ge [sflag:s10], $0x4000  }
0x1d0: {  	[sflag:s10] =	ssyncset.done $0x0  }
0x1d1: {  	s0 =	rddreg [dreg:$0x12];
	[sflag:s10] =	ssyncadd.s32 $0xFFFFC000  }
0x1d2: {  	[hbm4b:s0+s2] =	stream.linear.scatter [tilespmem:s8], [sflag:$0x3], $0x4000, $0x38;
	[tilespmem:$0x8680] =	vst v63  }
0x1d3: {  	_ =	swait.ge [sflag:s4], $0x4000  }
0x1d4: {  	[sflag:s4] =	ssyncset.done $0x0  }
0x1d5: {  	[sflag:s4] =	ssyncadd.s32 $0xFFFFC000  }
0x1d6: {  	[tilespmem:s5], [sflag:$0x1] =	stream.indirect.gather [hbm4b:s31+s13], $0x80, s14, s13, $0xb8;
	[tilespmem:$0x8680] =	vst v63  }
0x1d7: {  	_ =	swait.ge [sflag:s6], $0x2000  }
0x1d8: {  	[sflag:s6] =	ssyncset.done $0x0  }
0x1d9: {  	s0 =	rddreg [dreg:$0x4];
	[sflag:s6] =	ssyncadd.s32 $0xFFFFE000  }
0x1da: {  	[hbm4b:s0+s2] =	stream.linear.scatter [tilespmem:s5], [sflag:$0x3], $0x2000, $0x38;
	[tilespmem:$0x8680] =	vst v63  }
0x1db: {  	_ =	swait.ge [sflag:s4], $0x2000  }
0x1dc: {  	[sflag:s4] =	ssyncset.done $0x0  }
0x1dd: {  	[sflag:s4] =	ssyncadd.s32 $0xFFFFE000  }
0x1de: {  	[tilespmem:s5], [sflag:$0x1] =	stream.indirect.gather [hbm4b:s28+s12], $0x80, s2, s12, $0xb8;
	[tilespmem:$0x8680] =	vst v63  }
0x1df: {  	_ = 	snop  }
0x1e0: {  	[tilespmem:s8], [sflag:$0x2] =	stream.indirect.gather [hbm4b:s28+s12], $0x80, s12, s12, $0xb8;
	[tilespmem:$0x8680] =	vst v63  }
0x1e1: {  	_ =	swait.ge [sflag:s6], $0x4000  }
0x1e2: {  	[sflag:s6] =	ssyncset.done $0x0  }
0x1e3: {  	s0 =	rddreg [dreg:$0x13];
	[sflag:s6] =	ssyncadd.s32 $0xFFFFC000  }
0x1e4: {  	[hbm4b:s0+s2] =	stream.linear.scatter [tilespmem:s5], [sflag:$0x3], $0x4000, $0x38;
	[tilespmem:$0x8680] =	vst v63  }
0x1e5: {  	_ =	swait.ge [sflag:s4], $0x4000  }
0x1e6: {  	[sflag:s4] =	ssyncset.done $0x0  }
0x1e7: {  	[sflag:s4] =	ssyncadd.s32 $0xFFFFC000  }
0x1e8: {  	[tilespmem:s5], [sflag:$0x1] =	stream.indirect.gather [hbm4b:s28+s12], $0x80, s30, s12, $0xb8;
	[tilespmem:$0x8680] =	vst v63  }
0x1e9: {  	_ =	swait.ge [sflag:s10], $0x4000  }
0x1ea: {  	[sflag:s10] =	ssyncset.done $0x0  }
0x1eb: {  	s0 =	rddreg [dreg:$0x14];
	[sflag:s10] =	ssyncadd.s32 $0xFFFFC000  }
0x1ec: {  	[hbm4b:s0+s2] =	stream.linear.scatter [tilespmem:s8], [sflag:$0x3], $0x4000, $0x38;
	[tilespmem:$0x8680] =	vst v63  }
0x1ed: {  	_ =	swait.ge [sflag:s4], $0x4000  }
0x1ee: {  	[sflag:s4] =	ssyncset.done $0x0  }
0x1ef: {  	[sflag:s4] =	ssyncadd.s32 $0xFFFFC000  }
0x1f0: {  	[tilespmem:s8], [sflag:$0x2] =	stream.indirect.gather [hbm4b:s28+s12], $0x80, s29, s12, $0xb8;
	[tilespmem:$0x8680] =	vst v63  }
0x1f1: {  	_ =	swait.ge [sflag:s6], $0x4000  }
0x1f2: {  	[sflag:s6] =	ssyncset.done $0x0  }
0x1f3: {  	s0 =	rddreg [dreg:$0x15];
	[sflag:s6] =	ssyncadd.s32 $0xFFFFC000  }
0x1f4: {  	[hbm4b:s0+s2] =	stream.linear.scatter [tilespmem:s5], [sflag:$0x3], $0x4000, $0x38;
	[tilespmem:$0x8680] =	vst v63  }
0x1f5: {  	_ =	swait.ge [sflag:s4], $0x4000  }
0x1f6: {  	[sflag:s4] =	ssyncset.done $0x0  }
0x1f7: {  	[sflag:s4] =	ssyncadd.s32 $0xFFFFC000  }
0x1f8: {  	[tilespmem:s5], [sflag:$0x1] =	stream.indirect.gather [hbm4b:s28+s12], $0x80, s26, s12, $0xb8;
	[tilespmem:$0x8680] =	vst v63  }
0x1f9: {  	_ =	swait.ge [sflag:s10], $0x4000  }
0x1fa: {  	[sflag:s10] =	ssyncset.done $0x0  }
0x1fb: {  	s0 =	rddreg [dreg:$0x16];
	[sflag:s10] =	ssyncadd.s32 $0xFFFFC000  }
0x1fc: {  	[hbm4b:s0+s2] =	stream.linear.scatter [tilespmem:s8], [sflag:$0x3], $0x4000, $0x38;
	[tilespmem:$0x8680] =	vst v63  }
0x1fd: {  	_ =	swait.ge [sflag:s4], $0x4000  }
0x1fe: {  	[sflag:s4] =	ssyncset.done $0x0  }
0x1ff: {  	[sflag:s4] =	ssyncadd.s32 $0xFFFFC000  }
0x200: {  	[tilespmem:s8], [sflag:$0x2] =	stream.indirect.gather [hbm4b:s28+s12], $0x80, s25, s12, $0xb8;
	[tilespmem:$0x8680] =	vst v63  }
0x201: {  	_ =	swait.ge [sflag:s6], $0x4000  }
0x202: {  	[sflag:s6] =	ssyncset.done $0x0  }
0x203: {  	s0 =	rddreg [dreg:$0x17];
	[sflag:s6] =	ssyncadd.s32 $0xFFFFC000  }
0x204: {  	[hbm4b:s0+s2] =	stream.linear.scatter [tilespmem:s5], [sflag:$0x3], $0x4000, $0x38;
	[tilespmem:$0x8680] =	vst v63  }
0x205: {  	_ =	swait.ge [sflag:s4], $0x4000  }
0x206: {  	[sflag:s4] =	ssyncset.done $0x0  }
0x207: {  	[sflag:s4] =	ssyncadd.s32 $0xFFFFC000  }
0x208: {  	[tilespmem:s5], [sflag:$0x1] =	stream.indirect.gather [hbm4b:s28+s12], $0x80, s24, s12, $0xb8;
	[tilespmem:$0x8680] =	vst v63  }
0x209: {  	_ =	swait.ge [sflag:s10], $0x4000  }
0x20a: {  	[sflag:s10] =	ssyncset.done $0x0  }
0x20b: {  	s0 =	rddreg [dreg:$0x18];
	[sflag:s10] =	ssyncadd.s32 $0xFFFFC000  }
0x20c: {  	[hbm4b:s0+s2] =	stream.linear.scatter [tilespmem:s8], [sflag:$0x3], $0x4000, $0x38;
	[tilespmem:$0x8680] =	vst v63  }
0x20d: {  	_ =	swait.ge [sflag:s4], $0x4000  }
0x20e: {  	[sflag:s4] =	ssyncset.done $0x0  }
0x20f: {  	[sflag:s4] =	ssyncadd.s32 $0xFFFFC000  }
0x210: {  	[tilespmem:s8], [sflag:$0x2] =	stream.indirect.gather [hbm4b:s28+s12], $0x80, s23, s12, $0xb8;
	[tilespmem:$0x8680] =	vst v63  }
0x211: {  	_ =	swait.ge [sflag:s6], $0x4000  }
0x212: {  	[sflag:s6] =	ssyncset.done $0x0  }
0x213: {  	s0 =	rddreg [dreg:$0x19];
	[sflag:s6] =	ssyncadd.s32 $0xFFFFC000  }
0x214: {  	[hbm4b:s0+s2] =	stream.linear.scatter [tilespmem:s5], [sflag:$0x3], $0x4000, $0x38;
	[tilespmem:$0x8680] =	vst v63  }
0x215: {  	_ =	swait.ge [sflag:s4], $0x4000  }
0x216: {  	[sflag:s4] =	ssyncset.done $0x0  }
0x217: {  	[sflag:s4] =	ssyncadd.s32 $0xFFFFC000  }
0x218: {  	[tilespmem:s5], [sflag:$0x1] =	stream.indirect.gather [hbm4b:s28+s12], $0x80, s22, s12, $0xb8;
	[tilespmem:$0x8680] =	vst v63  }
0x219: {  	_ =	swait.ge [sflag:s10], $0x4000  }
0x21a: {  	[sflag:s10] =	ssyncset.done $0x0  }
0x21b: {  	s0 =	rddreg [dreg:$0x1a];
	[sflag:s10] =	ssyncadd.s32 $0xFFFFC000  }
0x21c: {  	[hbm4b:s0+s2] =	stream.linear.scatter [tilespmem:s8], [sflag:$0x3], $0x4000, $0x38;
	[tilespmem:$0x8680] =	vst v63  }
0x21d: {  	_ =	swait.ge [sflag:s4], $0x4000  }
0x21e: {  	[sflag:s4] =	ssyncset.done $0x0  }
0x21f: {  	[sflag:s4] =	ssyncadd.s32 $0xFFFFC000  }
0x220: {  	[tilespmem:s8], [sflag:$0x2] =	stream.indirect.gather [hbm4b:s28+s12], $0x80, s21, s12, $0xb8;
	[tilespmem:$0x8680] =	vst v63  }
0x221: {  	_ =	swait.ge [sflag:s6], $0x4000  }
0x222: {  	[sflag:s6] =	ssyncset.done $0x0  }
0x223: {  	s0 =	rddreg [dreg:$0x1b];
	[sflag:s6] =	ssyncadd.s32 $0xFFFFC000  }
0x224: {  	[hbm4b:s0+s2] =	stream.linear.scatter [tilespmem:s5], [sflag:$0x3], $0x4000, $0x38;
	[tilespmem:$0x8680] =	vst v63  }
0x225: {  	_ =	swait.ge [sflag:s4], $0x4000  }
0x226: {  	[sflag:s4] =	ssyncset.done $0x0  }
0x227: {  	[sflag:s4] =	ssyncadd.s32 $0xFFFFC000  }
0x228: {  	[tilespmem:s5], [sflag:$0x1] =	stream.indirect.gather [hbm4b:s28+s12], $0x80, s19, s12, $0xb8;
	[tilespmem:$0x8680] =	vst v63  }
0x229: {  	_ =	swait.ge [sflag:s10], $0x4000  }
0x22a: {  	[sflag:s10] =	ssyncset.done $0x0  }
0x22b: {  	s0 =	rddreg [dreg:$0x1c];
	[sflag:s10] =	ssyncadd.s32 $0xFFFFC000  }
0x22c: {  	[hbm4b:s0+s2] =	stream.linear.scatter [tilespmem:s8], [sflag:$0x3], $0x4000, $0x38;
	[tilespmem:$0x8680] =	vst v63  }
0x22d: {  	_ =	swait.ge [sflag:s4], $0x4000  }
0x22e: {  	[sflag:s4] =	ssyncset.done $0x0  }
0x22f: {  	[sflag:s4] =	ssyncadd.s32 $0xFFFFC000  }
0x230: {  	[tilespmem:s8], [sflag:$0x2] =	stream.indirect.gather [hbm4b:s28+s12], $0x80, s17, s12, $0xb8;
	[tilespmem:$0x8680] =	vst v63  }
0x231: {  	_ =	swait.ge [sflag:s6], $0x4000  }
0x232: {  	[sflag:s6] =	ssyncset.done $0x0  }
0x233: {  	s0 =	rddreg [dreg:$0x1d];
	[sflag:s6] =	ssyncadd.s32 $0xFFFFC000  }
0x234: {  	[hbm4b:s0+s2] =	stream.linear.scatter [tilespmem:s5], [sflag:$0x3], $0x4000, $0x38;
	[tilespmem:$0x8680] =	vst v63  }
0x235: {  	_ =	swait.ge [sflag:s4], $0x4000  }
0x236: {  	[sflag:s4] =	ssyncset.done $0x0  }
0x237: {  	[sflag:s4] =	ssyncadd.s32 $0xFFFFC000  }
0x238: {  	_ =	swait.ge [sflag:s10], $0x4000  }
0x239: {  	[sflag:s10] =	ssyncset.done $0x0  }
0x23a: {  	s0 =	rddreg [dreg:$0x1e];
	[sflag:s10] =	ssyncadd.s32 $0xFFFFC000  }
0x23b: {  	[hbm4b:s0+s2] =	stream.linear.scatter [tilespmem:s8], [sflag:$0x3], $0x4000, $0x38;
	[tilespmem:$0x8680] =	vst v63  }
0x23c: {  	_ =	swait.ge [sflag:s4], $0x4000  }
0x23d: {  	[sflag:s4] =	ssyncset.done $0x0  }
0x23e: {  	[sflag:s4] =	ssyncadd.s32 $0xFFFFC000  }
0x23f: {  	[tilespmem:s5], [sflag:$0x1] =	stream.indirect.gather [hbm4b:s28+s13], $0x80, s14, s13, $0xb8;
	[tilespmem:$0x8680] =	vst v63  }
0x240: {  	_ =	swait.ge [sflag:s6], $0x2000  }
0x241: {  	[sflag:s6] =	ssyncset.done $0x0  }
0x242: {  	s0 =	rddreg [dreg:$0x5];
	[sflag:s6] =	ssyncadd.s32 $0xFFFFE000  }
0x243: {  	[hbm4b:s0+s2] =	stream.linear.scatter [tilespmem:s5], [sflag:$0x3], $0x2000, $0x38;
	[tilespmem:$0x8680] =	vst v63  }
0x244: {  	_ =	swait.ge [sflag:s4], $0x2000  }
0x245: {  	[sflag:s4] =	ssyncset.done $0x0  }
0x246: {  	[sflag:s4] =	ssyncadd.s32 $0xFFFFE000  }
0x247: {  	[tilespmem:s5], [sflag:$0x1] =	stream.indirect.gather [hbm4b:s3+s12], $0x80, s2, s12, $0xb8;
	[tilespmem:$0x8680] =	vst v63  }
0x248: {  	_ = 	snop  }
0x249: {  	[tilespmem:s8], [sflag:$0x2] =	stream.indirect.gather [hbm4b:s3+s12], $0x80, s12, s12, $0xb8;
	[tilespmem:$0x8680] =	vst v63  }
0x24a: {  	_ =	swait.ge [sflag:s6], $0x4000  }
0x24b: {  	[sflag:s6] =	ssyncset.done $0x0  }
0x24c: {  	s0 =	rddreg [dreg:$0x1f];
	[sflag:s6] =	ssyncadd.s32 $0xFFFFC000  }
0x24d: {  	[hbm4b:s0+s2] =	stream.linear.scatter [tilespmem:s5], [sflag:$0x3], $0x4000, $0x38;
	[tilespmem:$0x8680] =	vst v63  }
0x24e: {  	_ =	swait.ge [sflag:s4], $0x4000  }
0x24f: {  	[sflag:s4] =	ssyncset.done $0x0  }
0x250: {  	[sflag:s4] =	ssyncadd.s32 $0xFFFFC000  }
0x251: {  	[tilespmem:s5], [sflag:$0x1] =	stream.indirect.gather [hbm4b:s3+s12], $0x80, s30, s12, $0xb8;
	[tilespmem:$0x8680] =	vst v63  }
0x252: {  	_ =	swait.ge [sflag:s10], $0x4000  }
0x253: {  	s0 =	sld [smem:$0x7FA]  }
0x254: {  	[sflag:s10] =	ssyncset.done $0x0  }
0x255: {  	[sflag:s10] =	ssyncadd.s32 $0xFFFFC000  }
0x256: {  	[hbm4b:s0+s2] =	stream.linear.scatter [tilespmem:s8], [sflag:$0x3], $0x4000, $0x38;
	[tilespmem:$0x8680] =	vst v63  }
0x257: {  	_ =	swait.ge [sflag:s4], $0x4000  }
0x258: {  	[sflag:s4] =	ssyncset.done $0x0  }
0x259: {  	[sflag:s4] =	ssyncadd.s32 $0xFFFFC000  }
0x25a: {  	[tilespmem:s8], [sflag:$0x2] =	stream.indirect.gather [hbm4b:s3+s12], $0x80, s29, s12, $0xb8;
	[tilespmem:$0x8680] =	vst v63  }
0x25b: {  	_ =	swait.ge [sflag:s6], $0x4000  }
0x25c: {  	s0 =	sld [smem:$0x7FB]  }
0x25d: {  	[sflag:s6] =	ssyncset.done $0x0  }
0x25e: {  	[sflag:s6] =	ssyncadd.s32 $0xFFFFC000  }
0x25f: {  	[hbm4b:s0+s2] =	stream.linear.scatter [tilespmem:s5], [sflag:$0x3], $0x4000, $0x38;
	[tilespmem:$0x8680] =	vst v63  }
0x260: {  	_ =	swait.ge [sflag:s4], $0x4000  }
0x261: {  	[sflag:s4] =	ssyncset.done $0x0  }
0x262: {  	[sflag:s4] =	ssyncadd.s32 $0xFFFFC000  }
0x263: {  	[tilespmem:s5], [sflag:$0x1] =	stream.indirect.gather [hbm4b:s3+s12], $0x80, s26, s12, $0xb8;
	[tilespmem:$0x8680] =	vst v63  }
0x264: {  	_ =	swait.ge [sflag:s10], $0x4000  }
0x265: {  	s0 =	sld [smem:$0x7FC]  }
0x266: {  	[sflag:s10] =	ssyncset.done $0x0  }
0x267: {  	[sflag:s10] =	ssyncadd.s32 $0xFFFFC000  }
0x268: {  	[hbm4b:s0+s2] =	stream.linear.scatter [tilespmem:s8], [sflag:$0x3], $0x4000, $0x38;
	[tilespmem:$0x8680] =	vst v63  }
0x269: {  	_ =	swait.ge [sflag:s4], $0x4000  }
0x26a: {  	[sflag:s4] =	ssyncset.done $0x0  }
0x26b: {  	[sflag:s4] =	ssyncadd.s32 $0xFFFFC000  }
0x26c: {  	[tilespmem:s8], [sflag:$0x2] =	stream.indirect.gather [hbm4b:s3+s12], $0x80, s25, s12, $0xb8;
	[tilespmem:$0x8680] =	vst v63  }
0x26d: {  	_ =	swait.ge [sflag:s6], $0x4000  }
0x26e: {  	s0 =	sld [smem:$0x7FD]  }
0x26f: {  	[sflag:s6] =	ssyncset.done $0x0  }
0x270: {  	[sflag:s6] =	ssyncadd.s32 $0xFFFFC000  }
0x271: {  	[hbm4b:s0+s2] =	stream.linear.scatter [tilespmem:s5], [sflag:$0x3], $0x4000, $0x38;
	[tilespmem:$0x8680] =	vst v63  }
0x272: {  	_ =	swait.ge [sflag:s4], $0x4000  }
0x273: {  	[sflag:s4] =	ssyncset.done $0x0  }
0x274: {  	[sflag:s4] =	ssyncadd.s32 $0xFFFFC000  }
0x275: {  	[tilespmem:s5], [sflag:$0x1] =	stream.indirect.gather [hbm4b:s3+s12], $0x80, s24, s12, $0xb8;
	[tilespmem:$0x8680] =	vst v63  }
0x276: {  	_ =	swait.ge [sflag:s10], $0x4000  }
0x277: {  	[sflag:s10] =	ssyncset.done $0x0  }
0x278: {  	[sflag:s10] =	ssyncadd.s32 $0xFFFFC000  }
0x279: {  	[hbm4b:s20+s2] =	stream.linear.scatter [tilespmem:s8], [sflag:$0x3], $0x4000, $0x38;
	[tilespmem:$0x8680] =	vst v63  }
0x27a: {  	_ =	swait.ge [sflag:s4], $0x4000  }
0x27b: {  	[sflag:s4] =	ssyncset.done $0x0  }
0x27c: {  	[sflag:s4] =	ssyncadd.s32 $0xFFFFC000  }
0x27d: {  	[tilespmem:s8], [sflag:$0x2] =	stream.indirect.gather [hbm4b:s3+s12], $0x80, s23, s12, $0xb8;
	[tilespmem:$0x8680] =	vst v63  }
0x27e: {  	_ =	swait.ge [sflag:s6], $0x4000  }
0x27f: {  	[sflag:s6] =	ssyncset.done $0x0  }
0x280: {  	[sflag:s6] =	ssyncadd.s32 $0xFFFFC000  }
0x281: {  	[hbm4b:s18+s2] =	stream.linear.scatter [tilespmem:s5], [sflag:$0x3], $0x4000, $0x38;
	[tilespmem:$0x8680] =	vst v63  }
0x282: {  	_ =	swait.ge [sflag:s4], $0x4000  }
0x283: {  	[sflag:s4] =	ssyncset.done $0x0  }
0x284: {  	[sflag:s4] =	ssyncadd.s32 $0xFFFFC000  }
0x285: {  	[tilespmem:s5], [sflag:$0x1] =	stream.indirect.gather [hbm4b:s3+s12], $0x80, s22, s12, $0xb8;
	[tilespmem:$0x8680] =	vst v63  }
0x286: {  	_ =	swait.ge [sflag:s10], $0x4000  }
0x287: {  	[sflag:s10] =	ssyncset.done $0x0  }
0x288: {  	[sflag:s10] =	ssyncadd.s32 $0xFFFFC000  }
0x289: {  	[hbm4b:s16+s2] =	stream.linear.scatter [tilespmem:s8], [sflag:$0x3], $0x4000, $0x38;
	[tilespmem:$0x8680] =	vst v63  }
0x28a: {  	_ =	swait.ge [sflag:s4], $0x4000  }
0x28b: {  	[sflag:s4] =	ssyncset.done $0x0  }
0x28c: {  	[sflag:s4] =	ssyncadd.s32 $0xFFFFC000  }
0x28d: {  	[tilespmem:s8], [sflag:$0x2] =	stream.indirect.gather [hbm4b:s3+s12], $0x80, s21, s12, $0xb8;
	[tilespmem:$0x8680] =	vst v63  }
0x28e: {  	_ =	swait.ge [sflag:s6], $0x4000  }
0x28f: {  	[sflag:s6] =	ssyncset.done $0x0  }
0x290: {  	[sflag:s6] =	ssyncadd.s32 $0xFFFFC000  }
0x291: {  	[hbm4b:s15+s2] =	stream.linear.scatter [tilespmem:s5], [sflag:$0x3], $0x4000, $0x38;
	[tilespmem:$0x8680] =	vst v63  }
0x292: {  	_ =	swait.ge [sflag:s4], $0x4000  }
0x293: {  	[sflag:s4] =	ssyncset.done $0x0  }
0x294: {  	[sflag:s4] =	ssyncadd.s32 $0xFFFFC000  }
0x295: {  	[tilespmem:s5], [sflag:$0x1] =	stream.indirect.gather [hbm4b:s3+s12], $0x80, s19, s12, $0xb8;
	[tilespmem:$0x8680] =	vst v63  }
0x296: {  	_ =	swait.ge [sflag:s10], $0x4000  }
0x297: {  	[sflag:s10] =	ssyncset.done $0x0  }
0x298: {  	[sflag:s10] =	ssyncadd.s32 $0xFFFFC000  }
0x299: {  	[hbm4b:s11+s2] =	stream.linear.scatter [tilespmem:s8], [sflag:$0x3], $0x4000, $0x38;
	[tilespmem:$0x8680] =	vst v63  }
0x29a: {  	_ =	swait.ge [sflag:s4], $0x4000  }
0x29b: {  	[sflag:s4] =	ssyncset.done $0x0  }
0x29c: {  	[sflag:s4] =	ssyncadd.s32 $0xFFFFC000  }
0x29d: {  	[tilespmem:s8], [sflag:$0x2] =	stream.indirect.gather [hbm4b:s3+s12], $0x80, s17, s12, $0xb8;
	[tilespmem:$0x8680] =	vst v63  }
0x29e: {  	_ =	swait.ge [sflag:s6], $0x4000  }
0x29f: {  	[sflag:s6] =	ssyncset.done $0x0  }
0x2a0: {  	[sflag:s6] =	ssyncadd.s32 $0xFFFFC000  }
0x2a1: {  	[hbm4b:s9+s2] =	stream.linear.scatter [tilespmem:s5], [sflag:$0x3], $0x4000, $0x38;
	[tilespmem:$0x8680] =	vst v63  }
0x2a2: {  	_ =	swait.ge [sflag:s4], $0x4000  }
0x2a3: {  	[sflag:s4] =	ssyncset.done $0x0  }
0x2a4: {  	[sflag:s4] =	ssyncadd.s32 $0xFFFFC000  }
0x2a5: {  	_ =	swait.ge [sflag:s10], $0x4000  }
0x2a6: {  	[sflag:s10] =	ssyncset.done $0x0  }
0x2a7: {  	[sflag:s10] =	ssyncadd.s32 $0xFFFFC000  }
0x2a8: {  	[hbm4b:s7+s2] =	stream.linear.scatter [tilespmem:s8], [sflag:$0x3], $0x4000, $0x38;
	[tilespmem:$0x8680] =	vst v63  }
0x2a9: {  	_ =	swait.ge [sflag:s4], $0x4000  }
0x2aa: {  	[sflag:s4] =	ssyncset.done $0x0  }
0x2ab: {  	[sflag:s4] =	ssyncadd.s32 $0xFFFFC000  }
0x2ac: {  	[tilespmem:s5], [sflag:$0x1] =	stream.indirect.gather [hbm4b:s3+s13], $0x80, s14, s13, $0xb8;
	[tilespmem:$0x8680] =	vst v63  }
0x2ad: {  	p1 =	sne.s32 s1, $0x1;
	_ =	swait.ge [sflag:s6], $0x2000  }
.Ltmp2:
0x2ae: {  	[sflag:s6] =	ssyncset.done $0x0;
	(pc) =	sbr.rel @p1 .LBB2_2-.Ltmp2, $4  }
0x2af: {  	s0 =	rddreg [dreg:$0x6];
	[sflag:s6] =	ssyncadd.s32 $0xFFFFE000  }
0x2b0: {  	[hbm4b:s0+s2] =	stream.linear.scatter [tilespmem:s5], [sflag:$0x3], $0x2000, $0x38;
	[tilespmem:$0x8680] =	vst v63  }
0x2b1: {  	_ =	swait.ge [sflag:s4], $0x2000  }
0x2b2: {  	s1 =	sadd.s32 $0xFFFFFFFF, s1;
	s0 =	rddreg [dreg:$0x3];
	[sflag:s4] =	ssyncset.done $0x0  }
.LBB2_3:
0x2b3: {  	[sflag:s4] =	ssyncadd.s32 @p0 $0xFFFFE000  }
0x2b4: {  	[tilespmem:s2], [sflag:$0x3] =	stream.linear.gather [hbm4b:s0+s2], $0x640, $0x38;
	[tilespmem:$0x8680] =	vst v63  }
0x2b5: {  	_ =	swait.ge [sflag:s4], $0x640  }
0x2b6: {  	[sflag:s4] =	ssyncset.done $0x0  }
0x2b7: {  	[sflag:s4] =	ssyncadd.s32 $0xFFFFF9C0  }
0x2b8: {  	[tilespmem:s5], [sflag:$0x1] =	stream.indirect.gather [hbm4b:s31+s12], $0x80, s2, s12, $0xb8;
	[tilespmem:$0x8680] =	vst v63  }
0x2b9: {  	_ = 	snop  }
0x2ba: {  	[tilespmem:s8], [sflag:$0x2] =	stream.indirect.gather [hbm4b:s31+s12], $0x80, s12, s12, $0xb8;
	[tilespmem:$0x8680] =	vst v63  }
0x2bb: {  	_ =	swait.ge [sflag:s6], $0x4000  }
0x2bc: {  	[sflag:s6] =	ssyncset.done $0x0  }
0x2bd: {  	s1 =	rddreg [dreg:$0x7];
	[sflag:s6] =	ssyncadd.s32 $0xFFFFC000  }
0x2be: {  	[hbm4b:s1+s2] =	stream.linear.scatter [tilespmem:s5], [sflag:$0x3], $0x4000, $0x38;
	[tilespmem:$0x8680] =	vst v63  }
0x2bf: {  	_ =	swait.ge [sflag:s4], $0x4000  }
0x2c0: {  	[sflag:s4] =	ssyncset.done $0x0  }
0x2c1: {  	[sflag:s4] =	ssyncadd.s32 $0xFFFFC000  }
0x2c2: {  	[tilespmem:s5], [sflag:$0x1] =	stream.indirect.gather [hbm4b:s31+s12], $0x80, s30, s12, $0xb8;
	[tilespmem:$0x8680] =	vst v63  }
0x2c3: {  	_ =	swait.ge [sflag:s10], $0x4000  }
0x2c4: {  	[sflag:s10] =	ssyncset.done $0x0  }
0x2c5: {  	s1 =	rddreg [dreg:$0x8];
	[sflag:s10] =	ssyncadd.s32 $0xFFFFC000  }
0x2c6: {  	[hbm4b:s1+s2] =	stream.linear.scatter [tilespmem:s8], [sflag:$0x3], $0x4000, $0x38;
	[tilespmem:$0x8680] =	vst v63  }
0x2c7: {  	_ =	swait.ge [sflag:s4], $0x4000  }
0x2c8: {  	[sflag:s4] =	ssyncset.done $0x0  }
0x2c9: {  	[sflag:s4] =	ssyncadd.s32 $0xFFFFC000  }
0x2ca: {  	[tilespmem:s8], [sflag:$0x2] =	stream.indirect.gather [hbm4b:s31+s12], $0x80, s29, s12, $0xb8;
	[tilespmem:$0x8680] =	vst v63  }
0x2cb: {  	_ =	swait.ge [sflag:s6], $0x4000  }
0x2cc: {  	[sflag:s6] =	ssyncset.done $0x0  }
0x2cd: {  	s1 =	rddreg [dreg:$0x9];
	[sflag:s6] =	ssyncadd.s32 $0xFFFFC000  }
0x2ce: {  	[hbm4b:s1+s2] =	stream.linear.scatter [tilespmem:s5], [sflag:$0x3], $0x4000, $0x38;
	[tilespmem:$0x8680] =	vst v63  }
0x2cf: {  	_ =	swait.ge [sflag:s4], $0x4000  }
0x2d0: {  	[sflag:s4] =	ssyncset.done $0x0  }
0x2d1: {  	[sflag:s4] =	ssyncadd.s32 $0xFFFFC000  }
0x2d2: {  	[tilespmem:s5], [sflag:$0x1] =	stream.indirect.gather [hbm4b:s31+s12], $0x80, s26, s12, $0xb8;
	[tilespmem:$0x8680] =	vst v63  }
0x2d3: {  	_ =	swait.ge [sflag:s10], $0x4000  }
0x2d4: {  	[sflag:s10] =	ssyncset.done $0x0  }
0x2d5: {  	s1 =	rddreg [dreg:$0xa];
	[sflag:s10] =	ssyncadd.s32 $0xFFFFC000  }
0x2d6: {  	[hbm4b:s1+s2] =	stream.linear.scatter [tilespmem:s8], [sflag:$0x3], $0x4000, $0x38;
	[tilespmem:$0x8680] =	vst v63  }
0x2d7: {  	_ =	swait.ge [sflag:s4], $0x4000  }
0x2d8: {  	[sflag:s4] =	ssyncset.done $0x0  }
0x2d9: {  	[sflag:s4] =	ssyncadd.s32 $0xFFFFC000  }
0x2da: {  	[tilespmem:s8], [sflag:$0x2] =	stream.indirect.gather [hbm4b:s31+s12], $0x80, s25, s12, $0xb8;
	[tilespmem:$0x8680] =	vst v63  }
0x2db: {  	_ =	swait.ge [sflag:s6], $0x4000  }
0x2dc: {  	[sflag:s6] =	ssyncset.done $0x0  }
0x2dd: {  	s1 =	rddreg [dreg:$0xb];
	[sflag:s6] =	ssyncadd.s32 $0xFFFFC000  }
0x2de: {  	[hbm4b:s1+s2] =	stream.linear.scatter [tilespmem:s5], [sflag:$0x3], $0x4000, $0x38;
	[tilespmem:$0x8680] =	vst v63  }
0x2df: {  	_ =	swait.ge [sflag:s4], $0x4000  }
0x2e0: {  	[sflag:s4] =	ssyncset.done $0x0  }
0x2e1: {  	[sflag:s4] =	ssyncadd.s32 $0xFFFFC000  }
0x2e2: {  	[tilespmem:s5], [sflag:$0x1] =	stream.indirect.gather [hbm4b:s31+s12], $0x80, s24, s12, $0xb8;
	[tilespmem:$0x8680] =	vst v63  }
0x2e3: {  	_ =	swait.ge [sflag:s10], $0x4000  }
0x2e4: {  	[sflag:s10] =	ssyncset.done $0x0  }
0x2e5: {  	s1 =	rddreg [dreg:$0xc];
	[sflag:s10] =	ssyncadd.s32 $0xFFFFC000  }
0x2e6: {  	[hbm4b:s1+s2] =	stream.linear.scatter [tilespmem:s8], [sflag:$0x3], $0x4000, $0x38;
	[tilespmem:$0x8680] =	vst v63  }
0x2e7: {  	_ =	swait.ge [sflag:s4], $0x4000  }
0x2e8: {  	[sflag:s4] =	ssyncset.done $0x0  }
0x2e9: {  	[sflag:s4] =	ssyncadd.s32 $0xFFFFC000  }
0x2ea: {  	[tilespmem:s8], [sflag:$0x2] =	stream.indirect.gather [hbm4b:s31+s12], $0x80, s23, s12, $0xb8;
	[tilespmem:$0x8680] =	vst v63  }
0x2eb: {  	_ =	swait.ge [sflag:s6], $0x4000  }
0x2ec: {  	[sflag:s6] =	ssyncset.done $0x0  }
0x2ed: {  	s1 =	rddreg [dreg:$0xd];
	[sflag:s6] =	ssyncadd.s32 $0xFFFFC000  }
0x2ee: {  	[hbm4b:s1+s2] =	stream.linear.scatter [tilespmem:s5], [sflag:$0x3], $0x4000, $0x38;
	[tilespmem:$0x8680] =	vst v63  }
0x2ef: {  	_ =	swait.ge [sflag:s4], $0x4000  }
0x2f0: {  	[sflag:s4] =	ssyncset.done $0x0  }
0x2f1: {  	[sflag:s4] =	ssyncadd.s32 $0xFFFFC000  }
0x2f2: {  	[tilespmem:s5], [sflag:$0x1] =	stream.indirect.gather [hbm4b:s31+s12], $0x80, s22, s12, $0xb8;
	[tilespmem:$0x8680] =	vst v63  }
0x2f3: {  	_ =	swait.ge [sflag:s10], $0x4000  }
0x2f4: {  	[sflag:s10] =	ssyncset.done $0x0  }
0x2f5: {  	s1 =	rddreg [dreg:$0xe];
	[sflag:s10] =	ssyncadd.s32 $0xFFFFC000  }
0x2f6: {  	[hbm4b:s1+s2] =	stream.linear.scatter [tilespmem:s8], [sflag:$0x3], $0x4000, $0x38;
	[tilespmem:$0x8680] =	vst v63  }
0x2f7: {  	_ =	swait.ge [sflag:s4], $0x4000  }
0x2f8: {  	[sflag:s4] =	ssyncset.done $0x0  }
0x2f9: {  	[sflag:s4] =	ssyncadd.s32 $0xFFFFC000  }
0x2fa: {  	[tilespmem:s8], [sflag:$0x2] =	stream.indirect.gather [hbm4b:s31+s12], $0x80, s21, s12, $0xb8;
	[tilespmem:$0x8680] =	vst v63  }
0x2fb: {  	_ =	swait.ge [sflag:s6], $0x4000  }
0x2fc: {  	[sflag:s6] =	ssyncset.done $0x0  }
0x2fd: {  	s1 =	rddreg [dreg:$0xf];
	[sflag:s6] =	ssyncadd.s32 $0xFFFFC000  }
0x2fe: {  	[hbm4b:s1+s2] =	stream.linear.scatter [tilespmem:s5], [sflag:$0x3], $0x4000, $0x38;
	[tilespmem:$0x8680] =	vst v63  }
0x2ff: {  	_ =	swait.ge [sflag:s4], $0x4000  }
0x300: {  	[sflag:s4] =	ssyncset.done $0x0  }
0x301: {  	[sflag:s4] =	ssyncadd.s32 $0xFFFFC000  }
0x302: {  	[tilespmem:s5], [sflag:$0x1] =	stream.indirect.gather [hbm4b:s31+s12], $0x80, s19, s12, $0xb8;
	[tilespmem:$0x8680] =	vst v63  }
0x303: {  	_ =	swait.ge [sflag:s10], $0x4000  }
0x304: {  	[sflag:s10] =	ssyncset.done $0x0  }
0x305: {  	s1 =	rddreg [dreg:$0x10];
	[sflag:s10] =	ssyncadd.s32 $0xFFFFC000  }
0x306: {  	[hbm4b:s1+s2] =	stream.linear.scatter [tilespmem:s8], [sflag:$0x3], $0x4000, $0x38;
	[tilespmem:$0x8680] =	vst v63  }
0x307: {  	_ =	swait.ge [sflag:s4], $0x4000  }
0x308: {  	[sflag:s4] =	ssyncset.done $0x0  }
0x309: {  	[sflag:s4] =	ssyncadd.s32 $0xFFFFC000  }
0x30a: {  	[tilespmem:s8], [sflag:$0x2] =	stream.indirect.gather [hbm4b:s31+s12], $0x80, s17, s12, $0xb8;
	[tilespmem:$0x8680] =	vst v63  }
0x30b: {  	_ =	swait.ge [sflag:s6], $0x4000  }
0x30c: {  	[sflag:s6] =	ssyncset.done $0x0  }
0x30d: {  	s1 =	rddreg [dreg:$0x11];
	[sflag:s6] =	ssyncadd.s32 $0xFFFFC000  }
0x30e: {  	[hbm4b:s1+s2] =	stream.linear.scatter [tilespmem:s5], [sflag:$0x3], $0x4000, $0x38;
	[tilespmem:$0x8680] =	vst v63  }
0x30f: {  	_ =	swait.ge [sflag:s4], $0x4000  }
0x310: {  	[sflag:s4] =	ssyncset.done $0x0  }
0x311: {  	[sflag:s4] =	ssyncadd.s32 $0xFFFFC000  }
0x312: {  	_ =	swait.ge [sflag:s10], $0x4000  }
0x313: {  	[sflag:s10] =	ssyncset.done $0x0  }
0x314: {  	s1 =	rddreg [dreg:$0x12];
	[sflag:s10] =	ssyncadd.s32 $0xFFFFC000  }
0x315: {  	[hbm4b:s1+s2] =	stream.linear.scatter [tilespmem:s8], [sflag:$0x3], $0x4000, $0x38;
	[tilespmem:$0x8680] =	vst v63  }
0x316: {  	_ =	swait.ge [sflag:s4], $0x4000  }
0x317: {  	[sflag:s4] =	ssyncset.done $0x0  }
0x318: {  	[sflag:s4] =	ssyncadd.s32 $0xFFFFC000  }
0x319: {  	[tilespmem:s5], [sflag:$0x1] =	stream.indirect.gather [hbm4b:s31+s13], $0x80, s14, s13, $0xb8;
	[tilespmem:$0x8680] =	vst v63  }
0x31a: {  	_ =	swait.ge [sflag:s6], $0x2000  }
0x31b: {  	[sflag:s6] =	ssyncset.done $0x0  }
0x31c: {  	s31 =	rddreg [dreg:$0x4];
	[sflag:s6] =	ssyncadd.s32 $0xFFFFE000  }
0x31d: {  	[hbm4b:s31+s2] =	stream.linear.scatter [tilespmem:s5], [sflag:$0x3], $0x2000, $0x38;
	[tilespmem:$0x8680] =	vst v63  }
0x31e: {  	_ =	swait.ge [sflag:s4], $0x2000  }
0x31f: {  	[sflag:s4] =	ssyncset.done $0x0  }
0x320: {  	[sflag:s4] =	ssyncadd.s32 $0xFFFFE000  }
0x321: {  	[tilespmem:s5], [sflag:$0x1] =	stream.indirect.gather [hbm4b:s28+s12], $0x80, s2, s12, $0xb8;
	[tilespmem:$0x8680] =	vst v63  }
0x322: {  	_ = 	snop  }
0x323: {  	[tilespmem:s8], [sflag:$0x2] =	stream.indirect.gather [hbm4b:s28+s12], $0x80, s12, s12, $0xb8;
	[tilespmem:$0x8680] =	vst v63  }
0x324: {  	_ =	swait.ge [sflag:s6], $0x4000  }
0x325: {  	[sflag:s6] =	ssyncset.done $0x0  }
0x326: {  	s1 =	rddreg [dreg:$0x13];
	[sflag:s6] =	ssyncadd.s32 $0xFFFFC000  }
0x327: {  	[hbm4b:s1+s2] =	stream.linear.scatter [tilespmem:s5], [sflag:$0x3], $0x4000, $0x38;
	[tilespmem:$0x8680] =	vst v63  }
0x328: {  	_ =	swait.ge [sflag:s4], $0x4000  }
0x329: {  	[sflag:s4] =	ssyncset.done $0x0  }
0x32a: {  	[sflag:s4] =	ssyncadd.s32 $0xFFFFC000  }
0x32b: {  	[tilespmem:s5], [sflag:$0x1] =	stream.indirect.gather [hbm4b:s28+s12], $0x80, s30, s12, $0xb8;
	[tilespmem:$0x8680] =	vst v63  }
0x32c: {  	_ =	swait.ge [sflag:s10], $0x4000  }
0x32d: {  	[sflag:s10] =	ssyncset.done $0x0  }
0x32e: {  	s31 =	rddreg [dreg:$0x14];
	[sflag:s10] =	ssyncadd.s32 $0xFFFFC000  }
0x32f: {  	[hbm4b:s31+s2] =	stream.linear.scatter [tilespmem:s8], [sflag:$0x3], $0x4000, $0x38;
	[tilespmem:$0x8680] =	vst v63  }
0x330: {  	_ =	swait.ge [sflag:s4], $0x4000  }
0x331: {  	[sflag:s4] =	ssyncset.done $0x0  }
0x332: {  	[sflag:s4] =	ssyncadd.s32 $0xFFFFC000  }
0x333: {  	[tilespmem:s8], [sflag:$0x2] =	stream.indirect.gather [hbm4b:s28+s12], $0x80, s29, s12, $0xb8;
	[tilespmem:$0x8680] =	vst v63  }
0x334: {  	_ =	swait.ge [sflag:s6], $0x4000  }
0x335: {  	[sflag:s6] =	ssyncset.done $0x0  }
0x336: {  	s1 =	rddreg [dreg:$0x15];
	[sflag:s6] =	ssyncadd.s32 $0xFFFFC000  }
0x337: {  	[hbm4b:s1+s2] =	stream.linear.scatter [tilespmem:s5], [sflag:$0x3], $0x4000, $0x38;
	[tilespmem:$0x8680] =	vst v63  }
0x338: {  	_ =	swait.ge [sflag:s4], $0x4000  }
0x339: {  	[sflag:s4] =	ssyncset.done $0x0  }
0x33a: {  	[sflag:s4] =	ssyncadd.s32 $0xFFFFC000  }
0x33b: {  	[tilespmem:s5], [sflag:$0x1] =	stream.indirect.gather [hbm4b:s28+s12], $0x80, s26, s12, $0xb8;
	[tilespmem:$0x8680] =	vst v63  }
0x33c: {  	_ =	swait.ge [sflag:s10], $0x4000  }
0x33d: {  	[sflag:s10] =	ssyncset.done $0x0  }
0x33e: {  	s31 =	rddreg [dreg:$0x16];
	[sflag:s10] =	ssyncadd.s32 $0xFFFFC000  }
0x33f: {  	[hbm4b:s31+s2] =	stream.linear.scatter [tilespmem:s8], [sflag:$0x3], $0x4000, $0x38;
	[tilespmem:$0x8680] =	vst v63  }
0x340: {  	_ =	swait.ge [sflag:s4], $0x4000  }
0x341: {  	[sflag:s4] =	ssyncset.done $0x0  }
0x342: {  	[sflag:s4] =	ssyncadd.s32 $0xFFFFC000  }
0x343: {  	[tilespmem:s8], [sflag:$0x2] =	stream.indirect.gather [hbm4b:s28+s12], $0x80, s25, s12, $0xb8;
	[tilespmem:$0x8680] =	vst v63  }
0x344: {  	_ =	swait.ge [sflag:s6], $0x4000  }
0x345: {  	[sflag:s6] =	ssyncset.done $0x0  }
0x346: {  	s1 =	rddreg [dreg:$0x17];
	[sflag:s6] =	ssyncadd.s32 $0xFFFFC000  }
0x347: {  	[hbm4b:s1+s2] =	stream.linear.scatter [tilespmem:s5], [sflag:$0x3], $0x4000, $0x38;
	[tilespmem:$0x8680] =	vst v63  }
0x348: {  	_ =	swait.ge [sflag:s4], $0x4000  }
0x349: {  	[sflag:s4] =	ssyncset.done $0x0  }
0x34a: {  	[sflag:s4] =	ssyncadd.s32 $0xFFFFC000  }
0x34b: {  	[tilespmem:s5], [sflag:$0x1] =	stream.indirect.gather [hbm4b:s28+s12], $0x80, s24, s12, $0xb8;
	[tilespmem:$0x8680] =	vst v63  }
0x34c: {  	_ =	swait.ge [sflag:s10], $0x4000  }
0x34d: {  	[sflag:s10] =	ssyncset.done $0x0  }
0x34e: {  	s31 =	rddreg [dreg:$0x18];
	[sflag:s10] =	ssyncadd.s32 $0xFFFFC000  }
0x34f: {  	[hbm4b:s31+s2] =	stream.linear.scatter [tilespmem:s8], [sflag:$0x3], $0x4000, $0x38;
	[tilespmem:$0x8680] =	vst v63  }
0x350: {  	_ =	swait.ge [sflag:s4], $0x4000  }
0x351: {  	[sflag:s4] =	ssyncset.done $0x0  }
0x352: {  	[sflag:s4] =	ssyncadd.s32 $0xFFFFC000  }
0x353: {  	[tilespmem:s8], [sflag:$0x2] =	stream.indirect.gather [hbm4b:s28+s12], $0x80, s23, s12, $0xb8;
	[tilespmem:$0x8680] =	vst v63  }
0x354: {  	_ =	swait.ge [sflag:s6], $0x4000  }
0x355: {  	[sflag:s6] =	ssyncset.done $0x0  }
0x356: {  	s1 =	rddreg [dreg:$0x19];
	[sflag:s6] =	ssyncadd.s32 $0xFFFFC000  }
0x357: {  	[hbm4b:s1+s2] =	stream.linear.scatter [tilespmem:s5], [sflag:$0x3], $0x4000, $0x38;
	[tilespmem:$0x8680] =	vst v63  }
0x358: {  	_ =	swait.ge [sflag:s4], $0x4000  }
0x359: {  	[sflag:s4] =	ssyncset.done $0x0  }
0x35a: {  	[sflag:s4] =	ssyncadd.s32 $0xFFFFC000  }
0x35b: {  	[tilespmem:s5], [sflag:$0x1] =	stream.indirect.gather [hbm4b:s28+s12], $0x80, s22, s12, $0xb8;
	[tilespmem:$0x8680] =	vst v63  }
0x35c: {  	_ =	swait.ge [sflag:s10], $0x4000  }
0x35d: {  	[sflag:s10] =	ssyncset.done $0x0  }
0x35e: {  	s31 =	rddreg [dreg:$0x1a];
	[sflag:s10] =	ssyncadd.s32 $0xFFFFC000  }
0x35f: {  	[hbm4b:s31+s2] =	stream.linear.scatter [tilespmem:s8], [sflag:$0x3], $0x4000, $0x38;
	[tilespmem:$0x8680] =	vst v63  }
0x360: {  	_ =	swait.ge [sflag:s4], $0x4000  }
0x361: {  	[sflag:s4] =	ssyncset.done $0x0  }
0x362: {  	[sflag:s4] =	ssyncadd.s32 $0xFFFFC000  }
0x363: {  	[tilespmem:s8], [sflag:$0x2] =	stream.indirect.gather [hbm4b:s28+s12], $0x80, s21, s12, $0xb8;
	[tilespmem:$0x8680] =	vst v63  }
0x364: {  	_ =	swait.ge [sflag:s6], $0x4000  }
0x365: {  	[sflag:s6] =	ssyncset.done $0x0  }
0x366: {  	s1 =	rddreg [dreg:$0x1b];
	[sflag:s6] =	ssyncadd.s32 $0xFFFFC000  }
0x367: {  	[hbm4b:s1+s2] =	stream.linear.scatter [tilespmem:s5], [sflag:$0x3], $0x4000, $0x38;
	[tilespmem:$0x8680] =	vst v63  }
0x368: {  	_ =	swait.ge [sflag:s4], $0x4000  }
0x369: {  	[sflag:s4] =	ssyncset.done $0x0  }
0x36a: {  	[sflag:s4] =	ssyncadd.s32 $0xFFFFC000  }
0x36b: {  	[tilespmem:s5], [sflag:$0x1] =	stream.indirect.gather [hbm4b:s28+s12], $0x80, s19, s12, $0xb8;
	[tilespmem:$0x8680] =	vst v63  }
0x36c: {  	_ =	swait.ge [sflag:s10], $0x4000  }
0x36d: {  	[sflag:s10] =	ssyncset.done $0x0  }
0x36e: {  	s31 =	rddreg [dreg:$0x1c];
	[sflag:s10] =	ssyncadd.s32 $0xFFFFC000  }
0x36f: {  	[hbm4b:s31+s2] =	stream.linear.scatter [tilespmem:s8], [sflag:$0x3], $0x4000, $0x38;
	[tilespmem:$0x8680] =	vst v63  }
0x370: {  	_ =	swait.ge [sflag:s4], $0x4000  }
0x371: {  	[sflag:s4] =	ssyncset.done $0x0  }
0x372: {  	[sflag:s4] =	ssyncadd.s32 $0xFFFFC000  }
0x373: {  	[tilespmem:s8], [sflag:$0x2] =	stream.indirect.gather [hbm4b:s28+s12], $0x80, s17, s12, $0xb8;
	[tilespmem:$0x8680] =	vst v63  }
0x374: {  	_ =	swait.ge [sflag:s6], $0x4000  }
0x375: {  	[sflag:s6] =	ssyncset.done $0x0  }
0x376: {  	s1 =	rddreg [dreg:$0x1d];
	[sflag:s6] =	ssyncadd.s32 $0xFFFFC000  }
0x377: {  	[hbm4b:s1+s2] =	stream.linear.scatter [tilespmem:s5], [sflag:$0x3], $0x4000, $0x38;
	[tilespmem:$0x8680] =	vst v63  }
0x378: {  	_ =	swait.ge [sflag:s4], $0x4000  }
0x379: {  	[sflag:s4] =	ssyncset.done $0x0  }
0x37a: {  	[sflag:s4] =	ssyncadd.s32 $0xFFFFC000  }
0x37b: {  	_ =	swait.ge [sflag:s10], $0x4000  }
0x37c: {  	[sflag:s10] =	ssyncset.done $0x0  }
0x37d: {  	s31 =	rddreg [dreg:$0x1e];
	[sflag:s10] =	ssyncadd.s32 $0xFFFFC000  }
0x37e: {  	[hbm4b:s31+s2] =	stream.linear.scatter [tilespmem:s8], [sflag:$0x3], $0x4000, $0x38;
	[tilespmem:$0x8680] =	vst v63  }
0x37f: {  	_ =	swait.ge [sflag:s4], $0x4000  }
0x380: {  	[sflag:s4] =	ssyncset.done $0x0  }
0x381: {  	[sflag:s4] =	ssyncadd.s32 $0xFFFFC000  }
0x382: {  	[tilespmem:s5], [sflag:$0x1] =	stream.indirect.gather [hbm4b:s28+s13], $0x80, s14, s13, $0xb8;
	[tilespmem:$0x8680] =	vst v63  }
0x383: {  	_ =	swait.ge [sflag:s6], $0x2000  }
0x384: {  	[sflag:s6] =	ssyncset.done $0x0  }
0x385: {  	s1 =	rddreg [dreg:$0x5];
	[sflag:s6] =	ssyncadd.s32 $0xFFFFE000  }
0x386: {  	[hbm4b:s1+s2] =	stream.linear.scatter [tilespmem:s5], [sflag:$0x3], $0x2000, $0x38;
	[tilespmem:$0x8680] =	vst v63  }
0x387: {  	_ =	swait.ge [sflag:s4], $0x2000  }
0x388: {  	[sflag:s4] =	ssyncset.done $0x0  }
0x389: {  	[sflag:s4] =	ssyncadd.s32 $0xFFFFE000  }
0x38a: {  	[tilespmem:s5], [sflag:$0x1] =	stream.indirect.gather [hbm4b:s3+s12], $0x80, s2, s12, $0xb8;
	[tilespmem:$0x8680] =	vst v63  }
0x38b: {  	_ = 	snop  }
0x38c: {  	[tilespmem:s8], [sflag:$0x2] =	stream.indirect.gather [hbm4b:s3+s12], $0x80, s12, s12, $0xb8;
	[tilespmem:$0x8680] =	vst v63  }
0x38d: {  	_ =	swait.ge [sflag:s6], $0x4000  }
0x38e: {  	[sflag:s6] =	ssyncset.done $0x0  }
0x38f: {  	s28 =	rddreg [dreg:$0x1f];
	[sflag:s6] =	ssyncadd.s32 $0xFFFFC000  }
0x390: {  	[hbm4b:s28+s2] =	stream.linear.scatter [tilespmem:s5], [sflag:$0x3], $0x4000, $0x38;
	[tilespmem:$0x8680] =	vst v63  }
0x391: {  	_ =	swait.ge [sflag:s4], $0x4000  }
0x392: {  	[sflag:s4] =	ssyncset.done $0x0  }
0x393: {  	[sflag:s4] =	ssyncadd.s32 $0xFFFFC000  }
0x394: {  	[tilespmem:s5], [sflag:$0x1] =	stream.indirect.gather [hbm4b:s3+s12], $0x80, s30, s12, $0xb8;
	[tilespmem:$0x8680] =	vst v63  }
0x395: {  	_ =	swait.ge [sflag:s10], $0x4000  }
0x396: {  	s31 =	sld [smem:$0x7FA]  }
0x397: {  	[sflag:s10] =	ssyncset.done $0x0  }
0x398: {  	[sflag:s10] =	ssyncadd.s32 $0xFFFFC000  }
0x399: {  	[hbm4b:s31+s2] =	stream.linear.scatter [tilespmem:s8], [sflag:$0x3], $0x4000, $0x38;
	[tilespmem:$0x8680] =	vst v63  }
0x39a: {  	_ =	swait.ge [sflag:s4], $0x4000  }
0x39b: {  	[sflag:s4] =	ssyncset.done $0x0  }
0x39c: {  	[sflag:s4] =	ssyncadd.s32 $0xFFFFC000  }
0x39d: {  	[tilespmem:s8], [sflag:$0x2] =	stream.indirect.gather [hbm4b:s3+s12], $0x80, s29, s12, $0xb8;
	[tilespmem:$0x8680] =	vst v63  }
0x39e: {  	_ =	swait.ge [sflag:s6], $0x4000  }
0x39f: {  	s1 =	sld [smem:$0x7FB]  }
0x3a0: {  	[sflag:s6] =	ssyncset.done $0x0  }
0x3a1: {  	[sflag:s6] =	ssyncadd.s32 $0xFFFFC000  }
0x3a2: {  	[hbm4b:s1+s2] =	stream.linear.scatter [tilespmem:s5], [sflag:$0x3], $0x4000, $0x38;
	[tilespmem:$0x8680] =	vst v63  }
0x3a3: {  	_ =	swait.ge [sflag:s4], $0x4000  }
0x3a4: {  	[sflag:s4] =	ssyncset.done $0x0  }
0x3a5: {  	[sflag:s4] =	ssyncadd.s32 $0xFFFFC000  }
0x3a6: {  	[tilespmem:s5], [sflag:$0x1] =	stream.indirect.gather [hbm4b:s3+s12], $0x80, s26, s12, $0xb8;
	[tilespmem:$0x8680] =	vst v63  }
0x3a7: {  	_ =	swait.ge [sflag:s10], $0x4000  }
0x3a8: {  	s28 =	sld [smem:$0x7FC]  }
0x3a9: {  	[sflag:s10] =	ssyncset.done $0x0  }
0x3aa: {  	[sflag:s10] =	ssyncadd.s32 $0xFFFFC000  }
0x3ab: {  	[hbm4b:s28+s2] =	stream.linear.scatter [tilespmem:s8], [sflag:$0x3], $0x4000, $0x38;
	[tilespmem:$0x8680] =	vst v63  }
0x3ac: {  	_ =	swait.ge [sflag:s4], $0x4000  }
0x3ad: {  	[sflag:s4] =	ssyncset.done $0x0  }
0x3ae: {  	[sflag:s4] =	ssyncadd.s32 $0xFFFFC000  }
0x3af: {  	[tilespmem:s8], [sflag:$0x2] =	stream.indirect.gather [hbm4b:s3+s12], $0x80, s25, s12, $0xb8;
	[tilespmem:$0x8680] =	vst v63  }
0x3b0: {  	_ =	swait.ge [sflag:s6], $0x4000  }
0x3b1: {  	s29 =	sld [smem:$0x7FD]  }
0x3b2: {  	[sflag:s6] =	ssyncset.done $0x0  }
0x3b3: {  	[sflag:s6] =	ssyncadd.s32 $0xFFFFC000  }
0x3b4: {  	[hbm4b:s29+s2] =	stream.linear.scatter [tilespmem:s5], [sflag:$0x3], $0x4000, $0x38;
	[tilespmem:$0x8680] =	vst v63  }
0x3b5: {  	_ =	swait.ge [sflag:s4], $0x4000  }
0x3b6: {  	[sflag:s4] =	ssyncset.done $0x0  }
0x3b7: {  	[sflag:s4] =	ssyncadd.s32 $0xFFFFC000  }
0x3b8: {  	[tilespmem:s5], [sflag:$0x1] =	stream.indirect.gather [hbm4b:s3+s12], $0x80, s24, s12, $0xb8;
	[tilespmem:$0x8680] =	vst v63  }
0x3b9: {  	_ =	swait.ge [sflag:s10], $0x4000  }
0x3ba: {  	[sflag:s10] =	ssyncset.done $0x0  }
0x3bb: {  	[sflag:s10] =	ssyncadd.s32 $0xFFFFC000  }
0x3bc: {  	[hbm4b:s20+s2] =	stream.linear.scatter [tilespmem:s8], [sflag:$0x3], $0x4000, $0x38;
	[tilespmem:$0x8680] =	vst v63  }
0x3bd: {  	_ =	swait.ge [sflag:s4], $0x4000  }
0x3be: {  	[sflag:s4] =	ssyncset.done $0x0  }
0x3bf: {  	[sflag:s4] =	ssyncadd.s32 $0xFFFFC000  }
0x3c0: {  	[tilespmem:s8], [sflag:$0x2] =	stream.indirect.gather [hbm4b:s3+s12], $0x80, s23, s12, $0xb8;
	[tilespmem:$0x8680] =	vst v63  }
0x3c1: {  	_ =	swait.ge [sflag:s6], $0x4000  }
0x3c2: {  	[sflag:s6] =	ssyncset.done $0x0  }
0x3c3: {  	[sflag:s6] =	ssyncadd.s32 $0xFFFFC000  }
0x3c4: {  	[hbm4b:s18+s2] =	stream.linear.scatter [tilespmem:s5], [sflag:$0x3], $0x4000, $0x38;
	[tilespmem:$0x8680] =	vst v63  }
0x3c5: {  	_ =	swait.ge [sflag:s4], $0x4000  }
0x3c6: {  	[sflag:s4] =	ssyncset.done $0x0  }
0x3c7: {  	[sflag:s4] =	ssyncadd.s32 $0xFFFFC000  }
0x3c8: {  	[tilespmem:s5], [sflag:$0x1] =	stream.indirect.gather [hbm4b:s3+s12], $0x80, s22, s12, $0xb8;
	[tilespmem:$0x8680] =	vst v63  }
0x3c9: {  	_ =	swait.ge [sflag:s10], $0x4000  }
0x3ca: {  	[sflag:s10] =	ssyncset.done $0x0  }
0x3cb: {  	[sflag:s10] =	ssyncadd.s32 $0xFFFFC000  }
0x3cc: {  	[hbm4b:s16+s2] =	stream.linear.scatter [tilespmem:s8], [sflag:$0x3], $0x4000, $0x38;
	[tilespmem:$0x8680] =	vst v63  }
0x3cd: {  	_ =	swait.ge [sflag:s4], $0x4000  }
0x3ce: {  	[sflag:s4] =	ssyncset.done $0x0  }
0x3cf: {  	[sflag:s4] =	ssyncadd.s32 $0xFFFFC000  }
0x3d0: {  	[tilespmem:s8], [sflag:$0x2] =	stream.indirect.gather [hbm4b:s3+s12], $0x80, s21, s12, $0xb8;
	[tilespmem:$0x8680] =	vst v63  }
0x3d1: {  	_ =	swait.ge [sflag:s6], $0x4000  }
0x3d2: {  	[sflag:s6] =	ssyncset.done $0x0  }
0x3d3: {  	[sflag:s6] =	ssyncadd.s32 $0xFFFFC000  }
0x3d4: {  	[hbm4b:s15+s2] =	stream.linear.scatter [tilespmem:s5], [sflag:$0x3], $0x4000, $0x38;
	[tilespmem:$0x8680] =	vst v63  }
0x3d5: {  	_ =	swait.ge [sflag:s4], $0x4000  }
0x3d6: {  	[sflag:s4] =	ssyncset.done $0x0  }
0x3d7: {  	[sflag:s4] =	ssyncadd.s32 $0xFFFFC000  }
0x3d8: {  	[tilespmem:s5], [sflag:$0x1] =	stream.indirect.gather [hbm4b:s3+s12], $0x80, s19, s12, $0xb8;
	[tilespmem:$0x8680] =	vst v63  }
0x3d9: {  	_ =	swait.ge [sflag:s10], $0x4000  }
0x3da: {  	[sflag:s10] =	ssyncset.done $0x0  }
0x3db: {  	[sflag:s10] =	ssyncadd.s32 $0xFFFFC000  }
0x3dc: {  	[hbm4b:s11+s2] =	stream.linear.scatter [tilespmem:s8], [sflag:$0x3], $0x4000, $0x38;
	[tilespmem:$0x8680] =	vst v63  }
0x3dd: {  	_ =	swait.ge [sflag:s4], $0x4000  }
0x3de: {  	[sflag:s4] =	ssyncset.done $0x0  }
0x3df: {  	[sflag:s4] =	ssyncadd.s32 $0xFFFFC000  }
0x3e0: {  	[tilespmem:s8], [sflag:$0x2] =	stream.indirect.gather [hbm4b:s3+s12], $0x80, s17, s12, $0xb8;
	[tilespmem:$0x8680] =	vst v63  }
0x3e1: {  	_ =	swait.ge [sflag:s6], $0x4000  }
0x3e2: {  	[sflag:s6] =	ssyncset.done $0x0  }
0x3e3: {  	[sflag:s6] =	ssyncadd.s32 $0xFFFFC000  }
0x3e4: {  	[hbm4b:s9+s2] =	stream.linear.scatter [tilespmem:s5], [sflag:$0x3], $0x4000, $0x38;
	[tilespmem:$0x8680] =	vst v63  }
0x3e5: {  	_ =	swait.ge [sflag:s4], $0x4000  }
0x3e6: {  	[sflag:s4] =	ssyncset.done $0x0  }
0x3e7: {  	[sflag:s4] =	ssyncadd.s32 $0xFFFFC000  }
0x3e8: {  	_ =	swait.ge [sflag:s10], $0x4000  }
0x3e9: {  	[sflag:s10] =	ssyncset.done $0x0  }
0x3ea: {  	[sflag:s10] =	ssyncadd.s32 $0xFFFFC000  }
0x3eb: {  	[hbm4b:s7+s2] =	stream.linear.scatter [tilespmem:s8], [sflag:$0x3], $0x4000, $0x38;
	[tilespmem:$0x8680] =	vst v63  }
0x3ec: {  	_ =	swait.ge [sflag:s4], $0x4000  }
0x3ed: {  	[sflag:s4] =	ssyncset.done $0x0  }
0x3ee: {  	[sflag:s4] =	ssyncadd.s32 $0xFFFFC000  }
0x3ef: {  	[tilespmem:s5], [sflag:$0x1] =	stream.indirect.gather [hbm4b:s3+s13], $0x80, s14, s13, $0xb8;
	[tilespmem:$0x8680] =	vst v63  }
0x3f0: {  	_ =	swait.ge [sflag:s6], $0x2000  }
0x3f1: {  	[sflag:s6] =	ssyncset.done $0x0  }
0x3f2: {  	s30 =	rddreg [dreg:$0x6];
	[sflag:s6] =	ssyncadd.s32 $0xFFFFE000  }
0x3f3: {  	[hbm4b:s30+s2] =	stream.linear.scatter [tilespmem:s5], [sflag:$0x3], $0x2000, $0x38;
	[tilespmem:$0x8680] =	vst v63  }
0x3f4: {  	_ =	swait.ge [sflag:s4], $0x2000  }
0x3f5: {  	[sflag:s4] =	ssyncset.done $0x0  }
0x3f6: {  	[sflag:s4] =	ssyncadd.s32 $0xFFFFE000  }
0x3f7: {  	_ =	sfence.sel $0x180000  }
0x3f8: {  	[bflag:$0x0] =	sbarrier.arrive $0xFFFF  }
0x3f9: {  	_ =	strace $0x9000004D  }
0x3fa: {  	s31 =	stileid.u32;
	[bflag:$0x2] =	sbarrier.arrive $0xFFFF  }
0x3fb: {  	p0 =	sne.s32 s31, $0x0;
	s0 =	rddreg [dreg:$0x2]  }
0x3fc: {  	s0 =	sadd.s32 @!p0 $0x100000, s0  }
0x3fd: {  	[sflag:s0] =	ssyncadd.tile.s32 @!p0 $0x1;
	_ =	shalt  }
.Lfunc_end2:
_tile_overlayer_lowered:
.L_overlay_start_2:
0x3fe: {  	(tag) =	ssettag $0x2  }
0x3ff: {  	s0 =	rddreg [dreg:$0x0];
	s2 =	stileid.u32  }
0x400: {  	s1 =	rddreg [dreg:$0x1];
	p0 =	sne.s32 s2, $0x0  }
0x401: {  	s3 =	rddreg [dreg:$0x2];
	[bflag:$0x3] =	sbarrier.arrive $0xFFFF;
	s2 =	simm.s32 @!p0 $0x1C03  }
0x402: {  	[timem:s3], [sflag:s2] =	dma.local @!p0 [hbm:s0], s1  }
0x403: {  	s0 =	simm.s32 @!p0 $0x3  }
0x404: {  	_ =	swait.ge @!p0 [sflag:s0], s1  }
0x405: {  	s1 =	ssub.s32 @!p0 $0x0, s1;
	[sflag:s0] =	ssyncset.done @!p0 $0x0  }
0x406: {  	[sflag:s0] =	ssyncadd.s32 @!p0 s1  }
0x407: {  	[bflag:$0x3] =	sbarrier.arrive $0xFFFF  }
0x408: {  	_ =	shalt  }

// kernel: kernel.8.cloned.1.call-start
scs
__scs_entry_jumppad:
0x0: {  	(pc) =	sbr.rel $0x88, $3  }
0x1: {  	(tag) =	ssettag $0x0;
	lr =	simm.s32 $0x1  }
0x2: {  	[smem:$0x3F8F] =	sst lr;
	_ =	strace $0xD0000000  }
0x3: {  	_ = 	snop  }
0x4: {  	_ = 	snop  }
0x5: {  	_ = 	snop  }
0x6: {  	_ = 	snop  }
0x7: {  	_ = 	snop  }
__scs_overlays_trampoline_lowered:
0x8: {  	[smem:$0x3F9E] =	sst s0  }
0x9: {  	[smem:$0x3F9F] =	sst s1  }
0xa: {  	[smem:$0x3FA0] =	sst s2  }
0xb: {  	[smem:$0x3FA1] =	sst s3  }
0xc: {  	[smem:$0x3FA2] =	sst s4  }
0xd: {  	[smem:$0x3FA3] =	sst s5  }
0xe: {  	[smem:$0x3FA4] =	sst s6  }
0xf: {  	[smem:$0x3FA5] =	sst s7  }
0x10: {  	[smem:$0x3FA6] =	sst s8  }
0x11: {  	[smem:$0x3FA7] =	sst s9;
	s0 =	simm.s32 @!p0 $0x0  }
0x12: {  	s1 =	sld [smem:$0x3F8D];
	s0 =	simm.s32 @p0 $0x1  }
0x13: {  	[smem:$0x3FA8] =	sst s0;
	s0 =	simm.s32 @!p1 $0x0  }
0x14: {  	s2 =	sld [smem:$0x3F8C];
	s0 =	simm.s32 @p1 $0x1  }
0x15: {  	[smem:$0x3FA9] =	sst s0;
	s0 =	simm.s32 @!p2 $0x0  }
0x16: {  	s3 =	sld [smem:$0x3FDB];
	s0 =	simm.s32 @p2 $0x1  }
0x17: {  	s4 =	simm.s32 $0x1BF5;
	[smem:$0x3FAB] =	sst s0  }
0x18: {  	s0 =	sld [smem:$0x3F8E];
	_ =	swait.ge [sflag:s4], $0x0  }
0x19: {  	s7 =	sld [smem:$0x3F8F]  }
0x1a: {  	s8 =	sadd.s32 $0xFFFFE003, lr  }
0x1b: {  	s9 =	sadd.s32 $0xFFFFFEF7, lr;
	s5 =	simm.s32 $0xFFFFFFFF;
	p2 =	slt.u32 s8, $0xFFFFF086  }
0x1c: {  	p1 =	slt.u32 s9, $0xF7A;
	s5 =	simm.s32 @!p2 $0x0  }
0x1d: {  	s5 =	simm.s32 @p1 $0x1;
	p0 =	seq.s32 s7, s2  }
0x1e: {  	s7 =	smul.u32 @!p0 $0xF7A, s2;
	p2 =	seq.s32 @!p0 s5, $0x0  }
0x1f: {  	s9 =	smul.u32 $0xF7A, s1;
	s8 =	simm.s32 @!p0 $0x1BF5;
	p2 =	por !p2, p0  }
0x20: {  	[sflag:s8] =	ssyncset.s32 @!p0 $0xFFFFF086;
	s6 =	sadd.s32 @!p0 s3, s7;
	s7 =	simm.s32 @!p0 $0x108  }
0x21: {  	s3 =	sadd.s32 s3, s9;
	s6 =	sadd.s32 @!p0 $0x88, s6;
	s7 =	simm.s32 @p2 $0x1082  }
0x22: {  	[simem:s7], [sflag:s8] =	dma.local @!p0 [hbm:s6], $0xF7A  }
0x23: {  	s9 =	sor.u32 $0xD0000000, s2;
	s6 =	simm.s32 $0x108;
	_ =	swait.ge @!p0 [sflag:s8], $0x0  }
0x24: {  	s3 =	sadd.s32 $0x88, s3;
	s6 =	simm.s32 @!p1 $0x1082;
	[sflag:s4] =	ssyncset.s32 $0xFFFFF086  }
0x25: {  	[simem:s6], [sflag:s4] =	dma.local [hbm:s3], $0xF7A  }
0x26: {  	[smem:$0x3F8F] =	sst s1;
	(tag) =	ssettag s2;
	_ =	strace s9  }
0x27: {  	s1 =	sld [smem:$0x3F9F]  }
0x28: {  	s2 =	sld [smem:$0x3FA0]  }
0x29: {  	s4 =	sld [smem:$0x3FA2]  }
0x2a: {  	p0 =	seq.s32 s5, $0x0;
	s5 =	sld [smem:$0x3FA3]  }
0x2b: {  	s6 =	sld [smem:$0x3FA4]  }
0x2c: {  	s7 =	sld [smem:$0x3FA5]  }
0x2d: {  	s3 =	simm.s32 $0x108;
	s8 =	sld [smem:$0x3FA6]  }
0x2e: {  	s3 =	simm.s32 @!p0 $0x1082;
	s9 =	sld [smem:$0x3FA7]  }
0x2f: {  	lr =	sadd.s32 s0, s3;
	s0 =	sld [smem:$0x3F9E]  }
0x30: {  	s3 =	sld [smem:$0x3FA1]  }
0x31: {  	[smem:$0x3FAA] =	sst s10  }
0x32: {  	s10 =	sld [smem:$0x3FA8];
	_ =	sdelay $0x3  }
0x33: {  	p0 =	seq.s32 s10, $0x1;
	s10 =	sld [smem:$0x3FAA];
	_ =	sdelay $0x3  }
0x34: {  	[smem:$0x3FAA] =	sst s10  }
0x35: {  	s10 =	sld [smem:$0x3FA9];
	_ =	sdelay $0x3  }
0x36: {  	p1 =	seq.s32 s10, $0x1;
	s10 =	sld [smem:$0x3FAA];
	_ =	sdelay $0x3  }
0x37: {  	[smem:$0x3FAA] =	sst s10  }
0x38: {  	s10 =	sld [smem:$0x3FAB]  }
0x39: {  	_ = 	snop;
	(pc) =	sbr.ind lr, $3  }
0x3a: {  	_ = 	snop  }
0x3b: {  	_ = 	snop  }
0x3c: {  	p2 =	seq.s32 s10, $0x1;
	s10 =	sld [smem:$0x3FAA]  }
0x3d: {  	_ =	shalt  }
0x3e: {  	_ =	shalt  }
0x3f: {  	_ =	shalt  }
0x40: {  	_ =	shalt  }
0x41: {  	_ =	shalt  }
0x42: {  	_ =	shalt  }
0x43: {  	_ =	shalt  }
0x44: {  	_ =	shalt  }
0x45: {  	_ =	shalt  }
0x46: {  	_ =	shalt  }
0x47: {  	_ =	shalt  }
0x48: {  	_ =	shalt  }
0x49: {  	_ =	shalt  }
0x4a: {  	_ =	shalt  }
0x4b: {  	_ =	shalt  }
0x4c: {  	_ =	shalt  }
0x4d: {  	_ =	shalt  }
0x4e: {  	_ =	shalt  }
0x4f: {  	_ =	shalt  }
0x50: {  	_ =	shalt  }
0x51: {  	_ =	shalt  }
0x52: {  	_ =	shalt  }
0x53: {  	_ =	shalt  }
0x54: {  	_ =	shalt  }
0x55: {  	_ =	shalt  }
0x56: {  	_ =	shalt  }
0x57: {  	_ =	shalt  }
0x58: {  	_ =	shalt  }
0x59: {  	_ =	shalt  }
0x5a: {  	_ =	shalt  }
0x5b: {  	_ =	shalt  }
0x5c: {  	_ =	shalt  }
0x5d: {  	_ =	shalt  }
0x5e: {  	_ =	shalt  }
0x5f: {  	_ =	shalt  }
0x60: {  	_ =	shalt  }
0x61: {  	_ =	shalt  }
0x62: {  	_ =	shalt  }
0x63: {  	_ =	shalt  }
0x64: {  	_ =	shalt  }
0x65: {  	_ =	shalt  }
0x66: {  	_ =	shalt  }
0x67: {  	_ =	shalt  }
0x68: {  	_ =	shalt  }
0x69: {  	_ =	shalt  }
0x6a: {  	_ =	shalt  }
0x6b: {  	_ =	shalt  }
0x6c: {  	_ =	shalt  }
0x6d: {  	_ =	shalt  }
0x6e: {  	_ =	shalt  }
0x6f: {  	_ =	shalt  }
0x70: {  	_ =	shalt  }
0x71: {  	_ =	shalt  }
0x72: {  	_ =	shalt  }
0x73: {  	_ =	shalt  }
0x74: {  	_ =	shalt  }
0x75: {  	_ =	shalt  }
0x76: {  	_ =	shalt  }
0x77: {  	_ =	shalt  }
0x78: {  	_ =	shalt  }
0x79: {  	_ =	shalt  }
0x7a: {  	_ =	shalt  }
0x7b: {  	_ =	shalt  }
0x7c: {  	_ =	shalt  }
0x7d: {  	_ =	shalt  }
0x7e: {  	_ =	shalt  }
0x7f: {  	_ =	shalt  }
0x80: {  	_ =	shalt  }
0x81: {  	_ =	shalt  }
0x82: {  	_ =	shalt  }
0x83: {  	_ =	shalt  }
0x84: {  	_ =	shalt  }
0x85: {  	_ =	shalt  }
0x86: {  	_ =	shalt  }
0x87: {  	_ =	shalt  }
.Lfunc_end0:
.L_simem_size_0:
called_computation_lowered:
.L_overlay_start_0:
0x88: {  	s2 =	sld [smem:$0x3FD9]  }
0x89: {  	s3 =	sld [smem:$0x3FFE];
	_ =	sdelay $0x1  }
0x8a: {  	s1 =	srdreg.scid  }
0x8b: {  	s0 =	sand.u32 $0x1, s1  }
0x8c: {  	s17 =	sshll.u32 s0, $0xA;
	s2 =	sadd.s32 s3, s2  }
0x8d: {  	s2 =	sadd.s32 s2, s17  }
0x8e: {  	[smem:$0x3FB6] =	sst s2  }
0x8f: {  	_ = 	snop  }
0x90: {  	s2 =	sld [smem:$0x3FD0];
	(tm) =	ssettm $0x1  }
0x91: {  	s18 =	sld [smem:$0x3FFB];
	_ =	sdelay $0x3  }
0x92: {  	_ =	strace s18  }
0x93: {  	s3 =	sld [smem:$0x3FFC];
	_ =	sdelay $0x3  }
0x94: {  	_ =	strace s3  }
0x95: {  	s3 =	sld [smem:$0x3FFD];
	_ =	sdelay $0x3  }
0x96: {  	_ =	strace s3  }
0x97: {  	_ =	strace $0x8FFFFFFF  }
0x98: {  	s19 =	sld [smem:$0x3FDB];
	_ =	sdelay $0x1  }
0x99: {  	s4 =	simm.s32 $_scs_section_size  }
0x9a: {  	s5 =	simm.s32 $_size__tile_overlayer_lowered;
	s6 =	simm.s32 $_tile_overlayer_lowered  }
0x9b: {  	s22 =	simm.s32 $0x1BFF;
	s21 =	sshll.u32 s6, $0x1;
	s3 =	sadd.s32 s4, s19  }
0x9c: {  	s7 =	simm.s32 $0x0;
	s20 =	sshll.u32 s5, $0x1;
	s5 =	sadd.s32 s21, s3  }
0x9d: {  	[timem:s7], [sflag:s22] =	dma.local [hbm:s5], s20  }
0x9e: {  	_ =	swait.ge [sflag:s22], s20  }
0x9f: {  	s4 =	ssub.s32 $0x0, s20;
	[sflag:s22] =	ssyncset.done $0x0  }
0xa0: {  	[sflag:s22] =	ssyncadd.s32 s4;
	_ =	sdelay $0x1  }
0xa1: {  	s23 =	simm.s32 $0x1B8B  }
0xa2: {  	_ =	swait.ge [sflag:s23], $0x1  }
0xa3: {  	[sflag:s23] =	ssyncset.done $0x0  }
0xa4: {  	s25 =	simm.s32 $0x1B8E;
	s24 =	sld [smem:$0x3FFE];
	[sflag:s23] =	ssyncadd.s32 $0xFFFFFFFF  }
0xa5: {  	s26 =	simm.s32 $execute0_lowered;
	[smem:$0x3FD2] =	sst s25  }
0xa6: {  	s5 =	sshll.u32 s26, $0x1;
	_ =	strace $0x80000046;
	[dreg:$0x1] =	wrdreg $0xFFFFFFFF  }
0xa7: {  	s28 =	simm.s32 $_size_execute0_lowered;
	s3 =	sadd.s32 s3, s5;
	[dreg:$0x0] =	wrdreg $0x0  }
0xa8: {  	s5 =	sshll.u32 s28, $0x1;
	[dreg:$0x2] =	wrdreg s3  }
0xa9: {  	[dreg:$0x3] =	wrdreg s5  }
0xaa: {  	[dreg:$0x4] =	wrdreg $0xC0  }
0xab: {  	_ =	task [dreg:s7], $0x5FFFF  }
0xac: {  	[dreg:$0x1] =	wrdreg $0xFFFFFFFF  }
0xad: {  	[dreg:$0x0] =	wrdreg $0x60  }
0xae: {  	[dreg:$0x2] =	wrdreg s24  }
0xaf: {  	[dreg:$0x3] =	wrdreg s2  }
0xb0: {  	[dreg:$0x4] =	wrdreg $0x0  }
0xb1: {  	[dreg:$0x5] =	wrdreg $0x9  }
0xb2: {  	_ =	task.clear_ibuf [dreg:s7], $0x6FFFF;
	_ =	strace $0x90000046  }
0xb3: {  	s29 =	simm.s32 $0x9;
	_ =	strace $0x80000048  }
0xb4: {  	_ =	swait.ge [sflag:s29], $0x1  }
0xb5: {  	[sflag:s29] =	ssyncadd.s32 $0xFFFFFFFF  }
0xb6: {  	_ =	strace $0x90000048  }
0xb7: {  	_ =	sfence  }
0xb8: {  	s30 =	sld [smem:$0x0];
	_ =	sdelay $0x2  }
0xb9: {  	s31 =	sshll.u32 s1, $0xD;
	s1 =	sshrl.u32 s1, $0x2  }
0xba: {  	s3 =	sand.u32 $0x4000, s31;
	s1 =	sadd.s32 s1, s30  }
0xbb: {  	s0 =	sor.u32 s3, s0;
	s1 =	sshll.u32 s1, $0x11  }
0xbc: {  	s0 =	sor.u32 s1, s0  }
0xbd: {  	s0 =	sadd.s32 $0x8F2B, s0  }
0xbe: {  	[sflag:s0] =	ssyncadd.remote.s32 $0x1  }
0xbf: {  	_ =	sfence.sel $0xFFFF  }
0xc0: {  	[dreg:$0x0] =	wrdreg $0xFFFFFFFF;
	(pc) =	sbr.abs _section_cstart, $3  }
0xc1: {  	[dreg:$0x1] =	wrdreg $0xFFFFFFFF  }
0xc2: {  	_ =	task.clear_ibuf [dreg:s7], $0x2FFFF;
	_ =	strace $0x9FFFFFFF  }
0xc3: {  	(tm) =	ssettm $0x7FFFFFFF  }
tec
execute0_lowered:
.L_overlay_start_1:
0x0: {  	(tag) =	ssettag $0x1  }
0x1: {  	s5 =	rddreg [dreg:$0x0]  }
0x2: {  	s11 =	rddreg [dreg:$0x1]  }
0x3: {  	s1 =	rddreg [dreg:$0x2];
	s2 =	simm.s32 $0x0  }
0x4: {  	s3 =	srdreg.scid;
	s17 =	simm.s32 $0x50;
	s18 =	simm.s32 $0x17C00  }
0x5: {  	s19 =	simm.s32 $0x1A400;
	s20 =	simm.s32 $0x1;
	s21 =	simm.s32 $0x2  }
0x6: {  	s22 =	simm.s32 $0x15B80;
	s23 =	simm.s32 $0x17B00;
	s26 =	simm.s32 $0x0  }
0x7: {  	[smem:$0x7FF] =	sst s2;
	s4 =	sadd.s32 $0xBE00, s5;
	s8 =	sand.u32 $0x1, s3  }
0x8: {  	s3 =	stileid.u32;
	s12 =	sadd.s32 $0x3E00, s5;
	_ =	strace $0x80000047  }
0x9: {  	s6 =	sshll.u32 s8, $0xF;
	s7 =	ssub.s32 $0x2, s8;
	s9 =	smul.u32 $0x4F000, s3  }
0xa: {  	s31 =	sshll.u32 s3, $0x6;
	s15 =	sshll.u32 s3, $0xB;
	s16 =	smul.u32 $0x27800, s8  }
0xb: {  	s25 =	smul.u32 $0x2780, s3;
	s10 =	sadd.s32 s6, s5;
	s29 =	sshrl.u32 s7, $0x1  }
0xc: {  	s5 =	sadd.s32 $0x6A000, s5;
	s6 =	sor.u32 $0x1C03, s31;
	s13 =	ssub.s32 s7, s29  }
0xd: {  	s30 =	sshrl.u32 s9, $0x2;
	s7 =	sor.u32 $0x400, s15;
	s8 =	sadd.s32 $0x5A000, s10  }
0xe: {  	s9 =	sadd.s32 s12, s15;
	s24 =	sadd.s32 s11, s16;
	s16 =	simm.s32 $0x15C00  }
0xf: {  	s14 =	sadd.s32 s30, s1;
	s10 =	sadd.s32 s12, s7;
	s11 =	smax.u32 s13, $0x1  }
0x10: {  	s13 =	simm.s32 $0x3;
	s24 =	sadd.s32 s25, s24;
	s25 =	simm.s32 $0x17B80  }
0x11: {  	s12 =	sshrl.u32 s14, $0x3;
	s14 =	sadd.s32 s15, s8;
	s15 =	simm.s32 $0x13C00  }
.LBB2_1:
0x12: {  	[spmem:s12], [sflag:s6] =	dma.local [hbm:s5], $0x2780  }
0x13: {  	_ =	swait.ge [sflag:s13], $0x2780  }
0x14: {  	[sflag:s13] =	ssyncset.done $0x0  }
0x15: {  	[sflag:s13] =	ssyncadd.s32 $0xFFFFD880  }
0x16: {  	[bflag:$0x0] =	sbarrier.arrive $0xFFFF  }
0x17: {  	[tilespmem:s15], [sflag:$0x3] =	stream.linear.gather [hbm4b:s14+s2], $0x2000, $0x38;
	[tilespmem:$0x1CC00] =	vst v63  }
0x18: {  	_ =	swait.ge [sflag:s13], $0x2000  }
0x19: {  	[sflag:s13] =	ssyncset.done $0x0  }
0x1a: {  	[sflag:s13] =	ssyncadd.s32 $0xFFFFE000  }
0x1b: {  	[tilespmem:s16], [sflag:$0x3] =	stream.linear.gather [hbm4b:s9+s2], $0x2000, $0x38;
	[tilespmem:$0x1CC00] =	vst v63  }
0x1c: {  	_ =	swait.ge [sflag:s13], $0x2000  }
0x1d: {  	[sflag:s13] =	ssyncset.done $0x0  }
0x1e: {  	[sflag:s13] =	ssyncadd.s32 $0xFFFFE000  }
0x1f: {  	[tilespmem:s18], [sflag:$0x1] =	stream.indirect.gather [hbm4b:s4+s17], $0x80, s15, s17, $0xb8;
	[tilespmem:$0x1CC00] =	vst v63  }
0x20: {  	s28 =	simm.s32 $0x13C80  }
0x21: {  	[tilespmem:s19], [sflag:$0x2] =	stream.indirect.gather [hbm4b:s4+s17], $0x80, s28, s17, $0xb8;
	[tilespmem:$0x1CC00] =	vst v63  }
0x22: {  	_ =	swait.ge [sflag:s20], $0x2800  }
0x23: {  	[sflag:s20] =	ssyncset.done $0x0  }
0x24: {  	s28 =	simm.s32 $0x15C00;
	[sflag:s20] =	ssyncadd.s32 $0xFFFFD800  }
0x25: {  	[spmem:s1] =	stream.indirect.scatter.add.f32 [tilespmem:s18], [sflag:$0x3], $0x80, s28, s17, $0xb8;
	[tilespmem:$0x1CC00] =	vst v63  }
0x26: {  	_ =	swait.ge [sflag:s13], $0x2800  }
0x27: {  	[sflag:s13] =	ssyncset.done $0x0  }
0x28: {  	s28 =	simm.s32 $0x13D00;
	[sflag:s13] =	ssyncadd.s32 $0xFFFFD800  }
0x29: {  	[tilespmem:s18], [sflag:$0x1] =	stream.indirect.gather [hbm4b:s4+s17], $0x80, s28, s17, $0xb8;
	[tilespmem:$0x1CC00] =	vst v63  }
0x2a: {  	_ =	swait.ge [sflag:s21], $0x2800  }
0x2b: {  	[sflag:s21] =	ssyncset.done $0x0  }
0x2c: {  	s28 =	simm.s32 $0x15C80;
	[sflag:s21] =	ssyncadd.s32 $0xFFFFD800  }
0x2d: {  	[spmem:s1] =	stream.indirect.scatter.add.f32 [tilespmem:s19], [sflag:$0x3], $0x80, s28, s17, $0xb8;
	[tilespmem:$0x1CC00] =	vst v63  }
0x2e: {  	_ =	swait.ge [sflag:s13], $0x2800  }
0x2f: {  	s29 =	simm.s32 $0x800;
	s28 =	simm.s32 $0x100;
	[sflag:s13] =	ssyncset.done $0x0  }
.LBB2_2:
0x30: {  	s30 =	sadd.s32 $0x13C80, s28  }
0x31: {  	[sflag:s13] =	ssyncadd.s32 $0xFFFFD800;
	s31 =	smov.u32 s29;
	s0 =	sadd.s32 $0x400, s29  }
0x32: {  	[tilespmem:s19], [sflag:$0x2] =	stream.indirect.gather [hbm4b:s4+s17], $0x80, s30, s17, $0xb8;
	[tilespmem:$0x1CC00] =	vst v63  }
0x33: {  	p0 =	sne.s32 s29, $0x7800;
	_ =	swait.ge [sflag:s20], $0x2800  }
0x34: {  	[sflag:s20] =	ssyncset.done $0x0  }
0x35: {  	s29 =	sadd.s32 $0x15C00, s28;
	[sflag:s20] =	ssyncadd.s32 $0xFFFFD800  }
0x36: {  	[spmem:s1] =	stream.indirect.scatter.add.f32 [tilespmem:s18], [sflag:$0x3], $0x80, s29, s17, $0xb8;
	[tilespmem:$0x1CC00] =	vst v63  }
0x37: {  	_ =	swait.ge [sflag:s13], $0x2800  }
0x38: {  	[sflag:s13] =	ssyncset.done $0x0  }
0x39: {  	s29 =	sadd.s32 $0x13D00, s28;
	[sflag:s13] =	ssyncadd.s32 $0xFFFFD800  }
0x3a: {  	[tilespmem:s18], [sflag:$0x1] =	stream.indirect.gather [hbm4b:s4+s17], $0x80, s29, s17, $0xb8;
	[tilespmem:$0x1CC00] =	vst v63  }
0x3b: {  	_ =	swait.ge [sflag:s21], $0x2800  }
.Ltmp0:
0x3c: {  	[sflag:s21] =	ssyncset.done $0x0;
	(pc) =	sbr.rel @p0 .LBB2_2-.Ltmp0, $4  }
0x3d: {  	s28 =	sadd.s32 $0x15C80, s28;
	[sflag:s21] =	ssyncadd.s32 $0xFFFFD800  }
0x3e: {  	[spmem:s1] =	stream.indirect.scatter.add.f32 [tilespmem:s19], [sflag:$0x3], $0x80, s28, s17, $0xb8;
	[tilespmem:$0x1CC00] =	vst v63  }
0x3f: {  	_ =	swait.ge [sflag:s13], $0x2800  }
0x40: {  	s29 =	smov.u32 s0;
	s28 =	sshra.s32 s31, $0x2;
	[sflag:s13] =	ssyncset.done $0x0  }
0x41: {  	s0 =	sadd.s32 $0x13C80, s28;
	[sflag:s13] =	ssyncadd.s32 $0xFFFFD800  }
0x42: {  	[tilespmem:s19], [sflag:$0x2] =	stream.indirect.gather [hbm4b:s4+s17], $0x80, s0, s17, $0xb8;
	[tilespmem:$0x1CC00] =	vst v63  }
0x43: {  	_ =	swait.ge [sflag:s20], $0x2800  }
0x44: {  	[sflag:s20] =	ssyncset.done $0x0  }
0x45: {  	s30 =	sadd.s32 $0x15C00, s28;
	[sflag:s20] =	ssyncadd.s32 $0xFFFFD800  }
0x46: {  	[spmem:s1] =	stream.indirect.scatter.add.f32 [tilespmem:s18], [sflag:$0x3], $0x80, s30, s17, $0xb8;
	[tilespmem:$0x1CC00] =	vst v63  }
0x47: {  	_ =	swait.ge [sflag:s13], $0x2800  }
0x48: {  	[sflag:s13] =	ssyncset.done $0x0  }
0x49: {  	s31 =	sadd.s32 $0x13D00, s28;
	[sflag:s13] =	ssyncadd.s32 $0xFFFFD800  }
0x4a: {  	[tilespmem:s18], [sflag:$0x1] =	stream.indirect.gather [hbm4b:s4+s17], $0x80, s31, s17, $0xb8;
	[tilespmem:$0x1CC00] =	vst v63  }
0x4b: {  	_ =	swait.ge [sflag:s21], $0x2800  }
0x4c: {  	[sflag:s21] =	ssyncset.done $0x0  }
0x4d: {  	s30 =	sadd.s32 $0x15C80, s28;
	[sflag:s21] =	ssyncadd.s32 $0xFFFFD800  }
0x4e: {  	[spmem:s1] =	stream.indirect.scatter.add.f32 [tilespmem:s19], [sflag:$0x3], $0x80, s30, s17, $0xb8;
	[tilespmem:$0x1CC00] =	vst v63  }
0x4f: {  	_ =	swait.ge [sflag:s13], $0x2800  }
0x50: {  	[sflag:s13] =	ssyncset.done $0x0  }
0x51: {  	[sflag:s13] =	ssyncadd.s32 $0xFFFFD800  }
0x52: {  	[tilespmem:s19], [sflag:$0x2] =	stream.indirect.gather [hbm4b:s4+s17], $0x80, s22, s17, $0xb8;
	[tilespmem:$0x1CC00] =	vst v63  }
0x53: {  	_ =	swait.ge [sflag:s20], $0x2800  }
0x54: {  	[sflag:s20] =	ssyncset.done $0x0  }
0x55: {  	[sflag:s20] =	ssyncadd.s32 $0xFFFFD800  }
0x56: {  	[spmem:s1] =	stream.indirect.scatter.add.f32 [tilespmem:s18], [sflag:$0x3], $0x80, s23, s17, $0xb8;
	[tilespmem:$0x1CC00] =	vst v63  }
0x57: {  	_ =	swait.ge [sflag:s13], $0x2800  }
0x58: {  	[sflag:s13] =	ssyncset.done $0x0  }
0x59: {  	[sflag:s13] =	ssyncadd.s32 $0xFFFFD800  }
0x5a: {  	_ =	swait.ge [sflag:s21], $0x2800  }
0x5b: {  	[sflag:s21] =	ssyncset.done $0x0  }
0x5c: {  	[sflag:s21] =	ssyncadd.s32 $0xFFFFD800  }
0x5d: {  	[spmem:s1] =	stream.indirect.scatter.add.f32 [tilespmem:s19], [sflag:$0x3], $0x80, s25, s17, $0xb8;
	[tilespmem:$0x1CC00] =	vst v63  }
0x5e: {  	_ =	swait.ge [sflag:s13], $0x2800  }
0x5f: {  	[sflag:s13] =	ssyncset.done $0x0  }
0x60: {  	s28 =	simm.s32 $0x0;
	s31 =	sadd.s32 s7, s8;
	[sflag:s13] =	ssyncadd.s32 $0xFFFFD800  }
0x61: {  	[tilespmem:s15], [sflag:$0x3] =	stream.linear.gather [hbm4b:s31+s28], $0x2000, $0x38;
	[tilespmem:$0x1CC00] =	vst v63  }
0x62: {  	_ =	swait.ge [sflag:s13], $0x2000  }
0x63: {  	[sflag:s13] =	ssyncset.done $0x0  }
0x64: {  	[sflag:s13] =	ssyncadd.s32 $0xFFFFE000  }
0x65: {  	[tilespmem:s16], [sflag:$0x3] =	stream.linear.gather [hbm4b:s10+s28], $0x2000, $0x38;
	[tilespmem:$0x1CC00] =	vst v63  }
0x66: {  	_ =	swait.ge [sflag:s13], $0x2000  }
0x67: {  	[sflag:s13] =	ssyncset.done $0x0  }
0x68: {  	[sflag:s13] =	ssyncadd.s32 $0xFFFFE000  }
0x69: {  	[tilespmem:s18], [sflag:$0x1] =	stream.indirect.gather [hbm4b:s4+s17], $0x80, s15, s17, $0xb8;
	[tilespmem:$0x1CC00] =	vst v63  }
0x6a: {  	s30 =	simm.s32 $0x13C80  }
0x6b: {  	[tilespmem:s19], [sflag:$0x2] =	stream.indirect.gather [hbm4b:s4+s17], $0x80, s30, s17, $0xb8;
	[tilespmem:$0x1CC00] =	vst v63  }
0x6c: {  	_ =	swait.ge [sflag:s20], $0x2800  }
0x6d: {  	[sflag:s20] =	ssyncset.done $0x0  }
0x6e: {  	s31 =	simm.s32 $0x15C00;
	[sflag:s20] =	ssyncadd.s32 $0xFFFFD800  }
0x6f: {  	[spmem:s1] =	stream.indirect.scatter.add.f32 [tilespmem:s18], [sflag:$0x3], $0x80, s31, s17, $0xb8;
	[tilespmem:$0x1CC00] =	vst v63  }
0x70: {  	_ =	swait.ge [sflag:s13], $0x2800  }
0x71: {  	[sflag:s13] =	ssyncset.done $0x0  }
0x72: {  	s30 =	simm.s32 $0x13D00;
	[sflag:s13] =	ssyncadd.s32 $0xFFFFD800  }
0x73: {  	[tilespmem:s18], [sflag:$0x1] =	stream.indirect.gather [hbm4b:s4+s17], $0x80, s30, s17, $0xb8;
	[tilespmem:$0x1CC00] =	vst v63  }
0x74: {  	_ =	swait.ge [sflag:s21], $0x2800  }
0x75: {  	[sflag:s21] =	ssyncset.done $0x0  }
0x76: {  	s31 =	simm.s32 $0x15C80;
	[sflag:s21] =	ssyncadd.s32 $0xFFFFD800  }
0x77: {  	[spmem:s1] =	stream.indirect.scatter.add.f32 [tilespmem:s19], [sflag:$0x3], $0x80, s31, s17, $0xb8;
	[tilespmem:$0x1CC00] =	vst v63  }
0x78: {  	_ =	swait.ge [sflag:s13], $0x2800  }
0x79: {  	s29 =	simm.s32 $0x800;
	s28 =	simm.s32 $0x100;
	[sflag:s13] =	ssyncset.done $0x0  }
.LBB2_4:
0x7a: {  	s0 =	sadd.s32 $0x13C80, s28  }
0x7b: {  	[sflag:s13] =	ssyncadd.s32 $0xFFFFD800;
	s30 =	smov.u32 s29;
	s31 =	sadd.s32 $0x400, s29  }
0x7c: {  	[tilespmem:s19], [sflag:$0x2] =	stream.indirect.gather [hbm4b:s4+s17], $0x80, s0, s17, $0xb8;
	[tilespmem:$0x1CC00] =	vst v63  }
0x7d: {  	p0 =	sne.s32 s29, $0x7800;
	_ =	swait.ge [sflag:s20], $0x2800  }
0x7e: {  	[sflag:s20] =	ssyncset.done $0x0  }
0x7f: {  	s0 =	sadd.s32 $0x15C00, s28;
	[sflag:s20] =	ssyncadd.s32 $0xFFFFD800  }
0x80: {  	[spmem:s1] =	stream.indirect.scatter.add.f32 [tilespmem:s18], [sflag:$0x3], $0x80, s0, s17, $0xb8;
	[tilespmem:$0x1CC00] =	vst v63  }
0x81: {  	_ =	swait.ge [sflag:s13], $0x2800  }
0x82: {  	[sflag:s13] =	ssyncset.done $0x0  }
0x83: {  	s0 =	sadd.s32 $0x13D00, s28;
	[sflag:s13] =	ssyncadd.s32 $0xFFFFD800  }
0x84: {  	[tilespmem:s18], [sflag:$0x1] =	stream.indirect.gather [hbm4b:s4+s17], $0x80, s0, s17, $0xb8;
	[tilespmem:$0x1CC00] =	vst v63  }
0x85: {  	_ =	swait.ge [sflag:s21], $0x2800  }
.Ltmp1:
0x86: {  	[sflag:s21] =	ssyncset.done $0x0;
	(pc) =	sbr.rel @p0 .LBB2_4-.Ltmp1, $4  }
0x87: {  	s0 =	sadd.s32 $0x15C80, s28;
	[sflag:s21] =	ssyncadd.s32 $0xFFFFD800  }
0x88: {  	[spmem:s1] =	stream.indirect.scatter.add.f32 [tilespmem:s19], [sflag:$0x3], $0x80, s0, s17, $0xb8;
	[tilespmem:$0x1CC00] =	vst v63  }
0x89: {  	_ =	swait.ge [sflag:s13], $0x2800  }
0x8a: {  	s29 =	smov.u32 s31;
	s28 =	sshra.s32 s30, $0x2;
	[sflag:s13] =	ssyncset.done $0x0  }
0x8b: {  	s0 =	sadd.s32 $0x13C80, s28;
	[sflag:s13] =	ssyncadd.s32 $0xFFFFD800  }
0x8c: {  	[tilespmem:s19], [sflag:$0x2] =	stream.indirect.gather [hbm4b:s4+s17], $0x80, s0, s17, $0xb8;
	[tilespmem:$0x1CC00] =	vst v63  }
0x8d: {  	_ =	swait.ge [sflag:s20], $0x2800  }
0x8e: {  	[sflag:s20] =	ssyncset.done $0x0  }
0x8f: {  	s29 =	sadd.s32 $0x15C00, s28;
	[sflag:s20] =	ssyncadd.s32 $0xFFFFD800  }
0x90: {  	[spmem:s1] =	stream.indirect.scatter.add.f32 [tilespmem:s18], [sflag:$0x3], $0x80, s29, s17, $0xb8;
	[tilespmem:$0x1CC00] =	vst v63  }
0x91: {  	_ =	swait.ge [sflag:s13], $0x2800  }
0x92: {  	[sflag:s13] =	ssyncset.done $0x0  }
0x93: {  	s30 =	sadd.s32 $0x13D00, s28;
	[sflag:s13] =	ssyncadd.s32 $0xFFFFD800  }
0x94: {  	[tilespmem:s18], [sflag:$0x1] =	stream.indirect.gather [hbm4b:s4+s17], $0x80, s30, s17, $0xb8;
	[tilespmem:$0x1CC00] =	vst v63  }
0x95: {  	_ =	swait.ge [sflag:s21], $0x2800  }
0x96: {  	[sflag:s21] =	ssyncset.done $0x0  }
0x97: {  	s31 =	sadd.s32 $0x15C80, s28;
	[sflag:s21] =	ssyncadd.s32 $0xFFFFD800  }
0x98: {  	[spmem:s1] =	stream.indirect.scatter.add.f32 [tilespmem:s19], [sflag:$0x3], $0x80, s31, s17, $0xb8;
	[tilespmem:$0x1CC00] =	vst v63  }
0x99: {  	_ =	swait.ge [sflag:s13], $0x2800  }
0x9a: {  	[sflag:s13] =	ssyncset.done $0x0  }
0x9b: {  	[sflag:s13] =	ssyncadd.s32 $0xFFFFD800  }
0x9c: {  	[tilespmem:s19], [sflag:$0x2] =	stream.indirect.gather [hbm4b:s4+s17], $0x80, s22, s17, $0xb8;
	[tilespmem:$0x1CC00] =	vst v63  }
0x9d: {  	_ =	swait.ge [sflag:s20], $0x2800  }
0x9e: {  	[sflag:s20] =	ssyncset.done $0x0  }
0x9f: {  	[sflag:s20] =	ssyncadd.s32 $0xFFFFD800  }
0xa0: {  	[spmem:s1] =	stream.indirect.scatter.add.f32 [tilespmem:s18], [sflag:$0x3], $0x80, s23, s17, $0xb8;
	[tilespmem:$0x1CC00] =	vst v63  }
0xa1: {  	_ =	swait.ge [sflag:s13], $0x2800  }
0xa2: {  	[sflag:s13] =	ssyncset.done $0x0  }
0xa3: {  	[sflag:s13] =	ssyncadd.s32 $0xFFFFD800  }
0xa4: {  	_ =	swait.ge [sflag:s21], $0x2800  }
0xa5: {  	[sflag:s21] =	ssyncset.done $0x0  }
0xa6: {  	[sflag:s21] =	ssyncadd.s32 $0xFFFFD800  }
0xa7: {  	[spmem:s1] =	stream.indirect.scatter.add.f32 [tilespmem:s19], [sflag:$0x3], $0x80, s25, s17, $0xb8;
	[tilespmem:$0x1CC00] =	vst v63  }
0xa8: {  	_ =	swait.ge [sflag:s13], $0x2800  }
0xa9: {  	s26 =	sadd.s32 $0x1, s26;
	[sflag:s13] =	ssyncset.done $0x0  }
0xaa: {  	p0 =	sne.s32 s26, s11;
	[sflag:s13] =	ssyncadd.s32 $0xFFFFD800  }
.Ltmp2:
0xab: {  	[bflag:$0x0] =	sbarrier.arrive $0xFFFF;
	(pc) =	sbr.rel @p0 .LBB2_1-.Ltmp2, $4  }
0xac: {  	[hbm:s24], [sflag:s6] =	dma.local [spmem:s12], $0x2780  }
0xad: {  	_ =	swait.ge [sflag:s13], $0x2780  }
0xae: {  	[sflag:s13] =	ssyncset.done $0x0  }
0xaf: {  	[sflag:s13] =	ssyncadd.s32 $0xFFFFD880  }
0xb0: {  	_ =	sfence.sel $0x180000  }
0xb1: {  	[bflag:$0x0] =	sbarrier.arrive $0xFFFF  }
0xb2: {  	_ =	strace $0x90000047  }
0xb3: {  	[bflag:$0x2] =	sbarrier.arrive $0xFFFF  }
0xb4: {  	p0 =	sne.s32 s3, $0x0;
	s0 =	rddreg [dreg:$0x3]  }
0xb5: {  	s0 =	sadd.s32 @!p0 $0x100000, s0  }
0xb6: {  	[sflag:s0] =	ssyncadd.tile.s32 @!p0 $0x1;
	_ =	shalt  }
.Lfunc_end2:
_tile_overlayer_lowered:
.L_overlay_start_2:
0xb7: {  	(tag) =	ssettag $0x2  }
0xb8: {  	s0 =	rddreg [dreg:$0x0];
	s2 =	stileid.u32  }
0xb9: {  	s1 =	rddreg [dreg:$0x1];
	p0 =	sne.s32 s2, $0x0  }
0xba: {  	s3 =	rddreg [dreg:$0x2];
	[bflag:$0x3] =	sbarrier.arrive $0xFFFF;
	s2 =	simm.s32 @!p0 $0x1C03  }
0xbb: {  	[timem:s3], [sflag:s2] =	dma.local @!p0 [hbm:s0], s1  }
0xbc: {  	s0 =	simm.s32 @!p0 $0x3  }
0xbd: {  	_ =	swait.ge @!p0 [sflag:s0], s1  }
0xbe: {  	s1 =	ssub.s32 @!p0 $0x0, s1;
	[sflag:s0] =	ssyncset.done @!p0 $0x0  }
0xbf: {  	[sflag:s0] =	ssyncadd.s32 @!p0 s1  }
0xc0: {  	[bflag:$0x3] =	sbarrier.arrive $0xFFFF  }
0xc1: {  	_ =	shalt  }

</sc_bundles>
